<compile_context>
chip_gen: v7x
topology: tpu7x:2x2x1
jax: 0.10.2.dev20260603
libtpu: 0.0.44.dev20260713+nightly
codegen_flags: <defaults>
</compile_context>

<pallas_src>
import functools

import jax
import jax.numpy as jnp
from jax import lax
from jax.experimental import pallas as pl
from jax.experimental.pallas import tpu as pltpu
from jax.experimental.pallas import tpu_sc as plsc

T = 200
D = 32
B = 4096
NC = 2
NS = 16
NW = NC * NS
LPW = B // NW

NBUF = 10
LEAD = 7
GROUPS = T // NBUF
DG = D // 8
PITCH = LPW + 1


def _sc_body(idx_hbm, table_hbm, pos_hbm, out_hbm, idx_v, pos_v, rows, outb,
             gsem, osem):
    wid = lax.axis_index("s") * NC + lax.axis_index("c")

    pltpu.sync_copy(pos_hbm, pos_v)
    pltpu.sync_copy(idx_hbm.at[:, wid], idx_v)

    def gather_copy(step, slot):
        return pltpu.make_async_copy(
            table_hbm.at[idx_v.at[step // 8, step % 8]],
            rows[slot],
            gsem[slot],
        )

    def out_copies(step, slot):
        return [
            pltpu.make_async_copy(
                outb[slot].at[:, :, pl.ds(0, LPW)],
                out_hbm.at[step, :, wid],
                osem[slot],
            )
        ]

    for s in range(LEAD):
        gather_copy(s, s).start()

    iota16 = lax.iota(jnp.int32, 16)
    dg_lo = iota16 // 8
    ds_lo = iota16 % 8
    dg_hi = dg_lo + 2

    def group_body(g, carry):
        for bslot in range(NBUF):
            t = g * NBUF + bslot
            gather_copy(t, bslot).wait()

            rv = rows[bslot]
            ov = outb[bslot]
            p0 = pos_v[t, pl.ds(0, 16)]
            p1 = pos_v[t, pl.ds(16, 16)]

            @plsc.parallel_loop(0, LPW, unroll=8)
            def _(r):
                rvec = jnp.full((16,), r, jnp.int32)
                v0 = rv[r, pl.ds(0, 16)] + p0
                v1 = rv[r, pl.ds(16, 16)] + p1
                plsc.store_scatter(ov, [dg_lo, ds_lo, rvec], v0)
                plsc.store_scatter(ov, [dg_hi, ds_lo, rvec], v1)

            for cp in out_copies(t, bslot):
                cp.start()

            b2 = (bslot + LEAD) % NBUF
            if bslot < NBUF - LEAD:
                @pl.when(g >= 1)
                def _():
                    for cp in out_copies(t + LEAD - NBUF, b2):
                        cp.wait()

                gather_copy(t + LEAD, b2).start()
            else:
                @pl.when(g < GROUPS - 1)
                def _():
                    for cp in out_copies(t + LEAD - NBUF, b2):
                        cp.wait()
                    gather_copy(t + LEAD, b2).start()
        return carry

    lax.fori_loop(0, GROUPS, group_body, 0)

    for bslot in range(NBUF):
        for cp in out_copies(T - NBUF + bslot, bslot):
            cp.wait()


def _sc_entry(idx_hbm, table_hbm, pos_hbm, out_hbm, *scratch):
    idx_v = scratch[0]
    pos_v = scratch[1]
    rows = scratch[2:2 + NBUF]
    outb = scratch[2 + NBUF:2 + 2 * NBUF]
    gsem = scratch[2 + 2 * NBUF:2 + 3 * NBUF]
    osem = scratch[2 + 3 * NBUF:2 + 4 * NBUF]
    _sc_body(idx_hbm, table_hbm, pos_hbm, out_hbm, idx_v, pos_v, rows, outb,
             gsem, osem)


@jax.jit
def _seq_embed(idx4d, token_table, pos_table):
    mesh = plsc.VectorSubcoreMesh(core_axis_name="c", subcore_axis_name="s")
    fn = functools.partial(
        pl.kernel,
        mesh=mesh,
        out_type=jax.ShapeDtypeStruct((T, DG, NW, 8, LPW), jnp.float32),
        scratch_types=[
            pltpu.VMEM((T // 8, 8, LPW), jnp.int32),
            pltpu.VMEM((T, D), jnp.float32),
        ] + [pltpu.VMEM((LPW, D), jnp.float32)] * NBUF
          + [pltpu.VMEM((DG, 8, PITCH), jnp.float32)] * NBUF
          + [pltpu.SemaphoreType.DMA] * (2 * NBUF),
        compiler_params=pltpu.CompilerParams(
            use_tc_tiling_on_sc=False, needs_layout_passes=False,
            disable_bounds_checks=True),
    )(_sc_entry)
    return fn(idx4d, token_table, pos_table)


def kernel(inputs, token_table, pos_table):
    idx = inputs.astype(jnp.int32)
    idx4d = idx.T.reshape(T // 8, 8, NW, LPW).transpose(0, 2, 1, 3)
    out5d = _seq_embed(idx4d, token_table, pos_table)
    return out5d.transpose(2, 4, 0, 1, 3).reshape(B, T, D)

# --- scband reference (transcript-rebuilt; emitter-appended) ---
"""Pipeline reference for scband-seq-embedding-7275674600063 (READ-ONLY COPY).

The authoritative reference and input builder live on the scoring server;
editing this copy changes nothing except your own understanding.
"""

import jax, jax.numpy as jnp
import numpy as np

T = 200
V = 1000000
EMBED_DIM = 32
BATCH = 4096

def setup_inputs(seed: int = 0) -> dict:
    key = jax.random.key(seed)
    k1, k2, k3 = jax.random.split(key, 3)
    inputs = jax.random.randint(k1, (BATCH, T), 0, V, dtype=jnp.int64)
    token_table = jax.random.normal(k2, (V, EMBED_DIM), dtype=jnp.float32) * 0.05
    pos_table = jax.random.normal(k3, (T, EMBED_DIM), dtype=jnp.float32) * 0.05
    return {"inputs": inputs, "token_table": token_table, "pos_table": pos_table}

def reference(inputs, token_table, pos_table):
    # SeqEmbedding.call: token embedding lookup + position embedding broadcast add
    positions = jnp.arange(0, T)
    embedded_tokens = jnp.take(token_table, inputs, axis=0)          # [B, T, D]
    embedded_positions = jnp.take(pos_table, positions, axis=0)      # [T, D]
    output = embedded_tokens + embedded_positions[None, :, :]
    return output

if __name__ == "__main__":
    import jax
    _d = setup_inputs()
    print(jax.jit(kernel)(*tuple(_d.values())))

</pallas_src>

<mosaic_0001>
#map = affine_map<(d0, d1) -> (0, 0, 0, 0)>
#map1 = affine_map<(d0, d1) -> (0, 0)>
#map2 = affine_map<(d0, d1) -> (0, 0, 0, 0, 0)>
module attributes {stable_mosaic.version = 14 : i64} {
  func.func @_sc_entry(%arg0: i32, %arg1: i32, %arg2: memref<25x32x8x128xi32, #tpu.memory_space<hbm>>, %arg3: memref<1000000x32xf32, #tpu.memory_space<hbm>>, %arg4: memref<200x32xf32, #tpu.memory_space<hbm>>, %arg5: memref<200x4x32x8x128xf32, #tpu.memory_space<hbm>>, %arg6: memref<25x8x128xi32, #tpu.memory_space<vmem>>, %arg7: memref<200x32xf32, #tpu.memory_space<vmem>>, %arg8: memref<128x32xf32, #tpu.memory_space<vmem>>, %arg9: memref<128x32xf32, #tpu.memory_space<vmem>>, %arg10: memref<128x32xf32, #tpu.memory_space<vmem>>, %arg11: memref<128x32xf32, #tpu.memory_space<vmem>>, %arg12: memref<128x32xf32, #tpu.memory_space<vmem>>, %arg13: memref<128x32xf32, #tpu.memory_space<vmem>>, %arg14: memref<128x32xf32, #tpu.memory_space<vmem>>, %arg15: memref<128x32xf32, #tpu.memory_space<vmem>>, %arg16: memref<128x32xf32, #tpu.memory_space<vmem>>, %arg17: memref<128x32xf32, #tpu.memory_space<vmem>>, %arg18: memref<4x8x129xf32, #tpu.memory_space<vmem>>, %arg19: memref<4x8x129xf32, #tpu.memory_space<vmem>>, %arg20: memref<4x8x129xf32, #tpu.memory_space<vmem>>, %arg21: memref<4x8x129xf32, #tpu.memory_space<vmem>>, %arg22: memref<4x8x129xf32, #tpu.memory_space<vmem>>, %arg23: memref<4x8x129xf32, #tpu.memory_space<vmem>>, %arg24: memref<4x8x129xf32, #tpu.memory_space<vmem>>, %arg25: memref<4x8x129xf32, #tpu.memory_space<vmem>>, %arg26: memref<4x8x129xf32, #tpu.memory_space<vmem>>, %arg27: memref<4x8x129xf32, #tpu.memory_space<vmem>>, %arg28: memref<!tpu.dma_semaphore, #tpu.memory_space<semaphore_mem>>, %arg29: memref<!tpu.dma_semaphore, #tpu.memory_space<semaphore_mem>>, %arg30: memref<!tpu.dma_semaphore, #tpu.memory_space<semaphore_mem>>, %arg31: memref<!tpu.dma_semaphore, #tpu.memory_space<semaphore_mem>>, %arg32: memref<!tpu.dma_semaphore, #tpu.memory_space<semaphore_mem>>, %arg33: memref<!tpu.dma_semaphore, #tpu.memory_space<semaphore_mem>>, %arg34: memref<!tpu.dma_semaphore, #tpu.memory_space<semaphore_mem>>, %arg35: memref<!tpu.dma_semaphore, #tpu.memory_space<semaphore_mem>>, %arg36: memref<!tpu.dma_semaphore, #tpu.memory_space<semaphore_mem>>, %arg37: memref<!tpu.dma_semaphore, #tpu.memory_space<semaphore_mem>>, %arg38: memref<!tpu.dma_semaphore, #tpu.memory_space<semaphore_mem>>, %arg39: memref<!tpu.dma_semaphore, #tpu.memory_space<semaphore_mem>>, %arg40: memref<!tpu.dma_semaphore, #tpu.memory_space<semaphore_mem>>, %arg41: memref<!tpu.dma_semaphore, #tpu.memory_space<semaphore_mem>>, %arg42: memref<!tpu.dma_semaphore, #tpu.memory_space<semaphore_mem>>, %arg43: memref<!tpu.dma_semaphore, #tpu.memory_space<semaphore_mem>>, %arg44: memref<!tpu.dma_semaphore, #tpu.memory_space<semaphore_mem>>, %arg45: memref<!tpu.dma_semaphore, #tpu.memory_space<semaphore_mem>>, %arg46: memref<!tpu.dma_semaphore, #tpu.memory_space<semaphore_mem>>, %arg47: memref<!tpu.dma_semaphore, #tpu.memory_space<semaphore_mem>>) attributes {dimension_semantics = [#tpu.dimension_semantics<core_parallel>, #tpu.dimension_semantics<subcore_parallel>], iteration_bounds = array<i64: 2, 16>, scalar_prefetch = 0 : i64, scratch_operands = 42 : i64, tpu.core_type = #tpu.core_type<sc_vector_subcore>, window_params = [{transform_indices = #map}, {transform_indices = #map1}, {transform_indices = #map1}, {transform_indices = #map2}]} {
    %mul3A = arith.constant 2 : i32
    %mul3A_0 = arith.muli %arg1, %mul3A : i32
    %add3A = arith.addi %mul3A_0, %arg0 : i32
    "tpu.region"() ({
      %run_scoped3A = tpu.sem_alloc : memref<!tpu.dma_semaphore, #tpu.memory_space<semaphore_mem>>
      tpu.enqueue_dma source(%arg4 : memref<200x32xf32, #tpu.memory_space<hbm>>) target(%arg7 : memref<200x32xf32, #tpu.memory_space<vmem>>) target_semaphore(%run_scoped3A : memref<!tpu.dma_semaphore, #tpu.memory_space<semaphore_mem>>)
      tpu.wait_dma2 semaphore(%run_scoped3A : memref<!tpu.dma_semaphore, #tpu.memory_space<semaphore_mem>>) src(%arg4 : memref<200x32xf32, #tpu.memory_space<hbm>>) dst(%arg7 : memref<200x32xf32, #tpu.memory_space<vmem>>)
      tpu.yield
    }) : () -> ()
    "tpu.region"() ({
      %run_scoped3A = tpu.sem_alloc : memref<!tpu.dma_semaphore, #tpu.memory_space<semaphore_mem>>
      %dma_start3A_296 = arith.constant 0 : i32
      %dma_start3A_297 = arith.constant 0 : i32
      %dma_start3A_298 = arith.constant 0 : i32
      %dma_start3A_299 = tpu.memref_slice %arg2[%dma_start3A_296, %add3A, %dma_start3A_297, %dma_start3A_298] : memref<25x32x8x128xi32, #tpu.memory_space<hbm>> -> memref<25x1x8x128xi32, #tpu.memory_space<hbm>>
      %dma_start3A_300 = tpu.memref_squeeze %dma_start3A_299 : memref<25x1x8x128xi32, #tpu.memory_space<hbm>> -> memref<25x8x128xi32, #tpu.memory_space<hbm>>
      %dma_start3A_301 = arith.constant 0 : i32
      %dma_start3A_302 = arith.constant 0 : i32
      %dma_start3A_303 = arith.constant 0 : i32
      %dma_start3A_304 = tpu.memref_slice %arg2[%dma_start3A_301, %add3A, %dma_start3A_302, %dma_start3A_303] : memref<25x32x8x128xi32, #tpu.memory_space<hbm>> -> memref<25x1x8x128xi32, #tpu.memory_space<hbm>>
      %dma_start3A_305 = tpu.memref_squeeze %dma_start3A_304 : memref<25x1x8x128xi32, #tpu.memory_space<hbm>> -> memref<25x8x128xi32, #tpu.memory_space<hbm>>
      tpu.enqueue_dma source(%dma_start3A_305 : memref<25x8x128xi32, #tpu.memory_space<hbm>>) target(%arg6 : memref<25x8x128xi32, #tpu.memory_space<vmem>>) target_semaphore(%run_scoped3A : memref<!tpu.dma_semaphore, #tpu.memory_space<semaphore_mem>>)
      %dma_wait3A_306 = arith.constant 0 : i32
      %dma_wait3A_307 = arith.constant 0 : i32
      %dma_wait3A_308 = arith.constant 0 : i32
      %dma_wait3A_309 = tpu.memref_slice %arg2[%dma_wait3A_306, %add3A, %dma_wait3A_307, %dma_wait3A_308] : memref<25x32x8x128xi32, #tpu.memory_space<hbm>> -> memref<25x1x8x128xi32, #tpu.memory_space<hbm>>
      %dma_wait3A_310 = tpu.memref_squeeze %dma_wait3A_309 : memref<25x1x8x128xi32, #tpu.memory_space<hbm>> -> memref<25x8x128xi32, #tpu.memory_space<hbm>>
      %dma_wait3A_311 = arith.constant 0 : i32
      %dma_wait3A_312 = arith.constant 0 : i32
      %dma_wait3A_313 = arith.constant 0 : i32
      %dma_wait3A_314 = tpu.memref_slice %arg2[%dma_wait3A_311, %add3A, %dma_wait3A_312, %dma_wait3A_313] : memref<25x32x8x128xi32, #tpu.memory_space<hbm>> -> memref<25x1x8x128xi32, #tpu.memory_space<hbm>>
      %dma_wait3A_315 = tpu.memref_squeeze %dma_wait3A_314 : memref<25x1x8x128xi32, #tpu.memory_space<hbm>> -> memref<25x8x128xi32, #tpu.memory_space<hbm>>
      tpu.wait_dma2 semaphore(%run_scoped3A : memref<!tpu.dma_semaphore, #tpu.memory_space<semaphore_mem>>) src(%dma_wait3A_315 : memref<25x8x128xi32, #tpu.memory_space<hbm>>) dst(%arg6 : memref<25x8x128xi32, #tpu.memory_space<vmem>>)
      tpu.yield
    }) : () -> ()
    %dma_start3A = arith.constant 0 : i32
    %dma_start3A_1 = arith.constant 0 : i32
    %dma_start3A_2 = arith.constant 0 : i32
    %dma_start3A_3 = tpu.memref_slice %arg6[%dma_start3A, %dma_start3A_1, %dma_start3A_2] : memref<25x8x128xi32, #tpu.memory_space<vmem>> -> memref<1x1x128xi32, #tpu.memory_space<vmem>>
    %dma_start3A_4 = tpu.memref_squeeze %dma_start3A_3 : memref<1x1x128xi32, #tpu.memory_space<vmem>> -> memref<128xi32, #tpu.memory_space<vmem>>
    %dma_start3A_5 = arith.constant 0 : i32
    %dma_start3A_6 = arith.constant 0 : i32
    %dma_start3A_7 = tpu.memref_slice %arg3[%dma_start3A_5, %dma_start3A_6] : memref<1000000x32xf32, #tpu.memory_space<hbm>> -> memref<1000000x32xf32, #tpu.memory_space<hbm>>
    tpu.enqueue_indirect_dma source(%dma_start3A_7 : memref<1000000x32xf32, #tpu.memory_space<hbm>>) target(%arg8 : memref<128x32xf32, #tpu.memory_space<vmem>>) offsets(%dma_start3A_4 : memref<128xi32, #tpu.memory_space<vmem>>) semaphore(%arg28 : memref<!tpu.dma_semaphore, #tpu.memory_space<semaphore_mem>>)
    %dma_start3A_8 = arith.constant 0 : i32
    %dma_start3A_9 = arith.constant 1 : i32
    %dma_start3A_10 = arith.constant 0 : i32
    %dma_start3A_11 = tpu.memref_slice %arg6[%dma_start3A_8, %dma_start3A_9, %dma_start3A_10] : memref<25x8x128xi32, #tpu.memory_space<vmem>> -> memref<1x1x128xi32, #tpu.memory_space<vmem>>
    %dma_start3A_12 = tpu.memref_squeeze %dma_start3A_11 : memref<1x1x128xi32, #tpu.memory_space<vmem>> -> memref<128xi32, #tpu.memory_space<vmem>>
    %dma_start3A_13 = arith.constant 0 : i32
    %dma_start3A_14 = arith.constant 0 : i32
    %dma_start3A_15 = tpu.memref_slice %arg3[%dma_start3A_13, %dma_start3A_14] : memref<1000000x32xf32, #tpu.memory_space<hbm>> -> memref<1000000x32xf32, #tpu.memory_space<hbm>>
    tpu.enqueue_indirect_dma source(%dma_start3A_15 : memref<1000000x32xf32, #tpu.memory_space<hbm>>) target(%arg9 : memref<128x32xf32, #tpu.memory_space<vmem>>) offsets(%dma_start3A_12 : memref<128xi32, #tpu.memory_space<vmem>>) semaphore(%arg29 : memref<!tpu.dma_semaphore, #tpu.memory_space<semaphore_mem>>)
    %dma_start3A_16 = arith.constant 0 : i32
    %dma_start3A_17 = arith.constant 2 : i32
    %dma_start3A_18 = arith.constant 0 : i32
    %dma_start3A_19 = tpu.memref_slice %arg6[%dma_start3A_16, %dma_start3A_17, %dma_start3A_18] : memref<25x8x128xi32, #tpu.memory_space<vmem>> -> memref<1x1x128xi32, #tpu.memory_space<vmem>>
    %dma_start3A_20 = tpu.memref_squeeze %dma_start3A_19 : memref<1x1x128xi32, #tpu.memory_space<vmem>> -> memref<128xi32, #tpu.memory_space<vmem>>
    %dma_start3A_21 = arith.constant 0 : i32
    %dma_start3A_22 = arith.constant 0 : i32
    %dma_start3A_23 = tpu.memref_slice %arg3[%dma_start3A_21, %dma_start3A_22] : memref<1000000x32xf32, #tpu.memory_space<hbm>> -> memref<1000000x32xf32, #tpu.memory_space<hbm>>
    tpu.enqueue_indirect_dma source(%dma_start3A_23 : memref<1000000x32xf32, #tpu.memory_space<hbm>>) target(%arg10 : memref<128x32xf32, #tpu.memory_space<vmem>>) offsets(%dma_start3A_20 : memref<128xi32, #tpu.memory_space<vmem>>) semaphore(%arg30 : memref<!tpu.dma_semaphore, #tpu.memory_space<semaphore_mem>>)
    %dma_start3A_24 = arith.constant 0 : i32
    %dma_start3A_25 = arith.constant 3 : i32
    %dma_start3A_26 = arith.constant 0 : i32
    %dma_start3A_27 = tpu.memref_slice %arg6[%dma_start3A_24, %dma_start3A_25, %dma_start3A_26] : memref<25x8x128xi32, #tpu.memory_space<vmem>> -> memref<1x1x128xi32, #tpu.memory_space<vmem>>
    %dma_start3A_28 = tpu.memref_squeeze %dma_start3A_27 : memref<1x1x128xi32, #tpu.memory_space<vmem>> -> memref<128xi32, #tpu.memory_space<vmem>>
    %dma_start3A_29 = arith.constant 0 : i32
    %dma_start3A_30 = arith.constant 0 : i32
    %dma_start3A_31 = tpu.memref_slice %arg3[%dma_start3A_29, %dma_start3A_30] : memref<1000000x32xf32, #tpu.memory_space<hbm>> -> memref<1000000x32xf32, #tpu.memory_space<hbm>>
    tpu.enqueue_indirect_dma source(%dma_start3A_31 : memref<1000000x32xf32, #tpu.memory_space<hbm>>) target(%arg11 : memref<128x32xf32, #tpu.memory_space<vmem>>) offsets(%dma_start3A_28 : memref<128xi32, #tpu.memory_space<vmem>>) semaphore(%arg31 : memref<!tpu.dma_semaphore, #tpu.memory_space<semaphore_mem>>)
    %dma_start3A_32 = arith.constant 0 : i32
    %dma_start3A_33 = arith.constant 4 : i32
    %dma_start3A_34 = arith.constant 0 : i32
    %dma_start3A_35 = tpu.memref_slice %arg6[%dma_start3A_32, %dma_start3A_33, %dma_start3A_34] : memref<25x8x128xi32, #tpu.memory_space<vmem>> -> memref<1x1x128xi32, #tpu.memory_space<vmem>>
    %dma_start3A_36 = tpu.memref_squeeze %dma_start3A_35 : memref<1x1x128xi32, #tpu.memory_space<vmem>> -> memref<128xi32, #tpu.memory_space<vmem>>
    %dma_start3A_37 = arith.constant 0 : i32
    %dma_start3A_38 = arith.constant 0 : i32
    %dma_start3A_39 = tpu.memref_slice %arg3[%dma_start3A_37, %dma_start3A_38] : memref<1000000x32xf32, #tpu.memory_space<hbm>> -> memref<1000000x32xf32, #tpu.memory_space<hbm>>
    tpu.enqueue_indirect_dma source(%dma_start3A_39 : memref<1000000x32xf32, #tpu.memory_space<hbm>>) target(%arg12 : memref<128x32xf32, #tpu.memory_space<vmem>>) offsets(%dma_start3A_36 : memref<128xi32, #tpu.memory_space<vmem>>) semaphore(%arg32 : memref<!tpu.dma_semaphore, #tpu.memory_space<semaphore_mem>>)
    %dma_start3A_40 = arith.constant 0 : i32
    %dma_start3A_41 = arith.constant 5 : i32
    %dma_start3A_42 = arith.constant 0 : i32
    %dma_start3A_43 = tpu.memref_slice %arg6[%dma_start3A_40, %dma_start3A_41, %dma_start3A_42] : memref<25x8x128xi32, #tpu.memory_space<vmem>> -> memref<1x1x128xi32, #tpu.memory_space<vmem>>
    %dma_start3A_44 = tpu.memref_squeeze %dma_start3A_43 : memref<1x1x128xi32, #tpu.memory_space<vmem>> -> memref<128xi32, #tpu.memory_space<vmem>>
    %dma_start3A_45 = arith.constant 0 : i32
    %dma_start3A_46 = arith.constant 0 : i32
    %dma_start3A_47 = tpu.memref_slice %arg3[%dma_start3A_45, %dma_start3A_46] : memref<1000000x32xf32, #tpu.memory_space<hbm>> -> memref<1000000x32xf32, #tpu.memory_space<hbm>>
    tpu.enqueue_indirect_dma source(%dma_start3A_47 : memref<1000000x32xf32, #tpu.memory_space<hbm>>) target(%arg13 : memref<128x32xf32, #tpu.memory_space<vmem>>) offsets(%dma_start3A_44 : memref<128xi32, #tpu.memory_space<vmem>>) semaphore(%arg33 : memref<!tpu.dma_semaphore, #tpu.memory_space<semaphore_mem>>)
    %dma_start3A_48 = arith.constant 0 : i32
    %dma_start3A_49 = arith.constant 6 : i32
    %dma_start3A_50 = arith.constant 0 : i32
    %dma_start3A_51 = tpu.memref_slice %arg6[%dma_start3A_48, %dma_start3A_49, %dma_start3A_50] : memref<25x8x128xi32, #tpu.memory_space<vmem>> -> memref<1x1x128xi32, #tpu.memory_space<vmem>>
    %dma_start3A_52 = tpu.memref_squeeze %dma_start3A_51 : memref<1x1x128xi32, #tpu.memory_space<vmem>> -> memref<128xi32, #tpu.memory_space<vmem>>
    %dma_start3A_53 = arith.constant 0 : i32
    %dma_start3A_54 = arith.constant 0 : i32
    %dma_start3A_55 = tpu.memref_slice %arg3[%dma_start3A_53, %dma_start3A_54] : memref<1000000x32xf32, #tpu.memory_space<hbm>> -> memref<1000000x32xf32, #tpu.memory_space<hbm>>
    tpu.enqueue_indirect_dma source(%dma_start3A_55 : memref<1000000x32xf32, #tpu.memory_space<hbm>>) target(%arg14 : memref<128x32xf32, #tpu.memory_space<vmem>>) offsets(%dma_start3A_52 : memref<128xi32, #tpu.memory_space<vmem>>) semaphore(%arg34 : memref<!tpu.dma_semaphore, #tpu.memory_space<semaphore_mem>>)
    %iota3A = tpu.iota {dimensions = array<i32: 0>} : vector<16xi32>
    %jit3A = arith.constant 8 : i32
    %div3A = vector.broadcast %jit3A : i32 to vector<16xi32>
    %div3A_56 = arith.divsi %iota3A, %div3A : vector<16xi32>
    %sign3A = arith.constant 0 : i32
    %sign3A_57 = vector.broadcast %sign3A : i32 to vector<16xi32>
    %sign3A_58 = arith.cmpi sgt, %iota3A, %sign3A_57 : vector<16xi32>
    %sign3A_59 = arith.extui %sign3A_58 : vector<16xi1> to vector<16xi32>
    %sign3A_60 = arith.constant 0 : i32
    %sign3A_61 = vector.broadcast %sign3A_60 : i32 to vector<16xi32>
    %sign3A_62 = arith.cmpi slt, %iota3A, %sign3A_61 : vector<16xi32>
    %sign3A_63 = arith.extui %sign3A_62 : vector<16xi1> to vector<16xi32>
    %sign3A_64 = arith.subi %sign3A_59, %sign3A_63 : vector<16xi32>
    %sign3A_65 = arith.constant 0 : i32
    %sign3A_66 = arith.cmpi sgt, %jit3A, %sign3A_65 : i32
    %sign3A_67 = arith.extui %sign3A_66 : i1 to i32
    %sign3A_68 = arith.constant 0 : i32
    %sign3A_69 = arith.cmpi slt, %jit3A, %sign3A_68 : i32
    %sign3A_70 = arith.extui %sign3A_69 : i1 to i32
    %sign3A_71 = arith.subi %sign3A_67, %sign3A_70 : i32
    %ne3A = vector.broadcast %sign3A_71 : i32 to vector<16xi32>
    %ne3A_72 = arith.cmpi ne, %sign3A_64, %ne3A : vector<16xi32>
    %rem3A = vector.broadcast %jit3A : i32 to vector<16xi32>
    %rem3A_73 = arith.remsi %iota3A, %rem3A : vector<16xi32>
    %ne3A_74 = arith.constant 0 : i32
    %ne3A_75 = vector.broadcast %ne3A_74 : i32 to vector<16xi32>
    %ne3A_76 = arith.cmpi ne, %rem3A_73, %ne3A_75 : vector<16xi32>
    %and3A = arith.andi %ne3A_72, %ne3A_76 : vector<16xi1>
    %sub3A = arith.constant 1 : i32
    %sub3A_77 = vector.broadcast %sub3A : i32 to vector<16xi32>
    %sub3A_78 = arith.subi %div3A_56, %sub3A_77 : vector<16xi32>
    %select_n3A = arith.select %and3A, %sub3A_78, %div3A_56 : vector<16xi1>, vector<16xi32>
    %jit3A_79 = arith.constant 8 : i32
    %eq3A = arith.constant 0 : i32
    %eq3A_80 = arith.cmpi eq, %jit3A_79, %eq3A : i32
    %jit3A_81 = arith.constant 1 : i32
    %select_n3A_82 = arith.select %eq3A_80, %jit3A_81, %jit3A_79 : i32
    %rem3A_83 = vector.broadcast %select_n3A_82 : i32 to vector<16xi32>
    %rem3A_84 = arith.remsi %iota3A, %rem3A_83 : vector<16xi32>
    %ne3A_85 = arith.constant 0 : i32
    %ne3A_86 = vector.broadcast %ne3A_85 : i32 to vector<16xi32>
    %ne3A_87 = arith.cmpi ne, %rem3A_84, %ne3A_86 : vector<16xi32>
    %lt3A = arith.constant 0 : i32
    %lt3A_88 = vector.broadcast %lt3A : i32 to vector<16xi32>
    %lt3A_89 = arith.cmpi slt, %rem3A_84, %lt3A_88 : vector<16xi32>
    %lt3A_90 = arith.constant 0 : i32
    %lt3A_91 = arith.cmpi slt, %select_n3A_82, %lt3A_90 : i32
    %ne3A_92 = vector.broadcast %lt3A_91 : i1 to vector<16xi1>
    %ne3A_93 = vector.broadcast %ne3A_92 : vector<16xi1> to vector<16xi1>
    %ne3A_94 = arith.xori %lt3A_89, %ne3A_93 : vector<16xi1>
    %and3A_95 = arith.andi %ne3A_94, %ne3A_87 : vector<16xi1>
    %add3A_96 = vector.broadcast %select_n3A_82 : i32 to vector<16xi32>
    %add3A_97 = arith.addi %rem3A_84, %add3A_96 : vector<16xi32>
    %select_n3A_98 = arith.select %and3A_95, %add3A_97, %rem3A_84 : vector<16xi1>, vector<16xi32>
    %add3A_99 = arith.constant 2 : i32
    %add3A_100 = vector.broadcast %add3A_99 : i32 to vector<16xi32>
    %add3A_101 = arith.addi %select_n3A, %add3A_100 : vector<16xi32>
    %scan3A = arith.constant 0 : i32
    %scan3A_102 = arith.constant 0 : i32
    %scan3A_103 = arith.constant 20 : i32
    %scan3A_104 = arith.addi %scan3A_102, %scan3A_103 : i32
    %scan3A_105 = arith.constant 1 : i32
    scf.for %scan3A_296 = %scan3A_102 to %scan3A_104 step %scan3A_105  : i32 {
      %mul3A_297 = arith.constant 10 : i32
      %mul3A_298 = arith.muli %scan3A_296, %mul3A_297 : i32
      %add3A_299 = arith.constant 0 : i32
      %add3A_300 = arith.addi %mul3A_298, %add3A_299 : i32
      %jit3A_301 = arith.constant 8 : i32
      %div3A_302 = arith.divsi %add3A_300, %jit3A_301 : i32
      %sign3A_303 = arith.constant 0 : i32
      %sign3A_304 = arith.cmpi sgt, %add3A_300, %sign3A_303 : i32
      %sign3A_305 = arith.extui %sign3A_304 : i1 to i32
      %sign3A_306 = arith.constant 0 : i32
      %sign3A_307 = arith.cmpi slt, %add3A_300, %sign3A_306 : i32
      %sign3A_308 = arith.extui %sign3A_307 : i1 to i32
      %sign3A_309 = arith.subi %sign3A_305, %sign3A_308 : i32
      %sign3A_310 = arith.constant 0 : i32
      %sign3A_311 = arith.cmpi sgt, %jit3A_301, %sign3A_310 : i32
      %sign3A_312 = arith.extui %sign3A_311 : i1 to i32
      %sign3A_313 = arith.constant 0 : i32
      %sign3A_314 = arith.cmpi slt, %jit3A_301, %sign3A_313 : i32
      %sign3A_315 = arith.extui %sign3A_314 : i1 to i32
      %sign3A_316 = arith.subi %sign3A_312, %sign3A_315 : i32
      %ne3A_317 = arith.cmpi ne, %sign3A_309, %sign3A_316 : i32
      %rem3A_318 = arith.remsi %add3A_300, %jit3A_301 : i32
      %ne3A_319 = arith.constant 0 : i32
      %ne3A_320 = arith.cmpi ne, %rem3A_318, %ne3A_319 : i32
      %and3A_321 = arith.andi %ne3A_317, %ne3A_320 : i1
      %sub3A_322 = arith.constant 1 : i32
      %sub3A_323 = arith.subi %div3A_302, %sub3A_322 : i32
      %select_n3A_324 = arith.select %and3A_321, %sub3A_323, %div3A_302 : i32
      %jit3A_325 = arith.constant 8 : i32
      %eq3A_326 = arith.constant 0 : i32
      %eq3A_327 = arith.cmpi eq, %jit3A_325, %eq3A_326 : i32
      %jit3A_328 = arith.constant 1 : i32
      %select_n3A_329 = arith.select %eq3A_327, %jit3A_328, %jit3A_325 : i32
      %rem3A_330 = arith.remsi %add3A_300, %select_n3A_329 : i32
      %ne3A_331 = arith.constant 0 : i32
      %ne3A_332 = arith.cmpi ne, %rem3A_330, %ne3A_331 : i32
      %lt3A_333 = arith.constant 0 : i32
      %lt3A_334 = arith.cmpi slt, %rem3A_330, %lt3A_333 : i32
      %lt3A_335 = arith.constant 0 : i32
      %lt3A_336 = arith.cmpi slt, %select_n3A_329, %lt3A_335 : i32
      %ne3A_337 = arith.xori %lt3A_334, %lt3A_336 : i1
      %and3A_338 = arith.andi %ne3A_337, %ne3A_332 : i1
      %add3A_339 = arith.addi %rem3A_330, %select_n3A_329 : i32
      %select_n3A_340 = arith.select %and3A_338, %add3A_339, %rem3A_330 : i32
      %dma_wait3A_341 = arith.constant 0 : i32
      %dma_wait3A_342 = tpu.memref_slice %arg6[%select_n3A_324, %select_n3A_340, %dma_wait3A_341] : memref<25x8x128xi32, #tpu.memory_space<vmem>> -> memref<1x1x128xi32, #tpu.memory_space<vmem>>
      %dma_wait3A_343 = tpu.memref_squeeze %dma_wait3A_342 : memref<1x1x128xi32, #tpu.memory_space<vmem>> -> memref<128xi32, #tpu.memory_space<vmem>>
      %dma_wait3A_344 = arith.constant 0 : i32
      %dma_wait3A_345 = arith.constant 0 : i32
      %dma_wait3A_346 = tpu.memref_slice %arg3[%dma_wait3A_344, %dma_wait3A_345] : memref<1000000x32xf32, #tpu.memory_space<hbm>> -> memref<1000000x32xf32, #tpu.memory_space<hbm>>
      tpu.wait_indirect_dma semaphore(%arg28 : memref<!tpu.dma_semaphore, #tpu.memory_space<semaphore_mem>>) src(%dma_wait3A_346 : memref<1000000x32xf32, #tpu.memory_space<hbm>>) dst(%arg8 : memref<128x32xf32, #tpu.memory_space<vmem>>)
      %get3A = arith.index_cast %add3A_300 : i32 to index
      %get3A_347 = arith.constant 0 : index
      %get3A_348 = tpu.vector_load %arg7[%get3A, %get3A_347] {strides = array<i32>} : memref<200x32xf32, #tpu.memory_space<vmem>>, vector<16xf32>,
      %get3A_349 = arith.index_cast %add3A_300 : i32 to index
      %get3A_350 = arith.constant 16 : index
      %get3A_351 = tpu.vector_load %arg7[%get3A_349, %get3A_350] {strides = array<i32>} : memref<200x32xf32, #tpu.memory_space<vmem>>, vector<16xf32>,
      %parallel_loop3A = arith.constant 0 : i32
      %parallel_loop3A_352 = arith.constant 128 : i32
      %parallel_loop3A_353 = arith.constant 1 : i32
      scf.for %parallel_loop3A_1256 = %parallel_loop3A to %parallel_loop3A_352 step %parallel_loop3A_353  : i32 {
        %parallel_loop3A_1257 = vector.broadcast %parallel_loop3A_1256 : i32 to vector<16xi32>
        %parallel_loop3A_1258 = arith.index_cast %parallel_loop3A_1256 : i32 to index
        %parallel_loop3A_1259 = arith.constant 0 : index
        %parallel_loop3A_1260 = tpu.vector_load %arg8[%parallel_loop3A_1258, %parallel_loop3A_1259] {strides = array<i32>} : memref<128x32xf32, #tpu.memory_space<vmem>>, vector<16xf32>,
        %parallel_loop3A_1261 = arith.addf %parallel_loop3A_1260, %get3A_348 : vector<16xf32>
        %parallel_loop3A_1262 = arith.index_cast %parallel_loop3A_1256 : i32 to index
        %parallel_loop3A_1263 = arith.constant 16 : index
        %parallel_loop3A_1264 = tpu.vector_load %arg8[%parallel_loop3A_1262, %parallel_loop3A_1263] {strides = array<i32>} : memref<128x32xf32, #tpu.memory_space<vmem>>, vector<16xf32>,
        %parallel_loop3A_1265 = arith.addf %parallel_loop3A_1264, %get3A_351 : vector<16xf32>
        tpu.vector_store_idx %arg18[%select_n3A, %select_n3A_98, %parallel_loop3A_1257], %parallel_loop3A_1261 : memref<4x8x129xf32, #tpu.memory_space<vmem>>[vector<16xi32>, vector<16xi32>, vector<16xi32>], vector<16xf32>,
        tpu.vector_store_idx %arg18[%add3A_101, %select_n3A_98, %parallel_loop3A_1257], %parallel_loop3A_1265 : memref<4x8x129xf32, #tpu.memory_space<vmem>>[vector<16xi32>, vector<16xi32>, vector<16xi32>], vector<16xf32>,
      } {sc.loop_unroll_factor = 8 : i64, sc.parallel_access}
      %dma_start3A_354 = arith.constant 0 : i32
      %dma_start3A_355 = arith.constant 0 : i32
      %dma_start3A_356 = arith.constant 0 : i32
      %dma_start3A_357 = tpu.memref_slice %arg18[%dma_start3A_354, %dma_start3A_355, %dma_start3A_356] : memref<4x8x129xf32, #tpu.memory_space<vmem>> -> memref<4x8x128xf32, #tpu.memory_space<vmem>>
      %dma_start3A_358 = arith.constant 0 : i32
      %dma_start3A_359 = arith.constant 0 : i32
      %dma_start3A_360 = arith.constant 0 : i32
      %dma_start3A_361 = tpu.memref_slice %arg5[%add3A_300, %dma_start3A_358, %add3A, %dma_start3A_359, %dma_start3A_360] : memref<200x4x32x8x128xf32, #tpu.memory_space<hbm>> -> memref<1x4x1x8x128xf32, #tpu.memory_space<hbm>>
      %dma_start3A_362 = tpu.memref_squeeze %dma_start3A_361 : memref<1x4x1x8x128xf32, #tpu.memory_space<hbm>> -> memref<4x8x128xf32, #tpu.memory_space<hbm>>
      %dma_start3A_363 = arith.constant 0 : i32
      %dma_start3A_364 = arith.constant 0 : i32
      %dma_start3A_365 = arith.constant 0 : i32
      %dma_start3A_366 = tpu.memref_slice %arg5[%add3A_300, %dma_start3A_363, %add3A, %dma_start3A_364, %dma_start3A_365] : memref<200x4x32x8x128xf32, #tpu.memory_space<hbm>> -> memref<1x4x1x8x128xf32, #tpu.memory_space<hbm>>
      %dma_start3A_367 = tpu.memref_squeeze %dma_start3A_366 : memref<1x4x1x8x128xf32, #tpu.memory_space<hbm>> -> memref<4x8x128xf32, #tpu.memory_space<hbm>>
      %dma_start3A_368 = arith.constant 0 : i32
      %dma_start3A_369 = arith.constant 0 : i32
      %dma_start3A_370 = arith.constant 0 : i32
      %dma_start3A_371 = tpu.memref_slice %arg18[%dma_start3A_368, %dma_start3A_369, %dma_start3A_370] : memref<4x8x129xf32, #tpu.memory_space<vmem>> -> memref<4x8x128xf32, #tpu.memory_space<vmem>>
      tpu.enqueue_dma source(%dma_start3A_371 : memref<4x8x128xf32, #tpu.memory_space<vmem>>) target(%dma_start3A_367 : memref<4x8x128xf32, #tpu.memory_space<hbm>>) target_semaphore(%arg38 : memref<!tpu.dma_semaphore, #tpu.memory_space<semaphore_mem>>)
      %ge3A = arith.constant 1 : i32
      %ge3A_372 = arith.cmpi sge, %scan3A_296, %ge3A : i32
      %convert_element_type3A = arith.extui %ge3A_372 : i1 to i32
      %cond3A = arith.constant 0 : i32
      %cond3A_373 = arith.cmpi ne, %convert_element_type3A, %cond3A : i32
      scf.if %cond3A_373 {
        %add3A_1256 = arith.constant 7 : i32
        %add3A_1257 = arith.addi %add3A_300, %add3A_1256 : i32
        %sub3A_1258 = arith.constant 10 : i32
        %sub3A_1259 = arith.subi %add3A_1257, %sub3A_1258 : i32
        %dma_wait3A_1260 = arith.constant 0 : i32
        %dma_wait3A_1261 = arith.constant 0 : i32
        %dma_wait3A_1262 = arith.constant 0 : i32
        %dma_wait3A_1263 = tpu.memref_slice %arg25[%dma_wait3A_1260, %dma_wait3A_1261, %dma_wait3A_1262] : memref<4x8x129xf32, #tpu.memory_space<vmem>> -> memref<4x8x128xf32, #tpu.memory_space<vmem>>
        %dma_wait3A_1264 = arith.constant 0 : i32
        %dma_wait3A_1265 = arith.constant 0 : i32
        %dma_wait3A_1266 = arith.constant 0 : i32
        %dma_wait3A_1267 = tpu.memref_slice %arg5[%sub3A_1259, %dma_wait3A_1264, %add3A, %dma_wait3A_1265, %dma_wait3A_1266] : memref<200x4x32x8x128xf32, #tpu.memory_space<hbm>> -> memref<1x4x1x8x128xf32, #tpu.memory_space<hbm>>
        %dma_wait3A_1268 = tpu.memref_squeeze %dma_wait3A_1267 : memref<1x4x1x8x128xf32, #tpu.memory_space<hbm>> -> memref<4x8x128xf32, #tpu.memory_space<hbm>>
        %dma_wait3A_1269 = arith.constant 0 : i32
        %dma_wait3A_1270 = arith.constant 0 : i32
        %dma_wait3A_1271 = arith.constant 0 : i32
        %dma_wait3A_1272 = tpu.memref_slice %arg5[%sub3A_1259, %dma_wait3A_1269, %add3A, %dma_wait3A_1270, %dma_wait3A_1271] : memref<200x4x32x8x128xf32, #tpu.memory_space<hbm>> -> memref<1x4x1x8x128xf32, #tpu.memory_space<hbm>>
        %dma_wait3A_1273 = tpu.memref_squeeze %dma_wait3A_1272 : memref<1x4x1x8x128xf32, #tpu.memory_space<hbm>> -> memref<4x8x128xf32, #tpu.memory_space<hbm>>
        %dma_wait3A_1274 = arith.constant 0 : i32
        %dma_wait3A_1275 = arith.constant 0 : i32
        %dma_wait3A_1276 = arith.constant 0 : i32
        %dma_wait3A_1277 = tpu.memref_slice %arg25[%dma_wait3A_1274, %dma_wait3A_1275, %dma_wait3A_1276] : memref<4x8x129xf32, #tpu.memory_space<vmem>> -> memref<4x8x128xf32, #tpu.memory_space<vmem>>
        tpu.wait_dma2 semaphore(%arg45 : memref<!tpu.dma_semaphore, #tpu.memory_space<semaphore_mem>>) src(%dma_wait3A_1277 : memref<4x8x128xf32, #tpu.memory_space<vmem>>) dst(%dma_wait3A_1273 : memref<4x8x128xf32, #tpu.memory_space<hbm>>)
      } else {
      }
      %add3A_374 = arith.constant 7 : i32
      %add3A_375 = arith.addi %add3A_300, %add3A_374 : i32
      %jit3A_376 = arith.constant 8 : i32
      %div3A_377 = arith.divsi %add3A_375, %jit3A_376 : i32
      %sign3A_378 = arith.constant 0 : i32
      %sign3A_379 = arith.cmpi sgt, %add3A_375, %sign3A_378 : i32
      %sign3A_380 = arith.extui %sign3A_379 : i1 to i32
      %sign3A_381 = arith.constant 0 : i32
      %sign3A_382 = arith.cmpi slt, %add3A_375, %sign3A_381 : i32
      %sign3A_383 = arith.extui %sign3A_382 : i1 to i32
      %sign3A_384 = arith.subi %sign3A_380, %sign3A_383 : i32
      %sign3A_385 = arith.constant 0 : i32
      %sign3A_386 = arith.cmpi sgt, %jit3A_376, %sign3A_385 : i32
      %sign3A_387 = arith.extui %sign3A_386 : i1 to i32
      %sign3A_388 = arith.constant 0 : i32
      %sign3A_389 = arith.cmpi slt, %jit3A_376, %sign3A_388 : i32
      %sign3A_390 = arith.extui %sign3A_389 : i1 to i32
      %sign3A_391 = arith.subi %sign3A_387, %sign3A_390 : i32
      %ne3A_392 = arith.cmpi ne, %sign3A_384, %sign3A_391 : i32
      %rem3A_393 = arith.remsi %add3A_375, %jit3A_376 : i32
      %ne3A_394 = arith.constant 0 : i32
      %ne3A_395 = arith.cmpi ne, %rem3A_393, %ne3A_394 : i32
      %and3A_396 = arith.andi %ne3A_392, %ne3A_395 : i1
      %sub3A_397 = arith.constant 1 : i32
      %sub3A_398 = arith.subi %div3A_377, %sub3A_397 : i32
      %select_n3A_399 = arith.select %and3A_396, %sub3A_398, %div3A_377 : i32
      %jit3A_400 = arith.constant 8 : i32
      %eq3A_401 = arith.constant 0 : i32
      %eq3A_402 = arith.cmpi eq, %jit3A_400, %eq3A_401 : i32
      %jit3A_403 = arith.constant 1 : i32
      %select_n3A_404 = arith.select %eq3A_402, %jit3A_403, %jit3A_400 : i32
      %rem3A_405 = arith.remsi %add3A_375, %select_n3A_404 : i32
      %ne3A_406 = arith.constant 0 : i32
      %ne3A_407 = arith.cmpi ne, %rem3A_405, %ne3A_406 : i32
      %lt3A_408 = arith.constant 0 : i32
      %lt3A_409 = arith.cmpi slt, %rem3A_405, %lt3A_408 : i32
      %lt3A_410 = arith.constant 0 : i32
      %lt3A_411 = arith.cmpi slt, %select_n3A_404, %lt3A_410 : i32
      %ne3A_412 = arith.xori %lt3A_409, %lt3A_411 : i1
      %and3A_413 = arith.andi %ne3A_412, %ne3A_407 : i1
      %add3A_414 = arith.addi %rem3A_405, %select_n3A_404 : i32
      %select_n3A_415 = arith.select %and3A_413, %add3A_414, %rem3A_405 : i32
      %dma_start3A_416 = arith.constant 0 : i32
      %dma_start3A_417 = tpu.memref_slice %arg6[%select_n3A_399, %select_n3A_415, %dma_start3A_416] : memref<25x8x128xi32, #tpu.memory_space<vmem>> -> memref<1x1x128xi32, #tpu.memory_space<vmem>>
      %dma_start3A_418 = tpu.memref_squeeze %dma_start3A_417 : memref<1x1x128xi32, #tpu.memory_space<vmem>> -> memref<128xi32, #tpu.memory_space<vmem>>
      %dma_start3A_419 = arith.constant 0 : i32
      %dma_start3A_420 = arith.constant 0 : i32
      %dma_start3A_421 = tpu.memref_slice %arg3[%dma_start3A_419, %dma_start3A_420] : memref<1000000x32xf32, #tpu.memory_space<hbm>> -> memref<1000000x32xf32, #tpu.memory_space<hbm>>
      tpu.enqueue_indirect_dma source(%dma_start3A_421 : memref<1000000x32xf32, #tpu.memory_space<hbm>>) target(%arg15 : memref<128x32xf32, #tpu.memory_space<vmem>>) offsets(%dma_start3A_418 : memref<128xi32, #tpu.memory_space<vmem>>) semaphore(%arg35 : memref<!tpu.dma_semaphore, #tpu.memory_space<semaphore_mem>>)
      %mul3A_422 = arith.constant 10 : i32
      %mul3A_423 = arith.muli %scan3A_296, %mul3A_422 : i32
      %add3A_424 = arith.constant 1 : i32
      %add3A_425 = arith.addi %mul3A_423, %add3A_424 : i32
      %jit3A_426 = arith.constant 8 : i32
      %div3A_427 = arith.divsi %add3A_425, %jit3A_426 : i32
      %sign3A_428 = arith.constant 0 : i32
      %sign3A_429 = arith.cmpi sgt, %add3A_425, %sign3A_428 : i32
      %sign3A_430 = arith.extui %sign3A_429 : i1 to i32
      %sign3A_431 = arith.constant 0 : i32
      %sign3A_432 = arith.cmpi slt, %add3A_425, %sign3A_431 : i32
      %sign3A_433 = arith.extui %sign3A_432 : i1 to i32
      %sign3A_434 = arith.subi %sign3A_430, %sign3A_433 : i32
      %sign3A_435 = arith.constant 0 : i32
      %sign3A_436 = arith.cmpi sgt, %jit3A_426, %sign3A_435 : i32
      %sign3A_437 = arith.extui %sign3A_436 : i1 to i32
      %sign3A_438 = arith.constant 0 : i32
      %sign3A_439 = arith.cmpi slt, %jit3A_426, %sign3A_438 : i32
      %sign3A_440 = arith.extui %sign3A_439 : i1 to i32
      %sign3A_441 = arith.subi %sign3A_437, %sign3A_440 : i32
      %ne3A_442 = arith.cmpi ne, %sign3A_434, %sign3A_441 : i32
      %rem3A_443 = arith.remsi %add3A_425, %jit3A_426 : i32
      %ne3A_444 = arith.constant 0 : i32
      %ne3A_445 = arith.cmpi ne, %rem3A_443, %ne3A_444 : i32
      %and3A_446 = arith.andi %ne3A_442, %ne3A_445 : i1
      %sub3A_447 = arith.constant 1 : i32
      %sub3A_448 = arith.subi %div3A_427, %sub3A_447 : i32
      %select_n3A_449 = arith.select %and3A_446, %sub3A_448, %div3A_427 : i32
      %jit3A_450 = arith.constant 8 : i32
      %eq3A_451 = arith.constant 0 : i32
      %eq3A_452 = arith.cmpi eq, %jit3A_450, %eq3A_451 : i32
      %jit3A_453 = arith.constant 1 : i32
      %select_n3A_454 = arith.select %eq3A_452, %jit3A_453, %jit3A_450 : i32
      %rem3A_455 = arith.remsi %add3A_425, %select_n3A_454 : i32
      %ne3A_456 = arith.constant 0 : i32
      %ne3A_457 = arith.cmpi ne, %rem3A_455, %ne3A_456 : i32
      %lt3A_458 = arith.constant 0 : i32
      %lt3A_459 = arith.cmpi slt, %rem3A_455, %lt3A_458 : i32
      %lt3A_460 = arith.constant 0 : i32
      %lt3A_461 = arith.cmpi slt, %select_n3A_454, %lt3A_460 : i32
      %ne3A_462 = arith.xori %lt3A_459, %lt3A_461 : i1
      %and3A_463 = arith.andi %ne3A_462, %ne3A_457 : i1
      %add3A_464 = arith.addi %rem3A_455, %select_n3A_454 : i32
      %select_n3A_465 = arith.select %and3A_463, %add3A_464, %rem3A_455 : i32
      %dma_wait3A_466 = arith.constant 0 : i32
      %dma_wait3A_467 = tpu.memref_slice %arg6[%select_n3A_449, %select_n3A_465, %dma_wait3A_466] : memref<25x8x128xi32, #tpu.memory_space<vmem>> -> memref<1x1x128xi32, #tpu.memory_space<vmem>>
      %dma_wait3A_468 = tpu.memref_squeeze %dma_wait3A_467 : memref<1x1x128xi32, #tpu.memory_space<vmem>> -> memref<128xi32, #tpu.memory_space<vmem>>
      %dma_wait3A_469 = arith.constant 0 : i32
      %dma_wait3A_470 = arith.constant 0 : i32
      %dma_wait3A_471 = tpu.memref_slice %arg3[%dma_wait3A_469, %dma_wait3A_470] : memref<1000000x32xf32, #tpu.memory_space<hbm>> -> memref<1000000x32xf32, #tpu.memory_space<hbm>>
      tpu.wait_indirect_dma semaphore(%arg29 : memref<!tpu.dma_semaphore, #tpu.memory_space<semaphore_mem>>) src(%dma_wait3A_471 : memref<1000000x32xf32, #tpu.memory_space<hbm>>) dst(%arg9 : memref<128x32xf32, #tpu.memory_space<vmem>>)
      %get3A_472 = arith.index_cast %add3A_425 : i32 to index
      %get3A_473 = arith.constant 0 : index
      %get3A_474 = tpu.vector_load %arg7[%get3A_472, %get3A_473] {strides = array<i32>} : memref<200x32xf32, #tpu.memory_space<vmem>>, vector<16xf32>,
      %get3A_475 = arith.index_cast %add3A_425 : i32 to index
      %get3A_476 = arith.constant 16 : index
      %get3A_477 = tpu.vector_load %arg7[%get3A_475, %get3A_476] {strides = array<i32>} : memref<200x32xf32, #tpu.memory_space<vmem>>, vector<16xf32>,
      %parallel_loop3A_478 = arith.constant 0 : i32
      %parallel_loop3A_479 = arith.constant 128 : i32
      %parallel_loop3A_480 = arith.constant 1 : i32
      scf.for %parallel_loop3A_1256 = %parallel_loop3A_478 to %parallel_loop3A_479 step %parallel_loop3A_480  : i32 {
        %parallel_loop3A_1257 = vector.broadcast %parallel_loop3A_1256 : i32 to vector<16xi32>
        %parallel_loop3A_1258 = arith.index_cast %parallel_loop3A_1256 : i32 to index
        %parallel_loop3A_1259 = arith.constant 0 : index
        %parallel_loop3A_1260 = tpu.vector_load %arg9[%parallel_loop3A_1258, %parallel_loop3A_1259] {strides = array<i32>} : memref<128x32xf32, #tpu.memory_space<vmem>>, vector<16xf32>,
        %parallel_loop3A_1261 = arith.addf %parallel_loop3A_1260, %get3A_474 : vector<16xf32>
        %parallel_loop3A_1262 = arith.index_cast %parallel_loop3A_1256 : i32 to index
        %parallel_loop3A_1263 = arith.constant 16 : index
        %parallel_loop3A_1264 = tpu.vector_load %arg9[%parallel_loop3A_1262, %parallel_loop3A_1263] {strides = array<i32>} : memref<128x32xf32, #tpu.memory_space<vmem>>, vector<16xf32>,
        %parallel_loop3A_1265 = arith.addf %parallel_loop3A_1264, %get3A_477 : vector<16xf32>
        tpu.vector_store_idx %arg19[%select_n3A, %select_n3A_98, %parallel_loop3A_1257], %parallel_loop3A_1261 : memref<4x8x129xf32, #tpu.memory_space<vmem>>[vector<16xi32>, vector<16xi32>, vector<16xi32>], vector<16xf32>,
        tpu.vector_store_idx %arg19[%add3A_101, %select_n3A_98, %parallel_loop3A_1257], %parallel_loop3A_1265 : memref<4x8x129xf32, #tpu.memory_space<vmem>>[vector<16xi32>, vector<16xi32>, vector<16xi32>], vector<16xf32>,
      } {sc.loop_unroll_factor = 8 : i64, sc.parallel_access}
      %dma_start3A_481 = arith.constant 0 : i32
      %dma_start3A_482 = arith.constant 0 : i32
      %dma_start3A_483 = arith.constant 0 : i32
      %dma_start3A_484 = tpu.memref_slice %arg19[%dma_start3A_481, %dma_start3A_482, %dma_start3A_483] : memref<4x8x129xf32, #tpu.memory_space<vmem>> -> memref<4x8x128xf32, #tpu.memory_space<vmem>>
      %dma_start3A_485 = arith.constant 0 : i32
      %dma_start3A_486 = arith.constant 0 : i32
      %dma_start3A_487 = arith.constant 0 : i32
      %dma_start3A_488 = tpu.memref_slice %arg5[%add3A_425, %dma_start3A_485, %add3A, %dma_start3A_486, %dma_start3A_487] : memref<200x4x32x8x128xf32, #tpu.memory_space<hbm>> -> memref<1x4x1x8x128xf32, #tpu.memory_space<hbm>>
      %dma_start3A_489 = tpu.memref_squeeze %dma_start3A_488 : memref<1x4x1x8x128xf32, #tpu.memory_space<hbm>> -> memref<4x8x128xf32, #tpu.memory_space<hbm>>
      %dma_start3A_490 = arith.constant 0 : i32
      %dma_start3A_491 = arith.constant 0 : i32
      %dma_start3A_492 = arith.constant 0 : i32
      %dma_start3A_493 = tpu.memref_slice %arg5[%add3A_425, %dma_start3A_490, %add3A, %dma_start3A_491, %dma_start3A_492] : memref<200x4x32x8x128xf32, #tpu.memory_space<hbm>> -> memref<1x4x1x8x128xf32, #tpu.memory_space<hbm>>
      %dma_start3A_494 = tpu.memref_squeeze %dma_start3A_493 : memref<1x4x1x8x128xf32, #tpu.memory_space<hbm>> -> memref<4x8x128xf32, #tpu.memory_space<hbm>>
      %dma_start3A_495 = arith.constant 0 : i32
      %dma_start3A_496 = arith.constant 0 : i32
      %dma_start3A_497 = arith.constant 0 : i32
      %dma_start3A_498 = tpu.memref_slice %arg19[%dma_start3A_495, %dma_start3A_496, %dma_start3A_497] : memref<4x8x129xf32, #tpu.memory_space<vmem>> -> memref<4x8x128xf32, #tpu.memory_space<vmem>>
      tpu.enqueue_dma source(%dma_start3A_498 : memref<4x8x128xf32, #tpu.memory_space<vmem>>) target(%dma_start3A_494 : memref<4x8x128xf32, #tpu.memory_space<hbm>>) target_semaphore(%arg39 : memref<!tpu.dma_semaphore, #tpu.memory_space<semaphore_mem>>)
      %ge3A_499 = arith.constant 1 : i32
      %ge3A_500 = arith.cmpi sge, %scan3A_296, %ge3A_499 : i32
      %convert_element_type3A_501 = arith.extui %ge3A_500 : i1 to i32
      %cond3A_502 = arith.constant 0 : i32
      %cond3A_503 = arith.cmpi ne, %convert_element_type3A_501, %cond3A_502 : i32
      scf.if %cond3A_503 {
        %add3A_1256 = arith.constant 7 : i32
        %add3A_1257 = arith.addi %add3A_425, %add3A_1256 : i32
        %sub3A_1258 = arith.constant 10 : i32
        %sub3A_1259 = arith.subi %add3A_1257, %sub3A_1258 : i32
        %dma_wait3A_1260 = arith.constant 0 : i32
        %dma_wait3A_1261 = arith.constant 0 : i32
        %dma_wait3A_1262 = arith.constant 0 : i32
        %dma_wait3A_1263 = tpu.memref_slice %arg26[%dma_wait3A_1260, %dma_wait3A_1261, %dma_wait3A_1262] : memref<4x8x129xf32, #tpu.memory_space<vmem>> -> memref<4x8x128xf32, #tpu.memory_space<vmem>>
        %dma_wait3A_1264 = arith.constant 0 : i32
        %dma_wait3A_1265 = arith.constant 0 : i32
        %dma_wait3A_1266 = arith.constant 0 : i32
        %dma_wait3A_1267 = tpu.memref_slice %arg5[%sub3A_1259, %dma_wait3A_1264, %add3A, %dma_wait3A_1265, %dma_wait3A_1266] : memref<200x4x32x8x128xf32, #tpu.memory_space<hbm>> -> memref<1x4x1x8x128xf32, #tpu.memory_space<hbm>>
        %dma_wait3A_1268 = tpu.memref_squeeze %dma_wait3A_1267 : memref<1x4x1x8x128xf32, #tpu.memory_space<hbm>> -> memref<4x8x128xf32, #tpu.memory_space<hbm>>
        %dma_wait3A_1269 = arith.constant 0 : i32
        %dma_wait3A_1270 = arith.constant 0 : i32
        %dma_wait3A_1271 = arith.constant 0 : i32
        %dma_wait3A_1272 = tpu.memref_slice %arg5[%sub3A_1259, %dma_wait3A_1269, %add3A, %dma_wait3A_1270, %dma_wait3A_1271] : memref<200x4x32x8x128xf32, #tpu.memory_space<hbm>> -> memref<1x4x1x8x128xf32, #tpu.memory_space<hbm>>
        %dma_wait3A_1273 = tpu.memref_squeeze %dma_wait3A_1272 : memref<1x4x1x8x128xf32, #tpu.memory_space<hbm>> -> memref<4x8x128xf32, #tpu.memory_space<hbm>>
        %dma_wait3A_1274 = arith.constant 0 : i32
        %dma_wait3A_1275 = arith.constant 0 : i32
        %dma_wait3A_1276 = arith.constant 0 : i32
        %dma_wait3A_1277 = tpu.memref_slice %arg26[%dma_wait3A_1274, %dma_wait3A_1275, %dma_wait3A_1276] : memref<4x8x129xf32, #tpu.memory_space<vmem>> -> memref<4x8x128xf32, #tpu.memory_space<vmem>>
        tpu.wait_dma2 semaphore(%arg46 : memref<!tpu.dma_semaphore, #tpu.memory_space<semaphore_mem>>) src(%dma_wait3A_1277 : memref<4x8x128xf32, #tpu.memory_space<vmem>>) dst(%dma_wait3A_1273 : memref<4x8x128xf32, #tpu.memory_space<hbm>>)
      } else {
      }
      %add3A_504 = arith.constant 7 : i32
      %add3A_505 = arith.addi %add3A_425, %add3A_504 : i32
      %jit3A_506 = arith.constant 8 : i32
      %div3A_507 = arith.divsi %add3A_505, %jit3A_506 : i32
      %sign3A_508 = arith.constant 0 : i32
      %sign3A_509 = arith.cmpi sgt, %add3A_505, %sign3A_508 : i32
      %sign3A_510 = arith.extui %sign3A_509 : i1 to i32
      %sign3A_511 = arith.constant 0 : i32
      %sign3A_512 = arith.cmpi slt, %add3A_505, %sign3A_511 : i32
      %sign3A_513 = arith.extui %sign3A_512 : i1 to i32
      %sign3A_514 = arith.subi %sign3A_510, %sign3A_513 : i32
      %sign3A_515 = arith.constant 0 : i32
      %sign3A_516 = arith.cmpi sgt, %jit3A_506, %sign3A_515 : i32
      %sign3A_517 = arith.extui %sign3A_516 : i1 to i32
      %sign3A_518 = arith.constant 0 : i32
      %sign3A_519 = arith.cmpi slt, %jit3A_506, %sign3A_518 : i32
      %sign3A_520 = arith.extui %sign3A_519 : i1 to i32
      %sign3A_521 = arith.subi %sign3A_517, %sign3A_520 : i32
      %ne3A_522 = arith.cmpi ne, %sign3A_514, %sign3A_521 : i32
      %rem3A_523 = arith.remsi %add3A_505, %jit3A_506 : i32
      %ne3A_524 = arith.constant 0 : i32
      %ne3A_525 = arith.cmpi ne, %rem3A_523, %ne3A_524 : i32
      %and3A_526 = arith.andi %ne3A_522, %ne3A_525 : i1
      %sub3A_527 = arith.constant 1 : i32
      %sub3A_528 = arith.subi %div3A_507, %sub3A_527 : i32
      %select_n3A_529 = arith.select %and3A_526, %sub3A_528, %div3A_507 : i32
      %jit3A_530 = arith.constant 8 : i32
      %eq3A_531 = arith.constant 0 : i32
      %eq3A_532 = arith.cmpi eq, %jit3A_530, %eq3A_531 : i32
      %jit3A_533 = arith.constant 1 : i32
      %select_n3A_534 = arith.select %eq3A_532, %jit3A_533, %jit3A_530 : i32
      %rem3A_535 = arith.remsi %add3A_505, %select_n3A_534 : i32
      %ne3A_536 = arith.constant 0 : i32
      %ne3A_537 = arith.cmpi ne, %rem3A_535, %ne3A_536 : i32
      %lt3A_538 = arith.constant 0 : i32
      %lt3A_539 = arith.cmpi slt, %rem3A_535, %lt3A_538 : i32
      %lt3A_540 = arith.constant 0 : i32
      %lt3A_541 = arith.cmpi slt, %select_n3A_534, %lt3A_540 : i32
      %ne3A_542 = arith.xori %lt3A_539, %lt3A_541 : i1
      %and3A_543 = arith.andi %ne3A_542, %ne3A_537 : i1
      %add3A_544 = arith.addi %rem3A_535, %select_n3A_534 : i32
      %select_n3A_545 = arith.select %and3A_543, %add3A_544, %rem3A_535 : i32
      %dma_start3A_546 = arith.constant 0 : i32
      %dma_start3A_547 = tpu.memref_slice %arg6[%select_n3A_529, %select_n3A_545, %dma_start3A_546] : memref<25x8x128xi32, #tpu.memory_space<vmem>> -> memref<1x1x128xi32, #tpu.memory_space<vmem>>
      %dma_start3A_548 = tpu.memref_squeeze %dma_start3A_547 : memref<1x1x128xi32, #tpu.memory_space<vmem>> -> memref<128xi32, #tpu.memory_space<vmem>>
      %dma_start3A_549 = arith.constant 0 : i32
      %dma_start3A_550 = arith.constant 0 : i32
      %dma_start3A_551 = tpu.memref_slice %arg3[%dma_start3A_549, %dma_start3A_550] : memref<1000000x32xf32, #tpu.memory_space<hbm>> -> memref<1000000x32xf32, #tpu.memory_space<hbm>>
      tpu.enqueue_indirect_dma source(%dma_start3A_551 : memref<1000000x32xf32, #tpu.memory_space<hbm>>) target(%arg16 : memref<128x32xf32, #tpu.memory_space<vmem>>) offsets(%dma_start3A_548 : memref<128xi32, #tpu.memory_space<vmem>>) semaphore(%arg36 : memref<!tpu.dma_semaphore, #tpu.memory_space<semaphore_mem>>)
      %mul3A_552 = arith.constant 10 : i32
      %mul3A_553 = arith.muli %scan3A_296, %mul3A_552 : i32
      %add3A_554 = arith.constant 2 : i32
      %add3A_555 = arith.addi %mul3A_553, %add3A_554 : i32
      %jit3A_556 = arith.constant 8 : i32
      %div3A_557 = arith.divsi %add3A_555, %jit3A_556 : i32
      %sign3A_558 = arith.constant 0 : i32
      %sign3A_559 = arith.cmpi sgt, %add3A_555, %sign3A_558 : i32
      %sign3A_560 = arith.extui %sign3A_559 : i1 to i32
      %sign3A_561 = arith.constant 0 : i32
      %sign3A_562 = arith.cmpi slt, %add3A_555, %sign3A_561 : i32
      %sign3A_563 = arith.extui %sign3A_562 : i1 to i32
      %sign3A_564 = arith.subi %sign3A_560, %sign3A_563 : i32
      %sign3A_565 = arith.constant 0 : i32
      %sign3A_566 = arith.cmpi sgt, %jit3A_556, %sign3A_565 : i32
      %sign3A_567 = arith.extui %sign3A_566 : i1 to i32
      %sign3A_568 = arith.constant 0 : i32
      %sign3A_569 = arith.cmpi slt, %jit3A_556, %sign3A_568 : i32
      %sign3A_570 = arith.extui %sign3A_569 : i1 to i32
      %sign3A_571 = arith.subi %sign3A_567, %sign3A_570 : i32
      %ne3A_572 = arith.cmpi ne, %sign3A_564, %sign3A_571 : i32
      %rem3A_573 = arith.remsi %add3A_555, %jit3A_556 : i32
      %ne3A_574 = arith.constant 0 : i32
      %ne3A_575 = arith.cmpi ne, %rem3A_573, %ne3A_574 : i32
      %and3A_576 = arith.andi %ne3A_572, %ne3A_575 : i1
      %sub3A_577 = arith.constant 1 : i32
      %sub3A_578 = arith.subi %div3A_557, %sub3A_577 : i32
      %select_n3A_579 = arith.select %and3A_576, %sub3A_578, %div3A_557 : i32
      %jit3A_580 = arith.constant 8 : i32
      %eq3A_581 = arith.constant 0 : i32
      %eq3A_582 = arith.cmpi eq, %jit3A_580, %eq3A_581 : i32
      %jit3A_583 = arith.constant 1 : i32
      %select_n3A_584 = arith.select %eq3A_582, %jit3A_583, %jit3A_580 : i32
      %rem3A_585 = arith.remsi %add3A_555, %select_n3A_584 : i32
      %ne3A_586 = arith.constant 0 : i32
      %ne3A_587 = arith.cmpi ne, %rem3A_585, %ne3A_586 : i32
      %lt3A_588 = arith.constant 0 : i32
      %lt3A_589 = arith.cmpi slt, %rem3A_585, %lt3A_588 : i32
      %lt3A_590 = arith.constant 0 : i32
      %lt3A_591 = arith.cmpi slt, %select_n3A_584, %lt3A_590 : i32
      %ne3A_592 = arith.xori %lt3A_589, %lt3A_591 : i1
      %and3A_593 = arith.andi %ne3A_592, %ne3A_587 : i1
      %add3A_594 = arith.addi %rem3A_585, %select_n3A_584 : i32
      %select_n3A_595 = arith.select %and3A_593, %add3A_594, %rem3A_585 : i32
      %dma_wait3A_596 = arith.constant 0 : i32
      %dma_wait3A_597 = tpu.memref_slice %arg6[%select_n3A_579, %select_n3A_595, %dma_wait3A_596] : memref<25x8x128xi32, #tpu.memory_space<vmem>> -> memref<1x1x128xi32, #tpu.memory_space<vmem>>
      %dma_wait3A_598 = tpu.memref_squeeze %dma_wait3A_597 : memref<1x1x128xi32, #tpu.memory_space<vmem>> -> memref<128xi32, #tpu.memory_space<vmem>>
      %dma_wait3A_599 = arith.constant 0 : i32
      %dma_wait3A_600 = arith.constant 0 : i32
      %dma_wait3A_601 = tpu.memref_slice %arg3[%dma_wait3A_599, %dma_wait3A_600] : memref<1000000x32xf32, #tpu.memory_space<hbm>> -> memref<1000000x32xf32, #tpu.memory_space<hbm>>
      tpu.wait_indirect_dma semaphore(%arg30 : memref<!tpu.dma_semaphore, #tpu.memory_space<semaphore_mem>>) src(%dma_wait3A_601 : memref<1000000x32xf32, #tpu.memory_space<hbm>>) dst(%arg10 : memref<128x32xf32, #tpu.memory_space<vmem>>)
      %get3A_602 = arith.index_cast %add3A_555 : i32 to index
      %get3A_603 = arith.constant 0 : index
      %get3A_604 = tpu.vector_load %arg7[%get3A_602, %get3A_603] {strides = array<i32>} : memref<200x32xf32, #tpu.memory_space<vmem>>, vector<16xf32>,
      %get3A_605 = arith.index_cast %add3A_555 : i32 to index
      %get3A_606 = arith.constant 16 : index
      %get3A_607 = tpu.vector_load %arg7[%get3A_605, %get3A_606] {strides = array<i32>} : memref<200x32xf32, #tpu.memory_space<vmem>>, vector<16xf32>,
      %parallel_loop3A_608 = arith.constant 0 : i32
      %parallel_loop3A_609 = arith.constant 128 : i32
      %parallel_loop3A_610 = arith.constant 1 : i32
      scf.for %parallel_loop3A_1256 = %parallel_loop3A_608 to %parallel_loop3A_609 step %parallel_loop3A_610  : i32 {
        %parallel_loop3A_1257 = vector.broadcast %parallel_loop3A_1256 : i32 to vector<16xi32>
        %parallel_loop3A_1258 = arith.index_cast %parallel_loop3A_1256 : i32 to index
        %parallel_loop3A_1259 = arith.constant 0 : index
        %parallel_loop3A_1260 = tpu.vector_load %arg10[%parallel_loop3A_1258, %parallel_loop3A_1259] {strides = array<i32>} : memref<128x32xf32, #tpu.memory_space<vmem>>, vector<16xf32>,
        %parallel_loop3A_1261 = arith.addf %parallel_loop3A_1260, %get3A_604 : vector<16xf32>
        %parallel_loop3A_1262 = arith.index_cast %parallel_loop3A_1256 : i32 to index
        %parallel_loop3A_1263 = arith.constant 16 : index
        %parallel_loop3A_1264 = tpu.vector_load %arg10[%parallel_loop3A_1262, %parallel_loop3A_1263] {strides = array<i32>} : memref<128x32xf32, #tpu.memory_space<vmem>>, vector<16xf32>,
        %parallel_loop3A_1265 = arith.addf %parallel_loop3A_1264, %get3A_607 : vector<16xf32>
        tpu.vector_store_idx %arg20[%select_n3A, %select_n3A_98, %parallel_loop3A_1257], %parallel_loop3A_1261 : memref<4x8x129xf32, #tpu.memory_space<vmem>>[vector<16xi32>, vector<16xi32>, vector<16xi32>], vector<16xf32>,
        tpu.vector_store_idx %arg20[%add3A_101, %select_n3A_98, %parallel_loop3A_1257], %parallel_loop3A_1265 : memref<4x8x129xf32, #tpu.memory_space<vmem>>[vector<16xi32>, vector<16xi32>, vector<16xi32>], vector<16xf32>,
      } {sc.loop_unroll_factor = 8 : i64, sc.parallel_access}
      %dma_start3A_611 = arith.constant 0 : i32
      %dma_start3A_612 = arith.constant 0 : i32
      %dma_start3A_613 = arith.constant 0 : i32
      %dma_start3A_614 = tpu.memref_slice %arg20[%dma_start3A_611, %dma_start3A_612, %dma_start3A_613] : memref<4x8x129xf32, #tpu.memory_space<vmem>> -> memref<4x8x128xf32, #tpu.memory_space<vmem>>
      %dma_start3A_615 = arith.constant 0 : i32
      %dma_start3A_616 = arith.constant 0 : i32
      %dma_start3A_617 = arith.constant 0 : i32
      %dma_start3A_618 = tpu.memref_slice %arg5[%add3A_555, %dma_start3A_615, %add3A, %dma_start3A_616, %dma_start3A_617] : memref<200x4x32x8x128xf32, #tpu.memory_space<hbm>> -> memref<1x4x1x8x128xf32, #tpu.memory_space<hbm>>
      %dma_start3A_619 = tpu.memref_squeeze %dma_start3A_618 : memref<1x4x1x8x128xf32, #tpu.memory_space<hbm>> -> memref<4x8x128xf32, #tpu.memory_space<hbm>>
      %dma_start3A_620 = arith.constant 0 : i32
      %dma_start3A_621 = arith.constant 0 : i32
      %dma_start3A_622 = arith.constant 0 : i32
      %dma_start3A_623 = tpu.memref_slice %arg5[%add3A_555, %dma_start3A_620, %add3A, %dma_start3A_621, %dma_start3A_622] : memref<200x4x32x8x128xf32, #tpu.memory_space<hbm>> -> memref<1x4x1x8x128xf32, #tpu.memory_space<hbm>>
      %dma_start3A_624 = tpu.memref_squeeze %dma_start3A_623 : memref<1x4x1x8x128xf32, #tpu.memory_space<hbm>> -> memref<4x8x128xf32, #tpu.memory_space<hbm>>
      %dma_start3A_625 = arith.constant 0 : i32
      %dma_start3A_626 = arith.constant 0 : i32
      %dma_start3A_627 = arith.constant 0 : i32
      %dma_start3A_628 = tpu.memref_slice %arg20[%dma_start3A_625, %dma_start3A_626, %dma_start3A_627] : memref<4x8x129xf32, #tpu.memory_space<vmem>> -> memref<4x8x128xf32, #tpu.memory_space<vmem>>
      tpu.enqueue_dma source(%dma_start3A_628 : memref<4x8x128xf32, #tpu.memory_space<vmem>>) target(%dma_start3A_624 : memref<4x8x128xf32, #tpu.memory_space<hbm>>) target_semaphore(%arg40 : memref<!tpu.dma_semaphore, #tpu.memory_space<semaphore_mem>>)
      %ge3A_629 = arith.constant 1 : i32
      %ge3A_630 = arith.cmpi sge, %scan3A_296, %ge3A_629 : i32
      %convert_element_type3A_631 = arith.extui %ge3A_630 : i1 to i32
      %cond3A_632 = arith.constant 0 : i32
      %cond3A_633 = arith.cmpi ne, %convert_element_type3A_631, %cond3A_632 : i32
      scf.if %cond3A_633 {
        %add3A_1256 = arith.constant 7 : i32
        %add3A_1257 = arith.addi %add3A_555, %add3A_1256 : i32
        %sub3A_1258 = arith.constant 10 : i32
        %sub3A_1259 = arith.subi %add3A_1257, %sub3A_1258 : i32
        %dma_wait3A_1260 = arith.constant 0 : i32
        %dma_wait3A_1261 = arith.constant 0 : i32
        %dma_wait3A_1262 = arith.constant 0 : i32
        %dma_wait3A_1263 = tpu.memref_slice %arg27[%dma_wait3A_1260, %dma_wait3A_1261, %dma_wait3A_1262] : memref<4x8x129xf32, #tpu.memory_space<vmem>> -> memref<4x8x128xf32, #tpu.memory_space<vmem>>
        %dma_wait3A_1264 = arith.constant 0 : i32
        %dma_wait3A_1265 = arith.constant 0 : i32
        %dma_wait3A_1266 = arith.constant 0 : i32
        %dma_wait3A_1267 = tpu.memref_slice %arg5[%sub3A_1259, %dma_wait3A_1264, %add3A, %dma_wait3A_1265, %dma_wait3A_1266] : memref<200x4x32x8x128xf32, #tpu.memory_space<hbm>> -> memref<1x4x1x8x128xf32, #tpu.memory_space<hbm>>
        %dma_wait3A_1268 = tpu.memref_squeeze %dma_wait3A_1267 : memref<1x4x1x8x128xf32, #tpu.memory_space<hbm>> -> memref<4x8x128xf32, #tpu.memory_space<hbm>>
        %dma_wait3A_1269 = arith.constant 0 : i32
        %dma_wait3A_1270 = arith.constant 0 : i32
        %dma_wait3A_1271 = arith.constant 0 : i32
        %dma_wait3A_1272 = tpu.memref_slice %arg5[%sub3A_1259, %dma_wait3A_1269, %add3A, %dma_wait3A_1270, %dma_wait3A_1271] : memref<200x4x32x8x128xf32, #tpu.memory_space<hbm>> -> memref<1x4x1x8x128xf32, #tpu.memory_space<hbm>>
        %dma_wait3A_1273 = tpu.memref_squeeze %dma_wait3A_1272 : memref<1x4x1x8x128xf32, #tpu.memory_space<hbm>> -> memref<4x8x128xf32, #tpu.memory_space<hbm>>
        %dma_wait3A_1274 = arith.constant 0 : i32
        %dma_wait3A_1275 = arith.constant 0 : i32
        %dma_wait3A_1276 = arith.constant 0 : i32
        %dma_wait3A_1277 = tpu.memref_slice %arg27[%dma_wait3A_1274, %dma_wait3A_1275, %dma_wait3A_1276] : memref<4x8x129xf32, #tpu.memory_space<vmem>> -> memref<4x8x128xf32, #tpu.memory_space<vmem>>
        tpu.wait_dma2 semaphore(%arg47 : memref<!tpu.dma_semaphore, #tpu.memory_space<semaphore_mem>>) src(%dma_wait3A_1277 : memref<4x8x128xf32, #tpu.memory_space<vmem>>) dst(%dma_wait3A_1273 : memref<4x8x128xf32, #tpu.memory_space<hbm>>)
      } else {
      }
      %add3A_634 = arith.constant 7 : i32
      %add3A_635 = arith.addi %add3A_555, %add3A_634 : i32
      %jit3A_636 = arith.constant 8 : i32
      %div3A_637 = arith.divsi %add3A_635, %jit3A_636 : i32
      %sign3A_638 = arith.constant 0 : i32
      %sign3A_639 = arith.cmpi sgt, %add3A_635, %sign3A_638 : i32
      %sign3A_640 = arith.extui %sign3A_639 : i1 to i32
      %sign3A_641 = arith.constant 0 : i32
      %sign3A_642 = arith.cmpi slt, %add3A_635, %sign3A_641 : i32
      %sign3A_643 = arith.extui %sign3A_642 : i1 to i32
      %sign3A_644 = arith.subi %sign3A_640, %sign3A_643 : i32
      %sign3A_645 = arith.constant 0 : i32
      %sign3A_646 = arith.cmpi sgt, %jit3A_636, %sign3A_645 : i32
      %sign3A_647 = arith.extui %sign3A_646 : i1 to i32
      %sign3A_648 = arith.constant 0 : i32
      %sign3A_649 = arith.cmpi slt, %jit3A_636, %sign3A_648 : i32
      %sign3A_650 = arith.extui %sign3A_649 : i1 to i32
      %sign3A_651 = arith.subi %sign3A_647, %sign3A_650 : i32
      %ne3A_652 = arith.cmpi ne, %sign3A_644, %sign3A_651 : i32
      %rem3A_653 = arith.remsi %add3A_635, %jit3A_636 : i32
      %ne3A_654 = arith.constant 0 : i32
      %ne3A_655 = arith.cmpi ne, %rem3A_653, %ne3A_654 : i32
      %and3A_656 = arith.andi %ne3A_652, %ne3A_655 : i1
      %sub3A_657 = arith.constant 1 : i32
      %sub3A_658 = arith.subi %div3A_637, %sub3A_657 : i32
      %select_n3A_659 = arith.select %and3A_656, %sub3A_658, %div3A_637 : i32
      %jit3A_660 = arith.constant 8 : i32
      %eq3A_661 = arith.constant 0 : i32
      %eq3A_662 = arith.cmpi eq, %jit3A_660, %eq3A_661 : i32
      %jit3A_663 = arith.constant 1 : i32
      %select_n3A_664 = arith.select %eq3A_662, %jit3A_663, %jit3A_660 : i32
      %rem3A_665 = arith.remsi %add3A_635, %select_n3A_664 : i32
      %ne3A_666 = arith.constant 0 : i32
      %ne3A_667 = arith.cmpi ne, %rem3A_665, %ne3A_666 : i32
      %lt3A_668 = arith.constant 0 : i32
      %lt3A_669 = arith.cmpi slt, %rem3A_665, %lt3A_668 : i32
      %lt3A_670 = arith.constant 0 : i32
      %lt3A_671 = arith.cmpi slt, %select_n3A_664, %lt3A_670 : i32
      %ne3A_672 = arith.xori %lt3A_669, %lt3A_671 : i1
      %and3A_673 = arith.andi %ne3A_672, %ne3A_667 : i1
      %add3A_674 = arith.addi %rem3A_665, %select_n3A_664 : i32
      %select_n3A_675 = arith.select %and3A_673, %add3A_674, %rem3A_665 : i32
      %dma_start3A_676 = arith.constant 0 : i32
      %dma_start3A_677 = tpu.memref_slice %arg6[%select_n3A_659, %select_n3A_675, %dma_start3A_676] : memref<25x8x128xi32, #tpu.memory_space<vmem>> -> memref<1x1x128xi32, #tpu.memory_space<vmem>>
      %dma_start3A_678 = tpu.memref_squeeze %dma_start3A_677 : memref<1x1x128xi32, #tpu.memory_space<vmem>> -> memref<128xi32, #tpu.memory_space<vmem>>
      %dma_start3A_679 = arith.constant 0 : i32
      %dma_start3A_680 = arith.constant 0 : i32
      %dma_start3A_681 = tpu.memref_slice %arg3[%dma_start3A_679, %dma_start3A_680] : memref<1000000x32xf32, #tpu.memory_space<hbm>> -> memref<1000000x32xf32, #tpu.memory_space<hbm>>
      tpu.enqueue_indirect_dma source(%dma_start3A_681 : memref<1000000x32xf32, #tpu.memory_space<hbm>>) target(%arg17 : memref<128x32xf32, #tpu.memory_space<vmem>>) offsets(%dma_start3A_678 : memref<128xi32, #tpu.memory_space<vmem>>) semaphore(%arg37 : memref<!tpu.dma_semaphore, #tpu.memory_space<semaphore_mem>>)
      %mul3A_682 = arith.constant 10 : i32
      %mul3A_683 = arith.muli %scan3A_296, %mul3A_682 : i32
      %add3A_684 = arith.constant 3 : i32
      %add3A_685 = arith.addi %mul3A_683, %add3A_684 : i32
      %jit3A_686 = arith.constant 8 : i32
      %div3A_687 = arith.divsi %add3A_685, %jit3A_686 : i32
      %sign3A_688 = arith.constant 0 : i32
      %sign3A_689 = arith.cmpi sgt, %add3A_685, %sign3A_688 : i32
      %sign3A_690 = arith.extui %sign3A_689 : i1 to i32
      %sign3A_691 = arith.constant 0 : i32
      %sign3A_692 = arith.cmpi slt, %add3A_685, %sign3A_691 : i32
      %sign3A_693 = arith.extui %sign3A_692 : i1 to i32
      %sign3A_694 = arith.subi %sign3A_690, %sign3A_693 : i32
      %sign3A_695 = arith.constant 0 : i32
      %sign3A_696 = arith.cmpi sgt, %jit3A_686, %sign3A_695 : i32
      %sign3A_697 = arith.extui %sign3A_696 : i1 to i32
      %sign3A_698 = arith.constant 0 : i32
      %sign3A_699 = arith.cmpi slt, %jit3A_686, %sign3A_698 : i32
      %sign3A_700 = arith.extui %sign3A_699 : i1 to i32
      %sign3A_701 = arith.subi %sign3A_697, %sign3A_700 : i32
      %ne3A_702 = arith.cmpi ne, %sign3A_694, %sign3A_701 : i32
      %rem3A_703 = arith.remsi %add3A_685, %jit3A_686 : i32
      %ne3A_704 = arith.constant 0 : i32
      %ne3A_705 = arith.cmpi ne, %rem3A_703, %ne3A_704 : i32
      %and3A_706 = arith.andi %ne3A_702, %ne3A_705 : i1
      %sub3A_707 = arith.constant 1 : i32
      %sub3A_708 = arith.subi %div3A_687, %sub3A_707 : i32
      %select_n3A_709 = arith.select %and3A_706, %sub3A_708, %div3A_687 : i32
      %jit3A_710 = arith.constant 8 : i32
      %eq3A_711 = arith.constant 0 : i32
      %eq3A_712 = arith.cmpi eq, %jit3A_710, %eq3A_711 : i32
      %jit3A_713 = arith.constant 1 : i32
      %select_n3A_714 = arith.select %eq3A_712, %jit3A_713, %jit3A_710 : i32
      %rem3A_715 = arith.remsi %add3A_685, %select_n3A_714 : i32
      %ne3A_716 = arith.constant 0 : i32
      %ne3A_717 = arith.cmpi ne, %rem3A_715, %ne3A_716 : i32
      %lt3A_718 = arith.constant 0 : i32
      %lt3A_719 = arith.cmpi slt, %rem3A_715, %lt3A_718 : i32
      %lt3A_720 = arith.constant 0 : i32
      %lt3A_721 = arith.cmpi slt, %select_n3A_714, %lt3A_720 : i32
      %ne3A_722 = arith.xori %lt3A_719, %lt3A_721 : i1
      %and3A_723 = arith.andi %ne3A_722, %ne3A_717 : i1
      %add3A_724 = arith.addi %rem3A_715, %select_n3A_714 : i32
      %select_n3A_725 = arith.select %and3A_723, %add3A_724, %rem3A_715 : i32
      %dma_wait3A_726 = arith.constant 0 : i32
      %dma_wait3A_727 = tpu.memref_slice %arg6[%select_n3A_709, %select_n3A_725, %dma_wait3A_726] : memref<25x8x128xi32, #tpu.memory_space<vmem>> -> memref<1x1x128xi32, #tpu.memory_space<vmem>>
      %dma_wait3A_728 = tpu.memref_squeeze %dma_wait3A_727 : memref<1x1x128xi32, #tpu.memory_space<vmem>> -> memref<128xi32, #tpu.memory_space<vmem>>
      %dma_wait3A_729 = arith.constant 0 : i32
      %dma_wait3A_730 = arith.constant 0 : i32
      %dma_wait3A_731 = tpu.memref_slice %arg3[%dma_wait3A_729, %dma_wait3A_730] : memref<1000000x32xf32, #tpu.memory_space<hbm>> -> memref<1000000x32xf32, #tpu.memory_space<hbm>>
      tpu.wait_indirect_dma semaphore(%arg31 : memref<!tpu.dma_semaphore, #tpu.memory_space<semaphore_mem>>) src(%dma_wait3A_731 : memref<1000000x32xf32, #tpu.memory_space<hbm>>) dst(%arg11 : memref<128x32xf32, #tpu.memory_space<vmem>>)
      %get3A_732 = arith.index_cast %add3A_685 : i32 to index
      %get3A_733 = arith.constant 0 : index
      %get3A_734 = tpu.vector_load %arg7[%get3A_732, %get3A_733] {strides = array<i32>} : memref<200x32xf32, #tpu.memory_space<vmem>>, vector<16xf32>,
      %get3A_735 = arith.index_cast %add3A_685 : i32 to index
      %get3A_736 = arith.constant 16 : index
      %get3A_737 = tpu.vector_load %arg7[%get3A_735, %get3A_736] {strides = array<i32>} : memref<200x32xf32, #tpu.memory_space<vmem>>, vector<16xf32>,
      %parallel_loop3A_738 = arith.constant 0 : i32
      %parallel_loop3A_739 = arith.constant 128 : i32
      %parallel_loop3A_740 = arith.constant 1 : i32
      scf.for %parallel_loop3A_1256 = %parallel_loop3A_738 to %parallel_loop3A_739 step %parallel_loop3A_740  : i32 {
        %parallel_loop3A_1257 = vector.broadcast %parallel_loop3A_1256 : i32 to vector<16xi32>
        %parallel_loop3A_1258 = arith.index_cast %parallel_loop3A_1256 : i32 to index
        %parallel_loop3A_1259 = arith.constant 0 : index
        %parallel_loop3A_1260 = tpu.vector_load %arg11[%parallel_loop3A_1258, %parallel_loop3A_1259] {strides = array<i32>} : memref<128x32xf32, #tpu.memory_space<vmem>>, vector<16xf32>,
        %parallel_loop3A_1261 = arith.addf %parallel_loop3A_1260, %get3A_734 : vector<16xf32>
        %parallel_loop3A_1262 = arith.index_cast %parallel_loop3A_1256 : i32 to index
        %parallel_loop3A_1263 = arith.constant 16 : index
        %parallel_loop3A_1264 = tpu.vector_load %arg11[%parallel_loop3A_1262, %parallel_loop3A_1263] {strides = array<i32>} : memref<128x32xf32, #tpu.memory_space<vmem>>, vector<16xf32>,
        %parallel_loop3A_1265 = arith.addf %parallel_loop3A_1264, %get3A_737 : vector<16xf32>
        tpu.vector_store_idx %arg21[%select_n3A, %select_n3A_98, %parallel_loop3A_1257], %parallel_loop3A_1261 : memref<4x8x129xf32, #tpu.memory_space<vmem>>[vector<16xi32>, vector<16xi32>, vector<16xi32>], vector<16xf32>,
        tpu.vector_store_idx %arg21[%add3A_101, %select_n3A_98, %parallel_loop3A_1257], %parallel_loop3A_1265 : memref<4x8x129xf32, #tpu.memory_space<vmem>>[vector<16xi32>, vector<16xi32>, vector<16xi32>], vector<16xf32>,
      } {sc.loop_unroll_factor = 8 : i64, sc.parallel_access}
      %dma_start3A_741 = arith.constant 0 : i32
      %dma_start3A_742 = arith.constant 0 : i32
      %dma_start3A_743 = arith.constant 0 : i32
      %dma_start3A_744 = tpu.memref_slice %arg21[%dma_start3A_741, %dma_start3A_742, %dma_start3A_743] : memref<4x8x129xf32, #tpu.memory_space<vmem>> -> memref<4x8x128xf32, #tpu.memory_space<vmem>>
      %dma_start3A_745 = arith.constant 0 : i32
      %dma_start3A_746 = arith.constant 0 : i32
      %dma_start3A_747 = arith.constant 0 : i32
      %dma_start3A_748 = tpu.memref_slice %arg5[%add3A_685, %dma_start3A_745, %add3A, %dma_start3A_746, %dma_start3A_747] : memref<200x4x32x8x128xf32, #tpu.memory_space<hbm>> -> memref<1x4x1x8x128xf32, #tpu.memory_space<hbm>>
      %dma_start3A_749 = tpu.memref_squeeze %dma_start3A_748 : memref<1x4x1x8x128xf32, #tpu.memory_space<hbm>> -> memref<4x8x128xf32, #tpu.memory_space<hbm>>
      %dma_start3A_750 = arith.constant 0 : i32
      %dma_start3A_751 = arith.constant 0 : i32
      %dma_start3A_752 = arith.constant 0 : i32
      %dma_start3A_753 = tpu.memref_slice %arg5[%add3A_685, %dma_start3A_750, %add3A, %dma_start3A_751, %dma_start3A_752] : memref<200x4x32x8x128xf32, #tpu.memory_space<hbm>> -> memref<1x4x1x8x128xf32, #tpu.memory_space<hbm>>
      %dma_start3A_754 = tpu.memref_squeeze %dma_start3A_753 : memref<1x4x1x8x128xf32, #tpu.memory_space<hbm>> -> memref<4x8x128xf32, #tpu.memory_space<hbm>>
      %dma_start3A_755 = arith.constant 0 : i32
      %dma_start3A_756 = arith.constant 0 : i32
      %dma_start3A_757 = arith.constant 0 : i32
      %dma_start3A_758 = tpu.memref_slice %arg21[%dma_start3A_755, %dma_start3A_756, %dma_start3A_757] : memref<4x8x129xf32, #tpu.memory_space<vmem>> -> memref<4x8x128xf32, #tpu.memory_space<vmem>>
      tpu.enqueue_dma source(%dma_start3A_758 : memref<4x8x128xf32, #tpu.memory_space<vmem>>) target(%dma_start3A_754 : memref<4x8x128xf32, #tpu.memory_space<hbm>>) target_semaphore(%arg41 : memref<!tpu.dma_semaphore, #tpu.memory_space<semaphore_mem>>)
      %lt3A_759 = arith.constant 19 : i32
      %lt3A_760 = arith.cmpi slt, %scan3A_296, %lt3A_759 : i32
      %convert_element_type3A_761 = arith.extui %lt3A_760 : i1 to i32
      %cond3A_762 = arith.constant 0 : i32
      %cond3A_763 = arith.cmpi ne, %convert_element_type3A_761, %cond3A_762 : i32
      scf.if %cond3A_763 {
        %add3A_1256 = arith.constant 7 : i32
        %add3A_1257 = arith.addi %add3A_685, %add3A_1256 : i32
        %sub3A_1258 = arith.constant 10 : i32
        %sub3A_1259 = arith.subi %add3A_1257, %sub3A_1258 : i32
        %dma_wait3A_1260 = arith.constant 0 : i32
        %dma_wait3A_1261 = arith.constant 0 : i32
        %dma_wait3A_1262 = arith.constant 0 : i32
        %dma_wait3A_1263 = tpu.memref_slice %arg18[%dma_wait3A_1260, %dma_wait3A_1261, %dma_wait3A_1262] : memref<4x8x129xf32, #tpu.memory_space<vmem>> -> memref<4x8x128xf32, #tpu.memory_space<vmem>>
        %dma_wait3A_1264 = arith.constant 0 : i32
        %dma_wait3A_1265 = arith.constant 0 : i32
        %dma_wait3A_1266 = arith.constant 0 : i32
        %dma_wait3A_1267 = tpu.memref_slice %arg5[%sub3A_1259, %dma_wait3A_1264, %add3A, %dma_wait3A_1265, %dma_wait3A_1266] : memref<200x4x32x8x128xf32, #tpu.memory_space<hbm>> -> memref<1x4x1x8x128xf32, #tpu.memory_space<hbm>>
        %dma_wait3A_1268 = tpu.memref_squeeze %dma_wait3A_1267 : memref<1x4x1x8x128xf32, #tpu.memory_space<hbm>> -> memref<4x8x128xf32, #tpu.memory_space<hbm>>
        %dma_wait3A_1269 = arith.constant 0 : i32
        %dma_wait3A_1270 = arith.constant 0 : i32
        %dma_wait3A_1271 = arith.constant 0 : i32
        %dma_wait3A_1272 = tpu.memref_slice %arg5[%sub3A_1259, %dma_wait3A_1269, %add3A, %dma_wait3A_1270, %dma_wait3A_1271] : memref<200x4x32x8x128xf32, #tpu.memory_space<hbm>> -> memref<1x4x1x8x128xf32, #tpu.memory_space<hbm>>
        %dma_wait3A_1273 = tpu.memref_squeeze %dma_wait3A_1272 : memref<1x4x1x8x128xf32, #tpu.memory_space<hbm>> -> memref<4x8x128xf32, #tpu.memory_space<hbm>>
        %dma_wait3A_1274 = arith.constant 0 : i32
        %dma_wait3A_1275 = arith.constant 0 : i32
        %dma_wait3A_1276 = arith.constant 0 : i32
        %dma_wait3A_1277 = tpu.memref_slice %arg18[%dma_wait3A_1274, %dma_wait3A_1275, %dma_wait3A_1276] : memref<4x8x129xf32, #tpu.memory_space<vmem>> -> memref<4x8x128xf32, #tpu.memory_space<vmem>>
        tpu.wait_dma2 semaphore(%arg38 : memref<!tpu.dma_semaphore, #tpu.memory_space<semaphore_mem>>) src(%dma_wait3A_1277 : memref<4x8x128xf32, #tpu.memory_space<vmem>>) dst(%dma_wait3A_1273 : memref<4x8x128xf32, #tpu.memory_space<hbm>>)
        %add3A_1278 = arith.constant 7 : i32
        %add3A_1279 = arith.addi %add3A_685, %add3A_1278 : i32
        %jit3A_1280 = arith.constant 8 : i32
        %div3A_1281 = arith.divsi %add3A_1279, %jit3A_1280 : i32
        %sign3A_1282 = arith.constant 0 : i32
        %sign3A_1283 = arith.cmpi sgt, %add3A_1279, %sign3A_1282 : i32
        %sign3A_1284 = arith.extui %sign3A_1283 : i1 to i32
        %sign3A_1285 = arith.constant 0 : i32
        %sign3A_1286 = arith.cmpi slt, %add3A_1279, %sign3A_1285 : i32
        %sign3A_1287 = arith.extui %sign3A_1286 : i1 to i32
        %sign3A_1288 = arith.subi %sign3A_1284, %sign3A_1287 : i32
        %sign3A_1289 = arith.constant 0 : i32
        %sign3A_1290 = arith.cmpi sgt, %jit3A_1280, %sign3A_1289 : i32
        %sign3A_1291 = arith.extui %sign3A_1290 : i1 to i32
        %sign3A_1292 = arith.constant 0 : i32
        %sign3A_1293 = arith.cmpi slt, %jit3A_1280, %sign3A_1292 : i32
        %sign3A_1294 = arith.extui %sign3A_1293 : i1 to i32
        %sign3A_1295 = arith.subi %sign3A_1291, %sign3A_1294 : i32
        %ne3A_1296 = arith.cmpi ne, %sign3A_1288, %sign3A_1295 : i32
        %rem3A_1297 = arith.remsi %add3A_1279, %jit3A_1280 : i32
        %ne3A_1298 = arith.constant 0 : i32
        %ne3A_1299 = arith.cmpi ne, %rem3A_1297, %ne3A_1298 : i32
        %and3A_1300 = arith.andi %ne3A_1296, %ne3A_1299 : i1
        %sub3A_1301 = arith.constant 1 : i32
        %sub3A_1302 = arith.subi %div3A_1281, %sub3A_1301 : i32
        %select_n3A_1303 = arith.select %and3A_1300, %sub3A_1302, %div3A_1281 : i32
        %jit3A_1304 = arith.constant 8 : i32
        %eq3A_1305 = arith.constant 0 : i32
        %eq3A_1306 = arith.cmpi eq, %jit3A_1304, %eq3A_1305 : i32
        %jit3A_1307 = arith.constant 1 : i32
        %select_n3A_1308 = arith.select %eq3A_1306, %jit3A_1307, %jit3A_1304 : i32
        %rem3A_1309 = arith.remsi %add3A_1279, %select_n3A_1308 : i32
        %ne3A_1310 = arith.constant 0 : i32
        %ne3A_1311 = arith.cmpi ne, %rem3A_1309, %ne3A_1310 : i32
        %lt3A_1312 = arith.constant 0 : i32
        %lt3A_1313 = arith.cmpi slt, %rem3A_1309, %lt3A_1312 : i32
        %lt3A_1314 = arith.constant 0 : i32
        %lt3A_1315 = arith.cmpi slt, %select_n3A_1308, %lt3A_1314 : i32
        %ne3A_1316 = arith.xori %lt3A_1313, %lt3A_1315 : i1
        %and3A_1317 = arith.andi %ne3A_1316, %ne3A_1311 : i1
        %add3A_1318 = arith.addi %rem3A_1309, %select_n3A_1308 : i32
        %select_n3A_1319 = arith.select %and3A_1317, %add3A_1318, %rem3A_1309 : i32
        %dma_start3A_1320 = arith.constant 0 : i32
        %dma_start3A_1321 = tpu.memref_slice %arg6[%select_n3A_1303, %select_n3A_1319, %dma_start3A_1320] : memref<25x8x128xi32, #tpu.memory_space<vmem>> -> memref<1x1x128xi32, #tpu.memory_space<vmem>>
        %dma_start3A_1322 = tpu.memref_squeeze %dma_start3A_1321 : memref<1x1x128xi32, #tpu.memory_space<vmem>> -> memref<128xi32, #tpu.memory_space<vmem>>
        %dma_start3A_1323 = arith.constant 0 : i32
        %dma_start3A_1324 = arith.constant 0 : i32
        %dma_start3A_1325 = tpu.memref_slice %arg3[%dma_start3A_1323, %dma_start3A_1324] : memref<1000000x32xf32, #tpu.memory_space<hbm>> -> memref<1000000x32xf32, #tpu.memory_space<hbm>>
        tpu.enqueue_indirect_dma source(%dma_start3A_1325 : memref<1000000x32xf32, #tpu.memory_space<hbm>>) target(%arg8 : memref<128x32xf32, #tpu.memory_space<vmem>>) offsets(%dma_start3A_1322 : memref<128xi32, #tpu.memory_space<vmem>>) semaphore(%arg28 : memref<!tpu.dma_semaphore, #tpu.memory_space<semaphore_mem>>)
      } else {
      }
      %mul3A_764 = arith.constant 10 : i32
      %mul3A_765 = arith.muli %scan3A_296, %mul3A_764 : i32
      %add3A_766 = arith.constant 4 : i32
      %add3A_767 = arith.addi %mul3A_765, %add3A_766 : i32
      %jit3A_768 = arith.constant 8 : i32
      %div3A_769 = arith.divsi %add3A_767, %jit3A_768 : i32
      %sign3A_770 = arith.constant 0 : i32
      %sign3A_771 = arith.cmpi sgt, %add3A_767, %sign3A_770 : i32
      %sign3A_772 = arith.extui %sign3A_771 : i1 to i32
      %sign3A_773 = arith.constant 0 : i32
      %sign3A_774 = arith.cmpi slt, %add3A_767, %sign3A_773 : i32
      %sign3A_775 = arith.extui %sign3A_774 : i1 to i32
      %sign3A_776 = arith.subi %sign3A_772, %sign3A_775 : i32
      %sign3A_777 = arith.constant 0 : i32
      %sign3A_778 = arith.cmpi sgt, %jit3A_768, %sign3A_777 : i32
      %sign3A_779 = arith.extui %sign3A_778 : i1 to i32
      %sign3A_780 = arith.constant 0 : i32
      %sign3A_781 = arith.cmpi slt, %jit3A_768, %sign3A_780 : i32
      %sign3A_782 = arith.extui %sign3A_781 : i1 to i32
      %sign3A_783 = arith.subi %sign3A_779, %sign3A_782 : i32
      %ne3A_784 = arith.cmpi ne, %sign3A_776, %sign3A_783 : i32
      %rem3A_785 = arith.remsi %add3A_767, %jit3A_768 : i32
      %ne3A_786 = arith.constant 0 : i32
      %ne3A_787 = arith.cmpi ne, %rem3A_785, %ne3A_786 : i32
      %and3A_788 = arith.andi %ne3A_784, %ne3A_787 : i1
      %sub3A_789 = arith.constant 1 : i32
      %sub3A_790 = arith.subi %div3A_769, %sub3A_789 : i32
      %select_n3A_791 = arith.select %and3A_788, %sub3A_790, %div3A_769 : i32
      %jit3A_792 = arith.constant 8 : i32
      %eq3A_793 = arith.constant 0 : i32
      %eq3A_794 = arith.cmpi eq, %jit3A_792, %eq3A_793 : i32
      %jit3A_795 = arith.constant 1 : i32
      %select_n3A_796 = arith.select %eq3A_794, %jit3A_795, %jit3A_792 : i32
      %rem3A_797 = arith.remsi %add3A_767, %select_n3A_796 : i32
      %ne3A_798 = arith.constant 0 : i32
      %ne3A_799 = arith.cmpi ne, %rem3A_797, %ne3A_798 : i32
      %lt3A_800 = arith.constant 0 : i32
      %lt3A_801 = arith.cmpi slt, %rem3A_797, %lt3A_800 : i32
      %lt3A_802 = arith.constant 0 : i32
      %lt3A_803 = arith.cmpi slt, %select_n3A_796, %lt3A_802 : i32
      %ne3A_804 = arith.xori %lt3A_801, %lt3A_803 : i1
      %and3A_805 = arith.andi %ne3A_804, %ne3A_799 : i1
      %add3A_806 = arith.addi %rem3A_797, %select_n3A_796 : i32
      %select_n3A_807 = arith.select %and3A_805, %add3A_806, %rem3A_797 : i32
      %dma_wait3A_808 = arith.constant 0 : i32
      %dma_wait3A_809 = tpu.memref_slice %arg6[%select_n3A_791, %select_n3A_807, %dma_wait3A_808] : memref<25x8x128xi32, #tpu.memory_space<vmem>> -> memref<1x1x128xi32, #tpu.memory_space<vmem>>
      %dma_wait3A_810 = tpu.memref_squeeze %dma_wait3A_809 : memref<1x1x128xi32, #tpu.memory_space<vmem>> -> memref<128xi32, #tpu.memory_space<vmem>>
      %dma_wait3A_811 = arith.constant 0 : i32
      %dma_wait3A_812 = arith.constant 0 : i32
      %dma_wait3A_813 = tpu.memref_slice %arg3[%dma_wait3A_811, %dma_wait3A_812] : memref<1000000x32xf32, #tpu.memory_space<hbm>> -> memref<1000000x32xf32, #tpu.memory_space<hbm>>
      tpu.wait_indirect_dma semaphore(%arg32 : memref<!tpu.dma_semaphore, #tpu.memory_space<semaphore_mem>>) src(%dma_wait3A_813 : memref<1000000x32xf32, #tpu.memory_space<hbm>>) dst(%arg12 : memref<128x32xf32, #tpu.memory_space<vmem>>)
      %get3A_814 = arith.index_cast %add3A_767 : i32 to index
      %get3A_815 = arith.constant 0 : index
      %get3A_816 = tpu.vector_load %arg7[%get3A_814, %get3A_815] {strides = array<i32>} : memref<200x32xf32, #tpu.memory_space<vmem>>, vector<16xf32>,
      %get3A_817 = arith.index_cast %add3A_767 : i32 to index
      %get3A_818 = arith.constant 16 : index
      %get3A_819 = tpu.vector_load %arg7[%get3A_817, %get3A_818] {strides = array<i32>} : memref<200x32xf32, #tpu.memory_space<vmem>>, vector<16xf32>,
      %parallel_loop3A_820 = arith.constant 0 : i32
      %parallel_loop3A_821 = arith.constant 128 : i32
      %parallel_loop3A_822 = arith.constant 1 : i32
      scf.for %parallel_loop3A_1256 = %parallel_loop3A_820 to %parallel_loop3A_821 step %parallel_loop3A_822  : i32 {
        %parallel_loop3A_1257 = vector.broadcast %parallel_loop3A_1256 : i32 to vector<16xi32>
        %parallel_loop3A_1258 = arith.index_cast %parallel_loop3A_1256 : i32 to index
        %parallel_loop3A_1259 = arith.constant 0 : index
        %parallel_loop3A_1260 = tpu.vector_load %arg12[%parallel_loop3A_1258, %parallel_loop3A_1259] {strides = array<i32>} : memref<128x32xf32, #tpu.memory_space<vmem>>, vector<16xf32>,
        %parallel_loop3A_1261 = arith.addf %parallel_loop3A_1260, %get3A_816 : vector<16xf32>
        %parallel_loop3A_1262 = arith.index_cast %parallel_loop3A_1256 : i32 to index
        %parallel_loop3A_1263 = arith.constant 16 : index
        %parallel_loop3A_1264 = tpu.vector_load %arg12[%parallel_loop3A_1262, %parallel_loop3A_1263] {strides = array<i32>} : memref<128x32xf32, #tpu.memory_space<vmem>>, vector<16xf32>,
        %parallel_loop3A_1265 = arith.addf %parallel_loop3A_1264, %get3A_819 : vector<16xf32>
        tpu.vector_store_idx %arg22[%select_n3A, %select_n3A_98, %parallel_loop3A_1257], %parallel_loop3A_1261 : memref<4x8x129xf32, #tpu.memory_space<vmem>>[vector<16xi32>, vector<16xi32>, vector<16xi32>], vector<16xf32>,
        tpu.vector_store_idx %arg22[%add3A_101, %select_n3A_98, %parallel_loop3A_1257], %parallel_loop3A_1265 : memref<4x8x129xf32, #tpu.memory_space<vmem>>[vector<16xi32>, vector<16xi32>, vector<16xi32>], vector<16xf32>,
      } {sc.loop_unroll_factor = 8 : i64, sc.parallel_access}
      %dma_start3A_823 = arith.constant 0 : i32
      %dma_start3A_824 = arith.constant 0 : i32
      %dma_start3A_825 = arith.constant 0 : i32
      %dma_start3A_826 = tpu.memref_slice %arg22[%dma_start3A_823, %dma_start3A_824, %dma_start3A_825] : memref<4x8x129xf32, #tpu.memory_space<vmem>> -> memref<4x8x128xf32, #tpu.memory_space<vmem>>
      %dma_start3A_827 = arith.constant 0 : i32
      %dma_start3A_828 = arith.constant 0 : i32
      %dma_start3A_829 = arith.constant 0 : i32
      %dma_start3A_830 = tpu.memref_slice %arg5[%add3A_767, %dma_start3A_827, %add3A, %dma_start3A_828, %dma_start3A_829] : memref<200x4x32x8x128xf32, #tpu.memory_space<hbm>> -> memref<1x4x1x8x128xf32, #tpu.memory_space<hbm>>
      %dma_start3A_831 = tpu.memref_squeeze %dma_start3A_830 : memref<1x4x1x8x128xf32, #tpu.memory_space<hbm>> -> memref<4x8x128xf32, #tpu.memory_space<hbm>>
      %dma_start3A_832 = arith.constant 0 : i32
      %dma_start3A_833 = arith.constant 0 : i32
      %dma_start3A_834 = arith.constant 0 : i32
      %dma_start3A_835 = tpu.memref_slice %arg5[%add3A_767, %dma_start3A_832, %add3A, %dma_start3A_833, %dma_start3A_834] : memref<200x4x32x8x128xf32, #tpu.memory_space<hbm>> -> memref<1x4x1x8x128xf32, #tpu.memory_space<hbm>>
      %dma_start3A_836 = tpu.memref_squeeze %dma_start3A_835 : memref<1x4x1x8x128xf32, #tpu.memory_space<hbm>> -> memref<4x8x128xf32, #tpu.memory_space<hbm>>
      %dma_start3A_837 = arith.constant 0 : i32
      %dma_start3A_838 = arith.constant 0 : i32
      %dma_start3A_839 = arith.constant 0 : i32
      %dma_start3A_840 = tpu.memref_slice %arg22[%dma_start3A_837, %dma_start3A_838, %dma_start3A_839] : memref<4x8x129xf32, #tpu.memory_space<vmem>> -> memref<4x8x128xf32, #tpu.memory_space<vmem>>
      tpu.enqueue_dma source(%dma_start3A_840 : memref<4x8x128xf32, #tpu.memory_space<vmem>>) target(%dma_start3A_836 : memref<4x8x128xf32, #tpu.memory_space<hbm>>) target_semaphore(%arg42 : memref<!tpu.dma_semaphore, #tpu.memory_space<semaphore_mem>>)
      %lt3A_841 = arith.constant 19 : i32
      %lt3A_842 = arith.cmpi slt, %scan3A_296, %lt3A_841 : i32
      %convert_element_type3A_843 = arith.extui %lt3A_842 : i1 to i32
      %cond3A_844 = arith.constant 0 : i32
      %cond3A_845 = arith.cmpi ne, %convert_element_type3A_843, %cond3A_844 : i32
      scf.if %cond3A_845 {
        %add3A_1256 = arith.constant 7 : i32
        %add3A_1257 = arith.addi %add3A_767, %add3A_1256 : i32
        %sub3A_1258 = arith.constant 10 : i32
        %sub3A_1259 = arith.subi %add3A_1257, %sub3A_1258 : i32
        %dma_wait3A_1260 = arith.constant 0 : i32
        %dma_wait3A_1261 = arith.constant 0 : i32
        %dma_wait3A_1262 = arith.constant 0 : i32
        %dma_wait3A_1263 = tpu.memref_slice %arg19[%dma_wait3A_1260, %dma_wait3A_1261, %dma_wait3A_1262] : memref<4x8x129xf32, #tpu.memory_space<vmem>> -> memref<4x8x128xf32, #tpu.memory_space<vmem>>
        %dma_wait3A_1264 = arith.constant 0 : i32
        %dma_wait3A_1265 = arith.constant 0 : i32
        %dma_wait3A_1266 = arith.constant 0 : i32
        %dma_wait3A_1267 = tpu.memref_slice %arg5[%sub3A_1259, %dma_wait3A_1264, %add3A, %dma_wait3A_1265, %dma_wait3A_1266] : memref<200x4x32x8x128xf32, #tpu.memory_space<hbm>> -> memref<1x4x1x8x128xf32, #tpu.memory_space<hbm>>
        %dma_wait3A_1268 = tpu.memref_squeeze %dma_wait3A_1267 : memref<1x4x1x8x128xf32, #tpu.memory_space<hbm>> -> memref<4x8x128xf32, #tpu.memory_space<hbm>>
        %dma_wait3A_1269 = arith.constant 0 : i32
        %dma_wait3A_1270 = arith.constant 0 : i32
        %dma_wait3A_1271 = arith.constant 0 : i32
        %dma_wait3A_1272 = tpu.memref_slice %arg5[%sub3A_1259, %dma_wait3A_1269, %add3A, %dma_wait3A_1270, %dma_wait3A_1271] : memref<200x4x32x8x128xf32, #tpu.memory_space<hbm>> -> memref<1x4x1x8x128xf32, #tpu.memory_space<hbm>>
        %dma_wait3A_1273 = tpu.memref_squeeze %dma_wait3A_1272 : memref<1x4x1x8x128xf32, #tpu.memory_space<hbm>> -> memref<4x8x128xf32, #tpu.memory_space<hbm>>
        %dma_wait3A_1274 = arith.constant 0 : i32
        %dma_wait3A_1275 = arith.constant 0 : i32
        %dma_wait3A_1276 = arith.constant 0 : i32
        %dma_wait3A_1277 = tpu.memref_slice %arg19[%dma_wait3A_1274, %dma_wait3A_1275, %dma_wait3A_1276] : memref<4x8x129xf32, #tpu.memory_space<vmem>> -> memref<4x8x128xf32, #tpu.memory_space<vmem>>
        tpu.wait_dma2 semaphore(%arg39 : memref<!tpu.dma_semaphore, #tpu.memory_space<semaphore_mem>>) src(%dma_wait3A_1277 : memref<4x8x128xf32, #tpu.memory_space<vmem>>) dst(%dma_wait3A_1273 : memref<4x8x128xf32, #tpu.memory_space<hbm>>)
        %add3A_1278 = arith.constant 7 : i32
        %add3A_1279 = arith.addi %add3A_767, %add3A_1278 : i32
        %jit3A_1280 = arith.constant 8 : i32
        %div3A_1281 = arith.divsi %add3A_1279, %jit3A_1280 : i32
        %sign3A_1282 = arith.constant 0 : i32
        %sign3A_1283 = arith.cmpi sgt, %add3A_1279, %sign3A_1282 : i32
        %sign3A_1284 = arith.extui %sign3A_1283 : i1 to i32
        %sign3A_1285 = arith.constant 0 : i32
        %sign3A_1286 = arith.cmpi slt, %add3A_1279, %sign3A_1285 : i32
        %sign3A_1287 = arith.extui %sign3A_1286 : i1 to i32
        %sign3A_1288 = arith.subi %sign3A_1284, %sign3A_1287 : i32
        %sign3A_1289 = arith.constant 0 : i32
        %sign3A_1290 = arith.cmpi sgt, %jit3A_1280, %sign3A_1289 : i32
        %sign3A_1291 = arith.extui %sign3A_1290 : i1 to i32
        %sign3A_1292 = arith.constant 0 : i32
        %sign3A_1293 = arith.cmpi slt, %jit3A_1280, %sign3A_1292 : i32
        %sign3A_1294 = arith.extui %sign3A_1293 : i1 to i32
        %sign3A_1295 = arith.subi %sign3A_1291, %sign3A_1294 : i32
        %ne3A_1296 = arith.cmpi ne, %sign3A_1288, %sign3A_1295 : i32
        %rem3A_1297 = arith.remsi %add3A_1279, %jit3A_1280 : i32
        %ne3A_1298 = arith.constant 0 : i32
        %ne3A_1299 = arith.cmpi ne, %rem3A_1297, %ne3A_1298 : i32
        %and3A_1300 = arith.andi %ne3A_1296, %ne3A_1299 : i1
        %sub3A_1301 = arith.constant 1 : i32
        %sub3A_1302 = arith.subi %div3A_1281, %sub3A_1301 : i32
        %select_n3A_1303 = arith.select %and3A_1300, %sub3A_1302, %div3A_1281 : i32
        %jit3A_1304 = arith.constant 8 : i32
        %eq3A_1305 = arith.constant 0 : i32
        %eq3A_1306 = arith.cmpi eq, %jit3A_1304, %eq3A_1305 : i32
        %jit3A_1307 = arith.constant 1 : i32
        %select_n3A_1308 = arith.select %eq3A_1306, %jit3A_1307, %jit3A_1304 : i32
        %rem3A_1309 = arith.remsi %add3A_1279, %select_n3A_1308 : i32
        %ne3A_1310 = arith.constant 0 : i32
        %ne3A_1311 = arith.cmpi ne, %rem3A_1309, %ne3A_1310 : i32
        %lt3A_1312 = arith.constant 0 : i32
        %lt3A_1313 = arith.cmpi slt, %rem3A_1309, %lt3A_1312 : i32
        %lt3A_1314 = arith.constant 0 : i32
        %lt3A_1315 = arith.cmpi slt, %select_n3A_1308, %lt3A_1314 : i32
        %ne3A_1316 = arith.xori %lt3A_1313, %lt3A_1315 : i1
        %and3A_1317 = arith.andi %ne3A_1316, %ne3A_1311 : i1
        %add3A_1318 = arith.addi %rem3A_1309, %select_n3A_1308 : i32
        %select_n3A_1319 = arith.select %and3A_1317, %add3A_1318, %rem3A_1309 : i32
        %dma_start3A_1320 = arith.constant 0 : i32
        %dma_start3A_1321 = tpu.memref_slice %arg6[%select_n3A_1303, %select_n3A_1319, %dma_start3A_1320] : memref<25x8x128xi32, #tpu.memory_space<vmem>> -> memref<1x1x128xi32, #tpu.memory_space<vmem>>
        %dma_start3A_1322 = tpu.memref_squeeze %dma_start3A_1321 : memref<1x1x128xi32, #tpu.memory_space<vmem>> -> memref<128xi32, #tpu.memory_space<vmem>>
        %dma_start3A_1323 = arith.constant 0 : i32
        %dma_start3A_1324 = arith.constant 0 : i32
        %dma_start3A_1325 = tpu.memref_slice %arg3[%dma_start3A_1323, %dma_start3A_1324] : memref<1000000x32xf32, #tpu.memory_space<hbm>> -> memref<1000000x32xf32, #tpu.memory_space<hbm>>
        tpu.enqueue_indirect_dma source(%dma_start3A_1325 : memref<1000000x32xf32, #tpu.memory_space<hbm>>) target(%arg9 : memref<128x32xf32, #tpu.memory_space<vmem>>) offsets(%dma_start3A_1322 : memref<128xi32, #tpu.memory_space<vmem>>) semaphore(%arg29 : memref<!tpu.dma_semaphore, #tpu.memory_space<semaphore_mem>>)
      } else {
      }
      %mul3A_846 = arith.constant 10 : i32
      %mul3A_847 = arith.muli %scan3A_296, %mul3A_846 : i32
      %add3A_848 = arith.constant 5 : i32
      %add3A_849 = arith.addi %mul3A_847, %add3A_848 : i32
      %jit3A_850 = arith.constant 8 : i32
      %div3A_851 = arith.divsi %add3A_849, %jit3A_850 : i32
      %sign3A_852 = arith.constant 0 : i32
      %sign3A_853 = arith.cmpi sgt, %add3A_849, %sign3A_852 : i32
      %sign3A_854 = arith.extui %sign3A_853 : i1 to i32
      %sign3A_855 = arith.constant 0 : i32
      %sign3A_856 = arith.cmpi slt, %add3A_849, %sign3A_855 : i32
      %sign3A_857 = arith.extui %sign3A_856 : i1 to i32
      %sign3A_858 = arith.subi %sign3A_854, %sign3A_857 : i32
      %sign3A_859 = arith.constant 0 : i32
      %sign3A_860 = arith.cmpi sgt, %jit3A_850, %sign3A_859 : i32
      %sign3A_861 = arith.extui %sign3A_860 : i1 to i32
      %sign3A_862 = arith.constant 0 : i32
      %sign3A_863 = arith.cmpi slt, %jit3A_850, %sign3A_862 : i32
      %sign3A_864 = arith.extui %sign3A_863 : i1 to i32
      %sign3A_865 = arith.subi %sign3A_861, %sign3A_864 : i32
      %ne3A_866 = arith.cmpi ne, %sign3A_858, %sign3A_865 : i32
      %rem3A_867 = arith.remsi %add3A_849, %jit3A_850 : i32
      %ne3A_868 = arith.constant 0 : i32
      %ne3A_869 = arith.cmpi ne, %rem3A_867, %ne3A_868 : i32
      %and3A_870 = arith.andi %ne3A_866, %ne3A_869 : i1
      %sub3A_871 = arith.constant 1 : i32
      %sub3A_872 = arith.subi %div3A_851, %sub3A_871 : i32
      %select_n3A_873 = arith.select %and3A_870, %sub3A_872, %div3A_851 : i32
      %jit3A_874 = arith.constant 8 : i32
      %eq3A_875 = arith.constant 0 : i32
      %eq3A_876 = arith.cmpi eq, %jit3A_874, %eq3A_875 : i32
      %jit3A_877 = arith.constant 1 : i32
      %select_n3A_878 = arith.select %eq3A_876, %jit3A_877, %jit3A_874 : i32
      %rem3A_879 = arith.remsi %add3A_849, %select_n3A_878 : i32
      %ne3A_880 = arith.constant 0 : i32
      %ne3A_881 = arith.cmpi ne, %rem3A_879, %ne3A_880 : i32
      %lt3A_882 = arith.constant 0 : i32
      %lt3A_883 = arith.cmpi slt, %rem3A_879, %lt3A_882 : i32
      %lt3A_884 = arith.constant 0 : i32
      %lt3A_885 = arith.cmpi slt, %select_n3A_878, %lt3A_884 : i32
      %ne3A_886 = arith.xori %lt3A_883, %lt3A_885 : i1
      %and3A_887 = arith.andi %ne3A_886, %ne3A_881 : i1
      %add3A_888 = arith.addi %rem3A_879, %select_n3A_878 : i32
      %select_n3A_889 = arith.select %and3A_887, %add3A_888, %rem3A_879 : i32
      %dma_wait3A_890 = arith.constant 0 : i32
      %dma_wait3A_891 = tpu.memref_slice %arg6[%select_n3A_873, %select_n3A_889, %dma_wait3A_890] : memref<25x8x128xi32, #tpu.memory_space<vmem>> -> memref<1x1x128xi32, #tpu.memory_space<vmem>>
      %dma_wait3A_892 = tpu.memref_squeeze %dma_wait3A_891 : memref<1x1x128xi32, #tpu.memory_space<vmem>> -> memref<128xi32, #tpu.memory_space<vmem>>
      %dma_wait3A_893 = arith.constant 0 : i32
      %dma_wait3A_894 = arith.constant 0 : i32
      %dma_wait3A_895 = tpu.memref_slice %arg3[%dma_wait3A_893, %dma_wait3A_894] : memref<1000000x32xf32, #tpu.memory_space<hbm>> -> memref<1000000x32xf32, #tpu.memory_space<hbm>>
      tpu.wait_indirect_dma semaphore(%arg33 : memref<!tpu.dma_semaphore, #tpu.memory_space<semaphore_mem>>) src(%dma_wait3A_895 : memref<1000000x32xf32, #tpu.memory_space<hbm>>) dst(%arg13 : memref<128x32xf32, #tpu.memory_space<vmem>>)
      %get3A_896 = arith.index_cast %add3A_849 : i32 to index
      %get3A_897 = arith.constant 0 : index
      %get3A_898 = tpu.vector_load %arg7[%get3A_896, %get3A_897] {strides = array<i32>} : memref<200x32xf32, #tpu.memory_space<vmem>>, vector<16xf32>,
      %get3A_899 = arith.index_cast %add3A_849 : i32 to index
      %get3A_900 = arith.constant 16 : index
      %get3A_901 = tpu.vector_load %arg7[%get3A_899, %get3A_900] {strides = array<i32>} : memref<200x32xf32, #tpu.memory_space<vmem>>, vector<16xf32>,
      %parallel_loop3A_902 = arith.constant 0 : i32
      %parallel_loop3A_903 = arith.constant 128 : i32
      %parallel_loop3A_904 = arith.constant 1 : i32
      scf.for %parallel_loop3A_1256 = %parallel_loop3A_902 to %parallel_loop3A_903 step %parallel_loop3A_904  : i32 {
        %parallel_loop3A_1257 = vector.broadcast %parallel_loop3A_1256 : i32 to vector<16xi32>
        %parallel_loop3A_1258 = arith.index_cast %parallel_loop3A_1256 : i32 to index
        %parallel_loop3A_1259 = arith.constant 0 : index
        %parallel_loop3A_1260 = tpu.vector_load %arg13[%parallel_loop3A_1258, %parallel_loop3A_1259] {strides = array<i32>} : memref<128x32xf32, #tpu.memory_space<vmem>>, vector<16xf32>,
        %parallel_loop3A_1261 = arith.addf %parallel_loop3A_1260, %get3A_898 : vector<16xf32>
        %parallel_loop3A_1262 = arith.index_cast %parallel_loop3A_1256 : i32 to index
        %parallel_loop3A_1263 = arith.constant 16 : index
        %parallel_loop3A_1264 = tpu.vector_load %arg13[%parallel_loop3A_1262, %parallel_loop3A_1263] {strides = array<i32>} : memref<128x32xf32, #tpu.memory_space<vmem>>, vector<16xf32>,
        %parallel_loop3A_1265 = arith.addf %parallel_loop3A_1264, %get3A_901 : vector<16xf32>
        tpu.vector_store_idx %arg23[%select_n3A, %select_n3A_98, %parallel_loop3A_1257], %parallel_loop3A_1261 : memref<4x8x129xf32, #tpu.memory_space<vmem>>[vector<16xi32>, vector<16xi32>, vector<16xi32>], vector<16xf32>,
        tpu.vector_store_idx %arg23[%add3A_101, %select_n3A_98, %parallel_loop3A_1257], %parallel_loop3A_1265 : memref<4x8x129xf32, #tpu.memory_space<vmem>>[vector<16xi32>, vector<16xi32>, vector<16xi32>], vector<16xf32>,
      } {sc.loop_unroll_factor = 8 : i64, sc.parallel_access}
      %dma_start3A_905 = arith.constant 0 : i32
      %dma_start3A_906 = arith.constant 0 : i32
      %dma_start3A_907 = arith.constant 0 : i32
      %dma_start3A_908 = tpu.memref_slice %arg23[%dma_start3A_905, %dma_start3A_906, %dma_start3A_907] : memref<4x8x129xf32, #tpu.memory_space<vmem>> -> memref<4x8x128xf32, #tpu.memory_space<vmem>>
      %dma_start3A_909 = arith.constant 0 : i32
      %dma_start3A_910 = arith.constant 0 : i32
      %dma_start3A_911 = arith.constant 0 : i32
      %dma_start3A_912 = tpu.memref_slice %arg5[%add3A_849, %dma_start3A_909, %add3A, %dma_start3A_910, %dma_start3A_911] : memref<200x4x32x8x128xf32, #tpu.memory_space<hbm>> -> memref<1x4x1x8x128xf32, #tpu.memory_space<hbm>>
      %dma_start3A_913 = tpu.memref_squeeze %dma_start3A_912 : memref<1x4x1x8x128xf32, #tpu.memory_space<hbm>> -> memref<4x8x128xf32, #tpu.memory_space<hbm>>
      %dma_start3A_914 = arith.constant 0 : i32
      %dma_start3A_915 = arith.constant 0 : i32
      %dma_start3A_916 = arith.constant 0 : i32
      %dma_start3A_917 = tpu.memref_slice %arg5[%add3A_849, %dma_start3A_914, %add3A, %dma_start3A_915, %dma_start3A_916] : memref<200x4x32x8x128xf32, #tpu.memory_space<hbm>> -> memref<1x4x1x8x128xf32, #tpu.memory_space<hbm>>
      %dma_start3A_918 = tpu.memref_squeeze %dma_start3A_917 : memref<1x4x1x8x128xf32, #tpu.memory_space<hbm>> -> memref<4x8x128xf32, #tpu.memory_space<hbm>>
      %dma_start3A_919 = arith.constant 0 : i32
      %dma_start3A_920 = arith.constant 0 : i32
      %dma_start3A_921 = arith.constant 0 : i32
      %dma_start3A_922 = tpu.memref_slice %arg23[%dma_start3A_919, %dma_start3A_920, %dma_start3A_921] : memref<4x8x129xf32, #tpu.memory_space<vmem>> -> memref<4x8x128xf32, #tpu.memory_space<vmem>>
      tpu.enqueue_dma source(%dma_start3A_922 : memref<4x8x128xf32, #tpu.memory_space<vmem>>) target(%dma_start3A_918 : memref<4x8x128xf32, #tpu.memory_space<hbm>>) target_semaphore(%arg43 : memref<!tpu.dma_semaphore, #tpu.memory_space<semaphore_mem>>)
      %lt3A_923 = arith.constant 19 : i32
      %lt3A_924 = arith.cmpi slt, %scan3A_296, %lt3A_923 : i32
      %convert_element_type3A_925 = arith.extui %lt3A_924 : i1 to i32
      %cond3A_926 = arith.constant 0 : i32
      %cond3A_927 = arith.cmpi ne, %convert_element_type3A_925, %cond3A_926 : i32
      scf.if %cond3A_927 {
        %add3A_1256 = arith.constant 7 : i32
        %add3A_1257 = arith.addi %add3A_849, %add3A_1256 : i32
        %sub3A_1258 = arith.constant 10 : i32
        %sub3A_1259 = arith.subi %add3A_1257, %sub3A_1258 : i32
        %dma_wait3A_1260 = arith.constant 0 : i32
        %dma_wait3A_1261 = arith.constant 0 : i32
        %dma_wait3A_1262 = arith.constant 0 : i32
        %dma_wait3A_1263 = tpu.memref_slice %arg20[%dma_wait3A_1260, %dma_wait3A_1261, %dma_wait3A_1262] : memref<4x8x129xf32, #tpu.memory_space<vmem>> -> memref<4x8x128xf32, #tpu.memory_space<vmem>>
        %dma_wait3A_1264 = arith.constant 0 : i32
        %dma_wait3A_1265 = arith.constant 0 : i32
        %dma_wait3A_1266 = arith.constant 0 : i32
        %dma_wait3A_1267 = tpu.memref_slice %arg5[%sub3A_1259, %dma_wait3A_1264, %add3A, %dma_wait3A_1265, %dma_wait3A_1266] : memref<200x4x32x8x128xf32, #tpu.memory_space<hbm>> -> memref<1x4x1x8x128xf32, #tpu.memory_space<hbm>>
        %dma_wait3A_1268 = tpu.memref_squeeze %dma_wait3A_1267 : memref<1x4x1x8x128xf32, #tpu.memory_space<hbm>> -> memref<4x8x128xf32, #tpu.memory_space<hbm>>
        %dma_wait3A_1269 = arith.constant 0 : i32
        %dma_wait3A_1270 = arith.constant 0 : i32
        %dma_wait3A_1271 = arith.constant 0 : i32
        %dma_wait3A_1272 = tpu.memref_slice %arg5[%sub3A_1259, %dma_wait3A_1269, %add3A, %dma_wait3A_1270, %dma_wait3A_1271] : memref<200x4x32x8x128xf32, #tpu.memory_space<hbm>> -> memref<1x4x1x8x128xf32, #tpu.memory_space<hbm>>
        %dma_wait3A_1273 = tpu.memref_squeeze %dma_wait3A_1272 : memref<1x4x1x8x128xf32, #tpu.memory_space<hbm>> -> memref<4x8x128xf32, #tpu.memory_space<hbm>>
        %dma_wait3A_1274 = arith.constant 0 : i32
        %dma_wait3A_1275 = arith.constant 0 : i32
        %dma_wait3A_1276 = arith.constant 0 : i32
        %dma_wait3A_1277 = tpu.memref_slice %arg20[%dma_wait3A_1274, %dma_wait3A_1275, %dma_wait3A_1276] : memref<4x8x129xf32, #tpu.memory_space<vmem>> -> memref<4x8x128xf32, #tpu.memory_space<vmem>>
        tpu.wait_dma2 semaphore(%arg40 : memref<!tpu.dma_semaphore, #tpu.memory_space<semaphore_mem>>) src(%dma_wait3A_1277 : memref<4x8x128xf32, #tpu.memory_space<vmem>>) dst(%dma_wait3A_1273 : memref<4x8x128xf32, #tpu.memory_space<hbm>>)
        %add3A_1278 = arith.constant 7 : i32
        %add3A_1279 = arith.addi %add3A_849, %add3A_1278 : i32
        %jit3A_1280 = arith.constant 8 : i32
        %div3A_1281 = arith.divsi %add3A_1279, %jit3A_1280 : i32
        %sign3A_1282 = arith.constant 0 : i32
        %sign3A_1283 = arith.cmpi sgt, %add3A_1279, %sign3A_1282 : i32
        %sign3A_1284 = arith.extui %sign3A_1283 : i1 to i32
        %sign3A_1285 = arith.constant 0 : i32
        %sign3A_1286 = arith.cmpi slt, %add3A_1279, %sign3A_1285 : i32
        %sign3A_1287 = arith.extui %sign3A_1286 : i1 to i32
        %sign3A_1288 = arith.subi %sign3A_1284, %sign3A_1287 : i32
        %sign3A_1289 = arith.constant 0 : i32
        %sign3A_1290 = arith.cmpi sgt, %jit3A_1280, %sign3A_1289 : i32
        %sign3A_1291 = arith.extui %sign3A_1290 : i1 to i32
        %sign3A_1292 = arith.constant 0 : i32
        %sign3A_1293 = arith.cmpi slt, %jit3A_1280, %sign3A_1292 : i32
        %sign3A_1294 = arith.extui %sign3A_1293 : i1 to i32
        %sign3A_1295 = arith.subi %sign3A_1291, %sign3A_1294 : i32
        %ne3A_1296 = arith.cmpi ne, %sign3A_1288, %sign3A_1295 : i32
        %rem3A_1297 = arith.remsi %add3A_1279, %jit3A_1280 : i32
        %ne3A_1298 = arith.constant 0 : i32
        %ne3A_1299 = arith.cmpi ne, %rem3A_1297, %ne3A_1298 : i32
        %and3A_1300 = arith.andi %ne3A_1296, %ne3A_1299 : i1
        %sub3A_1301 = arith.constant 1 : i32
        %sub3A_1302 = arith.subi %div3A_1281, %sub3A_1301 : i32
        %select_n3A_1303 = arith.select %and3A_1300, %sub3A_1302, %div3A_1281 : i32
        %jit3A_1304 = arith.constant 8 : i32
        %eq3A_1305 = arith.constant 0 : i32
        %eq3A_1306 = arith.cmpi eq, %jit3A_1304, %eq3A_1305 : i32
        %jit3A_1307 = arith.constant 1 : i32
        %select_n3A_1308 = arith.select %eq3A_1306, %jit3A_1307, %jit3A_1304 : i32
        %rem3A_1309 = arith.remsi %add3A_1279, %select_n3A_1308 : i32
        %ne3A_1310 = arith.constant 0 : i32
        %ne3A_1311 = arith.cmpi ne, %rem3A_1309, %ne3A_1310 : i32
        %lt3A_1312 = arith.constant 0 : i32
        %lt3A_1313 = arith.cmpi slt, %rem3A_1309, %lt3A_1312 : i32
        %lt3A_1314 = arith.constant 0 : i32
        %lt3A_1315 = arith.cmpi slt, %select_n3A_1308, %lt3A_1314 : i32
        %ne3A_1316 = arith.xori %lt3A_1313, %lt3A_1315 : i1
        %and3A_1317 = arith.andi %ne3A_1316, %ne3A_1311 : i1
        %add3A_1318 = arith.addi %rem3A_1309, %select_n3A_1308 : i32
        %select_n3A_1319 = arith.select %and3A_1317, %add3A_1318, %rem3A_1309 : i32
        %dma_start3A_1320 = arith.constant 0 : i32
        %dma_start3A_1321 = tpu.memref_slice %arg6[%select_n3A_1303, %select_n3A_1319, %dma_start3A_1320] : memref<25x8x128xi32, #tpu.memory_space<vmem>> -> memref<1x1x128xi32, #tpu.memory_space<vmem>>
        %dma_start3A_1322 = tpu.memref_squeeze %dma_start3A_1321 : memref<1x1x128xi32, #tpu.memory_space<vmem>> -> memref<128xi32, #tpu.memory_space<vmem>>
        %dma_start3A_1323 = arith.constant 0 : i32
        %dma_start3A_1324 = arith.constant 0 : i32
        %dma_start3A_1325 = tpu.memref_slice %arg3[%dma_start3A_1323, %dma_start3A_1324] : memref<1000000x32xf32, #tpu.memory_space<hbm>> -> memref<1000000x32xf32, #tpu.memory_space<hbm>>
        tpu.enqueue_indirect_dma source(%dma_start3A_1325 : memref<1000000x32xf32, #tpu.memory_space<hbm>>) target(%arg10 : memref<128x32xf32, #tpu.memory_space<vmem>>) offsets(%dma_start3A_1322 : memref<128xi32, #tpu.memory_space<vmem>>) semaphore(%arg30 : memref<!tpu.dma_semaphore, #tpu.memory_space<semaphore_mem>>)
      } else {
      }
      %mul3A_928 = arith.constant 10 : i32
      %mul3A_929 = arith.muli %scan3A_296, %mul3A_928 : i32
      %add3A_930 = arith.constant 6 : i32
      %add3A_931 = arith.addi %mul3A_929, %add3A_930 : i32
      %jit3A_932 = arith.constant 8 : i32
      %div3A_933 = arith.divsi %add3A_931, %jit3A_932 : i32
      %sign3A_934 = arith.constant 0 : i32
      %sign3A_935 = arith.cmpi sgt, %add3A_931, %sign3A_934 : i32
      %sign3A_936 = arith.extui %sign3A_935 : i1 to i32
      %sign3A_937 = arith.constant 0 : i32
      %sign3A_938 = arith.cmpi slt, %add3A_931, %sign3A_937 : i32
      %sign3A_939 = arith.extui %sign3A_938 : i1 to i32
      %sign3A_940 = arith.subi %sign3A_936, %sign3A_939 : i32
      %sign3A_941 = arith.constant 0 : i32
      %sign3A_942 = arith.cmpi sgt, %jit3A_932, %sign3A_941 : i32
      %sign3A_943 = arith.extui %sign3A_942 : i1 to i32
      %sign3A_944 = arith.constant 0 : i32
      %sign3A_945 = arith.cmpi slt, %jit3A_932, %sign3A_944 : i32
      %sign3A_946 = arith.extui %sign3A_945 : i1 to i32
      %sign3A_947 = arith.subi %sign3A_943, %sign3A_946 : i32
      %ne3A_948 = arith.cmpi ne, %sign3A_940, %sign3A_947 : i32
      %rem3A_949 = arith.remsi %add3A_931, %jit3A_932 : i32
      %ne3A_950 = arith.constant 0 : i32
      %ne3A_951 = arith.cmpi ne, %rem3A_949, %ne3A_950 : i32
      %and3A_952 = arith.andi %ne3A_948, %ne3A_951 : i1
      %sub3A_953 = arith.constant 1 : i32
      %sub3A_954 = arith.subi %div3A_933, %sub3A_953 : i32
      %select_n3A_955 = arith.select %and3A_952, %sub3A_954, %div3A_933 : i32
      %jit3A_956 = arith.constant 8 : i32
      %eq3A_957 = arith.constant 0 : i32
      %eq3A_958 = arith.cmpi eq, %jit3A_956, %eq3A_957 : i32
      %jit3A_959 = arith.constant 1 : i32
      %select_n3A_960 = arith.select %eq3A_958, %jit3A_959, %jit3A_956 : i32
      %rem3A_961 = arith.remsi %add3A_931, %select_n3A_960 : i32
      %ne3A_962 = arith.constant 0 : i32
      %ne3A_963 = arith.cmpi ne, %rem3A_961, %ne3A_962 : i32
      %lt3A_964 = arith.constant 0 : i32
      %lt3A_965 = arith.cmpi slt, %rem3A_961, %lt3A_964 : i32
      %lt3A_966 = arith.constant 0 : i32
      %lt3A_967 = arith.cmpi slt, %select_n3A_960, %lt3A_966 : i32
      %ne3A_968 = arith.xori %lt3A_965, %lt3A_967 : i1
      %and3A_969 = arith.andi %ne3A_968, %ne3A_963 : i1
      %add3A_970 = arith.addi %rem3A_961, %select_n3A_960 : i32
      %select_n3A_971 = arith.select %and3A_969, %add3A_970, %rem3A_961 : i32
      %dma_wait3A_972 = arith.constant 0 : i32
      %dma_wait3A_973 = tpu.memref_slice %arg6[%select_n3A_955, %select_n3A_971, %dma_wait3A_972] : memref<25x8x128xi32, #tpu.memory_space<vmem>> -> memref<1x1x128xi32, #tpu.memory_space<vmem>>
      %dma_wait3A_974 = tpu.memref_squeeze %dma_wait3A_973 : memref<1x1x128xi32, #tpu.memory_space<vmem>> -> memref<128xi32, #tpu.memory_space<vmem>>
      %dma_wait3A_975 = arith.constant 0 : i32
      %dma_wait3A_976 = arith.constant 0 : i32
      %dma_wait3A_977 = tpu.memref_slice %arg3[%dma_wait3A_975, %dma_wait3A_976] : memref<1000000x32xf32, #tpu.memory_space<hbm>> -> memref<1000000x32xf32, #tpu.memory_space<hbm>>
      tpu.wait_indirect_dma semaphore(%arg34 : memref<!tpu.dma_semaphore, #tpu.memory_space<semaphore_mem>>) src(%dma_wait3A_977 : memref<1000000x32xf32, #tpu.memory_space<hbm>>) dst(%arg14 : memref<128x32xf32, #tpu.memory_space<vmem>>)
      %get3A_978 = arith.index_cast %add3A_931 : i32 to index
      %get3A_979 = arith.constant 0 : index
      %get3A_980 = tpu.vector_load %arg7[%get3A_978, %get3A_979] {strides = array<i32>} : memref<200x32xf32, #tpu.memory_space<vmem>>, vector<16xf32>,
      %get3A_981 = arith.index_cast %add3A_931 : i32 to index
      %get3A_982 = arith.constant 16 : index
      %get3A_983 = tpu.vector_load %arg7[%get3A_981, %get3A_982] {strides = array<i32>} : memref<200x32xf32, #tpu.memory_space<vmem>>, vector<16xf32>,
      %parallel_loop3A_984 = arith.constant 0 : i32
      %parallel_loop3A_985 = arith.constant 128 : i32
      %parallel_loop3A_986 = arith.constant 1 : i32
      scf.for %parallel_loop3A_1256 = %parallel_loop3A_984 to %parallel_loop3A_985 step %parallel_loop3A_986  : i32 {
        %parallel_loop3A_1257 = vector.broadcast %parallel_loop3A_1256 : i32 to vector<16xi32>
        %parallel_loop3A_1258 = arith.index_cast %parallel_loop3A_1256 : i32 to index
        %parallel_loop3A_1259 = arith.constant 0 : index
        %parallel_loop3A_1260 = tpu.vector_load %arg14[%parallel_loop3A_1258, %parallel_loop3A_1259] {strides = array<i32>} : memref<128x32xf32, #tpu.memory_space<vmem>>, vector<16xf32>,
        %parallel_loop3A_1261 = arith.addf %parallel_loop3A_1260, %get3A_980 : vector<16xf32>
        %parallel_loop3A_1262 = arith.index_cast %parallel_loop3A_1256 : i32 to index
        %parallel_loop3A_1263 = arith.constant 16 : index
        %parallel_loop3A_1264 = tpu.vector_load %arg14[%parallel_loop3A_1262, %parallel_loop3A_1263] {strides = array<i32>} : memref<128x32xf32, #tpu.memory_space<vmem>>, vector<16xf32>,
        %parallel_loop3A_1265 = arith.addf %parallel_loop3A_1264, %get3A_983 : vector<16xf32>
        tpu.vector_store_idx %arg24[%select_n3A, %select_n3A_98, %parallel_loop3A_1257], %parallel_loop3A_1261 : memref<4x8x129xf32, #tpu.memory_space<vmem>>[vector<16xi32>, vector<16xi32>, vector<16xi32>], vector<16xf32>,
        tpu.vector_store_idx %arg24[%add3A_101, %select_n3A_98, %parallel_loop3A_1257], %parallel_loop3A_1265 : memref<4x8x129xf32, #tpu.memory_space<vmem>>[vector<16xi32>, vector<16xi32>, vector<16xi32>], vector<16xf32>,
      } {sc.loop_unroll_factor = 8 : i64, sc.parallel_access}
      %dma_start3A_987 = arith.constant 0 : i32
      %dma_start3A_988 = arith.constant 0 : i32
      %dma_start3A_989 = arith.constant 0 : i32
      %dma_start3A_990 = tpu.memref_slice %arg24[%dma_start3A_987, %dma_start3A_988, %dma_start3A_989] : memref<4x8x129xf32, #tpu.memory_space<vmem>> -> memref<4x8x128xf32, #tpu.memory_space<vmem>>
      %dma_start3A_991 = arith.constant 0 : i32
      %dma_start3A_992 = arith.constant 0 : i32
      %dma_start3A_993 = arith.constant 0 : i32
      %dma_start3A_994 = tpu.memref_slice %arg5[%add3A_931, %dma_start3A_991, %add3A, %dma_start3A_992, %dma_start3A_993] : memref<200x4x32x8x128xf32, #tpu.memory_space<hbm>> -> memref<1x4x1x8x128xf32, #tpu.memory_space<hbm>>
      %dma_start3A_995 = tpu.memref_squeeze %dma_start3A_994 : memref<1x4x1x8x128xf32, #tpu.memory_space<hbm>> -> memref<4x8x128xf32, #tpu.memory_space<hbm>>
      %dma_start3A_996 = arith.constant 0 : i32
      %dma_start3A_997 = arith.constant 0 : i32
      %dma_start3A_998 = arith.constant 0 : i32
      %dma_start3A_999 = tpu.memref_slice %arg5[%add3A_931, %dma_start3A_996, %add3A, %dma_start3A_997, %dma_start3A_998] : memref<200x4x32x8x128xf32, #tpu.memory_space<hbm>> -> memref<1x4x1x8x128xf32, #tpu.memory_space<hbm>>
      %dma_start3A_1000 = tpu.memref_squeeze %dma_start3A_999 : memref<1x4x1x8x128xf32, #tpu.memory_space<hbm>> -> memref<4x8x128xf32, #tpu.memory_space<hbm>>
      %dma_start3A_1001 = arith.constant 0 : i32
      %dma_start3A_1002 = arith.constant 0 : i32
      %dma_start3A_1003 = arith.constant 0 : i32
      %dma_start3A_1004 = tpu.memref_slice %arg24[%dma_start3A_1001, %dma_start3A_1002, %dma_start3A_1003] : memref<4x8x129xf32, #tpu.memory_space<vmem>> -> memref<4x8x128xf32, #tpu.memory_space<vmem>>
      tpu.enqueue_dma source(%dma_start3A_1004 : memref<4x8x128xf32, #tpu.memory_space<vmem>>) target(%dma_start3A_1000 : memref<4x8x128xf32, #tpu.memory_space<hbm>>) target_semaphore(%arg44 : memref<!tpu.dma_semaphore, #tpu.memory_space<semaphore_mem>>)
      %lt3A_1005 = arith.constant 19 : i32
      %lt3A_1006 = arith.cmpi slt, %scan3A_296, %lt3A_1005 : i32
      %convert_element_type3A_1007 = arith.extui %lt3A_1006 : i1 to i32
      %cond3A_1008 = arith.constant 0 : i32
      %cond3A_1009 = arith.cmpi ne, %convert_element_type3A_1007, %cond3A_1008 : i32
      scf.if %cond3A_1009 {
        %add3A_1256 = arith.constant 7 : i32
        %add3A_1257 = arith.addi %add3A_931, %add3A_1256 : i32
        %sub3A_1258 = arith.constant 10 : i32
        %sub3A_1259 = arith.subi %add3A_1257, %sub3A_1258 : i32
        %dma_wait3A_1260 = arith.constant 0 : i32
        %dma_wait3A_1261 = arith.constant 0 : i32
        %dma_wait3A_1262 = arith.constant 0 : i32
        %dma_wait3A_1263 = tpu.memref_slice %arg21[%dma_wait3A_1260, %dma_wait3A_1261, %dma_wait3A_1262] : memref<4x8x129xf32, #tpu.memory_space<vmem>> -> memref<4x8x128xf32, #tpu.memory_space<vmem>>
        %dma_wait3A_1264 = arith.constant 0 : i32
        %dma_wait3A_1265 = arith.constant 0 : i32
        %dma_wait3A_1266 = arith.constant 0 : i32
        %dma_wait3A_1267 = tpu.memref_slice %arg5[%sub3A_1259, %dma_wait3A_1264, %add3A, %dma_wait3A_1265, %dma_wait3A_1266] : memref<200x4x32x8x128xf32, #tpu.memory_space<hbm>> -> memref<1x4x1x8x128xf32, #tpu.memory_space<hbm>>
        %dma_wait3A_1268 = tpu.memref_squeeze %dma_wait3A_1267 : memref<1x4x1x8x128xf32, #tpu.memory_space<hbm>> -> memref<4x8x128xf32, #tpu.memory_space<hbm>>
        %dma_wait3A_1269 = arith.constant 0 : i32
        %dma_wait3A_1270 = arith.constant 0 : i32
        %dma_wait3A_1271 = arith.constant 0 : i32
        %dma_wait3A_1272 = tpu.memref_slice %arg5[%sub3A_1259, %dma_wait3A_1269, %add3A, %dma_wait3A_1270, %dma_wait3A_1271] : memref<200x4x32x8x128xf32, #tpu.memory_space<hbm>> -> memref<1x4x1x8x128xf32, #tpu.memory_space<hbm>>
        %dma_wait3A_1273 = tpu.memref_squeeze %dma_wait3A_1272 : memref<1x4x1x8x128xf32, #tpu.memory_space<hbm>> -> memref<4x8x128xf32, #tpu.memory_space<hbm>>
        %dma_wait3A_1274 = arith.constant 0 : i32
        %dma_wait3A_1275 = arith.constant 0 : i32
        %dma_wait3A_1276 = arith.constant 0 : i32
        %dma_wait3A_1277 = tpu.memref_slice %arg21[%dma_wait3A_1274, %dma_wait3A_1275, %dma_wait3A_1276] : memref<4x8x129xf32, #tpu.memory_space<vmem>> -> memref<4x8x128xf32, #tpu.memory_space<vmem>>
        tpu.wait_dma2 semaphore(%arg41 : memref<!tpu.dma_semaphore, #tpu.memory_space<semaphore_mem>>) src(%dma_wait3A_1277 : memref<4x8x128xf32, #tpu.memory_space<vmem>>) dst(%dma_wait3A_1273 : memref<4x8x128xf32, #tpu.memory_space<hbm>>)
        %add3A_1278 = arith.constant 7 : i32
        %add3A_1279 = arith.addi %add3A_931, %add3A_1278 : i32
        %jit3A_1280 = arith.constant 8 : i32
        %div3A_1281 = arith.divsi %add3A_1279, %jit3A_1280 : i32
        %sign3A_1282 = arith.constant 0 : i32
        %sign3A_1283 = arith.cmpi sgt, %add3A_1279, %sign3A_1282 : i32
        %sign3A_1284 = arith.extui %sign3A_1283 : i1 to i32
        %sign3A_1285 = arith.constant 0 : i32
        %sign3A_1286 = arith.cmpi slt, %add3A_1279, %sign3A_1285 : i32
        %sign3A_1287 = arith.extui %sign3A_1286 : i1 to i32
        %sign3A_1288 = arith.subi %sign3A_1284, %sign3A_1287 : i32
        %sign3A_1289 = arith.constant 0 : i32
        %sign3A_1290 = arith.cmpi sgt, %jit3A_1280, %sign3A_1289 : i32
        %sign3A_1291 = arith.extui %sign3A_1290 : i1 to i32
        %sign3A_1292 = arith.constant 0 : i32
        %sign3A_1293 = arith.cmpi slt, %jit3A_1280, %sign3A_1292 : i32
        %sign3A_1294 = arith.extui %sign3A_1293 : i1 to i32
        %sign3A_1295 = arith.subi %sign3A_1291, %sign3A_1294 : i32
        %ne3A_1296 = arith.cmpi ne, %sign3A_1288, %sign3A_1295 : i32
        %rem3A_1297 = arith.remsi %add3A_1279, %jit3A_1280 : i32
        %ne3A_1298 = arith.constant 0 : i32
        %ne3A_1299 = arith.cmpi ne, %rem3A_1297, %ne3A_1298 : i32
        %and3A_1300 = arith.andi %ne3A_1296, %ne3A_1299 : i1
        %sub3A_1301 = arith.constant 1 : i32
        %sub3A_1302 = arith.subi %div3A_1281, %sub3A_1301 : i32
        %select_n3A_1303 = arith.select %and3A_1300, %sub3A_1302, %div3A_1281 : i32
        %jit3A_1304 = arith.constant 8 : i32
        %eq3A_1305 = arith.constant 0 : i32
        %eq3A_1306 = arith.cmpi eq, %jit3A_1304, %eq3A_1305 : i32
        %jit3A_1307 = arith.constant 1 : i32
        %select_n3A_1308 = arith.select %eq3A_1306, %jit3A_1307, %jit3A_1304 : i32
        %rem3A_1309 = arith.remsi %add3A_1279, %select_n3A_1308 : i32
        %ne3A_1310 = arith.constant 0 : i32
        %ne3A_1311 = arith.cmpi ne, %rem3A_1309, %ne3A_1310 : i32
        %lt3A_1312 = arith.constant 0 : i32
        %lt3A_1313 = arith.cmpi slt, %rem3A_1309, %lt3A_1312 : i32
        %lt3A_1314 = arith.constant 0 : i32
        %lt3A_1315 = arith.cmpi slt, %select_n3A_1308, %lt3A_1314 : i32
        %ne3A_1316 = arith.xori %lt3A_1313, %lt3A_1315 : i1
        %and3A_1317 = arith.andi %ne3A_1316, %ne3A_1311 : i1
        %add3A_1318 = arith.addi %rem3A_1309, %select_n3A_1308 : i32
        %select_n3A_1319 = arith.select %and3A_1317, %add3A_1318, %rem3A_1309 : i32
        %dma_start3A_1320 = arith.constant 0 : i32
        %dma_start3A_1321 = tpu.memref_slice %arg6[%select_n3A_1303, %select_n3A_1319, %dma_start3A_1320] : memref<25x8x128xi32, #tpu.memory_space<vmem>> -> memref<1x1x128xi32, #tpu.memory_space<vmem>>
        %dma_start3A_1322 = tpu.memref_squeeze %dma_start3A_1321 : memref<1x1x128xi32, #tpu.memory_space<vmem>> -> memref<128xi32, #tpu.memory_space<vmem>>
        %dma_start3A_1323 = arith.constant 0 : i32
        %dma_start3A_1324 = arith.constant 0 : i32
        %dma_start3A_1325 = tpu.memref_slice %arg3[%dma_start3A_1323, %dma_start3A_1324] : memref<1000000x32xf32, #tpu.memory_space<hbm>> -> memref<1000000x32xf32, #tpu.memory_space<hbm>>
        tpu.enqueue_indirect_dma source(%dma_start3A_1325 : memref<1000000x32xf32, #tpu.memory_space<hbm>>) target(%arg11 : memref<128x32xf32, #tpu.memory_space<vmem>>) offsets(%dma_start3A_1322 : memref<128xi32, #tpu.memory_space<vmem>>) semaphore(%arg31 : memref<!tpu.dma_semaphore, #tpu.memory_space<semaphore_mem>>)
      } else {
      }
      %mul3A_1010 = arith.constant 10 : i32
      %mul3A_1011 = arith.muli %scan3A_296, %mul3A_1010 : i32
      %add3A_1012 = arith.constant 7 : i32
      %add3A_1013 = arith.addi %mul3A_1011, %add3A_1012 : i32
      %jit3A_1014 = arith.constant 8 : i32
      %div3A_1015 = arith.divsi %add3A_1013, %jit3A_1014 : i32
      %sign3A_1016 = arith.constant 0 : i32
      %sign3A_1017 = arith.cmpi sgt, %add3A_1013, %sign3A_1016 : i32
      %sign3A_1018 = arith.extui %sign3A_1017 : i1 to i32
      %sign3A_1019 = arith.constant 0 : i32
      %sign3A_1020 = arith.cmpi slt, %add3A_1013, %sign3A_1019 : i32
      %sign3A_1021 = arith.extui %sign3A_1020 : i1 to i32
      %sign3A_1022 = arith.subi %sign3A_1018, %sign3A_1021 : i32
      %sign3A_1023 = arith.constant 0 : i32
      %sign3A_1024 = arith.cmpi sgt, %jit3A_1014, %sign3A_1023 : i32
      %sign3A_1025 = arith.extui %sign3A_1024 : i1 to i32
      %sign3A_1026 = arith.constant 0 : i32
      %sign3A_1027 = arith.cmpi slt, %jit3A_1014, %sign3A_1026 : i32
      %sign3A_1028 = arith.extui %sign3A_1027 : i1 to i32
      %sign3A_1029 = arith.subi %sign3A_1025, %sign3A_1028 : i32
      %ne3A_1030 = arith.cmpi ne, %sign3A_1022, %sign3A_1029 : i32
      %rem3A_1031 = arith.remsi %add3A_1013, %jit3A_1014 : i32
      %ne3A_1032 = arith.constant 0 : i32
      %ne3A_1033 = arith.cmpi ne, %rem3A_1031, %ne3A_1032 : i32
      %and3A_1034 = arith.andi %ne3A_1030, %ne3A_1033 : i1
      %sub3A_1035 = arith.constant 1 : i32
      %sub3A_1036 = arith.subi %div3A_1015, %sub3A_1035 : i32
      %select_n3A_1037 = arith.select %and3A_1034, %sub3A_1036, %div3A_1015 : i32
      %jit3A_1038 = arith.constant 8 : i32
      %eq3A_1039 = arith.constant 0 : i32
      %eq3A_1040 = arith.cmpi eq, %jit3A_1038, %eq3A_1039 : i32
      %jit3A_1041 = arith.constant 1 : i32
      %select_n3A_1042 = arith.select %eq3A_1040, %jit3A_1041, %jit3A_1038 : i32
      %rem3A_1043 = arith.remsi %add3A_1013, %select_n3A_1042 : i32
      %ne3A_1044 = arith.constant 0 : i32
      %ne3A_1045 = arith.cmpi ne, %rem3A_1043, %ne3A_1044 : i32
      %lt3A_1046 = arith.constant 0 : i32
      %lt3A_1047 = arith.cmpi slt, %rem3A_1043, %lt3A_1046 : i32
      %lt3A_1048 = arith.constant 0 : i32
      %lt3A_1049 = arith.cmpi slt, %select_n3A_1042, %lt3A_1048 : i32
      %ne3A_1050 = arith.xori %lt3A_1047, %lt3A_1049 : i1
      %and3A_1051 = arith.andi %ne3A_1050, %ne3A_1045 : i1
      %add3A_1052 = arith.addi %rem3A_1043, %select_n3A_1042 : i32
      %select_n3A_1053 = arith.select %and3A_1051, %add3A_1052, %rem3A_1043 : i32
      %dma_wait3A_1054 = arith.constant 0 : i32
      %dma_wait3A_1055 = tpu.memref_slice %arg6[%select_n3A_1037, %select_n3A_1053, %dma_wait3A_1054] : memref<25x8x128xi32, #tpu.memory_space<vmem>> -> memref<1x1x128xi32, #tpu.memory_space<vmem>>
      %dma_wait3A_1056 = tpu.memref_squeeze %dma_wait3A_1055 : memref<1x1x128xi32, #tpu.memory_space<vmem>> -> memref<128xi32, #tpu.memory_space<vmem>>
      %dma_wait3A_1057 = arith.constant 0 : i32
      %dma_wait3A_1058 = arith.constant 0 : i32
      %dma_wait3A_1059 = tpu.memref_slice %arg3[%dma_wait3A_1057, %dma_wait3A_1058] : memref<1000000x32xf32, #tpu.memory_space<hbm>> -> memref<1000000x32xf32, #tpu.memory_space<hbm>>
      tpu.wait_indirect_dma semaphore(%arg35 : memref<!tpu.dma_semaphore, #tpu.memory_space<semaphore_mem>>) src(%dma_wait3A_1059 : memref<1000000x32xf32, #tpu.memory_space<hbm>>) dst(%arg15 : memref<128x32xf32, #tpu.memory_space<vmem>>)
      %get3A_1060 = arith.index_cast %add3A_1013 : i32 to index
      %get3A_1061 = arith.constant 0 : index
      %get3A_1062 = tpu.vector_load %arg7[%get3A_1060, %get3A_1061] {strides = array<i32>} : memref<200x32xf32, #tpu.memory_space<vmem>>, vector<16xf32>,
      %get3A_1063 = arith.index_cast %add3A_1013 : i32 to index
      %get3A_1064 = arith.constant 16 : index
      %get3A_1065 = tpu.vector_load %arg7[%get3A_1063, %get3A_1064] {strides = array<i32>} : memref<200x32xf32, #tpu.memory_space<vmem>>, vector<16xf32>,
      %parallel_loop3A_1066 = arith.constant 0 : i32
      %parallel_loop3A_1067 = arith.constant 128 : i32
      %parallel_loop3A_1068 = arith.constant 1 : i32
      scf.for %parallel_loop3A_1256 = %parallel_loop3A_1066 to %parallel_loop3A_1067 step %parallel_loop3A_1068  : i32 {
        %parallel_loop3A_1257 = vector.broadcast %parallel_loop3A_1256 : i32 to vector<16xi32>
        %parallel_loop3A_1258 = arith.index_cast %parallel_loop3A_1256 : i32 to index
        %parallel_loop3A_1259 = arith.constant 0 : index
        %parallel_loop3A_1260 = tpu.vector_load %arg15[%parallel_loop3A_1258, %parallel_loop3A_1259] {strides = array<i32>} : memref<128x32xf32, #tpu.memory_space<vmem>>, vector<16xf32>,
        %parallel_loop3A_1261 = arith.addf %parallel_loop3A_1260, %get3A_1062 : vector<16xf32>
        %parallel_loop3A_1262 = arith.index_cast %parallel_loop3A_1256 : i32 to index
        %parallel_loop3A_1263 = arith.constant 16 : index
        %parallel_loop3A_1264 = tpu.vector_load %arg15[%parallel_loop3A_1262, %parallel_loop3A_1263] {strides = array<i32>} : memref<128x32xf32, #tpu.memory_space<vmem>>, vector<16xf32>,
        %parallel_loop3A_1265 = arith.addf %parallel_loop3A_1264, %get3A_1065 : vector<16xf32>
        tpu.vector_store_idx %arg25[%select_n3A, %select_n3A_98, %parallel_loop3A_1257], %parallel_loop3A_1261 : memref<4x8x129xf32, #tpu.memory_space<vmem>>[vector<16xi32>, vector<16xi32>, vector<16xi32>], vector<16xf32>,
        tpu.vector_store_idx %arg25[%add3A_101, %select_n3A_98, %parallel_loop3A_1257], %parallel_loop3A_1265 : memref<4x8x129xf32, #tpu.memory_space<vmem>>[vector<16xi32>, vector<16xi32>, vector<16xi32>], vector<16xf32>,
      } {sc.loop_unroll_factor = 8 : i64, sc.parallel_access}
      %dma_start3A_1069 = arith.constant 0 : i32
      %dma_start3A_1070 = arith.constant 0 : i32
      %dma_start3A_1071 = arith.constant 0 : i32
      %dma_start3A_1072 = tpu.memref_slice %arg25[%dma_start3A_1069, %dma_start3A_1070, %dma_start3A_1071] : memref<4x8x129xf32, #tpu.memory_space<vmem>> -> memref<4x8x128xf32, #tpu.memory_space<vmem>>
      %dma_start3A_1073 = arith.constant 0 : i32
      %dma_start3A_1074 = arith.constant 0 : i32
      %dma_start3A_1075 = arith.constant 0 : i32
      %dma_start3A_1076 = tpu.memref_slice %arg5[%add3A_1013, %dma_start3A_1073, %add3A, %dma_start3A_1074, %dma_start3A_1075] : memref<200x4x32x8x128xf32, #tpu.memory_space<hbm>> -> memref<1x4x1x8x128xf32, #tpu.memory_space<hbm>>
      %dma_start3A_1077 = tpu.memref_squeeze %dma_start3A_1076 : memref<1x4x1x8x128xf32, #tpu.memory_space<hbm>> -> memref<4x8x128xf32, #tpu.memory_space<hbm>>
      %dma_start3A_1078 = arith.constant 0 : i32
      %dma_start3A_1079 = arith.constant 0 : i32
      %dma_start3A_1080 = arith.constant 0 : i32
      %dma_start3A_1081 = tpu.memref_slice %arg5[%add3A_1013, %dma_start3A_1078, %add3A, %dma_start3A_1079, %dma_start3A_1080] : memref<200x4x32x8x128xf32, #tpu.memory_space<hbm>> -> memref<1x4x1x8x128xf32, #tpu.memory_space<hbm>>
      %dma_start3A_1082 = tpu.memref_squeeze %dma_start3A_1081 : memref<1x4x1x8x128xf32, #tpu.memory_space<hbm>> -> memref<4x8x128xf32, #tpu.memory_space<hbm>>
      %dma_start3A_1083 = arith.constant 0 : i32
      %dma_start3A_1084 = arith.constant 0 : i32
      %dma_start3A_1085 = arith.constant 0 : i32
      %dma_start3A_1086 = tpu.memref_slice %arg25[%dma_start3A_1083, %dma_start3A_1084, %dma_start3A_1085] : memref<4x8x129xf32, #tpu.memory_space<vmem>> -> memref<4x8x128xf32, #tpu.memory_space<vmem>>
      tpu.enqueue_dma source(%dma_start3A_1086 : memref<4x8x128xf32, #tpu.memory_space<vmem>>) target(%dma_start3A_1082 : memref<4x8x128xf32, #tpu.memory_space<hbm>>) target_semaphore(%arg45 : memref<!tpu.dma_semaphore, #tpu.memory_space<semaphore_mem>>)
      %lt3A_1087 = arith.constant 19 : i32
      %lt3A_1088 = arith.cmpi slt, %scan3A_296, %lt3A_1087 : i32
      %convert_element_type3A_1089 = arith.extui %lt3A_1088 : i1 to i32
      %cond3A_1090 = arith.constant 0 : i32
      %cond3A_1091 = arith.cmpi ne, %convert_element_type3A_1089, %cond3A_1090 : i32
      scf.if %cond3A_1091 {
        %add3A_1256 = arith.constant 7 : i32
        %add3A_1257 = arith.addi %add3A_1013, %add3A_1256 : i32
        %sub3A_1258 = arith.constant 10 : i32
        %sub3A_1259 = arith.subi %add3A_1257, %sub3A_1258 : i32
        %dma_wait3A_1260 = arith.constant 0 : i32
        %dma_wait3A_1261 = arith.constant 0 : i32
        %dma_wait3A_1262 = arith.constant 0 : i32
        %dma_wait3A_1263 = tpu.memref_slice %arg22[%dma_wait3A_1260, %dma_wait3A_1261, %dma_wait3A_1262] : memref<4x8x129xf32, #tpu.memory_space<vmem>> -> memref<4x8x128xf32, #tpu.memory_space<vmem>>
        %dma_wait3A_1264 = arith.constant 0 : i32
        %dma_wait3A_1265 = arith.constant 0 : i32
        %dma_wait3A_1266 = arith.constant 0 : i32
        %dma_wait3A_1267 = tpu.memref_slice %arg5[%sub3A_1259, %dma_wait3A_1264, %add3A, %dma_wait3A_1265, %dma_wait3A_1266] : memref<200x4x32x8x128xf32, #tpu.memory_space<hbm>> -> memref<1x4x1x8x128xf32, #tpu.memory_space<hbm>>
        %dma_wait3A_1268 = tpu.memref_squeeze %dma_wait3A_1267 : memref<1x4x1x8x128xf32, #tpu.memory_space<hbm>> -> memref<4x8x128xf32, #tpu.memory_space<hbm>>
        %dma_wait3A_1269 = arith.constant 0 : i32
        %dma_wait3A_1270 = arith.constant 0 : i32
        %dma_wait3A_1271 = arith.constant 0 : i32
        %dma_wait3A_1272 = tpu.memref_slice %arg5[%sub3A_1259, %dma_wait3A_1269, %add3A, %dma_wait3A_1270, %dma_wait3A_1271] : memref<200x4x32x8x128xf32, #tpu.memory_space<hbm>> -> memref<1x4x1x8x128xf32, #tpu.memory_space<hbm>>
        %dma_wait3A_1273 = tpu.memref_squeeze %dma_wait3A_1272 : memref<1x4x1x8x128xf32, #tpu.memory_space<hbm>> -> memref<4x8x128xf32, #tpu.memory_space<hbm>>
        %dma_wait3A_1274 = arith.constant 0 : i32
        %dma_wait3A_1275 = arith.constant 0 : i32
        %dma_wait3A_1276 = arith.constant 0 : i32
        %dma_wait3A_1277 = tpu.memref_slice %arg22[%dma_wait3A_1274, %dma_wait3A_1275, %dma_wait3A_1276] : memref<4x8x129xf32, #tpu.memory_space<vmem>> -> memref<4x8x128xf32, #tpu.memory_space<vmem>>
        tpu.wait_dma2 semaphore(%arg42 : memref<!tpu.dma_semaphore, #tpu.memory_space<semaphore_mem>>) src(%dma_wait3A_1277 : memref<4x8x128xf32, #tpu.memory_space<vmem>>) dst(%dma_wait3A_1273 : memref<4x8x128xf32, #tpu.memory_space<hbm>>)
        %add3A_1278 = arith.constant 7 : i32
        %add3A_1279 = arith.addi %add3A_1013, %add3A_1278 : i32
        %jit3A_1280 = arith.constant 8 : i32
        %div3A_1281 = arith.divsi %add3A_1279, %jit3A_1280 : i32
        %sign3A_1282 = arith.constant 0 : i32
        %sign3A_1283 = arith.cmpi sgt, %add3A_1279, %sign3A_1282 : i32
        %sign3A_1284 = arith.extui %sign3A_1283 : i1 to i32
        %sign3A_1285 = arith.constant 0 : i32
        %sign3A_1286 = arith.cmpi slt, %add3A_1279, %sign3A_1285 : i32
        %sign3A_1287 = arith.extui %sign3A_1286 : i1 to i32
        %sign3A_1288 = arith.subi %sign3A_1284, %sign3A_1287 : i32
        %sign3A_1289 = arith.constant 0 : i32
        %sign3A_1290 = arith.cmpi sgt, %jit3A_1280, %sign3A_1289 : i32
        %sign3A_1291 = arith.extui %sign3A_1290 : i1 to i32
        %sign3A_1292 = arith.constant 0 : i32
        %sign3A_1293 = arith.cmpi slt, %jit3A_1280, %sign3A_1292 : i32
        %sign3A_1294 = arith.extui %sign3A_1293 : i1 to i32
        %sign3A_1295 = arith.subi %sign3A_1291, %sign3A_1294 : i32
        %ne3A_1296 = arith.cmpi ne, %sign3A_1288, %sign3A_1295 : i32
        %rem3A_1297 = arith.remsi %add3A_1279, %jit3A_1280 : i32
        %ne3A_1298 = arith.constant 0 : i32
        %ne3A_1299 = arith.cmpi ne, %rem3A_1297, %ne3A_1298 : i32
        %and3A_1300 = arith.andi %ne3A_1296, %ne3A_1299 : i1
        %sub3A_1301 = arith.constant 1 : i32
        %sub3A_1302 = arith.subi %div3A_1281, %sub3A_1301 : i32
        %select_n3A_1303 = arith.select %and3A_1300, %sub3A_1302, %div3A_1281 : i32
        %jit3A_1304 = arith.constant 8 : i32
        %eq3A_1305 = arith.constant 0 : i32
        %eq3A_1306 = arith.cmpi eq, %jit3A_1304, %eq3A_1305 : i32
        %jit3A_1307 = arith.constant 1 : i32
        %select_n3A_1308 = arith.select %eq3A_1306, %jit3A_1307, %jit3A_1304 : i32
        %rem3A_1309 = arith.remsi %add3A_1279, %select_n3A_1308 : i32
        %ne3A_1310 = arith.constant 0 : i32
        %ne3A_1311 = arith.cmpi ne, %rem3A_1309, %ne3A_1310 : i32
        %lt3A_1312 = arith.constant 0 : i32
        %lt3A_1313 = arith.cmpi slt, %rem3A_1309, %lt3A_1312 : i32
        %lt3A_1314 = arith.constant 0 : i32
        %lt3A_1315 = arith.cmpi slt, %select_n3A_1308, %lt3A_1314 : i32
        %ne3A_1316 = arith.xori %lt3A_1313, %lt3A_1315 : i1
        %and3A_1317 = arith.andi %ne3A_1316, %ne3A_1311 : i1
        %add3A_1318 = arith.addi %rem3A_1309, %select_n3A_1308 : i32
        %select_n3A_1319 = arith.select %and3A_1317, %add3A_1318, %rem3A_1309 : i32
        %dma_start3A_1320 = arith.constant 0 : i32
        %dma_start3A_1321 = tpu.memref_slice %arg6[%select_n3A_1303, %select_n3A_1319, %dma_start3A_1320] : memref<25x8x128xi32, #tpu.memory_space<vmem>> -> memref<1x1x128xi32, #tpu.memory_space<vmem>>
        %dma_start3A_1322 = tpu.memref_squeeze %dma_start3A_1321 : memref<1x1x128xi32, #tpu.memory_space<vmem>> -> memref<128xi32, #tpu.memory_space<vmem>>
        %dma_start3A_1323 = arith.constant 0 : i32
        %dma_start3A_1324 = arith.constant 0 : i32
        %dma_start3A_1325 = tpu.memref_slice %arg3[%dma_start3A_1323, %dma_start3A_1324] : memref<1000000x32xf32, #tpu.memory_space<hbm>> -> memref<1000000x32xf32, #tpu.memory_space<hbm>>
        tpu.enqueue_indirect_dma source(%dma_start3A_1325 : memref<1000000x32xf32, #tpu.memory_space<hbm>>) target(%arg12 : memref<128x32xf32, #tpu.memory_space<vmem>>) offsets(%dma_start3A_1322 : memref<128xi32, #tpu.memory_space<vmem>>) semaphore(%arg32 : memref<!tpu.dma_semaphore, #tpu.memory_space<semaphore_mem>>)
      } else {
      }
      %mul3A_1092 = arith.constant 10 : i32
      %mul3A_1093 = arith.muli %scan3A_296, %mul3A_1092 : i32
      %add3A_1094 = arith.constant 8 : i32
      %add3A_1095 = arith.addi %mul3A_1093, %add3A_1094 : i32
      %jit3A_1096 = arith.constant 8 : i32
      %div3A_1097 = arith.divsi %add3A_1095, %jit3A_1096 : i32
      %sign3A_1098 = arith.constant 0 : i32
      %sign3A_1099 = arith.cmpi sgt, %add3A_1095, %sign3A_1098 : i32
      %sign3A_1100 = arith.extui %sign3A_1099 : i1 to i32
      %sign3A_1101 = arith.constant 0 : i32
      %sign3A_1102 = arith.cmpi slt, %add3A_1095, %sign3A_1101 : i32
      %sign3A_1103 = arith.extui %sign3A_1102 : i1 to i32
      %sign3A_1104 = arith.subi %sign3A_1100, %sign3A_1103 : i32
      %sign3A_1105 = arith.constant 0 : i32
      %sign3A_1106 = arith.cmpi sgt, %jit3A_1096, %sign3A_1105 : i32
      %sign3A_1107 = arith.extui %sign3A_1106 : i1 to i32
      %sign3A_1108 = arith.constant 0 : i32
      %sign3A_1109 = arith.cmpi slt, %jit3A_1096, %sign3A_1108 : i32
      %sign3A_1110 = arith.extui %sign3A_1109 : i1 to i32
      %sign3A_1111 = arith.subi %sign3A_1107, %sign3A_1110 : i32
      %ne3A_1112 = arith.cmpi ne, %sign3A_1104, %sign3A_1111 : i32
      %rem3A_1113 = arith.remsi %add3A_1095, %jit3A_1096 : i32
      %ne3A_1114 = arith.constant 0 : i32
      %ne3A_1115 = arith.cmpi ne, %rem3A_1113, %ne3A_1114 : i32
      %and3A_1116 = arith.andi %ne3A_1112, %ne3A_1115 : i1
      %sub3A_1117 = arith.constant 1 : i32
      %sub3A_1118 = arith.subi %div3A_1097, %sub3A_1117 : i32
      %select_n3A_1119 = arith.select %and3A_1116, %sub3A_1118, %div3A_1097 : i32
      %jit3A_1120 = arith.constant 8 : i32
      %eq3A_1121 = arith.constant 0 : i32
      %eq3A_1122 = arith.cmpi eq, %jit3A_1120, %eq3A_1121 : i32
      %jit3A_1123 = arith.constant 1 : i32
      %select_n3A_1124 = arith.select %eq3A_1122, %jit3A_1123, %jit3A_1120 : i32
      %rem3A_1125 = arith.remsi %add3A_1095, %select_n3A_1124 : i32
      %ne3A_1126 = arith.constant 0 : i32
      %ne3A_1127 = arith.cmpi ne, %rem3A_1125, %ne3A_1126 : i32
      %lt3A_1128 = arith.constant 0 : i32
      %lt3A_1129 = arith.cmpi slt, %rem3A_1125, %lt3A_1128 : i32
      %lt3A_1130 = arith.constant 0 : i32
      %lt3A_1131 = arith.cmpi slt, %select_n3A_1124, %lt3A_1130 : i32
      %ne3A_1132 = arith.xori %lt3A_1129, %lt3A_1131 : i1
      %and3A_1133 = arith.andi %ne3A_1132, %ne3A_1127 : i1
      %add3A_1134 = arith.addi %rem3A_1125, %select_n3A_1124 : i32
      %select_n3A_1135 = arith.select %and3A_1133, %add3A_1134, %rem3A_1125 : i32
      %dma_wait3A_1136 = arith.constant 0 : i32
      %dma_wait3A_1137 = tpu.memref_slice %arg6[%select_n3A_1119, %select_n3A_1135, %dma_wait3A_1136] : memref<25x8x128xi32, #tpu.memory_space<vmem>> -> memref<1x1x128xi32, #tpu.memory_space<vmem>>
      %dma_wait3A_1138 = tpu.memref_squeeze %dma_wait3A_1137 : memref<1x1x128xi32, #tpu.memory_space<vmem>> -> memref<128xi32, #tpu.memory_space<vmem>>
      %dma_wait3A_1139 = arith.constant 0 : i32
      %dma_wait3A_1140 = arith.constant 0 : i32
      %dma_wait3A_1141 = tpu.memref_slice %arg3[%dma_wait3A_1139, %dma_wait3A_1140] : memref<1000000x32xf32, #tpu.memory_space<hbm>> -> memref<1000000x32xf32, #tpu.memory_space<hbm>>
      tpu.wait_indirect_dma semaphore(%arg36 : memref<!tpu.dma_semaphore, #tpu.memory_space<semaphore_mem>>) src(%dma_wait3A_1141 : memref<1000000x32xf32, #tpu.memory_space<hbm>>) dst(%arg16 : memref<128x32xf32, #tpu.memory_space<vmem>>)
      %get3A_1142 = arith.index_cast %add3A_1095 : i32 to index
      %get3A_1143 = arith.constant 0 : index
      %get3A_1144 = tpu.vector_load %arg7[%get3A_1142, %get3A_1143] {strides = array<i32>} : memref<200x32xf32, #tpu.memory_space<vmem>>, vector<16xf32>,
      %get3A_1145 = arith.index_cast %add3A_1095 : i32 to index
      %get3A_1146 = arith.constant 16 : index
      %get3A_1147 = tpu.vector_load %arg7[%get3A_1145, %get3A_1146] {strides = array<i32>} : memref<200x32xf32, #tpu.memory_space<vmem>>, vector<16xf32>,
      %parallel_loop3A_1148 = arith.constant 0 : i32
      %parallel_loop3A_1149 = arith.constant 128 : i32
      %parallel_loop3A_1150 = arith.constant 1 : i32
      scf.for %parallel_loop3A_1256 = %parallel_loop3A_1148 to %parallel_loop3A_1149 step %parallel_loop3A_1150  : i32 {
        %parallel_loop3A_1257 = vector.broadcast %parallel_loop3A_1256 : i32 to vector<16xi32>
        %parallel_loop3A_1258 = arith.index_cast %parallel_loop3A_1256 : i32 to index
        %parallel_loop3A_1259 = arith.constant 0 : index
        %parallel_loop3A_1260 = tpu.vector_load %arg16[%parallel_loop3A_1258, %parallel_loop3A_1259] {strides = array<i32>} : memref<128x32xf32, #tpu.memory_space<vmem>>, vector<16xf32>,
        %parallel_loop3A_1261 = arith.addf %parallel_loop3A_1260, %get3A_1144 : vector<16xf32>
        %parallel_loop3A_1262 = arith.index_cast %parallel_loop3A_1256 : i32 to index
        %parallel_loop3A_1263 = arith.constant 16 : index
        %parallel_loop3A_1264 = tpu.vector_load %arg16[%parallel_loop3A_1262, %parallel_loop3A_1263] {strides = array<i32>} : memref<128x32xf32, #tpu.memory_space<vmem>>, vector<16xf32>,
        %parallel_loop3A_1265 = arith.addf %parallel_loop3A_1264, %get3A_1147 : vector<16xf32>
        tpu.vector_store_idx %arg26[%select_n3A, %select_n3A_98, %parallel_loop3A_1257], %parallel_loop3A_1261 : memref<4x8x129xf32, #tpu.memory_space<vmem>>[vector<16xi32>, vector<16xi32>, vector<16xi32>], vector<16xf32>,
        tpu.vector_store_idx %arg26[%add3A_101, %select_n3A_98, %parallel_loop3A_1257], %parallel_loop3A_1265 : memref<4x8x129xf32, #tpu.memory_space<vmem>>[vector<16xi32>, vector<16xi32>, vector<16xi32>], vector<16xf32>,
      } {sc.loop_unroll_factor = 8 : i64, sc.parallel_access}
      %dma_start3A_1151 = arith.constant 0 : i32
      %dma_start3A_1152 = arith.constant 0 : i32
      %dma_start3A_1153 = arith.constant 0 : i32
      %dma_start3A_1154 = tpu.memref_slice %arg26[%dma_start3A_1151, %dma_start3A_1152, %dma_start3A_1153] : memref<4x8x129xf32, #tpu.memory_space<vmem>> -> memref<4x8x128xf32, #tpu.memory_space<vmem>>
      %dma_start3A_1155 = arith.constant 0 : i32
      %dma_start3A_1156 = arith.constant 0 : i32
      %dma_start3A_1157 = arith.constant 0 : i32
      %dma_start3A_1158 = tpu.memref_slice %arg5[%add3A_1095, %dma_start3A_1155, %add3A, %dma_start3A_1156, %dma_start3A_1157] : memref<200x4x32x8x128xf32, #tpu.memory_space<hbm>> -> memref<1x4x1x8x128xf32, #tpu.memory_space<hbm>>
      %dma_start3A_1159 = tpu.memref_squeeze %dma_start3A_1158 : memref<1x4x1x8x128xf32, #tpu.memory_space<hbm>> -> memref<4x8x128xf32, #tpu.memory_space<hbm>>
      %dma_start3A_1160 = arith.constant 0 : i32
      %dma_start3A_1161 = arith.constant 0 : i32
      %dma_start3A_1162 = arith.constant 0 : i32
      %dma_start3A_1163 = tpu.memref_slice %arg5[%add3A_1095, %dma_start3A_1160, %add3A, %dma_start3A_1161, %dma_start3A_1162] : memref<200x4x32x8x128xf32, #tpu.memory_space<hbm>> -> memref<1x4x1x8x128xf32, #tpu.memory_space<hbm>>
      %dma_start3A_1164 = tpu.memref_squeeze %dma_start3A_1163 : memref<1x4x1x8x128xf32, #tpu.memory_space<hbm>> -> memref<4x8x128xf32, #tpu.memory_space<hbm>>
      %dma_start3A_1165 = arith.constant 0 : i32
      %dma_start3A_1166 = arith.constant 0 : i32
      %dma_start3A_1167 = arith.constant 0 : i32
      %dma_start3A_1168 = tpu.memref_slice %arg26[%dma_start3A_1165, %dma_start3A_1166, %dma_start3A_1167] : memref<4x8x129xf32, #tpu.memory_space<vmem>> -> memref<4x8x128xf32, #tpu.memory_space<vmem>>
      tpu.enqueue_dma source(%dma_start3A_1168 : memref<4x8x128xf32, #tpu.memory_space<vmem>>) target(%dma_start3A_1164 : memref<4x8x128xf32, #tpu.memory_space<hbm>>) target_semaphore(%arg46 : memref<!tpu.dma_semaphore, #tpu.memory_space<semaphore_mem>>)
      %lt3A_1169 = arith.constant 19 : i32
      %lt3A_1170 = arith.cmpi slt, %scan3A_296, %lt3A_1169 : i32
      %convert_element_type3A_1171 = arith.extui %lt3A_1170 : i1 to i32
      %cond3A_1172 = arith.constant 0 : i32
      %cond3A_1173 = arith.cmpi ne, %convert_element_type3A_1171, %cond3A_1172 : i32
      scf.if %cond3A_1173 {
        %add3A_1256 = arith.constant 7 : i32
        %add3A_1257 = arith.addi %add3A_1095, %add3A_1256 : i32
        %sub3A_1258 = arith.constant 10 : i32
        %sub3A_1259 = arith.subi %add3A_1257, %sub3A_1258 : i32
        %dma_wait3A_1260 = arith.constant 0 : i32
        %dma_wait3A_1261 = arith.constant 0 : i32
        %dma_wait3A_1262 = arith.constant 0 : i32
        %dma_wait3A_1263 = tpu.memref_slice %arg23[%dma_wait3A_1260, %dma_wait3A_1261, %dma_wait3A_1262] : memref<4x8x129xf32, #tpu.memory_space<vmem>> -> memref<4x8x128xf32, #tpu.memory_space<vmem>>
        %dma_wait3A_1264 = arith.constant 0 : i32
        %dma_wait3A_1265 = arith.constant 0 : i32
        %dma_wait3A_1266 = arith.constant 0 : i32
        %dma_wait3A_1267 = tpu.memref_slice %arg5[%sub3A_1259, %dma_wait3A_1264, %add3A, %dma_wait3A_1265, %dma_wait3A_1266] : memref<200x4x32x8x128xf32, #tpu.memory_space<hbm>> -> memref<1x4x1x8x128xf32, #tpu.memory_space<hbm>>
        %dma_wait3A_1268 = tpu.memref_squeeze %dma_wait3A_1267 : memref<1x4x1x8x128xf32, #tpu.memory_space<hbm>> -> memref<4x8x128xf32, #tpu.memory_space<hbm>>
        %dma_wait3A_1269 = arith.constant 0 : i32
        %dma_wait3A_1270 = arith.constant 0 : i32
        %dma_wait3A_1271 = arith.constant 0 : i32
        %dma_wait3A_1272 = tpu.memref_slice %arg5[%sub3A_1259, %dma_wait3A_1269, %add3A, %dma_wait3A_1270, %dma_wait3A_1271] : memref<200x4x32x8x128xf32, #tpu.memory_space<hbm>> -> memref<1x4x1x8x128xf32, #tpu.memory_space<hbm>>
        %dma_wait3A_1273 = tpu.memref_squeeze %dma_wait3A_1272 : memref<1x4x1x8x128xf32, #tpu.memory_space<hbm>> -> memref<4x8x128xf32, #tpu.memory_space<hbm>>
        %dma_wait3A_1274 = arith.constant 0 : i32
        %dma_wait3A_1275 = arith.constant 0 : i32
        %dma_wait3A_1276 = arith.constant 0 : i32
        %dma_wait3A_1277 = tpu.memref_slice %arg23[%dma_wait3A_1274, %dma_wait3A_1275, %dma_wait3A_1276] : memref<4x8x129xf32, #tpu.memory_space<vmem>> -> memref<4x8x128xf32, #tpu.memory_space<vmem>>
        tpu.wait_dma2 semaphore(%arg43 : memref<!tpu.dma_semaphore, #tpu.memory_space<semaphore_mem>>) src(%dma_wait3A_1277 : memref<4x8x128xf32, #tpu.memory_space<vmem>>) dst(%dma_wait3A_1273 : memref<4x8x128xf32, #tpu.memory_space<hbm>>)
        %add3A_1278 = arith.constant 7 : i32
        %add3A_1279 = arith.addi %add3A_1095, %add3A_1278 : i32
        %jit3A_1280 = arith.constant 8 : i32
        %div3A_1281 = arith.divsi %add3A_1279, %jit3A_1280 : i32
        %sign3A_1282 = arith.constant 0 : i32
        %sign3A_1283 = arith.cmpi sgt, %add3A_1279, %sign3A_1282 : i32
        %sign3A_1284 = arith.extui %sign3A_1283 : i1 to i32
        %sign3A_1285 = arith.constant 0 : i32
        %sign3A_1286 = arith.cmpi slt, %add3A_1279, %sign3A_1285 : i32
        %sign3A_1287 = arith.extui %sign3A_1286 : i1 to i32
        %sign3A_1288 = arith.subi %sign3A_1284, %sign3A_1287 : i32
        %sign3A_1289 = arith.constant 0 : i32
        %sign3A_1290 = arith.cmpi sgt, %jit3A_1280, %sign3A_1289 : i32
        %sign3A_1291 = arith.extui %sign3A_1290 : i1 to i32
        %sign3A_1292 = arith.constant 0 : i32
        %sign3A_1293 = arith.cmpi slt, %jit3A_1280, %sign3A_1292 : i32
        %sign3A_1294 = arith.extui %sign3A_1293 : i1 to i32
        %sign3A_1295 = arith.subi %sign3A_1291, %sign3A_1294 : i32
        %ne3A_1296 = arith.cmpi ne, %sign3A_1288, %sign3A_1295 : i32
        %rem3A_1297 = arith.remsi %add3A_1279, %jit3A_1280 : i32
        %ne3A_1298 = arith.constant 0 : i32
        %ne3A_1299 = arith.cmpi ne, %rem3A_1297, %ne3A_1298 : i32
        %and3A_1300 = arith.andi %ne3A_1296, %ne3A_1299 : i1
        %sub3A_1301 = arith.constant 1 : i32
        %sub3A_1302 = arith.subi %div3A_1281, %sub3A_1301 : i32
        %select_n3A_1303 = arith.select %and3A_1300, %sub3A_1302, %div3A_1281 : i32
        %jit3A_1304 = arith.constant 8 : i32
        %eq3A_1305 = arith.constant 0 : i32
        %eq3A_1306 = arith.cmpi eq, %jit3A_1304, %eq3A_1305 : i32
        %jit3A_1307 = arith.constant 1 : i32
        %select_n3A_1308 = arith.select %eq3A_1306, %jit3A_1307, %jit3A_1304 : i32
        %rem3A_1309 = arith.remsi %add3A_1279, %select_n3A_1308 : i32
        %ne3A_1310 = arith.constant 0 : i32
        %ne3A_1311 = arith.cmpi ne, %rem3A_1309, %ne3A_1310 : i32
        %lt3A_1312 = arith.constant 0 : i32
        %lt3A_1313 = arith.cmpi slt, %rem3A_1309, %lt3A_1312 : i32
        %lt3A_1314 = arith.constant 0 : i32
        %lt3A_1315 = arith.cmpi slt, %select_n3A_1308, %lt3A_1314 : i32
        %ne3A_1316 = arith.xori %lt3A_1313, %lt3A_1315 : i1
        %and3A_1317 = arith.andi %ne3A_1316, %ne3A_1311 : i1
        %add3A_1318 = arith.addi %rem3A_1309, %select_n3A_1308 : i32
        %select_n3A_1319 = arith.select %and3A_1317, %add3A_1318, %rem3A_1309 : i32
        %dma_start3A_1320 = arith.constant 0 : i32
        %dma_start3A_1321 = tpu.memref_slice %arg6[%select_n3A_1303, %select_n3A_1319, %dma_start3A_1320] : memref<25x8x128xi32, #tpu.memory_space<vmem>> -> memref<1x1x128xi32, #tpu.memory_space<vmem>>
        %dma_start3A_1322 = tpu.memref_squeeze %dma_start3A_1321 : memref<1x1x128xi32, #tpu.memory_space<vmem>> -> memref<128xi32, #tpu.memory_space<vmem>>
        %dma_start3A_1323 = arith.constant 0 : i32
        %dma_start3A_1324 = arith.constant 0 : i32
        %dma_start3A_1325 = tpu.memref_slice %arg3[%dma_start3A_1323, %dma_start3A_1324] : memref<1000000x32xf32, #tpu.memory_space<hbm>> -> memref<1000000x32xf32, #tpu.memory_space<hbm>>
        tpu.enqueue_indirect_dma source(%dma_start3A_1325 : memref<1000000x32xf32, #tpu.memory_space<hbm>>) target(%arg13 : memref<128x32xf32, #tpu.memory_space<vmem>>) offsets(%dma_start3A_1322 : memref<128xi32, #tpu.memory_space<vmem>>) semaphore(%arg33 : memref<!tpu.dma_semaphore, #tpu.memory_space<semaphore_mem>>)
      } else {
      }
      %mul3A_1174 = arith.constant 10 : i32
      %mul3A_1175 = arith.muli %scan3A_296, %mul3A_1174 : i32
      %add3A_1176 = arith.constant 9 : i32
      %add3A_1177 = arith.addi %mul3A_1175, %add3A_1176 : i32
      %jit3A_1178 = arith.constant 8 : i32
      %div3A_1179 = arith.divsi %add3A_1177, %jit3A_1178 : i32
      %sign3A_1180 = arith.constant 0 : i32
      %sign3A_1181 = arith.cmpi sgt, %add3A_1177, %sign3A_1180 : i32
      %sign3A_1182 = arith.extui %sign3A_1181 : i1 to i32
      %sign3A_1183 = arith.constant 0 : i32
      %sign3A_1184 = arith.cmpi slt, %add3A_1177, %sign3A_1183 : i32
      %sign3A_1185 = arith.extui %sign3A_1184 : i1 to i32
      %sign3A_1186 = arith.subi %sign3A_1182, %sign3A_1185 : i32
      %sign3A_1187 = arith.constant 0 : i32
      %sign3A_1188 = arith.cmpi sgt, %jit3A_1178, %sign3A_1187 : i32
      %sign3A_1189 = arith.extui %sign3A_1188 : i1 to i32
      %sign3A_1190 = arith.constant 0 : i32
      %sign3A_1191 = arith.cmpi slt, %jit3A_1178, %sign3A_1190 : i32
      %sign3A_1192 = arith.extui %sign3A_1191 : i1 to i32
      %sign3A_1193 = arith.subi %sign3A_1189, %sign3A_1192 : i32
      %ne3A_1194 = arith.cmpi ne, %sign3A_1186, %sign3A_1193 : i32
      %rem3A_1195 = arith.remsi %add3A_1177, %jit3A_1178 : i32
      %ne3A_1196 = arith.constant 0 : i32
      %ne3A_1197 = arith.cmpi ne, %rem3A_1195, %ne3A_1196 : i32
      %and3A_1198 = arith.andi %ne3A_1194, %ne3A_1197 : i1
      %sub3A_1199 = arith.constant 1 : i32
      %sub3A_1200 = arith.subi %div3A_1179, %sub3A_1199 : i32
      %select_n3A_1201 = arith.select %and3A_1198, %sub3A_1200, %div3A_1179 : i32
      %jit3A_1202 = arith.constant 8 : i32
      %eq3A_1203 = arith.constant 0 : i32
      %eq3A_1204 = arith.cmpi eq, %jit3A_1202, %eq3A_1203 : i32
      %jit3A_1205 = arith.constant 1 : i32
      %select_n3A_1206 = arith.select %eq3A_1204, %jit3A_1205, %jit3A_1202 : i32
      %rem3A_1207 = arith.remsi %add3A_1177, %select_n3A_1206 : i32
      %ne3A_1208 = arith.constant 0 : i32
      %ne3A_1209 = arith.cmpi ne, %rem3A_1207, %ne3A_1208 : i32
      %lt3A_1210 = arith.constant 0 : i32
      %lt3A_1211 = arith.cmpi slt, %rem3A_1207, %lt3A_1210 : i32
      %lt3A_1212 = arith.constant 0 : i32
      %lt3A_1213 = arith.cmpi slt, %select_n3A_1206, %lt3A_1212 : i32
      %ne3A_1214 = arith.xori %lt3A_1211, %lt3A_1213 : i1
      %and3A_1215 = arith.andi %ne3A_1214, %ne3A_1209 : i1
      %add3A_1216 = arith.addi %rem3A_1207, %select_n3A_1206 : i32
      %select_n3A_1217 = arith.select %and3A_1215, %add3A_1216, %rem3A_1207 : i32
      %dma_wait3A_1218 = arith.constant 0 : i32
      %dma_wait3A_1219 = tpu.memref_slice %arg6[%select_n3A_1201, %select_n3A_1217, %dma_wait3A_1218] : memref<25x8x128xi32, #tpu.memory_space<vmem>> -> memref<1x1x128xi32, #tpu.memory_space<vmem>>
      %dma_wait3A_1220 = tpu.memref_squeeze %dma_wait3A_1219 : memref<1x1x128xi32, #tpu.memory_space<vmem>> -> memref<128xi32, #tpu.memory_space<vmem>>
      %dma_wait3A_1221 = arith.constant 0 : i32
      %dma_wait3A_1222 = arith.constant 0 : i32
      %dma_wait3A_1223 = tpu.memref_slice %arg3[%dma_wait3A_1221, %dma_wait3A_1222] : memref<1000000x32xf32, #tpu.memory_space<hbm>> -> memref<1000000x32xf32, #tpu.memory_space<hbm>>
      tpu.wait_indirect_dma semaphore(%arg37 : memref<!tpu.dma_semaphore, #tpu.memory_space<semaphore_mem>>) src(%dma_wait3A_1223 : memref<1000000x32xf32, #tpu.memory_space<hbm>>) dst(%arg17 : memref<128x32xf32, #tpu.memory_space<vmem>>)
      %get3A_1224 = arith.index_cast %add3A_1177 : i32 to index
      %get3A_1225 = arith.constant 0 : index
      %get3A_1226 = tpu.vector_load %arg7[%get3A_1224, %get3A_1225] {strides = array<i32>} : memref<200x32xf32, #tpu.memory_space<vmem>>, vector<16xf32>,
      %get3A_1227 = arith.index_cast %add3A_1177 : i32 to index
      %get3A_1228 = arith.constant 16 : index
      %get3A_1229 = tpu.vector_load %arg7[%get3A_1227, %get3A_1228] {strides = array<i32>} : memref<200x32xf32, #tpu.memory_space<vmem>>, vector<16xf32>,
      %parallel_loop3A_1230 = arith.constant 0 : i32
      %parallel_loop3A_1231 = arith.constant 128 : i32
      %parallel_loop3A_1232 = arith.constant 1 : i32
      scf.for %parallel_loop3A_1256 = %parallel_loop3A_1230 to %parallel_loop3A_1231 step %parallel_loop3A_1232  : i32 {
        %parallel_loop3A_1257 = vector.broadcast %parallel_loop3A_1256 : i32 to vector<16xi32>
        %parallel_loop3A_1258 = arith.index_cast %parallel_loop3A_1256 : i32 to index
        %parallel_loop3A_1259 = arith.constant 0 : index
        %parallel_loop3A_1260 = tpu.vector_load %arg17[%parallel_loop3A_1258, %parallel_loop3A_1259] {strides = array<i32>} : memref<128x32xf32, #tpu.memory_space<vmem>>, vector<16xf32>,
        %parallel_loop3A_1261 = arith.addf %parallel_loop3A_1260, %get3A_1226 : vector<16xf32>
        %parallel_loop3A_1262 = arith.index_cast %parallel_loop3A_1256 : i32 to index
        %parallel_loop3A_1263 = arith.constant 16 : index
        %parallel_loop3A_1264 = tpu.vector_load %arg17[%parallel_loop3A_1262, %parallel_loop3A_1263] {strides = array<i32>} : memref<128x32xf32, #tpu.memory_space<vmem>>, vector<16xf32>,
        %parallel_loop3A_1265 = arith.addf %parallel_loop3A_1264, %get3A_1229 : vector<16xf32>
        tpu.vector_store_idx %arg27[%select_n3A, %select_n3A_98, %parallel_loop3A_1257], %parallel_loop3A_1261 : memref<4x8x129xf32, #tpu.memory_space<vmem>>[vector<16xi32>, vector<16xi32>, vector<16xi32>], vector<16xf32>,
        tpu.vector_store_idx %arg27[%add3A_101, %select_n3A_98, %parallel_loop3A_1257], %parallel_loop3A_1265 : memref<4x8x129xf32, #tpu.memory_space<vmem>>[vector<16xi32>, vector<16xi32>, vector<16xi32>], vector<16xf32>,
      } {sc.loop_unroll_factor = 8 : i64, sc.parallel_access}
      %dma_start3A_1233 = arith.constant 0 : i32
      %dma_start3A_1234 = arith.constant 0 : i32
      %dma_start3A_1235 = arith.constant 0 : i32
      %dma_start3A_1236 = tpu.memref_slice %arg27[%dma_start3A_1233, %dma_start3A_1234, %dma_start3A_1235] : memref<4x8x129xf32, #tpu.memory_space<vmem>> -> memref<4x8x128xf32, #tpu.memory_space<vmem>>
      %dma_start3A_1237 = arith.constant 0 : i32
      %dma_start3A_1238 = arith.constant 0 : i32
      %dma_start3A_1239 = arith.constant 0 : i32
      %dma_start3A_1240 = tpu.memref_slice %arg5[%add3A_1177, %dma_start3A_1237, %add3A, %dma_start3A_1238, %dma_start3A_1239] : memref<200x4x32x8x128xf32, #tpu.memory_space<hbm>> -> memref<1x4x1x8x128xf32, #tpu.memory_space<hbm>>
      %dma_start3A_1241 = tpu.memref_squeeze %dma_start3A_1240 : memref<1x4x1x8x128xf32, #tpu.memory_space<hbm>> -> memref<4x8x128xf32, #tpu.memory_space<hbm>>
      %dma_start3A_1242 = arith.constant 0 : i32
      %dma_start3A_1243 = arith.constant 0 : i32
      %dma_start3A_1244 = arith.constant 0 : i32
      %dma_start3A_1245 = tpu.memref_slice %arg5[%add3A_1177, %dma_start3A_1242, %add3A, %dma_start3A_1243, %dma_start3A_1244] : memref<200x4x32x8x128xf32, #tpu.memory_space<hbm>> -> memref<1x4x1x8x128xf32, #tpu.memory_space<hbm>>
      %dma_start3A_1246 = tpu.memref_squeeze %dma_start3A_1245 : memref<1x4x1x8x128xf32, #tpu.memory_space<hbm>> -> memref<4x8x128xf32, #tpu.memory_space<hbm>>
      %dma_start3A_1247 = arith.constant 0 : i32
      %dma_start3A_1248 = arith.constant 0 : i32
      %dma_start3A_1249 = arith.constant 0 : i32
      %dma_start3A_1250 = tpu.memref_slice %arg27[%dma_start3A_1247, %dma_start3A_1248, %dma_start3A_1249] : memref<4x8x129xf32, #tpu.memory_space<vmem>> -> memref<4x8x128xf32, #tpu.memory_space<vmem>>
      tpu.enqueue_dma source(%dma_start3A_1250 : memref<4x8x128xf32, #tpu.memory_space<vmem>>) target(%dma_start3A_1246 : memref<4x8x128xf32, #tpu.memory_space<hbm>>) target_semaphore(%arg47 : memref<!tpu.dma_semaphore, #tpu.memory_space<semaphore_mem>>)
      %lt3A_1251 = arith.constant 19 : i32
      %lt3A_1252 = arith.cmpi slt, %scan3A_296, %lt3A_1251 : i32
      %convert_element_type3A_1253 = arith.extui %lt3A_1252 : i1 to i32
      %cond3A_1254 = arith.constant 0 : i32
      %cond3A_1255 = arith.cmpi ne, %convert_element_type3A_1253, %cond3A_1254 : i32
      scf.if %cond3A_1255 {
        %add3A_1256 = arith.constant 7 : i32
        %add3A_1257 = arith.addi %add3A_1177, %add3A_1256 : i32
        %sub3A_1258 = arith.constant 10 : i32
        %sub3A_1259 = arith.subi %add3A_1257, %sub3A_1258 : i32
        %dma_wait3A_1260 = arith.constant 0 : i32
        %dma_wait3A_1261 = arith.constant 0 : i32
        %dma_wait3A_1262 = arith.constant 0 : i32
        %dma_wait3A_1263 = tpu.memref_slice %arg24[%dma_wait3A_1260, %dma_wait3A_1261, %dma_wait3A_1262] : memref<4x8x129xf32, #tpu.memory_space<vmem>> -> memref<4x8x128xf32, #tpu.memory_space<vmem>>
        %dma_wait3A_1264 = arith.constant 0 : i32
        %dma_wait3A_1265 = arith.constant 0 : i32
        %dma_wait3A_1266 = arith.constant 0 : i32
        %dma_wait3A_1267 = tpu.memref_slice %arg5[%sub3A_1259, %dma_wait3A_1264, %add3A, %dma_wait3A_1265, %dma_wait3A_1266] : memref<200x4x32x8x128xf32, #tpu.memory_space<hbm>> -> memref<1x4x1x8x128xf32, #tpu.memory_space<hbm>>
        %dma_wait3A_1268 = tpu.memref_squeeze %dma_wait3A_1267 : memref<1x4x1x8x128xf32, #tpu.memory_space<hbm>> -> memref<4x8x128xf32, #tpu.memory_space<hbm>>
        %dma_wait3A_1269 = arith.constant 0 : i32
        %dma_wait3A_1270 = arith.constant 0 : i32
        %dma_wait3A_1271 = arith.constant 0 : i32
        %dma_wait3A_1272 = tpu.memref_slice %arg5[%sub3A_1259, %dma_wait3A_1269, %add3A, %dma_wait3A_1270, %dma_wait3A_1271] : memref<200x4x32x8x128xf32, #tpu.memory_space<hbm>> -> memref<1x4x1x8x128xf32, #tpu.memory_space<hbm>>
        %dma_wait3A_1273 = tpu.memref_squeeze %dma_wait3A_1272 : memref<1x4x1x8x128xf32, #tpu.memory_space<hbm>> -> memref<4x8x128xf32, #tpu.memory_space<hbm>>
        %dma_wait3A_1274 = arith.constant 0 : i32
        %dma_wait3A_1275 = arith.constant 0 : i32
        %dma_wait3A_1276 = arith.constant 0 : i32
        %dma_wait3A_1277 = tpu.memref_slice %arg24[%dma_wait3A_1274, %dma_wait3A_1275, %dma_wait3A_1276] : memref<4x8x129xf32, #tpu.memory_space<vmem>> -> memref<4x8x128xf32, #tpu.memory_space<vmem>>
        tpu.wait_dma2 semaphore(%arg44 : memref<!tpu.dma_semaphore, #tpu.memory_space<semaphore_mem>>) src(%dma_wait3A_1277 : memref<4x8x128xf32, #tpu.memory_space<vmem>>) dst(%dma_wait3A_1273 : memref<4x8x128xf32, #tpu.memory_space<hbm>>)
        %add3A_1278 = arith.constant 7 : i32
        %add3A_1279 = arith.addi %add3A_1177, %add3A_1278 : i32
        %jit3A_1280 = arith.constant 8 : i32
        %div3A_1281 = arith.divsi %add3A_1279, %jit3A_1280 : i32
        %sign3A_1282 = arith.constant 0 : i32
        %sign3A_1283 = arith.cmpi sgt, %add3A_1279, %sign3A_1282 : i32
        %sign3A_1284 = arith.extui %sign3A_1283 : i1 to i32
        %sign3A_1285 = arith.constant 0 : i32
        %sign3A_1286 = arith.cmpi slt, %add3A_1279, %sign3A_1285 : i32
        %sign3A_1287 = arith.extui %sign3A_1286 : i1 to i32
        %sign3A_1288 = arith.subi %sign3A_1284, %sign3A_1287 : i32
        %sign3A_1289 = arith.constant 0 : i32
        %sign3A_1290 = arith.cmpi sgt, %jit3A_1280, %sign3A_1289 : i32
        %sign3A_1291 = arith.extui %sign3A_1290 : i1 to i32
        %sign3A_1292 = arith.constant 0 : i32
        %sign3A_1293 = arith.cmpi slt, %jit3A_1280, %sign3A_1292 : i32
        %sign3A_1294 = arith.extui %sign3A_1293 : i1 to i32
        %sign3A_1295 = arith.subi %sign3A_1291, %sign3A_1294 : i32
        %ne3A_1296 = arith.cmpi ne, %sign3A_1288, %sign3A_1295 : i32
        %rem3A_1297 = arith.remsi %add3A_1279, %jit3A_1280 : i32
        %ne3A_1298 = arith.constant 0 : i32
        %ne3A_1299 = arith.cmpi ne, %rem3A_1297, %ne3A_1298 : i32
        %and3A_1300 = arith.andi %ne3A_1296, %ne3A_1299 : i1
        %sub3A_1301 = arith.constant 1 : i32
        %sub3A_1302 = arith.subi %div3A_1281, %sub3A_1301 : i32
        %select_n3A_1303 = arith.select %and3A_1300, %sub3A_1302, %div3A_1281 : i32
        %jit3A_1304 = arith.constant 8 : i32
        %eq3A_1305 = arith.constant 0 : i32
        %eq3A_1306 = arith.cmpi eq, %jit3A_1304, %eq3A_1305 : i32
        %jit3A_1307 = arith.constant 1 : i32
        %select_n3A_1308 = arith.select %eq3A_1306, %jit3A_1307, %jit3A_1304 : i32
        %rem3A_1309 = arith.remsi %add3A_1279, %select_n3A_1308 : i32
        %ne3A_1310 = arith.constant 0 : i32
        %ne3A_1311 = arith.cmpi ne, %rem3A_1309, %ne3A_1310 : i32
        %lt3A_1312 = arith.constant 0 : i32
        %lt3A_1313 = arith.cmpi slt, %rem3A_1309, %lt3A_1312 : i32
        %lt3A_1314 = arith.constant 0 : i32
        %lt3A_1315 = arith.cmpi slt, %select_n3A_1308, %lt3A_1314 : i32
        %ne3A_1316 = arith.xori %lt3A_1313, %lt3A_1315 : i1
        %and3A_1317 = arith.andi %ne3A_1316, %ne3A_1311 : i1
        %add3A_1318 = arith.addi %rem3A_1309, %select_n3A_1308 : i32
        %select_n3A_1319 = arith.select %and3A_1317, %add3A_1318, %rem3A_1309 : i32
        %dma_start3A_1320 = arith.constant 0 : i32
        %dma_start3A_1321 = tpu.memref_slice %arg6[%select_n3A_1303, %select_n3A_1319, %dma_start3A_1320] : memref<25x8x128xi32, #tpu.memory_space<vmem>> -> memref<1x1x128xi32, #tpu.memory_space<vmem>>
        %dma_start3A_1322 = tpu.memref_squeeze %dma_start3A_1321 : memref<1x1x128xi32, #tpu.memory_space<vmem>> -> memref<128xi32, #tpu.memory_space<vmem>>
        %dma_start3A_1323 = arith.constant 0 : i32
        %dma_start3A_1324 = arith.constant 0 : i32
        %dma_start3A_1325 = tpu.memref_slice %arg3[%dma_start3A_1323, %dma_start3A_1324] : memref<1000000x32xf32, #tpu.memory_space<hbm>> -> memref<1000000x32xf32, #tpu.memory_space<hbm>>
        tpu.enqueue_indirect_dma source(%dma_start3A_1325 : memref<1000000x32xf32, #tpu.memory_space<hbm>>) target(%arg14 : memref<128x32xf32, #tpu.memory_space<vmem>>) offsets(%dma_start3A_1322 : memref<128xi32, #tpu.memory_space<vmem>>) semaphore(%arg34 : memref<!tpu.dma_semaphore, #tpu.memory_space<semaphore_mem>>)
      } else {
      }
    }
    %scan3A_106 = arith.constant 20 : i32
    %dma_wait3A = arith.constant 190 : i32
    %dma_wait3A_107 = arith.constant 0 : i32
    %dma_wait3A_108 = arith.constant 0 : i32
    %dma_wait3A_109 = arith.constant 0 : i32
    %dma_wait3A_110 = tpu.memref_slice %arg18[%dma_wait3A_107, %dma_wait3A_108, %dma_wait3A_109] : memref<4x8x129xf32, #tpu.memory_space<vmem>> -> memref<4x8x128xf32, #tpu.memory_space<vmem>>
    %dma_wait3A_111 = arith.constant 0 : i32
    %dma_wait3A_112 = arith.constant 0 : i32
    %dma_wait3A_113 = arith.constant 0 : i32
    %dma_wait3A_114 = tpu.memref_slice %arg5[%dma_wait3A, %dma_wait3A_111, %add3A, %dma_wait3A_112, %dma_wait3A_113] : memref<200x4x32x8x128xf32, #tpu.memory_space<hbm>> -> memref<1x4x1x8x128xf32, #tpu.memory_space<hbm>>
    %dma_wait3A_115 = tpu.memref_squeeze %dma_wait3A_114 : memref<1x4x1x8x128xf32, #tpu.memory_space<hbm>> -> memref<4x8x128xf32, #tpu.memory_space<hbm>>
    %dma_wait3A_116 = arith.constant 0 : i32
    %dma_wait3A_117 = arith.constant 0 : i32
    %dma_wait3A_118 = arith.constant 0 : i32
    %dma_wait3A_119 = tpu.memref_slice %arg5[%dma_wait3A, %dma_wait3A_116, %add3A, %dma_wait3A_117, %dma_wait3A_118] : memref<200x4x32x8x128xf32, #tpu.memory_space<hbm>> -> memref<1x4x1x8x128xf32, #tpu.memory_space<hbm>>
    %dma_wait3A_120 = tpu.memref_squeeze %dma_wait3A_119 : memref<1x4x1x8x128xf32, #tpu.memory_space<hbm>> -> memref<4x8x128xf32, #tpu.memory_space<hbm>>
    %dma_wait3A_121 = arith.constant 0 : i32
    %dma_wait3A_122 = arith.constant 0 : i32
    %dma_wait3A_123 = arith.constant 0 : i32
    %dma_wait3A_124 = tpu.memref_slice %arg18[%dma_wait3A_121, %dma_wait3A_122, %dma_wait3A_123] : memref<4x8x129xf32, #tpu.memory_space<vmem>> -> memref<4x8x128xf32, #tpu.memory_space<vmem>>
    tpu.wait_dma2 semaphore(%arg38 : memref<!tpu.dma_semaphore, #tpu.memory_space<semaphore_mem>>) src(%dma_wait3A_124 : memref<4x8x128xf32, #tpu.memory_space<vmem>>) dst(%dma_wait3A_120 : memref<4x8x128xf32, #tpu.memory_space<hbm>>)
    %dma_wait3A_125 = arith.constant 191 : i32
    %dma_wait3A_126 = arith.constant 0 : i32
    %dma_wait3A_127 = arith.constant 0 : i32
    %dma_wait3A_128 = arith.constant 0 : i32
    %dma_wait3A_129 = tpu.memref_slice %arg19[%dma_wait3A_126, %dma_wait3A_127, %dma_wait3A_128] : memref<4x8x129xf32, #tpu.memory_space<vmem>> -> memref<4x8x128xf32, #tpu.memory_space<vmem>>
    %dma_wait3A_130 = arith.constant 0 : i32
    %dma_wait3A_131 = arith.constant 0 : i32
    %dma_wait3A_132 = arith.constant 0 : i32
    %dma_wait3A_133 = tpu.memref_slice %arg5[%dma_wait3A_125, %dma_wait3A_130, %add3A, %dma_wait3A_131, %dma_wait3A_132] : memref<200x4x32x8x128xf32, #tpu.memory_space<hbm>> -> memref<1x4x1x8x128xf32, #tpu.memory_space<hbm>>
    %dma_wait3A_134 = tpu.memref_squeeze %dma_wait3A_133 : memref<1x4x1x8x128xf32, #tpu.memory_space<hbm>> -> memref<4x8x128xf32, #tpu.memory_space<hbm>>
    %dma_wait3A_135 = arith.constant 0 : i32
    %dma_wait3A_136 = arith.constant 0 : i32
    %dma_wait3A_137 = arith.constant 0 : i32
    %dma_wait3A_138 = tpu.memref_slice %arg5[%dma_wait3A_125, %dma_wait3A_135, %add3A, %dma_wait3A_136, %dma_wait3A_137] : memref<200x4x32x8x128xf32, #tpu.memory_space<hbm>> -> memref<1x4x1x8x128xf32, #tpu.memory_space<hbm>>
    %dma_wait3A_139 = tpu.memref_squeeze %dma_wait3A_138 : memref<1x4x1x8x128xf32, #tpu.memory_space<hbm>> -> memref<4x8x128xf32, #tpu.memory_space<hbm>>
    %dma_wait3A_140 = arith.constant 0 : i32
    %dma_wait3A_141 = arith.constant 0 : i32
    %dma_wait3A_142 = arith.constant 0 : i32
    %dma_wait3A_143 = tpu.memref_slice %arg19[%dma_wait3A_140, %dma_wait3A_141, %dma_wait3A_142] : memref<4x8x129xf32, #tpu.memory_space<vmem>> -> memref<4x8x128xf32, #tpu.memory_space<vmem>>
    tpu.wait_dma2 semaphore(%arg39 : memref<!tpu.dma_semaphore, #tpu.memory_space<semaphore_mem>>) src(%dma_wait3A_143 : memref<4x8x128xf32, #tpu.memory_space<vmem>>) dst(%dma_wait3A_139 : memref<4x8x128xf32, #tpu.memory_space<hbm>>)
    %dma_wait3A_144 = arith.constant 192 : i32
    %dma_wait3A_145 = arith.constant 0 : i32
    %dma_wait3A_146 = arith.constant 0 : i32
    %dma_wait3A_147 = arith.constant 0 : i32
    %dma_wait3A_148 = tpu.memref_slice %arg20[%dma_wait3A_145, %dma_wait3A_146, %dma_wait3A_147] : memref<4x8x129xf32, #tpu.memory_space<vmem>> -> memref<4x8x128xf32, #tpu.memory_space<vmem>>
    %dma_wait3A_149 = arith.constant 0 : i32
    %dma_wait3A_150 = arith.constant 0 : i32
    %dma_wait3A_151 = arith.constant 0 : i32
    %dma_wait3A_152 = tpu.memref_slice %arg5[%dma_wait3A_144, %dma_wait3A_149, %add3A, %dma_wait3A_150, %dma_wait3A_151] : memref<200x4x32x8x128xf32, #tpu.memory_space<hbm>> -> memref<1x4x1x8x128xf32, #tpu.memory_space<hbm>>
    %dma_wait3A_153 = tpu.memref_squeeze %dma_wait3A_152 : memref<1x4x1x8x128xf32, #tpu.memory_space<hbm>> -> memref<4x8x128xf32, #tpu.memory_space<hbm>>
    %dma_wait3A_154 = arith.constant 0 : i32
    %dma_wait3A_155 = arith.constant 0 : i32
    %dma_wait3A_156 = arith.constant 0 : i32
    %dma_wait3A_157 = tpu.memref_slice %arg5[%dma_wait3A_144, %dma_wait3A_154, %add3A, %dma_wait3A_155, %dma_wait3A_156] : memref<200x4x32x8x128xf32, #tpu.memory_space<hbm>> -> memref<1x4x1x8x128xf32, #tpu.memory_space<hbm>>
    %dma_wait3A_158 = tpu.memref_squeeze %dma_wait3A_157 : memref<1x4x1x8x128xf32, #tpu.memory_space<hbm>> -> memref<4x8x128xf32, #tpu.memory_space<hbm>>
    %dma_wait3A_159 = arith.constant 0 : i32
    %dma_wait3A_160 = arith.constant 0 : i32
    %dma_wait3A_161 = arith.constant 0 : i32
    %dma_wait3A_162 = tpu.memref_slice %arg20[%dma_wait3A_159, %dma_wait3A_160, %dma_wait3A_161] : memref<4x8x129xf32, #tpu.memory_space<vmem>> -> memref<4x8x128xf32, #tpu.memory_space<vmem>>
    tpu.wait_dma2 semaphore(%arg40 : memref<!tpu.dma_semaphore, #tpu.memory_space<semaphore_mem>>) src(%dma_wait3A_162 : memref<4x8x128xf32, #tpu.memory_space<vmem>>) dst(%dma_wait3A_158 : memref<4x8x128xf32, #tpu.memory_space<hbm>>)
    %dma_wait3A_163 = arith.constant 193 : i32
    %dma_wait3A_164 = arith.constant 0 : i32
    %dma_wait3A_165 = arith.constant 0 : i32
    %dma_wait3A_166 = arith.constant 0 : i32
    %dma_wait3A_167 = tpu.memref_slice %arg21[%dma_wait3A_164, %dma_wait3A_165, %dma_wait3A_166] : memref<4x8x129xf32, #tpu.memory_space<vmem>> -> memref<4x8x128xf32, #tpu.memory_space<vmem>>
    %dma_wait3A_168 = arith.constant 0 : i32
    %dma_wait3A_169 = arith.constant 0 : i32
    %dma_wait3A_170 = arith.constant 0 : i32
    %dma_wait3A_171 = tpu.memref_slice %arg5[%dma_wait3A_163, %dma_wait3A_168, %add3A, %dma_wait3A_169, %dma_wait3A_170] : memref<200x4x32x8x128xf32, #tpu.memory_space<hbm>> -> memref<1x4x1x8x128xf32, #tpu.memory_space<hbm>>
    %dma_wait3A_172 = tpu.memref_squeeze %dma_wait3A_171 : memref<1x4x1x8x128xf32, #tpu.memory_space<hbm>> -> memref<4x8x128xf32, #tpu.memory_space<hbm>>
    %dma_wait3A_173 = arith.constant 0 : i32
    %dma_wait3A_174 = arith.constant 0 : i32
    %dma_wait3A_175 = arith.constant 0 : i32
    %dma_wait3A_176 = tpu.memref_slice %arg5[%dma_wait3A_163, %dma_wait3A_173, %add3A, %dma_wait3A_174, %dma_wait3A_175] : memref<200x4x32x8x128xf32, #tpu.memory_space<hbm>> -> memref<1x4x1x8x128xf32, #tpu.memory_space<hbm>>
    %dma_wait3A_177 = tpu.memref_squeeze %dma_wait3A_176 : memref<1x4x1x8x128xf32, #tpu.memory_space<hbm>> -> memref<4x8x128xf32, #tpu.memory_space<hbm>>
    %dma_wait3A_178 = arith.constant 0 : i32
    %dma_wait3A_179 = arith.constant 0 : i32
    %dma_wait3A_180 = arith.constant 0 : i32
    %dma_wait3A_181 = tpu.memref_slice %arg21[%dma_wait3A_178, %dma_wait3A_179, %dma_wait3A_180] : memref<4x8x129xf32, #tpu.memory_space<vmem>> -> memref<4x8x128xf32, #tpu.memory_space<vmem>>
    tpu.wait_dma2 semaphore(%arg41 : memref<!tpu.dma_semaphore, #tpu.memory_space<semaphore_mem>>) src(%dma_wait3A_181 : memref<4x8x128xf32, #tpu.memory_space<vmem>>) dst(%dma_wait3A_177 : memref<4x8x128xf32, #tpu.memory_space<hbm>>)
    %dma_wait3A_182 = arith.constant 194 : i32
    %dma_wait3A_183 = arith.constant 0 : i32
    %dma_wait3A_184 = arith.constant 0 : i32
    %dma_wait3A_185 = arith.constant 0 : i32
    %dma_wait3A_186 = tpu.memref_slice %arg22[%dma_wait3A_183, %dma_wait3A_184, %dma_wait3A_185] : memref<4x8x129xf32, #tpu.memory_space<vmem>> -> memref<4x8x128xf32, #tpu.memory_space<vmem>>
    %dma_wait3A_187 = arith.constant 0 : i32
    %dma_wait3A_188 = arith.constant 0 : i32
    %dma_wait3A_189 = arith.constant 0 : i32
    %dma_wait3A_190 = tpu.memref_slice %arg5[%dma_wait3A_182, %dma_wait3A_187, %add3A, %dma_wait3A_188, %dma_wait3A_189] : memref<200x4x32x8x128xf32, #tpu.memory_space<hbm>> -> memref<1x4x1x8x128xf32, #tpu.memory_space<hbm>>
    %dma_wait3A_191 = tpu.memref_squeeze %dma_wait3A_190 : memref<1x4x1x8x128xf32, #tpu.memory_space<hbm>> -> memref<4x8x128xf32, #tpu.memory_space<hbm>>
    %dma_wait3A_192 = arith.constant 0 : i32
    %dma_wait3A_193 = arith.constant 0 : i32
    %dma_wait3A_194 = arith.constant 0 : i32
    %dma_wait3A_195 = tpu.memref_slice %arg5[%dma_wait3A_182, %dma_wait3A_192, %add3A, %dma_wait3A_193, %dma_wait3A_194] : memref<200x4x32x8x128xf32, #tpu.memory_space<hbm>> -> memref<1x4x1x8x128xf32, #tpu.memory_space<hbm>>
    %dma_wait3A_196 = tpu.memref_squeeze %dma_wait3A_195 : memref<1x4x1x8x128xf32, #tpu.memory_space<hbm>> -> memref<4x8x128xf32, #tpu.memory_space<hbm>>
    %dma_wait3A_197 = arith.constant 0 : i32
    %dma_wait3A_198 = arith.constant 0 : i32
    %dma_wait3A_199 = arith.constant 0 : i32
    %dma_wait3A_200 = tpu.memref_slice %arg22[%dma_wait3A_197, %dma_wait3A_198, %dma_wait3A_199] : memref<4x8x129xf32, #tpu.memory_space<vmem>> -> memref<4x8x128xf32, #tpu.memory_space<vmem>>
    tpu.wait_dma2 semaphore(%arg42 : memref<!tpu.dma_semaphore, #tpu.memory_space<semaphore_mem>>) src(%dma_wait3A_200 : memref<4x8x128xf32, #tpu.memory_space<vmem>>) dst(%dma_wait3A_196 : memref<4x8x128xf32, #tpu.memory_space<hbm>>)
    %dma_wait3A_201 = arith.constant 195 : i32
    %dma_wait3A_202 = arith.constant 0 : i32
    %dma_wait3A_203 = arith.constant 0 : i32
    %dma_wait3A_204 = arith.constant 0 : i32
    %dma_wait3A_205 = tpu.memref_slice %arg23[%dma_wait3A_202, %dma_wait3A_203, %dma_wait3A_204] : memref<4x8x129xf32, #tpu.memory_space<vmem>> -> memref<4x8x128xf32, #tpu.memory_space<vmem>>
    %dma_wait3A_206 = arith.constant 0 : i32
    %dma_wait3A_207 = arith.constant 0 : i32
    %dma_wait3A_208 = arith.constant 0 : i32
    %dma_wait3A_209 = tpu.memref_slice %arg5[%dma_wait3A_201, %dma_wait3A_206, %add3A, %dma_wait3A_207, %dma_wait3A_208] : memref<200x4x32x8x128xf32, #tpu.memory_space<hbm>> -> memref<1x4x1x8x128xf32, #tpu.memory_space<hbm>>
    %dma_wait3A_210 = tpu.memref_squeeze %dma_wait3A_209 : memref<1x4x1x8x128xf32, #tpu.memory_space<hbm>> -> memref<4x8x128xf32, #tpu.memory_space<hbm>>
    %dma_wait3A_211 = arith.constant 0 : i32
    %dma_wait3A_212 = arith.constant 0 : i32
    %dma_wait3A_213 = arith.constant 0 : i32
    %dma_wait3A_214 = tpu.memref_slice %arg5[%dma_wait3A_201, %dma_wait3A_211, %add3A, %dma_wait3A_212, %dma_wait3A_213] : memref<200x4x32x8x128xf32, #tpu.memory_space<hbm>> -> memref<1x4x1x8x128xf32, #tpu.memory_space<hbm>>
    %dma_wait3A_215 = tpu.memref_squeeze %dma_wait3A_214 : memref<1x4x1x8x128xf32, #tpu.memory_space<hbm>> -> memref<4x8x128xf32, #tpu.memory_space<hbm>>
    %dma_wait3A_216 = arith.constant 0 : i32
    %dma_wait3A_217 = arith.constant 0 : i32
    %dma_wait3A_218 = arith.constant 0 : i32
    %dma_wait3A_219 = tpu.memref_slice %arg23[%dma_wait3A_216, %dma_wait3A_217, %dma_wait3A_218] : memref<4x8x129xf32, #tpu.memory_space<vmem>> -> memref<4x8x128xf32, #tpu.memory_space<vmem>>
    tpu.wait_dma2 semaphore(%arg43 : memref<!tpu.dma_semaphore, #tpu.memory_space<semaphore_mem>>) src(%dma_wait3A_219 : memref<4x8x128xf32, #tpu.memory_space<vmem>>) dst(%dma_wait3A_215 : memref<4x8x128xf32, #tpu.memory_space<hbm>>)
    %dma_wait3A_220 = arith.constant 196 : i32
    %dma_wait3A_221 = arith.constant 0 : i32
    %dma_wait3A_222 = arith.constant 0 : i32
    %dma_wait3A_223 = arith.constant 0 : i32
    %dma_wait3A_224 = tpu.memref_slice %arg24[%dma_wait3A_221, %dma_wait3A_222, %dma_wait3A_223] : memref<4x8x129xf32, #tpu.memory_space<vmem>> -> memref<4x8x128xf32, #tpu.memory_space<vmem>>
    %dma_wait3A_225 = arith.constant 0 : i32
    %dma_wait3A_226 = arith.constant 0 : i32
    %dma_wait3A_227 = arith.constant 0 : i32
    %dma_wait3A_228 = tpu.memref_slice %arg5[%dma_wait3A_220, %dma_wait3A_225, %add3A, %dma_wait3A_226, %dma_wait3A_227] : memref<200x4x32x8x128xf32, #tpu.memory_space<hbm>> -> memref<1x4x1x8x128xf32, #tpu.memory_space<hbm>>
    %dma_wait3A_229 = tpu.memref_squeeze %dma_wait3A_228 : memref<1x4x1x8x128xf32, #tpu.memory_space<hbm>> -> memref<4x8x128xf32, #tpu.memory_space<hbm>>
    %dma_wait3A_230 = arith.constant 0 : i32
    %dma_wait3A_231 = arith.constant 0 : i32
    %dma_wait3A_232 = arith.constant 0 : i32
    %dma_wait3A_233 = tpu.memref_slice %arg5[%dma_wait3A_220, %dma_wait3A_230, %add3A, %dma_wait3A_231, %dma_wait3A_232] : memref<200x4x32x8x128xf32, #tpu.memory_space<hbm>> -> memref<1x4x1x8x128xf32, #tpu.memory_space<hbm>>
    %dma_wait3A_234 = tpu.memref_squeeze %dma_wait3A_233 : memref<1x4x1x8x128xf32, #tpu.memory_space<hbm>> -> memref<4x8x128xf32, #tpu.memory_space<hbm>>
    %dma_wait3A_235 = arith.constant 0 : i32
    %dma_wait3A_236 = arith.constant 0 : i32
    %dma_wait3A_237 = arith.constant 0 : i32
    %dma_wait3A_238 = tpu.memref_slice %arg24[%dma_wait3A_235, %dma_wait3A_236, %dma_wait3A_237] : memref<4x8x129xf32, #tpu.memory_space<vmem>> -> memref<4x8x128xf32, #tpu.memory_space<vmem>>
    tpu.wait_dma2 semaphore(%arg44 : memref<!tpu.dma_semaphore, #tpu.memory_space<semaphore_mem>>) src(%dma_wait3A_238 : memref<4x8x128xf32, #tpu.memory_space<vmem>>) dst(%dma_wait3A_234 : memref<4x8x128xf32, #tpu.memory_space<hbm>>)
    %dma_wait3A_239 = arith.constant 197 : i32
    %dma_wait3A_240 = arith.constant 0 : i32
    %dma_wait3A_241 = arith.constant 0 : i32
    %dma_wait3A_242 = arith.constant 0 : i32
    %dma_wait3A_243 = tpu.memref_slice %arg25[%dma_wait3A_240, %dma_wait3A_241, %dma_wait3A_242] : memref<4x8x129xf32, #tpu.memory_space<vmem>> -> memref<4x8x128xf32, #tpu.memory_space<vmem>>
    %dma_wait3A_244 = arith.constant 0 : i32
    %dma_wait3A_245 = arith.constant 0 : i32
    %dma_wait3A_246 = arith.constant 0 : i32
    %dma_wait3A_247 = tpu.memref_slice %arg5[%dma_wait3A_239, %dma_wait3A_244, %add3A, %dma_wait3A_245, %dma_wait3A_246] : memref<200x4x32x8x128xf32, #tpu.memory_space<hbm>> -> memref<1x4x1x8x128xf32, #tpu.memory_space<hbm>>
    %dma_wait3A_248 = tpu.memref_squeeze %dma_wait3A_247 : memref<1x4x1x8x128xf32, #tpu.memory_space<hbm>> -> memref<4x8x128xf32, #tpu.memory_space<hbm>>
    %dma_wait3A_249 = arith.constant 0 : i32
    %dma_wait3A_250 = arith.constant 0 : i32
    %dma_wait3A_251 = arith.constant 0 : i32
    %dma_wait3A_252 = tpu.memref_slice %arg5[%dma_wait3A_239, %dma_wait3A_249, %add3A, %dma_wait3A_250, %dma_wait3A_251] : memref<200x4x32x8x128xf32, #tpu.memory_space<hbm>> -> memref<1x4x1x8x128xf32, #tpu.memory_space<hbm>>
    %dma_wait3A_253 = tpu.memref_squeeze %dma_wait3A_252 : memref<1x4x1x8x128xf32, #tpu.memory_space<hbm>> -> memref<4x8x128xf32, #tpu.memory_space<hbm>>
    %dma_wait3A_254 = arith.constant 0 : i32
    %dma_wait3A_255 = arith.constant 0 : i32
    %dma_wait3A_256 = arith.constant 0 : i32
    %dma_wait3A_257 = tpu.memref_slice %arg25[%dma_wait3A_254, %dma_wait3A_255, %dma_wait3A_256] : memref<4x8x129xf32, #tpu.memory_space<vmem>> -> memref<4x8x128xf32, #tpu.memory_space<vmem>>
    tpu.wait_dma2 semaphore(%arg45 : memref<!tpu.dma_semaphore, #tpu.memory_space<semaphore_mem>>) src(%dma_wait3A_257 : memref<4x8x128xf32, #tpu.memory_space<vmem>>) dst(%dma_wait3A_253 : memref<4x8x128xf32, #tpu.memory_space<hbm>>)
    %dma_wait3A_258 = arith.constant 198 : i32
    %dma_wait3A_259 = arith.constant 0 : i32
    %dma_wait3A_260 = arith.constant 0 : i32
    %dma_wait3A_261 = arith.constant 0 : i32
    %dma_wait3A_262 = tpu.memref_slice %arg26[%dma_wait3A_259, %dma_wait3A_260, %dma_wait3A_261] : memref<4x8x129xf32, #tpu.memory_space<vmem>> -> memref<4x8x128xf32, #tpu.memory_space<vmem>>
    %dma_wait3A_263 = arith.constant 0 : i32
    %dma_wait3A_264 = arith.constant 0 : i32
    %dma_wait3A_265 = arith.constant 0 : i32
    %dma_wait3A_266 = tpu.memref_slice %arg5[%dma_wait3A_258, %dma_wait3A_263, %add3A, %dma_wait3A_264, %dma_wait3A_265] : memref<200x4x32x8x128xf32, #tpu.memory_space<hbm>> -> memref<1x4x1x8x128xf32, #tpu.memory_space<hbm>>
    %dma_wait3A_267 = tpu.memref_squeeze %dma_wait3A_266 : memref<1x4x1x8x128xf32, #tpu.memory_space<hbm>> -> memref<4x8x128xf32, #tpu.memory_space<hbm>>
    %dma_wait3A_268 = arith.constant 0 : i32
    %dma_wait3A_269 = arith.constant 0 : i32
    %dma_wait3A_270 = arith.constant 0 : i32
    %dma_wait3A_271 = tpu.memref_slice %arg5[%dma_wait3A_258, %dma_wait3A_268, %add3A, %dma_wait3A_269, %dma_wait3A_270] : memref<200x4x32x8x128xf32, #tpu.memory_space<hbm>> -> memref<1x4x1x8x128xf32, #tpu.memory_space<hbm>>
    %dma_wait3A_272 = tpu.memref_squeeze %dma_wait3A_271 : memref<1x4x1x8x128xf32, #tpu.memory_space<hbm>> -> memref<4x8x128xf32, #tpu.memory_space<hbm>>
    %dma_wait3A_273 = arith.constant 0 : i32
    %dma_wait3A_274 = arith.constant 0 : i32
    %dma_wait3A_275 = arith.constant 0 : i32
    %dma_wait3A_276 = tpu.memref_slice %arg26[%dma_wait3A_273, %dma_wait3A_274, %dma_wait3A_275] : memref<4x8x129xf32, #tpu.memory_space<vmem>> -> memref<4x8x128xf32, #tpu.memory_space<vmem>>
    tpu.wait_dma2 semaphore(%arg46 : memref<!tpu.dma_semaphore, #tpu.memory_space<semaphore_mem>>) src(%dma_wait3A_276 : memref<4x8x128xf32, #tpu.memory_space<vmem>>) dst(%dma_wait3A_272 : memref<4x8x128xf32, #tpu.memory_space<hbm>>)
    %dma_wait3A_277 = arith.constant 199 : i32
    %dma_wait3A_278 = arith.constant 0 : i32
    %dma_wait3A_279 = arith.constant 0 : i32
    %dma_wait3A_280 = arith.constant 0 : i32
    %dma_wait3A_281 = tpu.memref_slice %arg27[%dma_wait3A_278, %dma_wait3A_279, %dma_wait3A_280] : memref<4x8x129xf32, #tpu.memory_space<vmem>> -> memref<4x8x128xf32, #tpu.memory_space<vmem>>
    %dma_wait3A_282 = arith.constant 0 : i32
    %dma_wait3A_283 = arith.constant 0 : i32
    %dma_wait3A_284 = arith.constant 0 : i32
    %dma_wait3A_285 = tpu.memref_slice %arg5[%dma_wait3A_277, %dma_wait3A_282, %add3A, %dma_wait3A_283, %dma_wait3A_284] : memref<200x4x32x8x128xf32, #tpu.memory_space<hbm>> -> memref<1x4x1x8x128xf32, #tpu.memory_space<hbm>>
    %dma_wait3A_286 = tpu.memref_squeeze %dma_wait3A_285 : memref<1x4x1x8x128xf32, #tpu.memory_space<hbm>> -> memref<4x8x128xf32, #tpu.memory_space<hbm>>
    %dma_wait3A_287 = arith.constant 0 : i32
    %dma_wait3A_288 = arith.constant 0 : i32
    %dma_wait3A_289 = arith.constant 0 : i32
    %dma_wait3A_290 = tpu.memref_slice %arg5[%dma_wait3A_277, %dma_wait3A_287, %add3A, %dma_wait3A_288, %dma_wait3A_289] : memref<200x4x32x8x128xf32, #tpu.memory_space<hbm>> -> memref<1x4x1x8x128xf32, #tpu.memory_space<hbm>>
    %dma_wait3A_291 = tpu.memref_squeeze %dma_wait3A_290 : memref<1x4x1x8x128xf32, #tpu.memory_space<hbm>> -> memref<4x8x128xf32, #tpu.memory_space<hbm>>
    %dma_wait3A_292 = arith.constant 0 : i32
    %dma_wait3A_293 = arith.constant 0 : i32
    %dma_wait3A_294 = arith.constant 0 : i32
    %dma_wait3A_295 = tpu.memref_slice %arg27[%dma_wait3A_292, %dma_wait3A_293, %dma_wait3A_294] : memref<4x8x129xf32, #tpu.memory_space<vmem>> -> memref<4x8x128xf32, #tpu.memory_space<vmem>>
    tpu.wait_dma2 semaphore(%arg47 : memref<!tpu.dma_semaphore, #tpu.memory_space<semaphore_mem>>) src(%dma_wait3A_295 : memref<4x8x128xf32, #tpu.memory_space<vmem>>) dst(%dma_wait3A_291 : memref<4x8x128xf32, #tpu.memory_space<hbm>>)
    return
  }
}

</mosaic_0001>

<sc_bundles>
// kernel: _seq_embed.3.cloned.1.call-start
scs
__scs_entry_jumppad:
0x0: {  	(pc) =	sbr.rel $0x88, $3  }
0x1: {  	(tag) =	ssettag $0x0;
	lr =	simm.s32 $0x1  }
0x2: {  	[smem:$0x3F9E] =	sst lr;
	_ =	strace $0xD0000000  }
0x3: {  	_ = 	snop  }
0x4: {  	_ = 	snop  }
0x5: {  	_ = 	snop  }
0x6: {  	_ = 	snop  }
0x7: {  	_ = 	snop  }
__scs_overlays_trampoline_lowered:
0x8: {  	[smem:$0x3FAD] =	sst s0  }
0x9: {  	[smem:$0x3FAE] =	sst s1  }
0xa: {  	[smem:$0x3FAF] =	sst s2  }
0xb: {  	[smem:$0x3FB0] =	sst s3  }
0xc: {  	[smem:$0x3FB1] =	sst s4  }
0xd: {  	[smem:$0x3FB2] =	sst s5  }
0xe: {  	[smem:$0x3FB3] =	sst s6  }
0xf: {  	[smem:$0x3FB4] =	sst s7  }
0x10: {  	[smem:$0x3FB5] =	sst s8  }
0x11: {  	[smem:$0x3FB6] =	sst s9;
	s0 =	simm.s32 @!p0 $0x0  }
0x12: {  	s1 =	sld [smem:$0x3F9C];
	s0 =	simm.s32 @p0 $0x1  }
0x13: {  	[smem:$0x3FB7] =	sst s0;
	s0 =	simm.s32 @!p1 $0x0  }
0x14: {  	s2 =	sld [smem:$0x3F9B];
	s0 =	simm.s32 @p1 $0x1  }
0x15: {  	[smem:$0x3FB8] =	sst s0;
	s0 =	simm.s32 @!p2 $0x0  }
0x16: {  	s3 =	sld [smem:$0x3FDB];
	s0 =	simm.s32 @p2 $0x1  }
0x17: {  	s4 =	simm.s32 $0x1BF5;
	[smem:$0x3FBA] =	sst s0  }
0x18: {  	s0 =	sld [smem:$0x3F9D];
	_ =	swait.ge [sflag:s4], $0x0  }
0x19: {  	s7 =	sld [smem:$0x3F9E]  }
0x1a: {  	s8 =	sadd.s32 $0xFFFFE003, lr  }
0x1b: {  	s9 =	sadd.s32 $0xFFFFFEF7, lr;
	s5 =	simm.s32 $0xFFFFFFFF;
	p2 =	slt.u32 s8, $0xFFFFF086  }
0x1c: {  	p1 =	slt.u32 s9, $0xF7A;
	s5 =	simm.s32 @!p2 $0x0  }
0x1d: {  	s5 =	simm.s32 @p1 $0x1;
	p0 =	seq.s32 s7, s2  }
0x1e: {  	s7 =	smul.u32 @!p0 $0xF7A, s2;
	p2 =	seq.s32 @!p0 s5, $0x0  }
0x1f: {  	s9 =	smul.u32 $0xF7A, s1;
	s8 =	simm.s32 @!p0 $0x1BF5;
	p2 =	por !p2, p0  }
0x20: {  	[sflag:s8] =	ssyncset.s32 @!p0 $0xFFFFF086;
	s6 =	sadd.s32 @!p0 s3, s7;
	s7 =	simm.s32 @!p0 $0x108  }
0x21: {  	s3 =	sadd.s32 s3, s9;
	s6 =	sadd.s32 @!p0 $0x88, s6;
	s7 =	simm.s32 @p2 $0x1082  }
0x22: {  	[simem:s7], [sflag:s8] =	dma.local @!p0 [hbm:s6], $0xF7A  }
0x23: {  	s9 =	sor.u32 $0xD0000000, s2;
	s6 =	simm.s32 $0x108;
	_ =	swait.ge @!p0 [sflag:s8], $0x0  }
0x24: {  	s3 =	sadd.s32 $0x88, s3;
	s6 =	simm.s32 @!p1 $0x1082;
	[sflag:s4] =	ssyncset.s32 $0xFFFFF086  }
0x25: {  	[simem:s6], [sflag:s4] =	dma.local [hbm:s3], $0xF7A  }
0x26: {  	[smem:$0x3F9E] =	sst s1;
	(tag) =	ssettag s2;
	_ =	strace s9  }
0x27: {  	s1 =	sld [smem:$0x3FAE]  }
0x28: {  	s2 =	sld [smem:$0x3FAF]  }
0x29: {  	s4 =	sld [smem:$0x3FB1]  }
0x2a: {  	p0 =	seq.s32 s5, $0x0;
	s5 =	sld [smem:$0x3FB2]  }
0x2b: {  	s6 =	sld [smem:$0x3FB3]  }
0x2c: {  	s7 =	sld [smem:$0x3FB4]  }
0x2d: {  	s3 =	simm.s32 $0x108;
	s8 =	sld [smem:$0x3FB5]  }
0x2e: {  	s3 =	simm.s32 @!p0 $0x1082;
	s9 =	sld [smem:$0x3FB6]  }
0x2f: {  	lr =	sadd.s32 s0, s3;
	s0 =	sld [smem:$0x3FAD]  }
0x30: {  	s3 =	sld [smem:$0x3FB0]  }
0x31: {  	[smem:$0x3FB9] =	sst s10  }
0x32: {  	s10 =	sld [smem:$0x3FB7];
	_ =	sdelay $0x3  }
0x33: {  	p0 =	seq.s32 s10, $0x1;
	s10 =	sld [smem:$0x3FB9];
	_ =	sdelay $0x3  }
0x34: {  	[smem:$0x3FB9] =	sst s10  }
0x35: {  	s10 =	sld [smem:$0x3FB8];
	_ =	sdelay $0x3  }
0x36: {  	p1 =	seq.s32 s10, $0x1;
	s10 =	sld [smem:$0x3FB9];
	_ =	sdelay $0x3  }
0x37: {  	[smem:$0x3FB9] =	sst s10  }
0x38: {  	s10 =	sld [smem:$0x3FBA]  }
0x39: {  	_ = 	snop;
	(pc) =	sbr.ind lr, $3  }
0x3a: {  	_ = 	snop  }
0x3b: {  	_ = 	snop  }
0x3c: {  	p2 =	seq.s32 s10, $0x1;
	s10 =	sld [smem:$0x3FB9]  }
0x3d: {  	_ =	shalt  }
0x3e: {  	_ =	shalt  }
0x3f: {  	_ =	shalt  }
0x40: {  	_ =	shalt  }
0x41: {  	_ =	shalt  }
0x42: {  	_ =	shalt  }
0x43: {  	_ =	shalt  }
0x44: {  	_ =	shalt  }
0x45: {  	_ =	shalt  }
0x46: {  	_ =	shalt  }
0x47: {  	_ =	shalt  }
0x48: {  	_ =	shalt  }
0x49: {  	_ =	shalt  }
0x4a: {  	_ =	shalt  }
0x4b: {  	_ =	shalt  }
0x4c: {  	_ =	shalt  }
0x4d: {  	_ =	shalt  }
0x4e: {  	_ =	shalt  }
0x4f: {  	_ =	shalt  }
0x50: {  	_ =	shalt  }
0x51: {  	_ =	shalt  }
0x52: {  	_ =	shalt  }
0x53: {  	_ =	shalt  }
0x54: {  	_ =	shalt  }
0x55: {  	_ =	shalt  }
0x56: {  	_ =	shalt  }
0x57: {  	_ =	shalt  }
0x58: {  	_ =	shalt  }
0x59: {  	_ =	shalt  }
0x5a: {  	_ =	shalt  }
0x5b: {  	_ =	shalt  }
0x5c: {  	_ =	shalt  }
0x5d: {  	_ =	shalt  }
0x5e: {  	_ =	shalt  }
0x5f: {  	_ =	shalt  }
0x60: {  	_ =	shalt  }
0x61: {  	_ =	shalt  }
0x62: {  	_ =	shalt  }
0x63: {  	_ =	shalt  }
0x64: {  	_ =	shalt  }
0x65: {  	_ =	shalt  }
0x66: {  	_ =	shalt  }
0x67: {  	_ =	shalt  }
0x68: {  	_ =	shalt  }
0x69: {  	_ =	shalt  }
0x6a: {  	_ =	shalt  }
0x6b: {  	_ =	shalt  }
0x6c: {  	_ =	shalt  }
0x6d: {  	_ =	shalt  }
0x6e: {  	_ =	shalt  }
0x6f: {  	_ =	shalt  }
0x70: {  	_ =	shalt  }
0x71: {  	_ =	shalt  }
0x72: {  	_ =	shalt  }
0x73: {  	_ =	shalt  }
0x74: {  	_ =	shalt  }
0x75: {  	_ =	shalt  }
0x76: {  	_ =	shalt  }
0x77: {  	_ =	shalt  }
0x78: {  	_ =	shalt  }
0x79: {  	_ =	shalt  }
0x7a: {  	_ =	shalt  }
0x7b: {  	_ =	shalt  }
0x7c: {  	_ =	shalt  }
0x7d: {  	_ =	shalt  }
0x7e: {  	_ =	shalt  }
0x7f: {  	_ =	shalt  }
0x80: {  	_ =	shalt  }
0x81: {  	_ =	shalt  }
0x82: {  	_ =	shalt  }
0x83: {  	_ =	shalt  }
0x84: {  	_ =	shalt  }
0x85: {  	_ =	shalt  }
0x86: {  	_ =	shalt  }
0x87: {  	_ =	shalt  }
.Lfunc_end0:
.L_simem_size_0:
called_computation_lowered:
.L_overlay_start_0:
0x88: {  	s2 =	sld [smem:$0x3FD9]  }
0x89: {  	s3 =	sld [smem:$0x3FFE];
	_ =	sdelay $0x1  }
0x8a: {  	s1 =	srdreg.scid  }
0x8b: {  	s0 =	sand.u32 $0x1, s1  }
0x8c: {  	s17 =	sshll.u32 s0, $0xA;
	s2 =	sadd.s32 s3, s2  }
0x8d: {  	s2 =	sadd.s32 s2, s17  }
0x8e: {  	[smem:$0x3FC5] =	sst s2  }
0x8f: {  	_ = 	snop  }
0x90: {  	s2 =	sld [smem:$0x3FC9]  }
0x91: {  	s18 =	sld [smem:$0x3FD0];
	(tm) =	ssettm $0x1  }
0x92: {  	s4 =	sld [smem:$0x3FFB];
	_ =	sdelay $0x3  }
0x93: {  	_ =	strace s4  }
0x94: {  	s4 =	sld [smem:$0x3FFC];
	_ =	sdelay $0x3  }
0x95: {  	_ =	strace s4  }
0x96: {  	s4 =	sld [smem:$0x3FFD];
	_ =	sdelay $0x3  }
0x97: {  	_ =	strace s4  }
0x98: {  	_ =	strace $0x8FFFFFFF  }
0x99: {  	s19 =	sld [smem:$0x3FDB];
	_ =	sdelay $0x1  }
0x9a: {  	s5 =	simm.s32 $_scs_section_size  }
0x9b: {  	s6 =	simm.s32 $_size__tile_overlayer_lowered;
	s7 =	simm.s32 $_tile_overlayer_lowered  }
0x9c: {  	s22 =	simm.s32 $0x1BFF;
	s21 =	sshll.u32 s7, $0x1;
	s4 =	sadd.s32 s5, s19  }
0x9d: {  	s8 =	simm.s32 $0x0;
	s20 =	sshll.u32 s6, $0x1;
	s6 =	sadd.s32 s21, s4  }
0x9e: {  	[timem:s8], [sflag:s22] =	dma.local [hbm:s6], s20  }
0x9f: {  	_ =	swait.ge [sflag:s22], s20  }
0xa0: {  	s5 =	ssub.s32 $0x0, s20;
	[sflag:s22] =	ssyncset.done $0x0  }
0xa1: {  	[sflag:s22] =	ssyncadd.s32 s5;
	_ =	sdelay $0x1  }
0xa2: {  	s23 =	simm.s32 $0x1B8B  }
0xa3: {  	_ =	swait.ge [sflag:s23], $0x1  }
0xa4: {  	[sflag:s23] =	ssyncset.done $0x0  }
0xa5: {  	s25 =	simm.s32 $0x1B8E;
	s24 =	sld [smem:$0x3FFE];
	[sflag:s23] =	ssyncadd.s32 $0xFFFFFFFF  }
0xa6: {  	s26 =	simm.s32 $execute0_lowered;
	[smem:$0x3FD2] =	sst s25  }
0xa7: {  	s6 =	sshll.u32 s26, $0x1;
	_ =	strace $0x80000046;
	[dreg:$0x1] =	wrdreg $0xFFFFFFFF  }
0xa8: {  	s28 =	simm.s32 $_size_execute0_lowered;
	s4 =	sadd.s32 s4, s6;
	[dreg:$0x0] =	wrdreg $0x0  }
0xa9: {  	s6 =	sshll.u32 s28, $0x1;
	[dreg:$0x2] =	wrdreg s4  }
0xaa: {  	[dreg:$0x3] =	wrdreg s6  }
0xab: {  	[dreg:$0x4] =	wrdreg $0xC0  }
0xac: {  	_ =	task [dreg:s8], $0x5FFFF  }
0xad: {  	[dreg:$0x1] =	wrdreg $0xFFFFFFFF  }
0xae: {  	[dreg:$0x0] =	wrdreg $0x60  }
0xaf: {  	[dreg:$0x2] =	wrdreg s2  }
0xb0: {  	[dreg:$0x3] =	wrdreg s24  }
0xb1: {  	[dreg:$0x4] =	wrdreg s18  }
0xb2: {  	[dreg:$0x5] =	wrdreg $0x9  }
0xb3: {  	_ =	task.clear_ibuf [dreg:s8], $0x6FFFF;
	_ =	strace $0x90000046  }
0xb4: {  	s29 =	simm.s32 $0x9;
	_ =	strace $0x80000048  }
0xb5: {  	_ =	swait.ge [sflag:s29], $0x1  }
0xb6: {  	[sflag:s29] =	ssyncadd.s32 $0xFFFFFFFF  }
0xb7: {  	_ =	strace $0x90000048  }
0xb8: {  	_ =	sfence  }
0xb9: {  	s30 =	sld [smem:$0x0];
	_ =	sdelay $0x2  }
0xba: {  	s31 =	sshll.u32 s1, $0xD;
	s1 =	sshrl.u32 s1, $0x2  }
0xbb: {  	s3 =	sand.u32 $0x4000, s31;
	s1 =	sadd.s32 s1, s30  }
0xbc: {  	s0 =	sor.u32 s3, s0;
	s1 =	sshll.u32 s1, $0x11  }
0xbd: {  	s0 =	sor.u32 s1, s0  }
0xbe: {  	s0 =	sadd.s32 $0x8F2B, s0  }
0xbf: {  	[sflag:s0] =	ssyncadd.remote.s32 $0x1  }
0xc0: {  	_ =	sfence.sel $0xFFFF  }
0xc1: {  	[dreg:$0x0] =	wrdreg $0xFFFFFFFF;
	(pc) =	sbr.abs _section_cstart, $3  }
0xc2: {  	[dreg:$0x1] =	wrdreg $0xFFFFFFFF  }
0xc3: {  	_ =	task.clear_ibuf [dreg:s8], $0x2FFFF;
	_ =	strace $0x9FFFFFFF  }
0xc4: {  	(tm) =	ssettm $0x7FFFFFFF  }
0xc5: {  	_ =	shalt  }
tec
execute0_lowered:
.L_overlay_start_1:
0x0: {  	(tag) =	ssettag $0x1  }
0x1: {  	s0 =	rddreg [dreg:$0x0]  }
0x2: {  	s2 =	rddreg [dreg:$0x1]  }
0x3: {  	s1 =	rddreg [dreg:$0x2];
	s3 =	simm.s32 $0x0;
	s4 =	srdreg.scid  }
0x4: {  	s5 =	stileid.u32;
	s13 =	simm.s32 $0x80;
	s28 =	simm.s32 $0x11D00  }
0x5: {  	s15 =	simm.s32 $0x12E00;
	s19 =	simm.s32 $0x15000;
	s11 =	simm.s32 $0x16100  }
0x6: {  	s12 =	simm.s32 $0x17200;
	s22 =	simm.s32 $0x18300;
	s20 =	simm.s32 $0x1A500  }
0x7: {  	s16 =	simm.s32 $0xA;
	s23 =	simm.s32 $0x1B600;
	v0 =	vlaneseq.u32;
	s10 =	simm.s32 $0x11  }
0x8: {  	v1 =	vimm.s32 $0x0;
	vm0 =	vcmask $0x300;
	[smem:$0x7FF] =	sst s3;
	s4 =	sand.u32 $0x1, s4;
	s5 =	sshll.u32 s5, $0xB;
	v0 =	vmul.u32 $0x88, v0  }
0x9: {  	v1 =	vsel vm0, $0x3, v1;
	_ =	strace $0x80000047;
	s6 =	ssub.s32 $0x2, s4;
	s7 =	sshll.u32 s4, $0xA  }
.Ltmp0:
0xa: {  	s4 =	sadd.s32 $0xF42A00, s2;
	s5 =	sor.u32 s7, s5;
	v2 =	vadd.s32 $0x880, v0;
	v3 =	vor.u32 $0x1, v0;
	v4 =	vadd.s32 $0x881, v0;
	(pc) =	sbr.rel .LBB2_1-.Ltmp0, $4  }
0xb: {  	s2 =	sadd.s32 $0x600, s2;
	s8 =	sshrl.u32 s6, $0x1;
	v5 =	vor.u32 $0x2, v0;
	v6 =	vadd.s32 $0x882, v0;
	v7 =	vor.u32 $0x3, v0;
	s30 =	sshrl.u32 s5, $0x3  }
0xc: {  	[dreg:$0x4] =	wrdreg s2;
	v8 =	vadd.s32 $0x883, v0;
	v9 =	vor.u32 $0x4, v0;
	v10 =	vadd.s32 $0x884, v0;
	s29 =	ssub.s32 s6, s8;
	s0 =	sadd.s32 s0, s30  }
0xd: {  	v11 =	vor.u32 $0x5, v0;
	v12 =	vadd.s32 $0x885, v0;
	v13 =	vor.u32 $0x6, v0;
	s7 =	simm.s32 $0x0;
	s31 =	smax.u32 s29, $0x1;
	[dreg:$0x5] =	wrdreg s0  }
0xe: {  	v14 =	vadd.s32 $0x886, v0;
	v15 =	vor.u32 $0x7, v0;
	v16 =	vadd.s32 $0x887, v0;
	s8 =	simm.s32 $0x13F00;
	[dreg:$0x6] =	wrdreg s31;
	s0 =	simm.s32 $0x19400  }
.LBB2_24:
0xf: {  	s2 =	simm.s32 $0xB  }
0x10: {  	_ =	swait.ge [sflag:s2], $0x1000  }
0x11: {  	[sflag:s2] =	ssyncset.done $0x0  }
0x12: {  	s18 =	simm.s32 $0xC;
	[sflag:s2] =	ssyncadd.s32 $0xFFFFF000  }
0x13: {  	_ =	swait.ge [sflag:s18], $0x1000  }
0x14: {  	[sflag:s18] =	ssyncset.done $0x0  }
0x15: {  	s21 =	simm.s32 $0xD;
	[sflag:s18] =	ssyncadd.s32 $0xFFFFF000  }
0x16: {  	_ =	swait.ge [sflag:s21], $0x1000  }
0x17: {  	[sflag:s21] =	ssyncset.done $0x0  }
0x18: {  	s24 =	simm.s32 $0xE;
	[sflag:s21] =	ssyncadd.s32 $0xFFFFF000  }
0x19: {  	_ =	swait.ge [sflag:s24], $0x1000  }
0x1a: {  	[sflag:s24] =	ssyncset.done $0x0  }
0x1b: {  	s25 =	simm.s32 $0xF;
	[sflag:s24] =	ssyncadd.s32 $0xFFFFF000  }
0x1c: {  	_ =	swait.ge [sflag:s25], $0x1000  }
0x1d: {  	[sflag:s25] =	ssyncset.done $0x0  }
0x1e: {  	s26 =	simm.s32 $0x10;
	[sflag:s25] =	ssyncadd.s32 $0xFFFFF000  }
0x1f: {  	_ =	swait.ge [sflag:s26], $0x1000  }
0x20: {  	[sflag:s26] =	ssyncset.done $0x0  }
0x21: {  	[sflag:s26] =	ssyncadd.s32 $0xFFFFF000  }
0x22: {  	_ =	swait.ge [sflag:s10], $0x1000  }
0x23: {  	[sflag:s10] =	ssyncset.done $0x0  }
0x24: {  	s29 =	simm.s32 $0x12;
	[sflag:s10] =	ssyncadd.s32 $0xFFFFF000  }
0x25: {  	_ =	swait.ge [sflag:s29], $0x1000  }
0x26: {  	[sflag:s29] =	ssyncset.done $0x0  }
0x27: {  	s30 =	simm.s32 $0x13;
	[sflag:s29] =	ssyncadd.s32 $0xFFFFF000  }
0x28: {  	_ =	swait.ge [sflag:s30], $0x1000  }
0x29: {  	[sflag:s30] =	ssyncset.done $0x0  }
0x2a: {  	s6 =	simm.s32 $0x14;
	[sflag:s30] =	ssyncadd.s32 $0xFFFFF000  }
0x2b: {  	_ =	swait.ge [sflag:s6], $0x1000  }
0x2c: {  	s7 =	rddreg [dreg:$0x7]  }
0x2d: {  	s31 =	rddreg [dreg:$0x6];
	s7 =	sadd.s32 $0x1, s7  }
0x2e: {  	p0 =	sne.s32 s7, s31  }
.Ltmp1:
0x2f: {  	_ = 	snop;
	(pc) =	sbr.rel @!p0 .LBB2_25-.Ltmp1, $3  }
0x30: {  	_ =	sdelay $0x1  }
0x31: {  	[sflag:s6] =	ssyncset.done $0x0  }
0x32: {  	[sflag:s6] =	ssyncadd.s32 $0xFFFFF000  }
.LBB2_1:
0x33: {  	[dreg:$0x7] =	wrdreg s7  }
0x34: {  	s2 =	rddreg [dreg:$0x4];
	s6 =	simm.s32 $0x6400;
	s26 =	simm.s32 $0x15  }
0x35: {  	[tilespmem:s6], [sflag:$0x15] =	stream.linear.gather [hbm4b:s2+s3], $0x1900, $0x38;
	[tilespmem:$0x1C700] =	vst v63  }
0x36: {  	_ =	swait.ge [sflag:s26], $0x1900  }
0x37: {  	s31 =	simm.s32 $0x400;
	[sflag:s26] =	ssyncset.done $0x0  }
0x38: {  	s9 =	simm.s32 $0x8000;
	s29 =	rddreg [dreg:$0x5];
	[sflag:s26] =	ssyncadd.s32 $0xFFFFE700  }
0x39: {  	[tilespmem:s3], [sflag:$0x15] =	stream.strided.gather [hbm4b:s29+s31], $0x6400, s9, s31, $0x38;
	[tilespmem:$0x1C700] =	vst v63  }
0x3a: {  	_ =	swait.ge [sflag:s26], $0x6400  }
0x3b: {  	[sflag:s26] =	ssyncset.done $0x0  }
0x3c: {  	s6 =	simm.s32 $0x7D00;
	[sflag:s26] =	ssyncadd.s32 $0xFFFF9C00  }
0x3d: {  	[tilespmem:s6], [sflag:$0x1] =	stream.indirect.gather [hbm4b:s4+s13], $0x20, s3, s13, $0xb8;
	[tilespmem:$0x1C700] =	vst v63  }
0x3e: {  	s7 =	simm.s32 $0x8D00  }
0x3f: {  	[tilespmem:s7], [sflag:$0x2] =	stream.indirect.gather [hbm4b:s4+s13], $0x20, s13, s13, $0xb8;
	[tilespmem:$0x1C700] =	vst v63  }
0x40: {  	s14 =	simm.s32 $0x9D00;
	s9 =	simm.s32 $0x100  }
0x41: {  	[tilespmem:s14], [sflag:$0x3] =	stream.indirect.gather [hbm4b:s4+s13], $0x20, s9, s13, $0xb8;
	[tilespmem:$0x1C700] =	vst v63  }
0x42: {  	s17 =	simm.s32 $0x180;
	s18 =	simm.s32 $0xAD00  }
0x43: {  	[tilespmem:s18], [sflag:$0x4] =	stream.indirect.gather [hbm4b:s4+s13], $0x20, s17, s13, $0xb8;
	[tilespmem:$0x1C700] =	vst v63  }
0x44: {  	s21 =	simm.s32 $0x200;
	s24 =	simm.s32 $0xBD00  }
0x45: {  	[tilespmem:s24], [sflag:$0x5] =	stream.indirect.gather [hbm4b:s4+s13], $0x20, s21, s13, $0xb8;
	[tilespmem:$0x1C700] =	vst v63  }
0x46: {  	s25 =	simm.s32 $0x280;
	s26 =	simm.s32 $0xCD00  }
0x47: {  	[tilespmem:s26], [sflag:$0x6] =	stream.indirect.gather [hbm4b:s4+s13], $0x20, s25, s13, $0xb8;
	[tilespmem:$0x1C700] =	vst v63  }
0x48: {  	s30 =	simm.s32 $0x0;
	s29 =	simm.s32 $0x300;
	s31 =	simm.s32 $0xDD00  }
0x49: {  	[tilespmem:s31], [sflag:$0x7] =	stream.indirect.gather [hbm4b:s4+s13], $0x20, s29, s13, $0xb8;
	[tilespmem:$0x1C700] =	vst v63  }
.LBB2_2:
0x4a: {  	s14 =	simm.s32 $0x1  }
0x4b: {  	s2 =	smul.u32 $0x500, s30;
	s6 =	simm.s32 $0x0;
	s7 =	simm.s32 $0x1  }
0x4c: {  	s29 =	simm.s32 $0x2;
	s31 =	simm.s32 $0x3;
	_ =	swait.ge [sflag:s14], $0x1000;
	v17 =	vmov s6  }
0x4d: {  	s9 =	simm.s32 $0x4;
	v19 =	vmov s7;
	v20 =	vmov s29;
	v21 =	vmov s31;
	s7 =	simm.s32 $0x5;
	[sflag:s14] =	ssyncset.done $0x0  }
0x4e: {  	v22 =	vmov s9;
	s9 =	simm.s32 $0x7;
	s2 =	sshra.s32 s2, $0x2;
	v18 =	vshrl.u32 v17, $0x3;
	v23 =	vmov s7;
	[sflag:s14] =	ssyncadd.s32 $0xFFFFF000  }
0x4f: {  	v24 =	vmov s9;
	v19 =	vshrl.u32 v19, $0x3;
	v20 =	vshrl.u32 v20, $0x3;
	v17 =	vld [tilespmem:s2+$0x6400]  }
0x50: {  	s6 =	simm.s32 $0x7D80;
	v21 =	vshrl.u32 v21, $0x3;
	v22 =	vshrl.u32 v22, $0x3;
	v26 =	vshll.u32 v18, v1;
	v18 =	vld [tilespmem:s2+$0x6410]  }
0x51: {  	v24 =	vshrl.u32 v24, $0x3;
	v23 =	vshrl.u32 v23, $0x3;
	v19 =	vshll.u32 v19, v1;
	v27 =	vld [tilespmem:s6+$0x60]  }
0x52: {  	v20 =	vshll.u32 v20, v1;
	v24 =	vshll.u32 v24, v1;
	v26 =	vbroadcast v26, $0x0;
	v29 =	vld [tilespmem:s6+$0xFFFFFF80]  }
0x53: {  	s14 =	simm.s32 $0x6;
	v21 =	vshll.u32 v21, v1;
	v22 =	vshll.u32 v22, v1;
	v28 =	vld [tilespmem:s6+$0x70];
	v24 =	vbroadcast v24, $0x0  }
0x54: {  	v25 =	vmov s14;
	v31 =	vld [tilespmem:s6+$0xFFFFFF90];
	v19 =	vbroadcast v19, $0x0;
	v32 =	vadd.s32 v0, v26  }
0x55: {  	v33 =	vld [tilespmem:s6+$0xFFFFFFA0];
	v23 =	vshll.u32 v23, v1;
	v20 =	vbroadcast v20, $0x0;
	v30 =	vadd.s32 v15, v24  }
0x56: {  	v34 =	vld [tilespmem:s6+$0xFFFFFFB0];
	v22 =	vbroadcast v22, $0x0;
	v25 =	vshrl.u32 v25, $0x3;
	v24 =	vadd.s32 v16, v24  }
0x57: {  	v36 =	vld [tilespmem:s6+$0xFFFFFFC0];
	v26 =	vadd.s32 v2, v26;
	v25 =	vshll.u32 v25, v1;
	v29 =	vadd.f32 v29, v17  }
0x58: {  	v37 =	vld [tilespmem:s6+$0xFFFFFFD0];
	v35 =	vadd.s32 v3, v19;
	v19 =	vadd.s32 v4, v19;
	v27 =	vadd.f32 v27, v17  }
0x59: {  	v60 =	vld [tilespmem:s6+$0x20];
	v59 =	vadd.s32 v9, v22;
	v28 =	vadd.f32 v28, v18;
	[tilespmem:v32+s28+$0x0] =	vst.idx.msk $0xffff, v29  }
0x5a: {  	v21 =	vbroadcast v21, $0x0;
	[tilespmem:v30+s28+$0x0] =	vst.idx.msk $0xffff, v27;
	v27 =	vadd.f32 v31, v18;
	v30 =	vadd.s32 v5, v20;
	v31 =	vld [tilespmem:s6+$0xFFFFFFE0]  }
0x5b: {  	v20 =	vadd.s32 v6, v20;
	[tilespmem:v24+s28+$0x0] =	vst.idx.msk $0xffff, v28;
	v24 =	vadd.f32 v33, v17;
	v28 =	vld [tilespmem:s6+$0xFFFFFFF0]  }
0x5c: {  	v23 =	vbroadcast v23, $0x0;
	v29 =	vld [tilespmem:s6+$0x0];
	[tilespmem:v26+s28+$0x0] =	vst.idx.msk $0xffff, v27;
	v26 =	vadd.f32 v34, v18;
	v27 =	vadd.s32 v7, v21  }
0x5d: {  	v21 =	vadd.s32 v8, v21;
	[tilespmem:v35+s28+$0x0] =	vst.idx.msk $0xffff, v24;
	v24 =	vadd.f32 v36, v17  }
0x5e: {  	s17 =	simm.s32 $0x8;
	v58 =	vld [tilespmem:s6+$0x10];
	v61 =	vadd.s32 v11, v23;
	[tilespmem:v19+s28+$0x0] =	vst.idx.msk $0xffff, v26;
	v26 =	vadd.f32 v37, v18  }
0x5f: {  	v57 =	vmov s17;
	v23 =	vadd.s32 v12, v23;
	[tilespmem:v30+s28+$0x0] =	vst.idx.msk $0xffff, v24;
	v24 =	vadd.f32 v31, v17;
	v31 =	vld [tilespmem:s6+$0x30]  }
0x60: {  	s31 =	simm.s32 $0xF;
	v62 =	vld [tilespmem:s6+$0x40];
	v30 =	vadd.s32 v10, v22;
	[tilespmem:v20+s28+$0x0] =	vst.idx.msk $0xffff, v26;
	v20 =	vadd.f32 v28, v18;
	v26 =	vbroadcast v25, $0x0  }
0x61: {  	s18 =	simm.s32 $0x9;
	v63 =	vadd.f32 v60, v17;
	v32 =	vmov s31;
	[tilespmem:v27+s28+$0x0] =	vst.idx.msk $0xffff, v24;
	v27 =	vadd.f32 v29, v17;
	v29 =	vld [tilespmem:s6+$0x50]  }
0x62: {  	s24 =	simm.s32 $0xB;
	v19 =	vshrl.u32 v57, $0x3;
	v22 =	vmov s18;
	[tilespmem:v21+s28+$0x0] =	vst.idx.msk $0xffff, v20;
	v21 =	vadd.s32 v13, v26  }
0x63: {  	s21 =	simm.s32 $0xA;
	s26 =	simm.s32 $0xD;
	[tilespmem:v61+s28+$0x0] =	vst.idx.msk $0xffff, v63;
	v28 =	vadd.f32 v58, v18;
	v25 =	vmov s24;
	v20 =	vadd.s32 v14, v26  }
0x64: {  	s25 =	simm.s32 $0xC;
	s29 =	simm.s32 $0xE;
	v24 =	vmov s21;
	v26 =	vmov s26;
	[tilespmem:v59+s28+$0x0] =	vst.idx.msk $0xffff, v27;
	v31 =	vadd.f32 v31, v18  }
0x65: {  	s2 =	simm.s32 $0x10;
	v27 =	vmov s25;
	[tilespmem:v30+s28+$0x0] =	vst.idx.msk $0xffff, v28;
	v28 =	vmov s29;
	v30 =	vadd.f32 v62, v17  }
.LBB2_3:
0x66: {  	p0 =	slt.u32 s2, $0x78;
	v19 =	vshll.u32 v19, v1;
	v32 =	vshrl.u32 v32, $0x3;
	[tilespmem:v23+s28+$0x0] =	vst.idx.msk $0xffff, v31;
	v23 =	vadd.f32 v29, v18  }
0x67: {  	v22 =	vshrl.u32 v22, $0x3;
	v24 =	vshrl.u32 v24, $0x3;
	s6 =	sadd.s32 $0x100, s6;
	v29 =	vshll.u32 v32, v1;
	[tilespmem:v21+s28+$0x0] =	vst.idx.msk $0xffff, v30  }
0x68: {  	v21 =	vshrl.u32 v25, $0x3;
	v25 =	vshrl.u32 v27, $0x3;
	v27 =	vld [tilespmem:s6+$0x60];
	v29 =	vbroadcast v29, $0x0;
	[tilespmem:v20+s28+$0x0] =	vst.idx.msk $0xffff, v23  }
0x69: {  	v19 =	vbroadcast v19, $0x0;
	v20 =	vshrl.u32 v26, $0x3;
	v23 =	vshrl.u32 v28, $0x3;
	v26 =	vld [tilespmem:s6+$0x70]  }
0x6a: {  	v22 =	vshll.u32 v22, v1;
	v24 =	vshll.u32 v24, v1;
	v28 =	vld [tilespmem:s6+$0xFFFFFF80];
	v30 =	vadd.s32 v15, v29  }
0x6b: {  	v21 =	vshll.u32 v21, v1;
	v25 =	vshll.u32 v25, v1;
	v29 =	vadd.s32 v16, v29;
	v31 =	vld [tilespmem:s6+$0xFFFFFF90]  }
0x6c: {  	v22 =	vbroadcast v22, $0x0;
	v32 =	vadd.s32 v0, v19;
	v20 =	vshll.u32 v20, v1;
	v33 =	vld [tilespmem:s6+$0xFFFFFFA0]  }
0x6d: {  	v19 =	vadd.s32 v2, v19;
	v23 =	vshll.u32 v23, v1;
	v34 =	vld [tilespmem:s6+$0xFFFFFFB0];
	v27 =	vadd.f32 v27, v17  }
0x6e: {  	v24 =	vbroadcast v24, $0x0;
	v35 =	vadd.s32 v3, v22;
	v36 =	vld [tilespmem:s6+$0xFFFFFFC0];
	v26 =	vadd.f32 v26, v18  }
0x6f: {  	v22 =	vadd.s32 v4, v22;
	v28 =	vadd.f32 v28, v17;
	v37 =	vld [tilespmem:s6+$0xFFFFFFD0];
	[tilespmem:v30+s28+$0x0] =	vst.idx.msk $0xffff, v27  }
0x70: {  	v21 =	vbroadcast v21, $0x0;
	v30 =	vadd.s32 v5, v24;
	v27 =	vadd.f32 v31, v18;
	v31 =	vld [tilespmem:s6+$0xFFFFFFE0];
	[tilespmem:v29+s28+$0x0] =	vst.idx.msk $0xffff, v26  }
0x71: {  	v24 =	vadd.s32 v6, v24;
	[tilespmem:v32+s28+$0x0] =	vst.idx.msk $0xffff, v28;
	v26 =	vadd.f32 v33, v17;
	v28 =	vld [tilespmem:s6+$0xFFFFFFF0]  }
0x72: {  	v25 =	vbroadcast v25, $0x0;
	[tilespmem:v19+s28+$0x0] =	vst.idx.msk $0xffff, v27;
	v19 =	vadd.f32 v34, v18;
	v27 =	vadd.s32 v7, v21;
	v29 =	vld [tilespmem:s6+$0x0]  }
0x73: {  	v32 =	vmov s2;
	v21 =	vadd.s32 v8, v21;
	[tilespmem:v35+s28+$0x0] =	vst.idx.msk $0xffff, v26;
	v26 =	vadd.f32 v36, v17;
	v33 =	vld [tilespmem:s6+$0x10]  }
0x74: {  	v20 =	vbroadcast v20, $0x0;
	v34 =	vadd.s32 v9, v25;
	[tilespmem:v22+s28+$0x0] =	vst.idx.msk $0xffff, v19;
	v22 =	vadd.f32 v37, v18;
	v35 =	vld [tilespmem:s6+$0x20]  }
0x75: {  	v19 =	vshrl.u32 v32, $0x3;
	[tilespmem:v30+s28+$0x0] =	vst.idx.msk $0xffff, v26;
	v26 =	vadd.f32 v31, v17;
	v30 =	vadd.s32 v10, v25;
	v31 =	vld [tilespmem:s6+$0x30]  }
0x76: {  	s7 =	sadd.s32 $0x1, s2;
	v36 =	vadd.s32 v11, v20;
	[tilespmem:v24+s28+$0x0] =	vst.idx.msk $0xffff, v22;
	v25 =	vadd.f32 v28, v18;
	v37 =	vld [tilespmem:s6+$0x40];
	v28 =	vbroadcast v23, $0x0  }
.Ltmp2:
0x77: {  	v22 =	vmov s7;
	s7 =	sadd.s32 $0x2, s2;
	v23 =	vadd.s32 v12, v20;
	[tilespmem:v27+s28+$0x0] =	vst.idx.msk $0xffff, v26;
	v26 =	vadd.f32 v29, v17;
	v29 =	vld [tilespmem:s6+$0x50];
	(pc) =	sbr.rel @p0 .LBB2_3-.Ltmp2, $4  }
0x78: {  	v24 =	vmov s7;
	s7 =	sadd.s32 $0x3, s2;
	[tilespmem:v21+s28+$0x0] =	vst.idx.msk $0xffff, v25;
	v32 =	vadd.f32 v33, v18;
	v21 =	vadd.s32 v13, v28  }
0x79: {  	s9 =	sadd.s32 $0x5, s2;
	v25 =	vmov s7;
	s7 =	sadd.s32 $0x4, s2;
	v20 =	vadd.s32 v14, v28;
	[tilespmem:v34+s28+$0x0] =	vst.idx.msk $0xffff, v26;
	v33 =	vadd.f32 v35, v17  }
0x7a: {  	v27 =	vmov s7;
	v26 =	vmov s9;
	s7 =	sadd.s32 $0x6, s2;
	s9 =	sadd.s32 $0x7, s2;
	[tilespmem:v30+s28+$0x0] =	vst.idx.msk $0xffff, v32;
	v31 =	vadd.f32 v31, v18  }
0x7b: {  	s2 =	sadd.s32 $0x8, s2;
	v28 =	vmov s7;
	v32 =	vmov s9;
	[tilespmem:v36+s28+$0x0] =	vst.idx.msk $0xffff, v33;
	v30 =	vadd.f32 v37, v17  }
0x7c: {  	_ =	sdelay $0x1  }
0x7d: {  	v19 =	vshll.u32 v19, v1;
	v32 =	vshrl.u32 v32, $0x3;
	v29 =	vadd.f32 v29, v18  }
0x7e: {  	v22 =	vshrl.u32 v22, $0x3;
	v24 =	vshrl.u32 v24, $0x3;
	s2 =	sadd.s32 $0x100, s6;
	v25 =	vshrl.u32 v25, $0x3  }
0x7f: {  	v27 =	vshrl.u32 v27, $0x3;
	[tilespmem:v23+s28+$0x0] =	vst.idx.msk $0xffff, v31;
	v32 =	vshll.u32 v32, v1;
	v19 =	vbroadcast v19, $0x0;
	v31 =	vld [tilespmem:s2+$0xFFFFFF80]  }
0x80: {  	v23 =	vshrl.u32 v26, $0x3;
	v33 =	vld [tilespmem:s2+$0x60];
	v22 =	vshll.u32 v22, v1;
	v32 =	vbroadcast v32, $0x0  }
0x81: {  	v26 =	vshrl.u32 v28, $0x3;
	v28 =	vld [tilespmem:s2+$0x70];
	v24 =	vshll.u32 v24, v1;
	[tilespmem:v21+s28+$0x0] =	vst.idx.msk $0xffff, v30;
	v21 =	vadd.s32 v0, v19  }
0x82: {  	v35 =	vld [tilespmem:s2+$0xFFFFFF90];
	v25 =	vshll.u32 v25, v1;
	v27 =	vshll.u32 v27, v1;
	v34 =	vadd.s32 v15, v32  }
0x83: {  	v30 =	vld [tilespmem:s2+$0xFFFFFFA0];
	v23 =	vshll.u32 v23, v1;
	v22 =	vbroadcast v22, $0x0;
	v32 =	vadd.s32 v16, v32  }
0x84: {  	v36 =	vld [tilespmem:s2+$0xFFFFFFB0];
	v26 =	vshll.u32 v26, v1;
	v19 =	vadd.s32 v2, v19;
	v31 =	vadd.f32 v31, v17  }
0x85: {  	[tilespmem:v20+s28+$0x0] =	vst.idx.msk $0xffff, v29;
	v29 =	vld [tilespmem:s2+$0xFFFFFFC0];
	v24 =	vbroadcast v24, $0x0;
	v20 =	vadd.s32 v3, v22;
	v33 =	vadd.f32 v33, v17  }
0x86: {  	v37 =	vld [tilespmem:s2+$0xFFFFFFD0];
	v22 =	vadd.s32 v4, v22;
	v28 =	vadd.f32 v28, v18;
	[tilespmem:v21+s28+$0x0] =	vst.idx.msk $0xffff, v31  }
0x87: {  	v49 =	vld [tilespmem:s2+$0xFFFFFFE0];
	v25 =	vbroadcast v25, $0x0;
	v48 =	vadd.s32 v5, v24;
	v47 =	vadd.f32 v35, v18;
	[tilespmem:v34+s28+$0x0] =	vst.idx.msk $0xffff, v33  }
0x88: {  	v24 =	vadd.s32 v6, v24;
	v21 =	vadd.f32 v30, v17;
	[tilespmem:v32+s28+$0x0] =	vst.idx.msk $0xffff, v28;
	v28 =	vld [tilespmem:s2+$0xFFFFFFF0]  }
0x89: {  	v27 =	vbroadcast v27, $0x0;
	v30 =	vadd.s32 v7, v25;
	v31 =	vld [tilespmem:s2+$0x0];
	[tilespmem:v19+s28+$0x0] =	vst.idx.msk $0xffff, v47;
	v19 =	vadd.f32 v36, v18  }
0x8a: {  	[tilespmem:v20+s28+$0x0] =	vst.idx.msk $0xffff, v21;
	v20 =	vadd.f32 v29, v17;
	v21 =	vadd.s32 v8, v25;
	v25 =	vld [tilespmem:s2+$0x10]  }
0x8b: {  	v23 =	vbroadcast v23, $0x0;
	v29 =	vld [tilespmem:s2+$0x20];
	[tilespmem:v22+s28+$0x0] =	vst.idx.msk $0xffff, v19;
	v19 =	vadd.f32 v37, v18;
	v22 =	vadd.s32 v9, v27  }
0x8c: {  	v50 =	vld [tilespmem:s2+$0x30];
	v27 =	vadd.s32 v10, v27;
	[tilespmem:v48+s28+$0x0] =	vst.idx.msk $0xffff, v20;
	v20 =	vadd.f32 v49, v17  }
0x8d: {  	v26 =	vbroadcast v26, $0x0;
	[tilespmem:v24+s28+$0x0] =	vst.idx.msk $0xffff, v19;
	v24 =	vadd.s32 v11, v23;
	v19 =	vadd.f32 v28, v18;
	v28 =	vld [tilespmem:s2+$0x40]  }
0x8e: {  	v23 =	vadd.s32 v12, v23;
	[tilespmem:v30+s28+$0x0] =	vst.idx.msk $0xffff, v20;
	v20 =	vadd.f32 v31, v17;
	v30 =	vld [tilespmem:s2+$0x50]  }
0x8f: {  	[tilespmem:v21+s28+$0x0] =	vst.idx.msk $0xffff, v19;
	v19 =	vadd.f32 v25, v18;
	v21 =	vadd.s32 v13, v26  }
0x90: {  	[tilespmem:v22+s28+$0x0] =	vst.idx.msk $0xffff, v20;
	v20 =	vadd.f32 v29, v17;
	v22 =	vadd.s32 v14, v26  }
0x91: {  	s17 =	smul.u32 $0x140000, s30;
	[tilespmem:v27+s28+$0x0] =	vst.idx.msk $0xffff, v19;
	v19 =	vadd.f32 v50, v18  }
0x92: {  	[tilespmem:v24+s28+$0x0] =	vst.idx.msk $0xffff, v20;
	v17 =	vadd.f32 v28, v17  }
0x93: {  	s2 =	sor.u32 s5, s17;
	v18 =	vadd.f32 v30, v18;
	[tilespmem:v23+s28+$0x0] =	vst.idx.msk $0xffff, v19  }
0x94: {  	s2 =	sshrl.u32 s2, $0x3;
	[tilespmem:v21+s28+$0x0] =	vst.idx.msk $0xffff, v17  }
0x95: {  	s2 =	sadd.s32 s1, s2;
	[tilespmem:v22+s28+$0x0] =	vst.idx.msk $0xffff, v18  }
0x96: {  	[hbm4b:s2+s3] =	stream.linear.scatter [tilespmem:s28], [sflag:$0xB], $0x80, $0x38;
	[tilespmem:$0x1C700] =	vst v63  }
0x97: {  	s7 =	simm.s32 $0x11D88;
	s18 =	sadd.s32 $0x10, s2  }
0x98: {  	[hbm4b:s18+s3] =	stream.linear.scatter [tilespmem:s7], [sflag:$0xB], $0x80, $0x38;
	[tilespmem:$0x1C700] =	vst v63  }
0x99: {  	s24 =	simm.s32 $0x11E10;
	s21 =	sadd.s32 $0x20, s2  }
0x9a: {  	[hbm4b:s21+s3] =	stream.linear.scatter [tilespmem:s24], [sflag:$0xB], $0x80, $0x38;
	[tilespmem:$0x1C700] =	vst v63  }
0x9b: {  	s26 =	simm.s32 $0x11E98;
	s25 =	sadd.s32 $0x30, s2  }
0x9c: {  	[hbm4b:s25+s3] =	stream.linear.scatter [tilespmem:s26], [sflag:$0xB], $0x80, $0x38;
	[tilespmem:$0x1C700] =	vst v63  }
0x9d: {  	s31 =	simm.s32 $0x11F20;
	s29 =	sadd.s32 $0x40, s2  }
0x9e: {  	[hbm4b:s29+s3] =	stream.linear.scatter [tilespmem:s31], [sflag:$0xB], $0x80, $0x38;
	[tilespmem:$0x1C700] =	vst v63  }
0x9f: {  	s14 =	simm.s32 $0x11FA8;
	s9 =	sadd.s32 $0x50, s2  }
0xa0: {  	[hbm4b:s9+s3] =	stream.linear.scatter [tilespmem:s14], [sflag:$0xB], $0x80, $0x38;
	[tilespmem:$0x1C700] =	vst v63  }
0xa1: {  	s17 =	sadd.s32 $0x60, s2;
	s18 =	simm.s32 $0x12030  }
0xa2: {  	[hbm4b:s17+s3] =	stream.linear.scatter [tilespmem:s18], [sflag:$0xB], $0x80, $0x38;
	[tilespmem:$0x1C700] =	vst v63  }
0xa3: {  	s21 =	sadd.s32 $0x70, s2;
	s24 =	simm.s32 $0x120B8  }
0xa4: {  	[hbm4b:s21+s3] =	stream.linear.scatter [tilespmem:s24], [sflag:$0xB], $0x80, $0x38;
	[tilespmem:$0x1C700] =	vst v63  }
0xa5: {  	s25 =	sadd.s32 $0x1000, s2;
	s26 =	simm.s32 $0x12140  }
0xa6: {  	[hbm4b:s25+s3] =	stream.linear.scatter [tilespmem:s26], [sflag:$0xB], $0x80, $0x38;
	[tilespmem:$0x1C700] =	vst v63  }
0xa7: {  	s29 =	sadd.s32 $0x1010, s2;
	s31 =	simm.s32 $0x121C8  }
0xa8: {  	[hbm4b:s29+s3] =	stream.linear.scatter [tilespmem:s31], [sflag:$0xB], $0x80, $0x38;
	[tilespmem:$0x1C700] =	vst v63  }
0xa9: {  	s9 =	sadd.s32 $0x1020, s2;
	s14 =	simm.s32 $0x12250  }
0xaa: {  	[hbm4b:s9+s3] =	stream.linear.scatter [tilespmem:s14], [sflag:$0xB], $0x80, $0x38;
	[tilespmem:$0x1C700] =	vst v63  }
0xab: {  	s17 =	sadd.s32 $0x1030, s2;
	s18 =	simm.s32 $0x122D8  }
0xac: {  	[hbm4b:s17+s3] =	stream.linear.scatter [tilespmem:s18], [sflag:$0xB], $0x80, $0x38;
	[tilespmem:$0x1C700] =	vst v63  }
0xad: {  	s21 =	sadd.s32 $0x1040, s2;
	s24 =	simm.s32 $0x12360  }
0xae: {  	[hbm4b:s21+s3] =	stream.linear.scatter [tilespmem:s24], [sflag:$0xB], $0x80, $0x38;
	[tilespmem:$0x1C700] =	vst v63  }
0xaf: {  	s25 =	sadd.s32 $0x1050, s2;
	s26 =	simm.s32 $0x123E8  }
0xb0: {  	[hbm4b:s25+s3] =	stream.linear.scatter [tilespmem:s26], [sflag:$0xB], $0x80, $0x38;
	[tilespmem:$0x1C700] =	vst v63  }
0xb1: {  	s29 =	sadd.s32 $0x1060, s2;
	s31 =	simm.s32 $0x12470  }
0xb2: {  	[hbm4b:s29+s3] =	stream.linear.scatter [tilespmem:s31], [sflag:$0xB], $0x80, $0x38;
	[tilespmem:$0x1C700] =	vst v63  }
0xb3: {  	s9 =	sadd.s32 $0x1070, s2;
	s14 =	simm.s32 $0x124F8  }
0xb4: {  	[hbm4b:s9+s3] =	stream.linear.scatter [tilespmem:s14], [sflag:$0xB], $0x80, $0x38;
	[tilespmem:$0x1C700] =	vst v63  }
0xb5: {  	s17 =	sadd.s32 $0x2000, s2;
	s18 =	simm.s32 $0x12580  }
0xb6: {  	[hbm4b:s17+s3] =	stream.linear.scatter [tilespmem:s18], [sflag:$0xB], $0x80, $0x38;
	[tilespmem:$0x1C700] =	vst v63  }
0xb7: {  	s21 =	sadd.s32 $0x2010, s2;
	s24 =	simm.s32 $0x12608  }
0xb8: {  	[hbm4b:s21+s3] =	stream.linear.scatter [tilespmem:s24], [sflag:$0xB], $0x80, $0x38;
	[tilespmem:$0x1C700] =	vst v63  }
0xb9: {  	s25 =	sadd.s32 $0x2020, s2;
	s26 =	simm.s32 $0x12690  }
0xba: {  	[hbm4b:s25+s3] =	stream.linear.scatter [tilespmem:s26], [sflag:$0xB], $0x80, $0x38;
	[tilespmem:$0x1C700] =	vst v63  }
0xbb: {  	s29 =	sadd.s32 $0x2030, s2;
	s31 =	simm.s32 $0x12718  }
0xbc: {  	[hbm4b:s29+s3] =	stream.linear.scatter [tilespmem:s31], [sflag:$0xB], $0x80, $0x38;
	[tilespmem:$0x1C700] =	vst v63  }
0xbd: {  	s9 =	sadd.s32 $0x2040, s2;
	s14 =	simm.s32 $0x127A0  }
0xbe: {  	[hbm4b:s9+s3] =	stream.linear.scatter [tilespmem:s14], [sflag:$0xB], $0x80, $0x38;
	[tilespmem:$0x1C700] =	vst v63  }
0xbf: {  	s17 =	sadd.s32 $0x2050, s2;
	s18 =	simm.s32 $0x12828  }
0xc0: {  	[hbm4b:s17+s3] =	stream.linear.scatter [tilespmem:s18], [sflag:$0xB], $0x80, $0x38;
	[tilespmem:$0x1C700] =	vst v63  }
0xc1: {  	s21 =	sadd.s32 $0x2060, s2;
	s24 =	simm.s32 $0x128B0  }
0xc2: {  	[hbm4b:s21+s3] =	stream.linear.scatter [tilespmem:s24], [sflag:$0xB], $0x80, $0x38;
	[tilespmem:$0x1C700] =	vst v63  }
0xc3: {  	s25 =	sadd.s32 $0x2070, s2;
	s26 =	simm.s32 $0x12938  }
0xc4: {  	[hbm4b:s25+s3] =	stream.linear.scatter [tilespmem:s26], [sflag:$0xB], $0x80, $0x38;
	[tilespmem:$0x1C700] =	vst v63  }
0xc5: {  	s29 =	sadd.s32 $0x3000, s2;
	s31 =	simm.s32 $0x129C0  }
0xc6: {  	[hbm4b:s29+s3] =	stream.linear.scatter [tilespmem:s31], [sflag:$0xB], $0x80, $0x38;
	[tilespmem:$0x1C700] =	vst v63  }
0xc7: {  	s9 =	sadd.s32 $0x3010, s2;
	s14 =	simm.s32 $0x12A48  }
0xc8: {  	[hbm4b:s9+s3] =	stream.linear.scatter [tilespmem:s14], [sflag:$0xB], $0x80, $0x38;
	[tilespmem:$0x1C700] =	vst v63  }
0xc9: {  	s17 =	sadd.s32 $0x3020, s2;
	s18 =	simm.s32 $0x12AD0  }
0xca: {  	[hbm4b:s17+s3] =	stream.linear.scatter [tilespmem:s18], [sflag:$0xB], $0x80, $0x38;
	[tilespmem:$0x1C700] =	vst v63  }
0xcb: {  	s21 =	sadd.s32 $0x3030, s2;
	s24 =	simm.s32 $0x12B58  }
0xcc: {  	[hbm4b:s21+s3] =	stream.linear.scatter [tilespmem:s24], [sflag:$0xB], $0x80, $0x38;
	[tilespmem:$0x1C700] =	vst v63  }
0xcd: {  	s25 =	sadd.s32 $0x3040, s2;
	s26 =	simm.s32 $0x12BE0  }
0xce: {  	[hbm4b:s25+s3] =	stream.linear.scatter [tilespmem:s26], [sflag:$0xB], $0x80, $0x38;
	[tilespmem:$0x1C700] =	vst v63  }
0xcf: {  	s29 =	sadd.s32 $0x3050, s2;
	s31 =	simm.s32 $0x12C68  }
0xd0: {  	[hbm4b:s29+s3] =	stream.linear.scatter [tilespmem:s31], [sflag:$0xB], $0x80, $0x38;
	[tilespmem:$0x1C700] =	vst v63  }
0xd1: {  	p0 =	seq.s32 s30, $0x0;
	s9 =	sadd.s32 $0x3060, s2;
	s14 =	simm.s32 $0x12CF0  }
0xd2: {  	[hbm4b:s9+s3] =	stream.linear.scatter [tilespmem:s14], [sflag:$0xB], $0x80, $0x38;
	[tilespmem:$0x1C700] =	vst v63  }
0xd3: {  	s7 =	smul.u32 $0xA, s30;
	s2 =	sadd.s32 $0x3070, s2;
	s17 =	simm.s32 $0x12D78  }
0xd4: {  	[hbm4b:s2+s3] =	stream.linear.scatter [tilespmem:s17], [sflag:$0xB], $0x80, $0x38;
	[tilespmem:$0x1C700] =	vst v63  }
0xd5: {  	s2 =	simm.s32 @!p0 $0x12  }
0xd6: {  	s25 =	sadd.s32 $0x7, s7;
	_ =	swait.ge @!p0 [sflag:s2], $0x1000  }
0xd7: {  	s21 =	simm.s32 $0xED00;
	s26 =	sshll.u32 s25, $0x7;
	[sflag:s2] =	ssyncset.done @!p0 $0x0  }
0xd8: {  	s18 =	sand.u32 $0x1FF80, s26;
	s17 =	simm.s32 $0x2;
	[sflag:s2] =	ssyncadd.s32 @!p0 $0xFFFFF000  }
0xd9: {  	[tilespmem:s21], [sflag:$0x8] =	stream.indirect.gather [hbm4b:s4+s13], $0x20, s18, s13, $0xb8;
	[tilespmem:$0x1C700] =	vst v63  }
0xda: {  	s6 =	sor.u32 $0x1, s7;
	s24 =	simm.s32 $0x0;
	_ =	swait.ge [sflag:s17], $0x1000  }
0xdb: {  	v17 =	vmov s24;
	s24 =	simm.s32 $0x7;
	s18 =	sshll.u32 s6, $0x5;
	[sflag:s17] =	ssyncset.done $0x0  }
0xdc: {  	v24 =	vmov s24;
	s2 =	sand.u32 $0x3FFFFFE0, s18;
	[sflag:s17] =	ssyncadd.s32 $0xFFFFF000  }
0xdd: {  	v18 =	vshrl.u32 v17, $0x3;
	v24 =	vshrl.u32 v24, $0x3;
	s9 =	simm.s32 $0x1;
	v17 =	vld [tilespmem:s2+$0x6400]  }
0xde: {  	v26 =	vshll.u32 v18, v1;
	v24 =	vshll.u32 v24, v1;
	v19 =	vmov s9;
	s9 =	simm.s32 $0x8D80;
	v18 =	vld [tilespmem:s2+$0x6410]  }
0xdf: {  	s29 =	simm.s32 $0x2;
	v24 =	vbroadcast v24, $0x0;
	v27 =	vld [tilespmem:s9+$0x60]  }
0xe0: {  	s31 =	simm.s32 $0x3;
	v26 =	vbroadcast v26, $0x0;
	v20 =	vmov s29;
	v29 =	vld [tilespmem:s9+$0xFFFFFF80]  }
0xe1: {  	v21 =	vmov s31;
	s29 =	simm.s32 $0x6;
	v30 =	vadd.s32 v15, v24;
	v19 =	vshrl.u32 v19, $0x3;
	v28 =	vld [tilespmem:s9+$0x70]  }
0xe2: {  	v25 =	vmov s29;
	v51 =	vadd.s32 v0, v26;
	v19 =	vshll.u32 v19, v1;
	v31 =	vld [tilespmem:s9+$0xFFFFFF90]  }
0xe3: {  	v20 =	vshrl.u32 v20, $0x3;
	v24 =	vadd.s32 v16, v24;
	v19 =	vbroadcast v19, $0x0;
	v52 =	vld [tilespmem:s9+$0xFFFFFFA0]  }
0xe4: {  	v26 =	vadd.s32 v2, v26;
	v20 =	vshll.u32 v20, v1;
	v53 =	vld [tilespmem:s9+$0xFFFFFFB0];
	v27 =	vadd.f32 v27, v17  }
0xe5: {  	s14 =	simm.s32 $0x4;
	v20 =	vbroadcast v20, $0x0;
	v54 =	vadd.s32 v3, v19;
	v55 =	vld [tilespmem:s9+$0xFFFFFFC0];
	v29 =	vadd.f32 v29, v17  }
0xe6: {  	v22 =	vmov s14;
	v19 =	vadd.s32 v4, v19;
	v28 =	vadd.f32 v28, v18;
	[tilespmem:v30+s15+$0x0] =	vst.idx.msk $0xffff, v27  }
0xe7: {  	v22 =	vshrl.u32 v22, $0x3;
	v56 =	vld [tilespmem:s9+$0xFFFFFFD0];
	v27 =	vadd.f32 v31, v18;
	v30 =	vadd.s32 v5, v20;
	[tilespmem:v51+s15+$0x0] =	vst.idx.msk $0xffff, v29  }
0xe8: {  	v21 =	vshrl.u32 v21, $0x3;
	v22 =	vshll.u32 v22, v1;
	v59 =	vld [tilespmem:s9+$0x10];
	[tilespmem:v24+s15+$0x0] =	vst.idx.msk $0xffff, v28;
	v24 =	vadd.f32 v52, v17  }
0xe9: {  	v21 =	vshll.u32 v21, v1;
	v22 =	vbroadcast v22, $0x0;
	v29 =	vld [tilespmem:s9+$0x0];
	[tilespmem:v26+s15+$0x0] =	vst.idx.msk $0xffff, v27;
	v26 =	vadd.f32 v53, v18  }
0xea: {  	v21 =	vbroadcast v21, $0x0;
	s21 =	simm.s32 $0x5;
	v31 =	vld [tilespmem:s9+$0xFFFFFFE0];
	v20 =	vadd.s32 v6, v20;
	[tilespmem:v54+s15+$0x0] =	vst.idx.msk $0xffff, v24;
	v24 =	vadd.f32 v55, v17  }
0xeb: {  	v25 =	vshrl.u32 v25, $0x3;
	v23 =	vmov s21;
	v28 =	vld [tilespmem:s9+$0xFFFFFFF0];
	[tilespmem:v19+s15+$0x0] =	vst.idx.msk $0xffff, v26;
	v26 =	vadd.s32 v9, v22  }
0xec: {  	v58 =	vadd.s32 v8, v21;
	v23 =	vshrl.u32 v23, $0x3;
	[tilespmem:v30+s15+$0x0] =	vst.idx.msk $0xffff, v24;
	v30 =	vadd.s32 v10, v22  }
0xed: {  	v23 =	vshll.u32 v23, v1;
	v60 =	vld [tilespmem:s9+$0x20];
	v27 =	vadd.s32 v7, v21;
	v21 =	vadd.f32 v56, v18  }
0xee: {  	s31 =	simm.s32 $0x8;
	v25 =	vshll.u32 v25, v1;
	v61 =	vbroadcast v23, $0x0;
	v22 =	vadd.f32 v29, v17  }
0xef: {  	v57 =	vmov s31;
	v24 =	vadd.f32 v31, v17;
	v31 =	vld [tilespmem:s9+$0x30];
	v29 =	vadd.f32 v59, v18;
	[tilespmem:v20+s15+$0x0] =	vst.idx.msk $0xffff, v21  }
0xf0: {  	s31 =	simm.s32 $0xF;
	v38 =	vld [tilespmem:s9+$0x40];
	v62 =	vadd.s32 v11, v61;
	v20 =	vadd.f32 v28, v18;
	v28 =	vbroadcast v25, $0x0;
	[tilespmem:v26+s15+$0x0] =	vst.idx.msk $0xffff, v22  }
0xf1: {  	v32 =	vmov s31;
	s17 =	simm.s32 $0xA;
	v25 =	vadd.s32 v12, v61;
	[tilespmem:v30+s15+$0x0] =	vst.idx.msk $0xffff, v29;
	v29 =	vld [tilespmem:s9+$0x50]  }
0xf2: {  	s14 =	simm.s32 $0x9;
	v23 =	vmov s17;
	v63 =	vadd.f32 v60, v17;
	[tilespmem:v27+s15+$0x0] =	vst.idx.msk $0xffff, v24;
	v22 =	vadd.s32 v13, v28  }
0xf3: {  	s18 =	simm.s32 $0xB;
	s21 =	simm.s32 $0xC;
	v19 =	vmov s14;
	v21 =	vshrl.u32 v57, $0x3;
	[tilespmem:v58+s15+$0x0] =	vst.idx.msk $0xffff, v20;
	v20 =	vadd.s32 v14, v28  }
0xf4: {  	s24 =	simm.s32 $0xD;
	s29 =	simm.s32 $0xE;
	v24 =	vmov s18;
	v27 =	vmov s21;
	v31 =	vadd.f32 v31, v18  }
0xf5: {  	s2 =	simm.s32 $0x10;
	[tilespmem:v62+s15+$0x0] =	vst.idx.msk $0xffff, v63;
	v26 =	vmov s24;
	v28 =	vmov s29;
	v30 =	vadd.f32 v38, v17  }
.LBB2_5:
0xf6: {  	p1 =	slt.u32 s2, $0x78;
	v21 =	vshll.u32 v21, v1;
	v32 =	vshrl.u32 v32, $0x3;
	[tilespmem:v25+s15+$0x0] =	vst.idx.msk $0xffff, v31;
	v25 =	vadd.f32 v29, v18  }
0xf7: {  	v19 =	vshrl.u32 v19, $0x3;
	v23 =	vshrl.u32 v23, $0x3;
	s9 =	sadd.s32 $0x100, s9;
	v29 =	vshll.u32 v32, v1;
	[tilespmem:v22+s15+$0x0] =	vst.idx.msk $0xffff, v30  }
0xf8: {  	v22 =	vshrl.u32 v24, $0x3;
	v24 =	vshrl.u32 v27, $0x3;
	v27 =	vld [tilespmem:s9+$0x60];
	v29 =	vbroadcast v29, $0x0;
	[tilespmem:v20+s15+$0x0] =	vst.idx.msk $0xffff, v25  }
0xf9: {  	v20 =	vbroadcast v21, $0x0;
	v21 =	vshrl.u32 v26, $0x3;
	v25 =	vshrl.u32 v28, $0x3;
	v26 =	vld [tilespmem:s9+$0x70]  }
0xfa: {  	v19 =	vshll.u32 v19, v1;
	v23 =	vshll.u32 v23, v1;
	v28 =	vld [tilespmem:s9+$0xFFFFFF80];
	v30 =	vadd.s32 v15, v29  }
0xfb: {  	v22 =	vshll.u32 v22, v1;
	v24 =	vshll.u32 v24, v1;
	v29 =	vadd.s32 v16, v29;
	v31 =	vld [tilespmem:s9+$0xFFFFFF90]  }
0xfc: {  	v19 =	vbroadcast v19, $0x0;
	v21 =	vshll.u32 v21, v1;
	v32 =	vadd.s32 v0, v20;
	v33 =	vld [tilespmem:s9+$0xFFFFFFA0]  }
0xfd: {  	v25 =	vshll.u32 v25, v1;
	v20 =	vadd.s32 v2, v20;
	v34 =	vld [tilespmem:s9+$0xFFFFFFB0];
	v27 =	vadd.f32 v27, v17  }
0xfe: {  	v23 =	vbroadcast v23, $0x0;
	v35 =	vadd.s32 v3, v19;
	v36 =	vld [tilespmem:s9+$0xFFFFFFC0];
	v26 =	vadd.f32 v26, v18  }
0xff: {  	v19 =	vadd.s32 v4, v19;
	v28 =	vadd.f32 v28, v17;
	v37 =	vld [tilespmem:s9+$0xFFFFFFD0];
	[tilespmem:v30+s15+$0x0] =	vst.idx.msk $0xffff, v27  }
0x100: {  	v22 =	vbroadcast v22, $0x0;
	v30 =	vadd.s32 v5, v23;
	v27 =	vadd.f32 v31, v18;
	v31 =	vld [tilespmem:s9+$0xFFFFFFE0];
	[tilespmem:v29+s15+$0x0] =	vst.idx.msk $0xffff, v26  }
0x101: {  	v23 =	vadd.s32 v6, v23;
	[tilespmem:v32+s15+$0x0] =	vst.idx.msk $0xffff, v28;
	v26 =	vadd.f32 v33, v17;
	v28 =	vld [tilespmem:s9+$0xFFFFFFF0]  }
0x102: {  	v24 =	vbroadcast v24, $0x0;
	[tilespmem:v20+s15+$0x0] =	vst.idx.msk $0xffff, v27;
	v20 =	vadd.f32 v34, v18;
	v27 =	vadd.s32 v7, v22;
	v29 =	vld [tilespmem:s9+$0x0]  }
0x103: {  	v32 =	vmov s2;
	v22 =	vadd.s32 v8, v22;
	[tilespmem:v35+s15+$0x0] =	vst.idx.msk $0xffff, v26;
	v26 =	vadd.f32 v36, v17;
	v33 =	vld [tilespmem:s9+$0x10]  }
0x104: {  	v35 =	vbroadcast v21, $0x0;
	[tilespmem:v19+s15+$0x0] =	vst.idx.msk $0xffff, v20;
	v19 =	vadd.f32 v37, v18;
	v20 =	vadd.s32 v9, v24;
	v34 =	vld [tilespmem:s9+$0x20]  }
0x105: {  	v21 =	vshrl.u32 v32, $0x3;
	[tilespmem:v30+s15+$0x0] =	vst.idx.msk $0xffff, v26;
	v26 =	vadd.f32 v31, v17;
	v30 =	vadd.s32 v10, v24;
	v31 =	vld [tilespmem:s9+$0x30]  }
0x106: {  	s14 =	sadd.s32 $0x1, s2;
	v36 =	vadd.s32 v11, v35;
	[tilespmem:v23+s15+$0x0] =	vst.idx.msk $0xffff, v19;
	v24 =	vadd.f32 v28, v18;
	v37 =	vld [tilespmem:s9+$0x40];
	v28 =	vbroadcast v25, $0x0  }
.Ltmp3:
0x107: {  	v19 =	vmov s14;
	s14 =	sadd.s32 $0x2, s2;
	v25 =	vadd.s32 v12, v35;
	[tilespmem:v27+s15+$0x0] =	vst.idx.msk $0xffff, v26;
	v26 =	vadd.f32 v29, v17;
	v29 =	vld [tilespmem:s9+$0x50];
	(pc) =	sbr.rel @p1 .LBB2_5-.Ltmp3, $4  }
0x108: {  	v23 =	vmov s14;
	s14 =	sadd.s32 $0x3, s2;
	[tilespmem:v22+s15+$0x0] =	vst.idx.msk $0xffff, v24;
	v32 =	vadd.f32 v33, v18;
	v22 =	vadd.s32 v13, v28  }
0x109: {  	s18 =	sadd.s32 $0x5, s2;
	v24 =	vmov s14;
	s14 =	sadd.s32 $0x4, s2;
	[tilespmem:v20+s15+$0x0] =	vst.idx.msk $0xffff, v26;
	v33 =	vadd.f32 v34, v17;
	v20 =	vadd.s32 v14, v28  }
0x10a: {  	v27 =	vmov s14;
	v26 =	vmov s18;
	s14 =	sadd.s32 $0x6, s2;
	s18 =	sadd.s32 $0x7, s2;
	[tilespmem:v30+s15+$0x0] =	vst.idx.msk $0xffff, v32;
	v31 =	vadd.f32 v31, v18  }
0x10b: {  	s2 =	sadd.s32 $0x8, s2;
	v28 =	vmov s14;
	v32 =	vmov s18;
	[tilespmem:v36+s15+$0x0] =	vst.idx.msk $0xffff, v33;
	v30 =	vadd.f32 v37, v17  }
0x10c: {  	_ =	sdelay $0x1  }
0x10d: {  	v21 =	vshll.u32 v21, v1;
	v32 =	vshrl.u32 v32, $0x3;
	v29 =	vadd.f32 v29, v18  }
0x10e: {  	v19 =	vshrl.u32 v19, $0x3;
	v23 =	vshrl.u32 v23, $0x3;
	s2 =	sadd.s32 $0x100, s9;
	v24 =	vshrl.u32 v24, $0x3  }
0x10f: {  	v27 =	vshrl.u32 v27, $0x3;
	[tilespmem:v25+s15+$0x0] =	vst.idx.msk $0xffff, v31;
	v32 =	vshll.u32 v32, v1;
	v21 =	vbroadcast v21, $0x0;
	v31 =	vld [tilespmem:s2+$0xFFFFFF80]  }
0x110: {  	v25 =	vshrl.u32 v26, $0x3;
	v33 =	vld [tilespmem:s2+$0x60];
	v19 =	vshll.u32 v19, v1;
	v32 =	vbroadcast v32, $0x0  }
0x111: {  	v26 =	vshrl.u32 v28, $0x3;
	v28 =	vld [tilespmem:s2+$0x70];
	v23 =	vshll.u32 v23, v1;
	[tilespmem:v22+s15+$0x0] =	vst.idx.msk $0xffff, v30;
	v22 =	vadd.s32 v0, v21  }
0x112: {  	v35 =	vld [tilespmem:s2+$0xFFFFFF90];
	v24 =	vshll.u32 v24, v1;
	v27 =	vshll.u32 v27, v1;
	v34 =	vadd.s32 v15, v32  }
0x113: {  	v30 =	vld [tilespmem:s2+$0xFFFFFFA0];
	v25 =	vshll.u32 v25, v1;
	v19 =	vbroadcast v19, $0x0;
	v32 =	vadd.s32 v16, v32  }
0x114: {  	v36 =	vld [tilespmem:s2+$0xFFFFFFB0];
	v26 =	vshll.u32 v26, v1;
	v21 =	vadd.s32 v2, v21;
	v31 =	vadd.f32 v31, v17  }
0x115: {  	[tilespmem:v20+s15+$0x0] =	vst.idx.msk $0xffff, v29;
	v29 =	vld [tilespmem:s2+$0xFFFFFFC0];
	v23 =	vbroadcast v23, $0x0;
	v20 =	vadd.s32 v3, v19;
	v33 =	vadd.f32 v33, v17  }
0x116: {  	v37 =	vld [tilespmem:s2+$0xFFFFFFD0];
	v19 =	vadd.s32 v4, v19;
	v28 =	vadd.f32 v28, v18;
	[tilespmem:v22+s15+$0x0] =	vst.idx.msk $0xffff, v31  }
0x117: {  	v49 =	vld [tilespmem:s2+$0xFFFFFFE0];
	v24 =	vbroadcast v24, $0x0;
	v48 =	vadd.s32 v5, v23;
	v47 =	vadd.f32 v35, v18;
	[tilespmem:v34+s15+$0x0] =	vst.idx.msk $0xffff, v33  }
0x118: {  	v23 =	vadd.s32 v6, v23;
	v22 =	vadd.f32 v30, v17;
	[tilespmem:v32+s15+$0x0] =	vst.idx.msk $0xffff, v28;
	v28 =	vld [tilespmem:s2+$0xFFFFFFF0]  }
0x119: {  	v27 =	vbroadcast v27, $0x0;
	v30 =	vadd.s32 v7, v24;
	v31 =	vld [tilespmem:s2+$0x0];
	[tilespmem:v21+s15+$0x0] =	vst.idx.msk $0xffff, v47;
	v21 =	vadd.f32 v36, v18  }
0x11a: {  	[tilespmem:v20+s15+$0x0] =	vst.idx.msk $0xffff, v22;
	v20 =	vadd.f32 v29, v17;
	v22 =	vadd.s32 v8, v24;
	v24 =	vld [tilespmem:s2+$0x10]  }
0x11b: {  	v25 =	vbroadcast v25, $0x0;
	v29 =	vld [tilespmem:s2+$0x20];
	[tilespmem:v19+s15+$0x0] =	vst.idx.msk $0xffff, v21;
	v19 =	vadd.f32 v37, v18;
	v21 =	vadd.s32 v9, v27  }
0x11c: {  	v50 =	vld [tilespmem:s2+$0x30];
	v27 =	vadd.s32 v10, v27;
	[tilespmem:v48+s15+$0x0] =	vst.idx.msk $0xffff, v20;
	v20 =	vadd.f32 v49, v17  }
0x11d: {  	v26 =	vbroadcast v26, $0x0;
	[tilespmem:v23+s15+$0x0] =	vst.idx.msk $0xffff, v19;
	v23 =	vadd.s32 v11, v25;
	v19 =	vadd.f32 v28, v18;
	v28 =	vld [tilespmem:s2+$0x40]  }
0x11e: {  	v25 =	vadd.s32 v12, v25;
	[tilespmem:v30+s15+$0x0] =	vst.idx.msk $0xffff, v20;
	v20 =	vadd.f32 v31, v17;
	v30 =	vld [tilespmem:s2+$0x50]  }
0x11f: {  	[tilespmem:v22+s15+$0x0] =	vst.idx.msk $0xffff, v19;
	v19 =	vadd.f32 v24, v18;
	v22 =	vadd.s32 v13, v26  }
0x120: {  	[tilespmem:v21+s15+$0x0] =	vst.idx.msk $0xffff, v20;
	v20 =	vadd.f32 v29, v17;
	v21 =	vadd.s32 v14, v26  }
0x121: {  	[tilespmem:v27+s15+$0x0] =	vst.idx.msk $0xffff, v19;
	v19 =	vadd.f32 v50, v18  }
0x122: {  	s6 =	sshll.u32 s6, $0x11;
	[tilespmem:v23+s15+$0x0] =	vst.idx.msk $0xffff, v20;
	v17 =	vadd.f32 v28, v17  }
0x123: {  	s2 =	sor.u32 s5, s6;
	v18 =	vadd.f32 v30, v18;
	[tilespmem:v25+s15+$0x0] =	vst.idx.msk $0xffff, v19  }
0x124: {  	s2 =	sshrl.u32 s2, $0x3;
	[tilespmem:v22+s15+$0x0] =	vst.idx.msk $0xffff, v17  }
0x125: {  	s2 =	sadd.s32 s1, s2;
	[tilespmem:v21+s15+$0x0] =	vst.idx.msk $0xffff, v18  }
0x126: {  	[hbm4b:s2+s3] =	stream.linear.scatter [tilespmem:s15], [sflag:$0xC], $0x80, $0x38;
	[tilespmem:$0x1C700] =	vst v63  }
0x127: {  	s14 =	simm.s32 $0x12E88;
	s9 =	sadd.s32 $0x10, s2  }
0x128: {  	[hbm4b:s9+s3] =	stream.linear.scatter [tilespmem:s14], [sflag:$0xC], $0x80, $0x38;
	[tilespmem:$0x1C700] =	vst v63  }
0x129: {  	s18 =	simm.s32 $0x12F10;
	s17 =	sadd.s32 $0x20, s2  }
0x12a: {  	[hbm4b:s17+s3] =	stream.linear.scatter [tilespmem:s18], [sflag:$0xC], $0x80, $0x38;
	[tilespmem:$0x1C700] =	vst v63  }
0x12b: {  	s24 =	simm.s32 $0x12F98;
	s21 =	sadd.s32 $0x30, s2  }
0x12c: {  	[hbm4b:s21+s3] =	stream.linear.scatter [tilespmem:s24], [sflag:$0xC], $0x80, $0x38;
	[tilespmem:$0x1C700] =	vst v63  }
0x12d: {  	s31 =	simm.s32 $0x13020;
	s29 =	sadd.s32 $0x40, s2  }
0x12e: {  	[hbm4b:s29+s3] =	stream.linear.scatter [tilespmem:s31], [sflag:$0xC], $0x80, $0x38;
	[tilespmem:$0x1C700] =	vst v63  }
0x12f: {  	s9 =	sadd.s32 $0x50, s2;
	s14 =	simm.s32 $0x130A8  }
0x130: {  	[hbm4b:s9+s3] =	stream.linear.scatter [tilespmem:s14], [sflag:$0xC], $0x80, $0x38;
	[tilespmem:$0x1C700] =	vst v63  }
0x131: {  	s17 =	sadd.s32 $0x60, s2;
	s18 =	simm.s32 $0x13130  }
0x132: {  	[hbm4b:s17+s3] =	stream.linear.scatter [tilespmem:s18], [sflag:$0xC], $0x80, $0x38;
	[tilespmem:$0x1C700] =	vst v63  }
0x133: {  	s21 =	sadd.s32 $0x70, s2;
	s24 =	simm.s32 $0x131B8  }
0x134: {  	[hbm4b:s21+s3] =	stream.linear.scatter [tilespmem:s24], [sflag:$0xC], $0x80, $0x38;
	[tilespmem:$0x1C700] =	vst v63  }
0x135: {  	s29 =	sadd.s32 $0x1000, s2;
	s31 =	simm.s32 $0x13240  }
0x136: {  	[hbm4b:s29+s3] =	stream.linear.scatter [tilespmem:s31], [sflag:$0xC], $0x80, $0x38;
	[tilespmem:$0x1C700] =	vst v63  }
0x137: {  	s9 =	sadd.s32 $0x1010, s2;
	s14 =	simm.s32 $0x132C8  }
0x138: {  	[hbm4b:s9+s3] =	stream.linear.scatter [tilespmem:s14], [sflag:$0xC], $0x80, $0x38;
	[tilespmem:$0x1C700] =	vst v63  }
0x139: {  	s17 =	sadd.s32 $0x1020, s2;
	s18 =	simm.s32 $0x13350  }
0x13a: {  	[hbm4b:s17+s3] =	stream.linear.scatter [tilespmem:s18], [sflag:$0xC], $0x80, $0x38;
	[tilespmem:$0x1C700] =	vst v63  }
0x13b: {  	s21 =	sadd.s32 $0x1030, s2;
	s24 =	simm.s32 $0x133D8  }
0x13c: {  	[hbm4b:s21+s3] =	stream.linear.scatter [tilespmem:s24], [sflag:$0xC], $0x80, $0x38;
	[tilespmem:$0x1C700] =	vst v63  }
0x13d: {  	s29 =	sadd.s32 $0x1040, s2;
	s31 =	simm.s32 $0x13460  }
0x13e: {  	[hbm4b:s29+s3] =	stream.linear.scatter [tilespmem:s31], [sflag:$0xC], $0x80, $0x38;
	[tilespmem:$0x1C700] =	vst v63  }
0x13f: {  	s9 =	sadd.s32 $0x1050, s2;
	s14 =	simm.s32 $0x134E8  }
0x140: {  	[hbm4b:s9+s3] =	stream.linear.scatter [tilespmem:s14], [sflag:$0xC], $0x80, $0x38;
	[tilespmem:$0x1C700] =	vst v63  }
0x141: {  	s17 =	sadd.s32 $0x1060, s2;
	s18 =	simm.s32 $0x13570  }
0x142: {  	[hbm4b:s17+s3] =	stream.linear.scatter [tilespmem:s18], [sflag:$0xC], $0x80, $0x38;
	[tilespmem:$0x1C700] =	vst v63  }
0x143: {  	s21 =	sadd.s32 $0x1070, s2;
	s24 =	simm.s32 $0x135F8  }
0x144: {  	[hbm4b:s21+s3] =	stream.linear.scatter [tilespmem:s24], [sflag:$0xC], $0x80, $0x38;
	[tilespmem:$0x1C700] =	vst v63  }
0x145: {  	s29 =	sadd.s32 $0x2000, s2;
	s31 =	simm.s32 $0x13680  }
0x146: {  	[hbm4b:s29+s3] =	stream.linear.scatter [tilespmem:s31], [sflag:$0xC], $0x80, $0x38;
	[tilespmem:$0x1C700] =	vst v63  }
0x147: {  	s9 =	sadd.s32 $0x2010, s2;
	s14 =	simm.s32 $0x13708  }
0x148: {  	[hbm4b:s9+s3] =	stream.linear.scatter [tilespmem:s14], [sflag:$0xC], $0x80, $0x38;
	[tilespmem:$0x1C700] =	vst v63  }
0x149: {  	s17 =	sadd.s32 $0x2020, s2;
	s18 =	simm.s32 $0x13790  }
0x14a: {  	[hbm4b:s17+s3] =	stream.linear.scatter [tilespmem:s18], [sflag:$0xC], $0x80, $0x38;
	[tilespmem:$0x1C700] =	vst v63  }
0x14b: {  	s21 =	sadd.s32 $0x2030, s2;
	s24 =	simm.s32 $0x13818  }
0x14c: {  	[hbm4b:s21+s3] =	stream.linear.scatter [tilespmem:s24], [sflag:$0xC], $0x80, $0x38;
	[tilespmem:$0x1C700] =	vst v63  }
0x14d: {  	s29 =	sadd.s32 $0x2040, s2;
	s31 =	simm.s32 $0x138A0  }
0x14e: {  	[hbm4b:s29+s3] =	stream.linear.scatter [tilespmem:s31], [sflag:$0xC], $0x80, $0x38;
	[tilespmem:$0x1C700] =	vst v63  }
0x14f: {  	s9 =	sadd.s32 $0x2050, s2;
	s14 =	simm.s32 $0x13928  }
0x150: {  	[hbm4b:s9+s3] =	stream.linear.scatter [tilespmem:s14], [sflag:$0xC], $0x80, $0x38;
	[tilespmem:$0x1C700] =	vst v63  }
0x151: {  	s17 =	sadd.s32 $0x2060, s2;
	s18 =	simm.s32 $0x139B0  }
0x152: {  	[hbm4b:s17+s3] =	stream.linear.scatter [tilespmem:s18], [sflag:$0xC], $0x80, $0x38;
	[tilespmem:$0x1C700] =	vst v63  }
0x153: {  	s21 =	sadd.s32 $0x2070, s2;
	s24 =	simm.s32 $0x13A38  }
0x154: {  	[hbm4b:s21+s3] =	stream.linear.scatter [tilespmem:s24], [sflag:$0xC], $0x80, $0x38;
	[tilespmem:$0x1C700] =	vst v63  }
0x155: {  	s29 =	sadd.s32 $0x3000, s2;
	s31 =	simm.s32 $0x13AC0  }
0x156: {  	[hbm4b:s29+s3] =	stream.linear.scatter [tilespmem:s31], [sflag:$0xC], $0x80, $0x38;
	[tilespmem:$0x1C700] =	vst v63  }
0x157: {  	s9 =	sadd.s32 $0x3010, s2;
	s14 =	simm.s32 $0x13B48  }
0x158: {  	[hbm4b:s9+s3] =	stream.linear.scatter [tilespmem:s14], [sflag:$0xC], $0x80, $0x38;
	[tilespmem:$0x1C700] =	vst v63  }
0x159: {  	s17 =	sadd.s32 $0x3020, s2;
	s18 =	simm.s32 $0x13BD0  }
0x15a: {  	[hbm4b:s17+s3] =	stream.linear.scatter [tilespmem:s18], [sflag:$0xC], $0x80, $0x38;
	[tilespmem:$0x1C700] =	vst v63  }
0x15b: {  	s21 =	sadd.s32 $0x3030, s2;
	s24 =	simm.s32 $0x13C58  }
0x15c: {  	[hbm4b:s21+s3] =	stream.linear.scatter [tilespmem:s24], [sflag:$0xC], $0x80, $0x38;
	[tilespmem:$0x1C700] =	vst v63  }
0x15d: {  	s29 =	sadd.s32 $0x3040, s2;
	s31 =	simm.s32 $0x13CE0  }
0x15e: {  	[hbm4b:s29+s3] =	stream.linear.scatter [tilespmem:s31], [sflag:$0xC], $0x80, $0x38;
	[tilespmem:$0x1C700] =	vst v63  }
0x15f: {  	s14 =	sadd.s32 $0x3050, s2;
	s17 =	simm.s32 $0x13D68  }
0x160: {  	[hbm4b:s14+s3] =	stream.linear.scatter [tilespmem:s17], [sflag:$0xC], $0x80, $0x38;
	[tilespmem:$0x1C700] =	vst v63  }
0x161: {  	s18 =	sadd.s32 $0x3060, s2;
	s21 =	simm.s32 $0x13DF0  }
0x162: {  	[hbm4b:s18+s3] =	stream.linear.scatter [tilespmem:s21], [sflag:$0xC], $0x80, $0x38;
	[tilespmem:$0x1C700] =	vst v63  }
0x163: {  	s2 =	sadd.s32 $0x3070, s2;
	s24 =	simm.s32 $0x13E78  }
0x164: {  	[hbm4b:s2+s3] =	stream.linear.scatter [tilespmem:s24], [sflag:$0xC], $0x80, $0x38;
	[tilespmem:$0x1C700] =	vst v63  }
0x165: {  	s6 =	sadd.s32 $0x8, s7;
	s2 =	simm.s32 @!p0 $0x13  }
0x166: {  	s29 =	sshll.u32 s30, $0x8;
	s14 =	sshll.u32 s6, $0x7;
	_ =	swait.ge @!p0 [sflag:s2], $0x1000  }
0x167: {  	s31 =	sand.u32 $0x1FC00, s14;
	s24 =	sand.u32 $0x300, s29;
	[sflag:s2] =	ssyncset.done @!p0 $0x0  }
0x168: {  	s17 =	simm.s32 $0xFD00;
	s14 =	sor.u32 s24, s31;
	[sflag:s2] =	ssyncadd.s32 @!p0 $0xFFFFF000  }
0x169: {  	[tilespmem:s17], [sflag:$0x9] =	stream.indirect.gather [hbm4b:s4+s13], $0x20, s14, s13, $0xb8;
	[tilespmem:$0x1C700] =	vst v63  }
0x16a: {  	s18 =	simm.s32 $0x0;
	s21 =	simm.s32 $0x1;
	s17 =	simm.s32 $0x3  }
0x16b: {  	s31 =	simm.s32 $0x3;
	s14 =	sadd.s32 $0x2, s7;
	_ =	swait.ge [sflag:s17], $0x1000  }
0x16c: {  	v19 =	vmov s21;
	v21 =	vmov s31;
	s31 =	simm.s32 $0x7;
	s21 =	sshll.u32 s14, $0x5;
	[sflag:s17] =	ssyncset.done $0x0  }
0x16d: {  	v17 =	vmov s18;
	v24 =	vmov s31;
	s2 =	sand.u32 $0x3FFFFFE0, s21;
	[sflag:s17] =	ssyncadd.s32 $0xFFFFF000  }
0x16e: {  	v18 =	vshrl.u32 v17, $0x3;
	v24 =	vshrl.u32 v24, $0x3;
	v17 =	vld [tilespmem:s2+$0x6400]  }
0x16f: {  	s9 =	simm.s32 $0x9D80;
	v26 =	vshll.u32 v18, v1;
	v24 =	vshll.u32 v24, v1;
	v18 =	vld [tilespmem:s2+$0x6410]  }
0x170: {  	v24 =	vbroadcast v24, $0x0;
	v27 =	vld [tilespmem:s9+$0x60]  }
0x171: {  	s18 =	simm.s32 $0x4;
	v26 =	vbroadcast v26, $0x0;
	v29 =	vld [tilespmem:s9+$0xFFFFFF80]  }
0x172: {  	s29 =	simm.s32 $0x2;
	v22 =	vmov s18;
	v19 =	vshrl.u32 v19, $0x3;
	v28 =	vld [tilespmem:s9+$0x70];
	v30 =	vadd.s32 v15, v24  }
0x173: {  	v20 =	vmov s29;
	v19 =	vshll.u32 v19, v1;
	v51 =	vadd.s32 v0, v26;
	v31 =	vld [tilespmem:s9+$0xFFFFFF90]  }
0x174: {  	v20 =	vshrl.u32 v20, $0x3;
	v19 =	vbroadcast v19, $0x0;
	v24 =	vadd.s32 v16, v24;
	v52 =	vld [tilespmem:s9+$0xFFFFFFA0]  }
0x175: {  	v20 =	vshll.u32 v20, v1;
	v26 =	vadd.s32 v2, v26;
	v53 =	vld [tilespmem:s9+$0xFFFFFFB0];
	v27 =	vadd.f32 v27, v17  }
0x176: {  	s18 =	simm.s32 $0x6;
	v54 =	vadd.s32 v3, v19;
	v20 =	vbroadcast v20, $0x0;
	v55 =	vld [tilespmem:s9+$0xFFFFFFC0];
	v29 =	vadd.f32 v29, v17  }
0x177: {  	v25 =	vmov s18;
	v19 =	vadd.s32 v4, v19;
	v28 =	vadd.f32 v28, v18;
	[tilespmem:v30+s8+$0x0] =	vst.idx.msk $0xffff, v27  }
0x178: {  	v22 =	vshrl.u32 v22, $0x3;
	v56 =	vld [tilespmem:s9+$0xFFFFFFD0];
	v27 =	vadd.f32 v31, v18;
	v30 =	vadd.s32 v5, v20;
	[tilespmem:v51+s8+$0x0] =	vst.idx.msk $0xffff, v29  }
0x179: {  	v22 =	vshll.u32 v22, v1;
	v21 =	vshrl.u32 v21, $0x3;
	v59 =	vld [tilespmem:s9+$0x10];
	[tilespmem:v24+s8+$0x0] =	vst.idx.msk $0xffff, v28;
	v24 =	vadd.f32 v52, v17  }
0x17a: {  	s29 =	simm.s32 $0x5;
	v22 =	vbroadcast v22, $0x0;
	v21 =	vshll.u32 v21, v1;
	v29 =	vld [tilespmem:s9+$0x0];
	[tilespmem:v26+s8+$0x0] =	vst.idx.msk $0xffff, v27;
	v26 =	vadd.f32 v53, v18  }
0x17b: {  	v23 =	vmov s29;
	v31 =	vld [tilespmem:s9+$0xFFFFFFE0];
	v20 =	vadd.s32 v6, v20;
	[tilespmem:v54+s8+$0x0] =	vst.idx.msk $0xffff, v24;
	v24 =	vadd.f32 v55, v17  }
0x17c: {  	v23 =	vshrl.u32 v23, $0x3;
	v21 =	vbroadcast v21, $0x0;
	v28 =	vld [tilespmem:s9+$0xFFFFFFF0];
	[tilespmem:v19+s8+$0x0] =	vst.idx.msk $0xffff, v26;
	v26 =	vadd.s32 v9, v22  }
0x17d: {  	v25 =	vshrl.u32 v25, $0x3;
	v23 =	vshll.u32 v23, v1;
	[tilespmem:v30+s8+$0x0] =	vst.idx.msk $0xffff, v24;
	v30 =	vadd.s32 v10, v22  }
0x17e: {  	v58 =	vadd.s32 v8, v21;
	v60 =	vld [tilespmem:s9+$0x20];
	v27 =	vadd.s32 v7, v21;
	v21 =	vadd.f32 v56, v18  }
0x17f: {  	v25 =	vshll.u32 v25, v1;
	s31 =	simm.s32 $0xA;
	v61 =	vbroadcast v23, $0x0;
	v22 =	vadd.f32 v29, v17  }
0x180: {  	v23 =	vmov s31;
	v24 =	vadd.f32 v31, v17;
	v31 =	vld [tilespmem:s9+$0x30];
	v29 =	vadd.f32 v59, v18;
	[tilespmem:v20+s8+$0x0] =	vst.idx.msk $0xffff, v21  }
0x181: {  	s31 =	simm.s32 $0xF;
	v62 =	vadd.s32 v11, v61;
	v38 =	vld [tilespmem:s9+$0x40];
	v20 =	vadd.f32 v28, v18;
	v28 =	vbroadcast v25, $0x0;
	[tilespmem:v26+s8+$0x0] =	vst.idx.msk $0xffff, v22  }
0x182: {  	s21 =	simm.s32 $0x8;
	v32 =	vmov s31;
	v25 =	vadd.s32 v12, v61;
	[tilespmem:v30+s8+$0x0] =	vst.idx.msk $0xffff, v29;
	v29 =	vld [tilespmem:s9+$0x50]  }
0x183: {  	s29 =	simm.s32 $0x9;
	v57 =	vmov s21;
	v63 =	vadd.f32 v60, v17;
	[tilespmem:v27+s8+$0x0] =	vst.idx.msk $0xffff, v24;
	v22 =	vadd.s32 v13, v28  }
0x184: {  	s18 =	simm.s32 $0xC;
	s17 =	simm.s32 $0xB;
	v19 =	vmov s29;
	v21 =	vshrl.u32 v57, $0x3;
	[tilespmem:v58+s8+$0x0] =	vst.idx.msk $0xffff, v20;
	v20 =	vadd.s32 v14, v28  }
0x185: {  	s21 =	simm.s32 $0xD;
	s29 =	simm.s32 $0xE;
	v24 =	vmov s17;
	v27 =	vmov s18;
	v31 =	vadd.f32 v31, v18  }
0x186: {  	s2 =	simm.s32 $0x10;
	[tilespmem:v62+s8+$0x0] =	vst.idx.msk $0xffff, v63;
	v26 =	vmov s21;
	v28 =	vmov s29;
	v30 =	vadd.f32 v38, v17  }
.LBB2_7:
0x187: {  	p1 =	slt.u32 s2, $0x78;
	v21 =	vshll.u32 v21, v1;
	v32 =	vshrl.u32 v32, $0x3;
	[tilespmem:v25+s8+$0x0] =	vst.idx.msk $0xffff, v31;
	v25 =	vadd.f32 v29, v18  }
0x188: {  	v19 =	vshrl.u32 v19, $0x3;
	v23 =	vshrl.u32 v23, $0x3;
	s9 =	sadd.s32 $0x100, s9;
	v29 =	vshll.u32 v32, v1;
	[tilespmem:v22+s8+$0x0] =	vst.idx.msk $0xffff, v30  }
0x189: {  	v22 =	vshrl.u32 v24, $0x3;
	v24 =	vshrl.u32 v27, $0x3;
	v27 =	vld [tilespmem:s9+$0x60];
	v29 =	vbroadcast v29, $0x0;
	[tilespmem:v20+s8+$0x0] =	vst.idx.msk $0xffff, v25  }
0x18a: {  	v20 =	vbroadcast v21, $0x0;
	v21 =	vshrl.u32 v26, $0x3;
	v25 =	vshrl.u32 v28, $0x3;
	v26 =	vld [tilespmem:s9+$0x70]  }
0x18b: {  	v19 =	vshll.u32 v19, v1;
	v23 =	vshll.u32 v23, v1;
	v28 =	vld [tilespmem:s9+$0xFFFFFF80];
	v30 =	vadd.s32 v15, v29  }
0x18c: {  	v22 =	vshll.u32 v22, v1;
	v24 =	vshll.u32 v24, v1;
	v29 =	vadd.s32 v16, v29;
	v31 =	vld [tilespmem:s9+$0xFFFFFF90]  }
0x18d: {  	v19 =	vbroadcast v19, $0x0;
	v21 =	vshll.u32 v21, v1;
	v32 =	vadd.s32 v0, v20;
	v33 =	vld [tilespmem:s9+$0xFFFFFFA0]  }
0x18e: {  	v25 =	vshll.u32 v25, v1;
	v20 =	vadd.s32 v2, v20;
	v34 =	vld [tilespmem:s9+$0xFFFFFFB0];
	v27 =	vadd.f32 v27, v17  }
0x18f: {  	v23 =	vbroadcast v23, $0x0;
	v35 =	vadd.s32 v3, v19;
	v36 =	vld [tilespmem:s9+$0xFFFFFFC0];
	v26 =	vadd.f32 v26, v18  }
0x190: {  	v19 =	vadd.s32 v4, v19;
	v28 =	vadd.f32 v28, v17;
	v37 =	vld [tilespmem:s9+$0xFFFFFFD0];
	[tilespmem:v30+s8+$0x0] =	vst.idx.msk $0xffff, v27  }
0x191: {  	v22 =	vbroadcast v22, $0x0;
	v30 =	vadd.s32 v5, v23;
	v27 =	vadd.f32 v31, v18;
	v31 =	vld [tilespmem:s9+$0xFFFFFFE0];
	[tilespmem:v29+s8+$0x0] =	vst.idx.msk $0xffff, v26  }
0x192: {  	v23 =	vadd.s32 v6, v23;
	[tilespmem:v32+s8+$0x0] =	vst.idx.msk $0xffff, v28;
	v26 =	vadd.f32 v33, v17;
	v28 =	vld [tilespmem:s9+$0xFFFFFFF0]  }
0x193: {  	v24 =	vbroadcast v24, $0x0;
	[tilespmem:v20+s8+$0x0] =	vst.idx.msk $0xffff, v27;
	v20 =	vadd.f32 v34, v18;
	v27 =	vadd.s32 v7, v22;
	v29 =	vld [tilespmem:s9+$0x0]  }
0x194: {  	v32 =	vmov s2;
	v22 =	vadd.s32 v8, v22;
	[tilespmem:v35+s8+$0x0] =	vst.idx.msk $0xffff, v26;
	v26 =	vadd.f32 v36, v17;
	v33 =	vld [tilespmem:s9+$0x10]  }
0x195: {  	v35 =	vbroadcast v21, $0x0;
	[tilespmem:v19+s8+$0x0] =	vst.idx.msk $0xffff, v20;
	v19 =	vadd.f32 v37, v18;
	v20 =	vadd.s32 v9, v24;
	v34 =	vld [tilespmem:s9+$0x20]  }
0x196: {  	v21 =	vshrl.u32 v32, $0x3;
	[tilespmem:v30+s8+$0x0] =	vst.idx.msk $0xffff, v26;
	v26 =	vadd.f32 v31, v17;
	v30 =	vadd.s32 v10, v24;
	v31 =	vld [tilespmem:s9+$0x30]  }
0x197: {  	s18 =	sadd.s32 $0x1, s2;
	v36 =	vadd.s32 v11, v35;
	[tilespmem:v23+s8+$0x0] =	vst.idx.msk $0xffff, v19;
	v24 =	vadd.f32 v28, v18;
	v37 =	vld [tilespmem:s9+$0x40];
	v28 =	vbroadcast v25, $0x0  }
.Ltmp4:
0x198: {  	v19 =	vmov s18;
	s18 =	sadd.s32 $0x2, s2;
	v25 =	vadd.s32 v12, v35;
	[tilespmem:v27+s8+$0x0] =	vst.idx.msk $0xffff, v26;
	v26 =	vadd.f32 v29, v17;
	v29 =	vld [tilespmem:s9+$0x50];
	(pc) =	sbr.rel @p1 .LBB2_7-.Ltmp4, $4  }
0x199: {  	v23 =	vmov s18;
	s18 =	sadd.s32 $0x3, s2;
	[tilespmem:v22+s8+$0x0] =	vst.idx.msk $0xffff, v24;
	v32 =	vadd.f32 v33, v18;
	v22 =	vadd.s32 v13, v28  }
0x19a: {  	s21 =	sadd.s32 $0x5, s2;
	v24 =	vmov s18;
	s18 =	sadd.s32 $0x4, s2;
	[tilespmem:v20+s8+$0x0] =	vst.idx.msk $0xffff, v26;
	v33 =	vadd.f32 v34, v17;
	v20 =	vadd.s32 v14, v28  }
0x19b: {  	v27 =	vmov s18;
	v26 =	vmov s21;
	s18 =	sadd.s32 $0x6, s2;
	s21 =	sadd.s32 $0x7, s2;
	[tilespmem:v30+s8+$0x0] =	vst.idx.msk $0xffff, v32;
	v31 =	vadd.f32 v31, v18  }
0x19c: {  	s2 =	sadd.s32 $0x8, s2;
	v28 =	vmov s18;
	v32 =	vmov s21;
	[tilespmem:v36+s8+$0x0] =	vst.idx.msk $0xffff, v33;
	v30 =	vadd.f32 v37, v17  }
0x19d: {  	_ =	sdelay $0x1  }
0x19e: {  	v21 =	vshll.u32 v21, v1;
	v32 =	vshrl.u32 v32, $0x3;
	v29 =	vadd.f32 v29, v18  }
0x19f: {  	v19 =	vshrl.u32 v19, $0x3;
	v23 =	vshrl.u32 v23, $0x3;
	s2 =	sadd.s32 $0x100, s9;
	v24 =	vshrl.u32 v24, $0x3  }
0x1a0: {  	v27 =	vshrl.u32 v27, $0x3;
	[tilespmem:v25+s8+$0x0] =	vst.idx.msk $0xffff, v31;
	v32 =	vshll.u32 v32, v1;
	v21 =	vbroadcast v21, $0x0;
	v31 =	vld [tilespmem:s2+$0xFFFFFF80]  }
0x1a1: {  	v25 =	vshrl.u32 v26, $0x3;
	v33 =	vld [tilespmem:s2+$0x60];
	v19 =	vshll.u32 v19, v1;
	v32 =	vbroadcast v32, $0x0  }
0x1a2: {  	v26 =	vshrl.u32 v28, $0x3;
	v28 =	vld [tilespmem:s2+$0x70];
	v23 =	vshll.u32 v23, v1;
	[tilespmem:v22+s8+$0x0] =	vst.idx.msk $0xffff, v30;
	v22 =	vadd.s32 v0, v21  }
0x1a3: {  	v35 =	vld [tilespmem:s2+$0xFFFFFF90];
	v24 =	vshll.u32 v24, v1;
	v27 =	vshll.u32 v27, v1;
	v34 =	vadd.s32 v15, v32  }
0x1a4: {  	v30 =	vld [tilespmem:s2+$0xFFFFFFA0];
	v25 =	vshll.u32 v25, v1;
	v19 =	vbroadcast v19, $0x0;
	v32 =	vadd.s32 v16, v32  }
0x1a5: {  	v36 =	vld [tilespmem:s2+$0xFFFFFFB0];
	v26 =	vshll.u32 v26, v1;
	v21 =	vadd.s32 v2, v21;
	v31 =	vadd.f32 v31, v17  }
0x1a6: {  	[tilespmem:v20+s8+$0x0] =	vst.idx.msk $0xffff, v29;
	v29 =	vld [tilespmem:s2+$0xFFFFFFC0];
	v23 =	vbroadcast v23, $0x0;
	v20 =	vadd.s32 v3, v19;
	v33 =	vadd.f32 v33, v17  }
0x1a7: {  	v37 =	vld [tilespmem:s2+$0xFFFFFFD0];
	v19 =	vadd.s32 v4, v19;
	v28 =	vadd.f32 v28, v18;
	[tilespmem:v22+s8+$0x0] =	vst.idx.msk $0xffff, v31  }
0x1a8: {  	v49 =	vld [tilespmem:s2+$0xFFFFFFE0];
	v24 =	vbroadcast v24, $0x0;
	v48 =	vadd.s32 v5, v23;
	v47 =	vadd.f32 v35, v18;
	[tilespmem:v34+s8+$0x0] =	vst.idx.msk $0xffff, v33  }
0x1a9: {  	v23 =	vadd.s32 v6, v23;
	v22 =	vadd.f32 v30, v17;
	[tilespmem:v32+s8+$0x0] =	vst.idx.msk $0xffff, v28;
	v28 =	vld [tilespmem:s2+$0xFFFFFFF0]  }
0x1aa: {  	v27 =	vbroadcast v27, $0x0;
	v30 =	vadd.s32 v7, v24;
	v31 =	vld [tilespmem:s2+$0x0];
	[tilespmem:v21+s8+$0x0] =	vst.idx.msk $0xffff, v47;
	v21 =	vadd.f32 v36, v18  }
0x1ab: {  	[tilespmem:v20+s8+$0x0] =	vst.idx.msk $0xffff, v22;
	v20 =	vadd.f32 v29, v17;
	v22 =	vadd.s32 v8, v24;
	v24 =	vld [tilespmem:s2+$0x10]  }
0x1ac: {  	v25 =	vbroadcast v25, $0x0;
	v29 =	vld [tilespmem:s2+$0x20];
	[tilespmem:v19+s8+$0x0] =	vst.idx.msk $0xffff, v21;
	v19 =	vadd.f32 v37, v18;
	v21 =	vadd.s32 v9, v27  }
0x1ad: {  	v50 =	vld [tilespmem:s2+$0x30];
	v27 =	vadd.s32 v10, v27;
	[tilespmem:v48+s8+$0x0] =	vst.idx.msk $0xffff, v20;
	v20 =	vadd.f32 v49, v17  }
0x1ae: {  	v26 =	vbroadcast v26, $0x0;
	[tilespmem:v23+s8+$0x0] =	vst.idx.msk $0xffff, v19;
	v23 =	vadd.s32 v11, v25;
	v19 =	vadd.f32 v28, v18;
	v28 =	vld [tilespmem:s2+$0x40]  }
0x1af: {  	v25 =	vadd.s32 v12, v25;
	[tilespmem:v30+s8+$0x0] =	vst.idx.msk $0xffff, v20;
	v20 =	vadd.f32 v31, v17;
	v30 =	vld [tilespmem:s2+$0x50]  }
0x1b0: {  	[tilespmem:v22+s8+$0x0] =	vst.idx.msk $0xffff, v19;
	v19 =	vadd.f32 v24, v18;
	v22 =	vadd.s32 v13, v26  }
0x1b1: {  	[tilespmem:v21+s8+$0x0] =	vst.idx.msk $0xffff, v20;
	v20 =	vadd.f32 v29, v17;
	v21 =	vadd.s32 v14, v26  }
0x1b2: {  	[tilespmem:v27+s8+$0x0] =	vst.idx.msk $0xffff, v19;
	v19 =	vadd.f32 v50, v18  }
0x1b3: {  	s14 =	sshll.u32 s14, $0x11;
	[tilespmem:v23+s8+$0x0] =	vst.idx.msk $0xffff, v20;
	v17 =	vadd.f32 v28, v17  }
0x1b4: {  	s2 =	sor.u32 s5, s14;
	v18 =	vadd.f32 v30, v18;
	[tilespmem:v25+s8+$0x0] =	vst.idx.msk $0xffff, v19  }
0x1b5: {  	s2 =	sshrl.u32 s2, $0x3;
	[tilespmem:v22+s8+$0x0] =	vst.idx.msk $0xffff, v17  }
0x1b6: {  	s2 =	sadd.s32 s1, s2;
	[tilespmem:v21+s8+$0x0] =	vst.idx.msk $0xffff, v18  }
0x1b7: {  	[hbm4b:s2+s3] =	stream.linear.scatter [tilespmem:s8], [sflag:$0xD], $0x80, $0x38;
	[tilespmem:$0x1C700] =	vst v63  }
0x1b8: {  	s18 =	simm.s32 $0x13F88;
	s17 =	sadd.s32 $0x10, s2  }
0x1b9: {  	[hbm4b:s17+s3] =	stream.linear.scatter [tilespmem:s18], [sflag:$0xD], $0x80, $0x38;
	[tilespmem:$0x1C700] =	vst v63  }
0x1ba: {  	s31 =	simm.s32 $0x14010;
	s21 =	sadd.s32 $0x20, s2  }
0x1bb: {  	[hbm4b:s21+s3] =	stream.linear.scatter [tilespmem:s31], [sflag:$0xD], $0x80, $0x38;
	[tilespmem:$0x1C700] =	vst v63  }
0x1bc: {  	s17 =	sadd.s32 $0x30, s2;
	s18 =	simm.s32 $0x14098  }
0x1bd: {  	[hbm4b:s17+s3] =	stream.linear.scatter [tilespmem:s18], [sflag:$0xD], $0x80, $0x38;
	[tilespmem:$0x1C700] =	vst v63  }
0x1be: {  	s21 =	sadd.s32 $0x40, s2;
	s31 =	simm.s32 $0x14120  }
0x1bf: {  	[hbm4b:s21+s3] =	stream.linear.scatter [tilespmem:s31], [sflag:$0xD], $0x80, $0x38;
	[tilespmem:$0x1C700] =	vst v63  }
0x1c0: {  	s17 =	sadd.s32 $0x50, s2;
	s18 =	simm.s32 $0x141A8  }
0x1c1: {  	[hbm4b:s17+s3] =	stream.linear.scatter [tilespmem:s18], [sflag:$0xD], $0x80, $0x38;
	[tilespmem:$0x1C700] =	vst v63  }
0x1c2: {  	s21 =	sadd.s32 $0x60, s2;
	s31 =	simm.s32 $0x14230  }
0x1c3: {  	[hbm4b:s21+s3] =	stream.linear.scatter [tilespmem:s31], [sflag:$0xD], $0x80, $0x38;
	[tilespmem:$0x1C700] =	vst v63  }
0x1c4: {  	s17 =	sadd.s32 $0x70, s2;
	s18 =	simm.s32 $0x142B8  }
0x1c5: {  	[hbm4b:s17+s3] =	stream.linear.scatter [tilespmem:s18], [sflag:$0xD], $0x80, $0x38;
	[tilespmem:$0x1C700] =	vst v63  }
0x1c6: {  	s21 =	sadd.s32 $0x1000, s2;
	s31 =	simm.s32 $0x14340  }
0x1c7: {  	[hbm4b:s21+s3] =	stream.linear.scatter [tilespmem:s31], [sflag:$0xD], $0x80, $0x38;
	[tilespmem:$0x1C700] =	vst v63  }
0x1c8: {  	s17 =	sadd.s32 $0x1010, s2;
	s18 =	simm.s32 $0x143C8  }
0x1c9: {  	[hbm4b:s17+s3] =	stream.linear.scatter [tilespmem:s18], [sflag:$0xD], $0x80, $0x38;
	[tilespmem:$0x1C700] =	vst v63  }
0x1ca: {  	s21 =	sadd.s32 $0x1020, s2;
	s31 =	simm.s32 $0x14450  }
0x1cb: {  	[hbm4b:s21+s3] =	stream.linear.scatter [tilespmem:s31], [sflag:$0xD], $0x80, $0x38;
	[tilespmem:$0x1C700] =	vst v63  }
0x1cc: {  	s17 =	sadd.s32 $0x1030, s2;
	s18 =	simm.s32 $0x144D8  }
0x1cd: {  	[hbm4b:s17+s3] =	stream.linear.scatter [tilespmem:s18], [sflag:$0xD], $0x80, $0x38;
	[tilespmem:$0x1C700] =	vst v63  }
0x1ce: {  	s21 =	sadd.s32 $0x1040, s2;
	s31 =	simm.s32 $0x14560  }
0x1cf: {  	[hbm4b:s21+s3] =	stream.linear.scatter [tilespmem:s31], [sflag:$0xD], $0x80, $0x38;
	[tilespmem:$0x1C700] =	vst v63  }
0x1d0: {  	s17 =	sadd.s32 $0x1050, s2;
	s18 =	simm.s32 $0x145E8  }
0x1d1: {  	[hbm4b:s17+s3] =	stream.linear.scatter [tilespmem:s18], [sflag:$0xD], $0x80, $0x38;
	[tilespmem:$0x1C700] =	vst v63  }
0x1d2: {  	s21 =	sadd.s32 $0x1060, s2;
	s31 =	simm.s32 $0x14670  }
0x1d3: {  	[hbm4b:s21+s3] =	stream.linear.scatter [tilespmem:s31], [sflag:$0xD], $0x80, $0x38;
	[tilespmem:$0x1C700] =	vst v63  }
0x1d4: {  	s17 =	sadd.s32 $0x1070, s2;
	s18 =	simm.s32 $0x146F8  }
0x1d5: {  	[hbm4b:s17+s3] =	stream.linear.scatter [tilespmem:s18], [sflag:$0xD], $0x80, $0x38;
	[tilespmem:$0x1C700] =	vst v63  }
0x1d6: {  	s21 =	sadd.s32 $0x2000, s2;
	s31 =	simm.s32 $0x14780  }
0x1d7: {  	[hbm4b:s21+s3] =	stream.linear.scatter [tilespmem:s31], [sflag:$0xD], $0x80, $0x38;
	[tilespmem:$0x1C700] =	vst v63  }
0x1d8: {  	s17 =	sadd.s32 $0x2010, s2;
	s18 =	simm.s32 $0x14808  }
0x1d9: {  	[hbm4b:s17+s3] =	stream.linear.scatter [tilespmem:s18], [sflag:$0xD], $0x80, $0x38;
	[tilespmem:$0x1C700] =	vst v63  }
0x1da: {  	s21 =	sadd.s32 $0x2020, s2;
	s31 =	simm.s32 $0x14890  }
0x1db: {  	[hbm4b:s21+s3] =	stream.linear.scatter [tilespmem:s31], [sflag:$0xD], $0x80, $0x38;
	[tilespmem:$0x1C700] =	vst v63  }
0x1dc: {  	s17 =	sadd.s32 $0x2030, s2;
	s18 =	simm.s32 $0x14918  }
0x1dd: {  	[hbm4b:s17+s3] =	stream.linear.scatter [tilespmem:s18], [sflag:$0xD], $0x80, $0x38;
	[tilespmem:$0x1C700] =	vst v63  }
0x1de: {  	s21 =	sadd.s32 $0x2040, s2;
	s31 =	simm.s32 $0x149A0  }
0x1df: {  	[hbm4b:s21+s3] =	stream.linear.scatter [tilespmem:s31], [sflag:$0xD], $0x80, $0x38;
	[tilespmem:$0x1C700] =	vst v63  }
0x1e0: {  	s17 =	sadd.s32 $0x2050, s2;
	s18 =	simm.s32 $0x14A28  }
0x1e1: {  	[hbm4b:s17+s3] =	stream.linear.scatter [tilespmem:s18], [sflag:$0xD], $0x80, $0x38;
	[tilespmem:$0x1C700] =	vst v63  }
0x1e2: {  	s21 =	sadd.s32 $0x2060, s2;
	s31 =	simm.s32 $0x14AB0  }
0x1e3: {  	[hbm4b:s21+s3] =	stream.linear.scatter [tilespmem:s31], [sflag:$0xD], $0x80, $0x38;
	[tilespmem:$0x1C700] =	vst v63  }
0x1e4: {  	s17 =	sadd.s32 $0x2070, s2;
	s18 =	simm.s32 $0x14B38  }
0x1e5: {  	[hbm4b:s17+s3] =	stream.linear.scatter [tilespmem:s18], [sflag:$0xD], $0x80, $0x38;
	[tilespmem:$0x1C700] =	vst v63  }
0x1e6: {  	s21 =	sadd.s32 $0x3000, s2;
	s31 =	simm.s32 $0x14BC0  }
0x1e7: {  	[hbm4b:s21+s3] =	stream.linear.scatter [tilespmem:s31], [sflag:$0xD], $0x80, $0x38;
	[tilespmem:$0x1C700] =	vst v63  }
0x1e8: {  	s17 =	sadd.s32 $0x3010, s2;
	s18 =	simm.s32 $0x14C48  }
0x1e9: {  	[hbm4b:s17+s3] =	stream.linear.scatter [tilespmem:s18], [sflag:$0xD], $0x80, $0x38;
	[tilespmem:$0x1C700] =	vst v63  }
0x1ea: {  	s21 =	sadd.s32 $0x3020, s2;
	s31 =	simm.s32 $0x14CD0  }
0x1eb: {  	[hbm4b:s21+s3] =	stream.linear.scatter [tilespmem:s31], [sflag:$0xD], $0x80, $0x38;
	[tilespmem:$0x1C700] =	vst v63  }
0x1ec: {  	s17 =	sadd.s32 $0x3030, s2;
	s18 =	simm.s32 $0x14D58  }
0x1ed: {  	[hbm4b:s17+s3] =	stream.linear.scatter [tilespmem:s18], [sflag:$0xD], $0x80, $0x38;
	[tilespmem:$0x1C700] =	vst v63  }
0x1ee: {  	s21 =	sadd.s32 $0x3040, s2;
	s31 =	simm.s32 $0x14DE0  }
0x1ef: {  	[hbm4b:s21+s3] =	stream.linear.scatter [tilespmem:s31], [sflag:$0xD], $0x80, $0x38;
	[tilespmem:$0x1C700] =	vst v63  }
0x1f0: {  	s17 =	sadd.s32 $0x3050, s2;
	s18 =	simm.s32 $0x14E68  }
0x1f1: {  	[hbm4b:s17+s3] =	stream.linear.scatter [tilespmem:s18], [sflag:$0xD], $0x80, $0x38;
	[tilespmem:$0x1C700] =	vst v63  }
0x1f2: {  	s21 =	sadd.s32 $0x3060, s2;
	s31 =	simm.s32 $0x14EF0  }
0x1f3: {  	[hbm4b:s21+s3] =	stream.linear.scatter [tilespmem:s31], [sflag:$0xD], $0x80, $0x38;
	[tilespmem:$0x1C700] =	vst v63  }
0x1f4: {  	s14 =	simm.s32 $0x14F78;
	s2 =	sadd.s32 $0x3070, s2  }
0x1f5: {  	[hbm4b:s2+s3] =	stream.linear.scatter [tilespmem:s14], [sflag:$0xD], $0x80, $0x38;
	[tilespmem:$0x1C700] =	vst v63  }
0x1f6: {  	s2 =	simm.s32 @!p0 $0x14  }
0x1f7: {  	s29 =	sadd.s32 $0x9, s7;
	_ =	swait.ge @!p0 [sflag:s2], $0x1000  }
0x1f8: {  	s14 =	sshll.u32 s29, $0x7;
	[sflag:s2] =	ssyncset.done @!p0 $0x0  }
0x1f9: {  	s18 =	simm.s32 $0x10D00;
	s17 =	sand.u32 $0x1FF80, s14;
	[sflag:s2] =	ssyncadd.s32 @!p0 $0xFFFFF000  }
0x1fa: {  	[tilespmem:s18], [sflag:$0xA] =	stream.indirect.gather [hbm4b:s4+s13], $0x20, s17, s13, $0xb8;
	[tilespmem:$0x1C700] =	vst v63  }
0x1fb: {  	s21 =	simm.s32 $0x0;
	s31 =	simm.s32 $0x1;
	s17 =	simm.s32 $0x4  }
0x1fc: {  	v19 =	vmov s31;
	s31 =	simm.s32 $0x3;
	s18 =	sadd.s32 $0x3, s7;
	_ =	swait.ge [sflag:s17], $0x1000  }
0x1fd: {  	v21 =	vmov s31;
	s31 =	simm.s32 $0x7;
	s2 =	sshll.u32 s18, $0x5;
	[sflag:s17] =	ssyncset.done $0x0  }
0x1fe: {  	s9 =	simm.s32 $0x2;
	v17 =	vmov s21;
	v24 =	vmov s31;
	s2 =	sand.u32 $0x3FFFFFE0, s2;
	[sflag:s17] =	ssyncadd.s32 $0xFFFFF000  }
0x1ff: {  	v20 =	vmov s9;
	s9 =	simm.s32 $0x5;
	v18 =	vshrl.u32 v17, $0x3;
	v24 =	vshrl.u32 v24, $0x3;
	v17 =	vld [tilespmem:s2+$0x6400]  }
0x200: {  	v23 =	vmov s9;
	s9 =	simm.s32 $0xAD80;
	v26 =	vshll.u32 v18, v1;
	v24 =	vshll.u32 v24, v1;
	v18 =	vld [tilespmem:s2+$0x6410]  }
0x201: {  	v24 =	vbroadcast v24, $0x0;
	v27 =	vld [tilespmem:s9+$0x60]  }
0x202: {  	v26 =	vbroadcast v26, $0x0;
	v29 =	vld [tilespmem:s9+$0xFFFFFF80]  }
0x203: {  	v19 =	vshrl.u32 v19, $0x3;
	v30 =	vadd.s32 v15, v24;
	v28 =	vld [tilespmem:s9+$0x70]  }
0x204: {  	v20 =	vshrl.u32 v20, $0x3;
	v19 =	vshll.u32 v19, v1;
	v51 =	vadd.s32 v0, v26;
	v31 =	vld [tilespmem:s9+$0xFFFFFF90]  }
0x205: {  	v23 =	vshrl.u32 v23, $0x3;
	v19 =	vbroadcast v19, $0x0;
	v24 =	vadd.s32 v16, v24;
	v52 =	vld [tilespmem:s9+$0xFFFFFFA0]  }
0x206: {  	v20 =	vshll.u32 v20, v1;
	v26 =	vadd.s32 v2, v26;
	v53 =	vld [tilespmem:s9+$0xFFFFFFB0];
	v27 =	vadd.f32 v27, v17  }
0x207: {  	v20 =	vbroadcast v20, $0x0;
	s21 =	simm.s32 $0x4;
	v54 =	vadd.s32 v3, v19;
	v55 =	vld [tilespmem:s9+$0xFFFFFFC0];
	v29 =	vadd.f32 v29, v17  }
0x208: {  	v22 =	vmov s21;
	v19 =	vadd.s32 v4, v19;
	v28 =	vadd.f32 v28, v18;
	[tilespmem:v30+s19+$0x0] =	vst.idx.msk $0xffff, v27  }
0x209: {  	v22 =	vshrl.u32 v22, $0x3;
	v56 =	vld [tilespmem:s9+$0xFFFFFFD0];
	v27 =	vadd.f32 v31, v18;
	v30 =	vadd.s32 v5, v20;
	[tilespmem:v51+s19+$0x0] =	vst.idx.msk $0xffff, v29  }
0x20a: {  	v21 =	vshrl.u32 v21, $0x3;
	v22 =	vshll.u32 v22, v1;
	v59 =	vld [tilespmem:s9+$0x10];
	[tilespmem:v24+s19+$0x0] =	vst.idx.msk $0xffff, v28;
	v24 =	vadd.f32 v52, v17  }
0x20b: {  	v21 =	vshll.u32 v21, v1;
	v22 =	vbroadcast v22, $0x0;
	v29 =	vld [tilespmem:s9+$0x0];
	[tilespmem:v26+s19+$0x0] =	vst.idx.msk $0xffff, v27;
	v26 =	vadd.f32 v53, v18  }
0x20c: {  	v21 =	vbroadcast v21, $0x0;
	v31 =	vld [tilespmem:s9+$0xFFFFFFE0];
	v20 =	vadd.s32 v6, v20;
	[tilespmem:v54+s19+$0x0] =	vst.idx.msk $0xffff, v24;
	v24 =	vadd.f32 v55, v17  }
0x20d: {  	v23 =	vshll.u32 v23, v1;
	s17 =	simm.s32 $0x6;
	v28 =	vld [tilespmem:s9+$0xFFFFFFF0];
	[tilespmem:v19+s19+$0x0] =	vst.idx.msk $0xffff, v26;
	v26 =	vadd.s32 v9, v22  }
0x20e: {  	v58 =	vadd.s32 v8, v21;
	v25 =	vmov s17;
	[tilespmem:v30+s19+$0x0] =	vst.idx.msk $0xffff, v24;
	v30 =	vadd.s32 v10, v22  }
0x20f: {  	v60 =	vld [tilespmem:s9+$0x20];
	v25 =	vshrl.u32 v25, $0x3;
	v27 =	vadd.s32 v7, v21;
	v21 =	vadd.f32 v56, v18  }
0x210: {  	v61 =	vbroadcast v23, $0x0;
	v25 =	vshll.u32 v25, v1;
	v22 =	vadd.f32 v29, v17  }
0x211: {  	v24 =	vadd.f32 v31, v17;
	v31 =	vld [tilespmem:s9+$0x30];
	v29 =	vadd.f32 v59, v18;
	[tilespmem:v20+s19+$0x0] =	vst.idx.msk $0xffff, v21  }
0x212: {  	v62 =	vadd.s32 v11, v61;
	s21 =	simm.s32 $0x8;
	s17 =	simm.s32 $0xA;
	v38 =	vld [tilespmem:s9+$0x40];
	v20 =	vadd.f32 v28, v18;
	v28 =	vbroadcast v25, $0x0;
	[tilespmem:v26+s19+$0x0] =	vst.idx.msk $0xffff, v22  }
0x213: {  	v57 =	vmov s21;
	s31 =	simm.s32 $0x9;
	v23 =	vmov s17;
	v25 =	vadd.s32 v12, v61;
	[tilespmem:v30+s19+$0x0] =	vst.idx.msk $0xffff, v29;
	v29 =	vld [tilespmem:s9+$0x50]  }
0x214: {  	v63 =	vadd.f32 v60, v17;
	v19 =	vmov s31;
	s31 =	simm.s32 $0xC;
	[tilespmem:v27+s19+$0x0] =	vst.idx.msk $0xffff, v24;
	v22 =	vadd.s32 v13, v28  }
0x215: {  	s21 =	simm.s32 $0xB;
	v21 =	vshrl.u32 v57, $0x3;
	v27 =	vmov s31;
	s31 =	simm.s32 $0xF;
	[tilespmem:v58+s19+$0x0] =	vst.idx.msk $0xffff, v20;
	v20 =	vadd.s32 v14, v28  }
0x216: {  	s17 =	simm.s32 $0xD;
	v24 =	vmov s21;
	s21 =	simm.s32 $0xE;
	v32 =	vmov s31;
	v31 =	vadd.f32 v31, v18  }
0x217: {  	s2 =	simm.s32 $0x10;
	[tilespmem:v62+s19+$0x0] =	vst.idx.msk $0xffff, v63;
	v26 =	vmov s17;
	v28 =	vmov s21;
	v30 =	vadd.f32 v38, v17  }
.LBB2_9:
0x218: {  	p0 =	slt.u32 s2, $0x78;
	v21 =	vshll.u32 v21, v1;
	v32 =	vshrl.u32 v32, $0x3;
	[tilespmem:v25+s19+$0x0] =	vst.idx.msk $0xffff, v31;
	v25 =	vadd.f32 v29, v18  }
0x219: {  	v19 =	vshrl.u32 v19, $0x3;
	v23 =	vshrl.u32 v23, $0x3;
	s9 =	sadd.s32 $0x100, s9;
	v29 =	vshll.u32 v32, v1;
	[tilespmem:v22+s19+$0x0] =	vst.idx.msk $0xffff, v30  }
0x21a: {  	v22 =	vshrl.u32 v24, $0x3;
	v24 =	vshrl.u32 v27, $0x3;
	v27 =	vld [tilespmem:s9+$0x60];
	v29 =	vbroadcast v29, $0x0;
	[tilespmem:v20+s19+$0x0] =	vst.idx.msk $0xffff, v25  }
0x21b: {  	v20 =	vbroadcast v21, $0x0;
	v21 =	vshrl.u32 v26, $0x3;
	v25 =	vshrl.u32 v28, $0x3;
	v26 =	vld [tilespmem:s9+$0x70]  }
0x21c: {  	v19 =	vshll.u32 v19, v1;
	v23 =	vshll.u32 v23, v1;
	v28 =	vld [tilespmem:s9+$0xFFFFFF80];
	v30 =	vadd.s32 v15, v29  }
0x21d: {  	v22 =	vshll.u32 v22, v1;
	v24 =	vshll.u32 v24, v1;
	v29 =	vadd.s32 v16, v29;
	v31 =	vld [tilespmem:s9+$0xFFFFFF90]  }
0x21e: {  	v19 =	vbroadcast v19, $0x0;
	v21 =	vshll.u32 v21, v1;
	v32 =	vadd.s32 v0, v20;
	v33 =	vld [tilespmem:s9+$0xFFFFFFA0]  }
0x21f: {  	v25 =	vshll.u32 v25, v1;
	v20 =	vadd.s32 v2, v20;
	v34 =	vld [tilespmem:s9+$0xFFFFFFB0];
	v27 =	vadd.f32 v27, v17  }
0x220: {  	v23 =	vbroadcast v23, $0x0;
	v35 =	vadd.s32 v3, v19;
	v36 =	vld [tilespmem:s9+$0xFFFFFFC0];
	v26 =	vadd.f32 v26, v18  }
0x221: {  	v19 =	vadd.s32 v4, v19;
	v28 =	vadd.f32 v28, v17;
	v37 =	vld [tilespmem:s9+$0xFFFFFFD0];
	[tilespmem:v30+s19+$0x0] =	vst.idx.msk $0xffff, v27  }
0x222: {  	v22 =	vbroadcast v22, $0x0;
	v30 =	vadd.s32 v5, v23;
	v27 =	vadd.f32 v31, v18;
	v31 =	vld [tilespmem:s9+$0xFFFFFFE0];
	[tilespmem:v29+s19+$0x0] =	vst.idx.msk $0xffff, v26  }
0x223: {  	v23 =	vadd.s32 v6, v23;
	[tilespmem:v32+s19+$0x0] =	vst.idx.msk $0xffff, v28;
	v26 =	vadd.f32 v33, v17;
	v28 =	vld [tilespmem:s9+$0xFFFFFFF0]  }
0x224: {  	v24 =	vbroadcast v24, $0x0;
	[tilespmem:v20+s19+$0x0] =	vst.idx.msk $0xffff, v27;
	v20 =	vadd.f32 v34, v18;
	v27 =	vadd.s32 v7, v22;
	v29 =	vld [tilespmem:s9+$0x0]  }
0x225: {  	v32 =	vmov s2;
	v22 =	vadd.s32 v8, v22;
	[tilespmem:v35+s19+$0x0] =	vst.idx.msk $0xffff, v26;
	v26 =	vadd.f32 v36, v17;
	v33 =	vld [tilespmem:s9+$0x10]  }
0x226: {  	v35 =	vbroadcast v21, $0x0;
	[tilespmem:v19+s19+$0x0] =	vst.idx.msk $0xffff, v20;
	v19 =	vadd.f32 v37, v18;
	v20 =	vadd.s32 v9, v24;
	v34 =	vld [tilespmem:s9+$0x20]  }
0x227: {  	v21 =	vshrl.u32 v32, $0x3;
	[tilespmem:v30+s19+$0x0] =	vst.idx.msk $0xffff, v26;
	v26 =	vadd.f32 v31, v17;
	v30 =	vadd.s32 v10, v24;
	v31 =	vld [tilespmem:s9+$0x30]  }
0x228: {  	s21 =	sadd.s32 $0x1, s2;
	v36 =	vadd.s32 v11, v35;
	[tilespmem:v23+s19+$0x0] =	vst.idx.msk $0xffff, v19;
	v24 =	vadd.f32 v28, v18;
	v37 =	vld [tilespmem:s9+$0x40];
	v28 =	vbroadcast v25, $0x0  }
.Ltmp5:
0x229: {  	v19 =	vmov s21;
	s21 =	sadd.s32 $0x2, s2;
	v25 =	vadd.s32 v12, v35;
	[tilespmem:v27+s19+$0x0] =	vst.idx.msk $0xffff, v26;
	v26 =	vadd.f32 v29, v17;
	v29 =	vld [tilespmem:s9+$0x50];
	(pc) =	sbr.rel @p0 .LBB2_9-.Ltmp5, $4  }
0x22a: {  	v23 =	vmov s21;
	s21 =	sadd.s32 $0x3, s2;
	[tilespmem:v22+s19+$0x0] =	vst.idx.msk $0xffff, v24;
	v32 =	vadd.f32 v33, v18;
	v22 =	vadd.s32 v13, v28  }
0x22b: {  	s31 =	sadd.s32 $0x5, s2;
	v24 =	vmov s21;
	s21 =	sadd.s32 $0x4, s2;
	[tilespmem:v20+s19+$0x0] =	vst.idx.msk $0xffff, v26;
	v33 =	vadd.f32 v34, v17;
	v20 =	vadd.s32 v14, v28  }
0x22c: {  	v27 =	vmov s21;
	v26 =	vmov s31;
	s21 =	sadd.s32 $0x6, s2;
	s31 =	sadd.s32 $0x7, s2;
	[tilespmem:v30+s19+$0x0] =	vst.idx.msk $0xffff, v32;
	v31 =	vadd.f32 v31, v18  }
0x22d: {  	s2 =	sadd.s32 $0x8, s2;
	v28 =	vmov s21;
	v32 =	vmov s31;
	[tilespmem:v36+s19+$0x0] =	vst.idx.msk $0xffff, v33;
	v30 =	vadd.f32 v37, v17  }
0x22e: {  	_ =	sdelay $0x1  }
0x22f: {  	v21 =	vshll.u32 v21, v1;
	v32 =	vshrl.u32 v32, $0x3;
	v29 =	vadd.f32 v29, v18  }
0x230: {  	v19 =	vshrl.u32 v19, $0x3;
	v23 =	vshrl.u32 v23, $0x3;
	s2 =	sadd.s32 $0x100, s9;
	v24 =	vshrl.u32 v24, $0x3  }
0x231: {  	v27 =	vshrl.u32 v27, $0x3;
	[tilespmem:v25+s19+$0x0] =	vst.idx.msk $0xffff, v31;
	v32 =	vshll.u32 v32, v1;
	v21 =	vbroadcast v21, $0x0;
	v31 =	vld [tilespmem:s2+$0xFFFFFF80]  }
0x232: {  	v25 =	vshrl.u32 v26, $0x3;
	v33 =	vld [tilespmem:s2+$0x60];
	v19 =	vshll.u32 v19, v1;
	v32 =	vbroadcast v32, $0x0  }
0x233: {  	v26 =	vshrl.u32 v28, $0x3;
	v28 =	vld [tilespmem:s2+$0x70];
	v23 =	vshll.u32 v23, v1;
	[tilespmem:v22+s19+$0x0] =	vst.idx.msk $0xffff, v30;
	v22 =	vadd.s32 v0, v21  }
0x234: {  	v35 =	vld [tilespmem:s2+$0xFFFFFF90];
	v24 =	vshll.u32 v24, v1;
	v27 =	vshll.u32 v27, v1;
	v34 =	vadd.s32 v15, v32  }
0x235: {  	v30 =	vld [tilespmem:s2+$0xFFFFFFA0];
	v25 =	vshll.u32 v25, v1;
	v19 =	vbroadcast v19, $0x0;
	v32 =	vadd.s32 v16, v32  }
0x236: {  	v36 =	vld [tilespmem:s2+$0xFFFFFFB0];
	v26 =	vshll.u32 v26, v1;
	v21 =	vadd.s32 v2, v21;
	v31 =	vadd.f32 v31, v17  }
0x237: {  	[tilespmem:v20+s19+$0x0] =	vst.idx.msk $0xffff, v29;
	v29 =	vld [tilespmem:s2+$0xFFFFFFC0];
	v23 =	vbroadcast v23, $0x0;
	v20 =	vadd.s32 v3, v19;
	v33 =	vadd.f32 v33, v17  }
0x238: {  	v37 =	vld [tilespmem:s2+$0xFFFFFFD0];
	v19 =	vadd.s32 v4, v19;
	v28 =	vadd.f32 v28, v18;
	[tilespmem:v22+s19+$0x0] =	vst.idx.msk $0xffff, v31  }
0x239: {  	v49 =	vld [tilespmem:s2+$0xFFFFFFE0];
	v24 =	vbroadcast v24, $0x0;
	v48 =	vadd.s32 v5, v23;
	v47 =	vadd.f32 v35, v18;
	[tilespmem:v34+s19+$0x0] =	vst.idx.msk $0xffff, v33  }
0x23a: {  	v23 =	vadd.s32 v6, v23;
	v22 =	vadd.f32 v30, v17;
	[tilespmem:v32+s19+$0x0] =	vst.idx.msk $0xffff, v28;
	v28 =	vld [tilespmem:s2+$0xFFFFFFF0]  }
0x23b: {  	v27 =	vbroadcast v27, $0x0;
	v30 =	vadd.s32 v7, v24;
	v31 =	vld [tilespmem:s2+$0x0];
	[tilespmem:v21+s19+$0x0] =	vst.idx.msk $0xffff, v47;
	v21 =	vadd.f32 v36, v18  }
0x23c: {  	[tilespmem:v20+s19+$0x0] =	vst.idx.msk $0xffff, v22;
	v20 =	vadd.f32 v29, v17;
	v22 =	vadd.s32 v8, v24;
	v24 =	vld [tilespmem:s2+$0x10]  }
0x23d: {  	v25 =	vbroadcast v25, $0x0;
	v29 =	vld [tilespmem:s2+$0x20];
	[tilespmem:v19+s19+$0x0] =	vst.idx.msk $0xffff, v21;
	v19 =	vadd.f32 v37, v18;
	v21 =	vadd.s32 v9, v27  }
0x23e: {  	v50 =	vld [tilespmem:s2+$0x30];
	v27 =	vadd.s32 v10, v27;
	[tilespmem:v48+s19+$0x0] =	vst.idx.msk $0xffff, v20;
	v20 =	vadd.f32 v49, v17  }
0x23f: {  	v26 =	vbroadcast v26, $0x0;
	[tilespmem:v23+s19+$0x0] =	vst.idx.msk $0xffff, v19;
	v23 =	vadd.s32 v11, v25;
	v19 =	vadd.f32 v28, v18;
	v28 =	vld [tilespmem:s2+$0x40]  }
0x240: {  	v25 =	vadd.s32 v12, v25;
	[tilespmem:v30+s19+$0x0] =	vst.idx.msk $0xffff, v20;
	v20 =	vadd.f32 v31, v17;
	v30 =	vld [tilespmem:s2+$0x50]  }
0x241: {  	[tilespmem:v22+s19+$0x0] =	vst.idx.msk $0xffff, v19;
	v19 =	vadd.f32 v24, v18;
	v22 =	vadd.s32 v13, v26  }
0x242: {  	[tilespmem:v21+s19+$0x0] =	vst.idx.msk $0xffff, v20;
	v20 =	vadd.f32 v29, v17;
	v21 =	vadd.s32 v14, v26  }
0x243: {  	[tilespmem:v27+s19+$0x0] =	vst.idx.msk $0xffff, v19;
	v19 =	vadd.f32 v50, v18  }
0x244: {  	s17 =	sshll.u32 s18, $0x11;
	[tilespmem:v23+s19+$0x0] =	vst.idx.msk $0xffff, v20;
	v17 =	vadd.f32 v28, v17  }
0x245: {  	s2 =	sor.u32 s5, s17;
	v18 =	vadd.f32 v30, v18;
	[tilespmem:v25+s19+$0x0] =	vst.idx.msk $0xffff, v19  }
0x246: {  	s2 =	sshrl.u32 s2, $0x3;
	[tilespmem:v22+s19+$0x0] =	vst.idx.msk $0xffff, v17  }
0x247: {  	s2 =	sadd.s32 s1, s2;
	[tilespmem:v21+s19+$0x0] =	vst.idx.msk $0xffff, v18  }
0x248: {  	[hbm4b:s2+s3] =	stream.linear.scatter [tilespmem:s19], [sflag:$0xE], $0x80, $0x38;
	[tilespmem:$0x1C700] =	vst v63  }
0x249: {  	s17 =	simm.s32 $0x15088;
	s18 =	sadd.s32 $0x10, s2  }
0x24a: {  	[hbm4b:s18+s3] =	stream.linear.scatter [tilespmem:s17], [sflag:$0xE], $0x80, $0x38;
	[tilespmem:$0x1C700] =	vst v63  }
0x24b: {  	s31 =	simm.s32 $0x15110;
	s21 =	sadd.s32 $0x20, s2  }
0x24c: {  	[hbm4b:s21+s3] =	stream.linear.scatter [tilespmem:s31], [sflag:$0xE], $0x80, $0x38;
	[tilespmem:$0x1C700] =	vst v63  }
0x24d: {  	s17 =	sadd.s32 $0x30, s2;
	s18 =	simm.s32 $0x15198  }
0x24e: {  	[hbm4b:s17+s3] =	stream.linear.scatter [tilespmem:s18], [sflag:$0xE], $0x80, $0x38;
	[tilespmem:$0x1C700] =	vst v63  }
0x24f: {  	s21 =	sadd.s32 $0x40, s2;
	s31 =	simm.s32 $0x15220  }
0x250: {  	[hbm4b:s21+s3] =	stream.linear.scatter [tilespmem:s31], [sflag:$0xE], $0x80, $0x38;
	[tilespmem:$0x1C700] =	vst v63  }
0x251: {  	s17 =	sadd.s32 $0x50, s2;
	s18 =	simm.s32 $0x152A8  }
0x252: {  	[hbm4b:s17+s3] =	stream.linear.scatter [tilespmem:s18], [sflag:$0xE], $0x80, $0x38;
	[tilespmem:$0x1C700] =	vst v63  }
0x253: {  	s21 =	sadd.s32 $0x60, s2;
	s31 =	simm.s32 $0x15330  }
0x254: {  	[hbm4b:s21+s3] =	stream.linear.scatter [tilespmem:s31], [sflag:$0xE], $0x80, $0x38;
	[tilespmem:$0x1C700] =	vst v63  }
0x255: {  	s17 =	sadd.s32 $0x70, s2;
	s18 =	simm.s32 $0x153B8  }
0x256: {  	[hbm4b:s17+s3] =	stream.linear.scatter [tilespmem:s18], [sflag:$0xE], $0x80, $0x38;
	[tilespmem:$0x1C700] =	vst v63  }
0x257: {  	s21 =	sadd.s32 $0x1000, s2;
	s31 =	simm.s32 $0x15440  }
0x258: {  	[hbm4b:s21+s3] =	stream.linear.scatter [tilespmem:s31], [sflag:$0xE], $0x80, $0x38;
	[tilespmem:$0x1C700] =	vst v63  }
0x259: {  	s17 =	sadd.s32 $0x1010, s2;
	s18 =	simm.s32 $0x154C8  }
0x25a: {  	[hbm4b:s17+s3] =	stream.linear.scatter [tilespmem:s18], [sflag:$0xE], $0x80, $0x38;
	[tilespmem:$0x1C700] =	vst v63  }
0x25b: {  	s21 =	sadd.s32 $0x1020, s2;
	s31 =	simm.s32 $0x15550  }
0x25c: {  	[hbm4b:s21+s3] =	stream.linear.scatter [tilespmem:s31], [sflag:$0xE], $0x80, $0x38;
	[tilespmem:$0x1C700] =	vst v63  }
0x25d: {  	s17 =	sadd.s32 $0x1030, s2;
	s18 =	simm.s32 $0x155D8  }
0x25e: {  	[hbm4b:s17+s3] =	stream.linear.scatter [tilespmem:s18], [sflag:$0xE], $0x80, $0x38;
	[tilespmem:$0x1C700] =	vst v63  }
0x25f: {  	s21 =	sadd.s32 $0x1040, s2;
	s31 =	simm.s32 $0x15660  }
0x260: {  	[hbm4b:s21+s3] =	stream.linear.scatter [tilespmem:s31], [sflag:$0xE], $0x80, $0x38;
	[tilespmem:$0x1C700] =	vst v63  }
0x261: {  	s17 =	sadd.s32 $0x1050, s2;
	s18 =	simm.s32 $0x156E8  }
0x262: {  	[hbm4b:s17+s3] =	stream.linear.scatter [tilespmem:s18], [sflag:$0xE], $0x80, $0x38;
	[tilespmem:$0x1C700] =	vst v63  }
0x263: {  	s21 =	sadd.s32 $0x1060, s2;
	s31 =	simm.s32 $0x15770  }
0x264: {  	[hbm4b:s21+s3] =	stream.linear.scatter [tilespmem:s31], [sflag:$0xE], $0x80, $0x38;
	[tilespmem:$0x1C700] =	vst v63  }
0x265: {  	s17 =	sadd.s32 $0x1070, s2;
	s18 =	simm.s32 $0x157F8  }
0x266: {  	[hbm4b:s17+s3] =	stream.linear.scatter [tilespmem:s18], [sflag:$0xE], $0x80, $0x38;
	[tilespmem:$0x1C700] =	vst v63  }
0x267: {  	s21 =	sadd.s32 $0x2000, s2;
	s31 =	simm.s32 $0x15880  }
0x268: {  	[hbm4b:s21+s3] =	stream.linear.scatter [tilespmem:s31], [sflag:$0xE], $0x80, $0x38;
	[tilespmem:$0x1C700] =	vst v63  }
0x269: {  	s17 =	sadd.s32 $0x2010, s2;
	s18 =	simm.s32 $0x15908  }
0x26a: {  	[hbm4b:s17+s3] =	stream.linear.scatter [tilespmem:s18], [sflag:$0xE], $0x80, $0x38;
	[tilespmem:$0x1C700] =	vst v63  }
0x26b: {  	s21 =	sadd.s32 $0x2020, s2;
	s31 =	simm.s32 $0x15990  }
0x26c: {  	[hbm4b:s21+s3] =	stream.linear.scatter [tilespmem:s31], [sflag:$0xE], $0x80, $0x38;
	[tilespmem:$0x1C700] =	vst v63  }
0x26d: {  	s17 =	sadd.s32 $0x2030, s2;
	s18 =	simm.s32 $0x15A18  }
0x26e: {  	[hbm4b:s17+s3] =	stream.linear.scatter [tilespmem:s18], [sflag:$0xE], $0x80, $0x38;
	[tilespmem:$0x1C700] =	vst v63  }
0x26f: {  	s21 =	sadd.s32 $0x2040, s2;
	s31 =	simm.s32 $0x15AA0  }
0x270: {  	[hbm4b:s21+s3] =	stream.linear.scatter [tilespmem:s31], [sflag:$0xE], $0x80, $0x38;
	[tilespmem:$0x1C700] =	vst v63  }
0x271: {  	s17 =	sadd.s32 $0x2050, s2;
	s18 =	simm.s32 $0x15B28  }
0x272: {  	[hbm4b:s17+s3] =	stream.linear.scatter [tilespmem:s18], [sflag:$0xE], $0x80, $0x38;
	[tilespmem:$0x1C700] =	vst v63  }
0x273: {  	s21 =	sadd.s32 $0x2060, s2;
	s31 =	simm.s32 $0x15BB0  }
0x274: {  	[hbm4b:s21+s3] =	stream.linear.scatter [tilespmem:s31], [sflag:$0xE], $0x80, $0x38;
	[tilespmem:$0x1C700] =	vst v63  }
0x275: {  	s17 =	sadd.s32 $0x2070, s2;
	s18 =	simm.s32 $0x15C38  }
0x276: {  	[hbm4b:s17+s3] =	stream.linear.scatter [tilespmem:s18], [sflag:$0xE], $0x80, $0x38;
	[tilespmem:$0x1C700] =	vst v63  }
0x277: {  	s21 =	sadd.s32 $0x3000, s2;
	s31 =	simm.s32 $0x15CC0  }
0x278: {  	[hbm4b:s21+s3] =	stream.linear.scatter [tilespmem:s31], [sflag:$0xE], $0x80, $0x38;
	[tilespmem:$0x1C700] =	vst v63  }
0x279: {  	s17 =	sadd.s32 $0x3010, s2;
	s18 =	simm.s32 $0x15D48  }
0x27a: {  	[hbm4b:s17+s3] =	stream.linear.scatter [tilespmem:s18], [sflag:$0xE], $0x80, $0x38;
	[tilespmem:$0x1C700] =	vst v63  }
0x27b: {  	s21 =	sadd.s32 $0x3020, s2;
	s31 =	simm.s32 $0x15DD0  }
0x27c: {  	[hbm4b:s21+s3] =	stream.linear.scatter [tilespmem:s31], [sflag:$0xE], $0x80, $0x38;
	[tilespmem:$0x1C700] =	vst v63  }
0x27d: {  	s17 =	sadd.s32 $0x3030, s2;
	s18 =	simm.s32 $0x15E58  }
0x27e: {  	[hbm4b:s17+s3] =	stream.linear.scatter [tilespmem:s18], [sflag:$0xE], $0x80, $0x38;
	[tilespmem:$0x1C700] =	vst v63  }
0x27f: {  	s21 =	sadd.s32 $0x3040, s2;
	s31 =	simm.s32 $0x15EE0  }
0x280: {  	[hbm4b:s21+s3] =	stream.linear.scatter [tilespmem:s31], [sflag:$0xE], $0x80, $0x38;
	[tilespmem:$0x1C700] =	vst v63  }
0x281: {  	s17 =	sadd.s32 $0x3050, s2;
	s18 =	simm.s32 $0x15F68  }
0x282: {  	[hbm4b:s17+s3] =	stream.linear.scatter [tilespmem:s18], [sflag:$0xE], $0x80, $0x38;
	[tilespmem:$0x1C700] =	vst v63  }
0x283: {  	s21 =	sadd.s32 $0x3060, s2;
	s31 =	simm.s32 $0x15FF0  }
0x284: {  	[hbm4b:s21+s3] =	stream.linear.scatter [tilespmem:s31], [sflag:$0xE], $0x80, $0x38;
	[tilespmem:$0x1C700] =	vst v63  }
0x285: {  	p0 =	seq.s32 s30, $0x13;
	s2 =	sadd.s32 $0x3070, s2;
	s18 =	simm.s32 $0x16078  }
0x286: {  	[hbm4b:s2+s3] =	stream.linear.scatter [tilespmem:s18], [sflag:$0xE], $0x80, $0x38;
	[tilespmem:$0x1C700] =	vst v63  }
0x287: {  	s2 =	simm.s32 @!p0 $0xB  }
0x288: {  	s9 =	simm.s32 @!p0 $0x80;
	s17 =	simm.s32 $0x5;
	_ =	swait.ge @!p0 [sflag:s2], $0x1000  }
0x289: {  	s31 =	simm.s32 $0x1;
	s18 =	sshll.u32 @!p0 s7, $0x7;
	[sflag:s2] =	ssyncset.done @!p0 $0x0  }
0x28a: {  	v19 =	vmov s31;
	s31 =	simm.s32 $0x4;
	[sflag:s2] =	ssyncadd.s32 @!p0 $0xFFFFF000;
	s2 =	sadd.s32 @!p0 $0x500, s18  }
0x28b: {  	s21 =	simm.s32 @!p0 $0x7D00;
	v22 =	vmov s31;
	s31 =	simm.s32 $0x7;
	s2 =	sand.u32 @!p0 $0x1FF00, s2  }
0x28c: {  	[tilespmem:s21], [sflag:$0x1] =	stream.indirect.gather @!p0 [hbm4b:s4+s9], $0x20, s2, s9, $0xb8;
	[tilespmem:$0x1C700] =	vst v63  }
0x28d: {  	s9 =	sadd.s32 $0x4, s7;
	s2 =	simm.s32 $0x2;
	_ =	swait.ge [sflag:s17], $0x1000  }
0x28e: {  	s21 =	simm.s32 $0x0;
	v20 =	vmov s2;
	s2 =	sshll.u32 s9, $0x5;
	[sflag:s17] =	ssyncset.done $0x0  }
0x28f: {  	v24 =	vmov s31;
	v17 =	vmov s21;
	s2 =	sand.u32 $0x3FFFFFE0, s2;
	[sflag:s17] =	ssyncadd.s32 $0xFFFFF000  }
0x290: {  	v24 =	vshrl.u32 v24, $0x3;
	v18 =	vshrl.u32 v17, $0x3;
	v17 =	vld [tilespmem:s2+$0x6400]  }
0x291: {  	v24 =	vshll.u32 v24, v1;
	v26 =	vshll.u32 v18, v1;
	v18 =	vld [tilespmem:s2+$0x6410];
	s2 =	simm.s32 $0xBD80  }
0x292: {  	v24 =	vbroadcast v24, $0x0;
	v27 =	vld [tilespmem:s2+$0x60]  }
0x293: {  	v26 =	vbroadcast v26, $0x0;
	v29 =	vld [tilespmem:s2+$0xFFFFFF80]  }
0x294: {  	v19 =	vshrl.u32 v19, $0x3;
	v30 =	vadd.s32 v15, v24;
	v28 =	vld [tilespmem:s2+$0x70]  }
0x295: {  	v22 =	vshrl.u32 v22, $0x3;
	v19 =	vshll.u32 v19, v1;
	v31 =	vld [tilespmem:s2+$0xFFFFFF90];
	v51 =	vadd.s32 v0, v26  }
0x296: {  	v19 =	vbroadcast v19, $0x0;
	v24 =	vadd.s32 v16, v24;
	v20 =	vshrl.u32 v20, $0x3;
	v52 =	vld [tilespmem:s2+$0xFFFFFFA0]  }
0x297: {  	v20 =	vshll.u32 v20, v1;
	v53 =	vld [tilespmem:s2+$0xFFFFFFB0];
	v26 =	vadd.s32 v2, v26;
	v27 =	vadd.f32 v27, v17  }
0x298: {  	s31 =	simm.s32 $0x6;
	v54 =	vadd.s32 v3, v19;
	v20 =	vbroadcast v20, $0x0;
	v55 =	vld [tilespmem:s2+$0xFFFFFFC0];
	v29 =	vadd.f32 v29, v17  }
0x299: {  	v25 =	vmov s31;
	v19 =	vadd.s32 v4, v19;
	s21 =	simm.s32 $0x3;
	v28 =	vadd.f32 v28, v18;
	[tilespmem:v30+s11+$0x0] =	vst.idx.msk $0xffff, v27  }
0x29a: {  	v21 =	vmov s21;
	v56 =	vld [tilespmem:s2+$0xFFFFFFD0];
	v27 =	vadd.f32 v31, v18;
	v30 =	vadd.s32 v5, v20;
	[tilespmem:v51+s11+$0x0] =	vst.idx.msk $0xffff, v29  }
0x29b: {  	v22 =	vshll.u32 v22, v1;
	v21 =	vshrl.u32 v21, $0x3;
	v59 =	vld [tilespmem:s2+$0x10];
	[tilespmem:v24+s11+$0x0] =	vst.idx.msk $0xffff, v28;
	v24 =	vadd.f32 v52, v17  }
0x29c: {  	v22 =	vbroadcast v22, $0x0;
	s21 =	simm.s32 $0x5;
	v21 =	vshll.u32 v21, v1;
	v29 =	vld [tilespmem:s2+$0x0];
	[tilespmem:v26+s11+$0x0] =	vst.idx.msk $0xffff, v27;
	v26 =	vadd.f32 v53, v18  }
0x29d: {  	v23 =	vmov s21;
	v31 =	vld [tilespmem:s2+$0xFFFFFFE0];
	v20 =	vadd.s32 v6, v20;
	[tilespmem:v54+s11+$0x0] =	vst.idx.msk $0xffff, v24;
	v24 =	vadd.f32 v55, v17  }
0x29e: {  	v23 =	vshrl.u32 v23, $0x3;
	v21 =	vbroadcast v21, $0x0;
	v28 =	vld [tilespmem:s2+$0xFFFFFFF0];
	[tilespmem:v19+s11+$0x0] =	vst.idx.msk $0xffff, v26;
	v26 =	vadd.s32 v9, v22  }
0x29f: {  	v25 =	vshrl.u32 v25, $0x3;
	v23 =	vshll.u32 v23, v1;
	[tilespmem:v30+s11+$0x0] =	vst.idx.msk $0xffff, v24;
	v30 =	vadd.s32 v10, v22  }
0x2a0: {  	v60 =	vld [tilespmem:s2+$0x20];
	v58 =	vadd.s32 v8, v21;
	v27 =	vadd.s32 v7, v21;
	v21 =	vadd.f32 v56, v18  }
0x2a1: {  	v25 =	vshll.u32 v25, v1;
	s17 =	simm.s32 $0x8;
	v61 =	vbroadcast v23, $0x0;
	v22 =	vadd.f32 v29, v17  }
0x2a2: {  	v57 =	vmov s17;
	v24 =	vadd.f32 v31, v17;
	v31 =	vld [tilespmem:s2+$0x30];
	v29 =	vadd.f32 v59, v18;
	[tilespmem:v20+s11+$0x0] =	vst.idx.msk $0xffff, v21  }
0x2a3: {  	s17 =	simm.s32 $0xA;
	v38 =	vld [tilespmem:s2+$0x40];
	v62 =	vadd.s32 v11, v61;
	v20 =	vadd.f32 v28, v18;
	v28 =	vbroadcast v25, $0x0;
	[tilespmem:v26+s11+$0x0] =	vst.idx.msk $0xffff, v22  }
0x2a4: {  	s31 =	simm.s32 $0x9;
	v23 =	vmov s17;
	v25 =	vadd.s32 v12, v61;
	[tilespmem:v30+s11+$0x0] =	vst.idx.msk $0xffff, v29;
	v29 =	vld [tilespmem:s2+$0x50]  }
0x2a5: {  	v63 =	vadd.f32 v60, v17;
	v19 =	vmov s31;
	s31 =	simm.s32 $0xB;
	[tilespmem:v27+s11+$0x0] =	vst.idx.msk $0xffff, v24;
	v22 =	vadd.s32 v13, v28  }
0x2a6: {  	s17 =	simm.s32 $0xC;
	v21 =	vshrl.u32 v57, $0x3;
	v24 =	vmov s31;
	s31 =	simm.s32 $0xD;
	[tilespmem:v58+s11+$0x0] =	vst.idx.msk $0xffff, v20;
	v20 =	vadd.s32 v14, v28  }
0x2a7: {  	v27 =	vmov s17;
	s17 =	simm.s32 $0xE;
	v26 =	vmov s31;
	s31 =	simm.s32 $0xF;
	v31 =	vadd.f32 v31, v18  }
0x2a8: {  	s21 =	simm.s32 $0x10;
	[tilespmem:v62+s11+$0x0] =	vst.idx.msk $0xffff, v63;
	v28 =	vmov s17;
	v32 =	vmov s31;
	v30 =	vadd.f32 v38, v17  }
.LBB2_11:
0x2a9: {  	p1 =	slt.u32 s21, $0x78;
	v21 =	vshll.u32 v21, v1;
	v32 =	vshrl.u32 v32, $0x3;
	[tilespmem:v25+s11+$0x0] =	vst.idx.msk $0xffff, v31;
	v25 =	vadd.f32 v29, v18  }
0x2aa: {  	v19 =	vshrl.u32 v19, $0x3;
	v23 =	vshrl.u32 v23, $0x3;
	s2 =	sadd.s32 $0x100, s2;
	v29 =	vshll.u32 v32, v1;
	[tilespmem:v22+s11+$0x0] =	vst.idx.msk $0xffff, v30  }
0x2ab: {  	v22 =	vshrl.u32 v24, $0x3;
	v24 =	vshrl.u32 v27, $0x3;
	v27 =	vld [tilespmem:s2+$0x60];
	v29 =	vbroadcast v29, $0x0;
	[tilespmem:v20+s11+$0x0] =	vst.idx.msk $0xffff, v25  }
0x2ac: {  	v20 =	vbroadcast v21, $0x0;
	v21 =	vshrl.u32 v26, $0x3;
	v25 =	vshrl.u32 v28, $0x3;
	v26 =	vld [tilespmem:s2+$0x70]  }
0x2ad: {  	v19 =	vshll.u32 v19, v1;
	v23 =	vshll.u32 v23, v1;
	v28 =	vld [tilespmem:s2+$0xFFFFFF80];
	v30 =	vadd.s32 v15, v29  }
0x2ae: {  	v22 =	vshll.u32 v22, v1;
	v24 =	vshll.u32 v24, v1;
	v29 =	vadd.s32 v16, v29;
	v31 =	vld [tilespmem:s2+$0xFFFFFF90]  }
0x2af: {  	v19 =	vbroadcast v19, $0x0;
	v21 =	vshll.u32 v21, v1;
	v32 =	vadd.s32 v0, v20;
	v33 =	vld [tilespmem:s2+$0xFFFFFFA0]  }
0x2b0: {  	v25 =	vshll.u32 v25, v1;
	v20 =	vadd.s32 v2, v20;
	v34 =	vld [tilespmem:s2+$0xFFFFFFB0];
	v27 =	vadd.f32 v27, v17  }
0x2b1: {  	v23 =	vbroadcast v23, $0x0;
	v35 =	vadd.s32 v3, v19;
	v36 =	vld [tilespmem:s2+$0xFFFFFFC0];
	v26 =	vadd.f32 v26, v18  }
0x2b2: {  	v19 =	vadd.s32 v4, v19;
	v28 =	vadd.f32 v28, v17;
	v37 =	vld [tilespmem:s2+$0xFFFFFFD0];
	[tilespmem:v30+s11+$0x0] =	vst.idx.msk $0xffff, v27  }
0x2b3: {  	v22 =	vbroadcast v22, $0x0;
	v30 =	vadd.s32 v5, v23;
	v27 =	vadd.f32 v31, v18;
	v31 =	vld [tilespmem:s2+$0xFFFFFFE0];
	[tilespmem:v29+s11+$0x0] =	vst.idx.msk $0xffff, v26  }
0x2b4: {  	v23 =	vadd.s32 v6, v23;
	[tilespmem:v32+s11+$0x0] =	vst.idx.msk $0xffff, v28;
	v26 =	vadd.f32 v33, v17;
	v28 =	vld [tilespmem:s2+$0xFFFFFFF0]  }
0x2b5: {  	v24 =	vbroadcast v24, $0x0;
	[tilespmem:v20+s11+$0x0] =	vst.idx.msk $0xffff, v27;
	v20 =	vadd.f32 v34, v18;
	v27 =	vadd.s32 v7, v22;
	v29 =	vld [tilespmem:s2+$0x0]  }
0x2b6: {  	v32 =	vmov s21;
	v22 =	vadd.s32 v8, v22;
	[tilespmem:v35+s11+$0x0] =	vst.idx.msk $0xffff, v26;
	v26 =	vadd.f32 v36, v17;
	v33 =	vld [tilespmem:s2+$0x10]  }
0x2b7: {  	v35 =	vbroadcast v21, $0x0;
	[tilespmem:v19+s11+$0x0] =	vst.idx.msk $0xffff, v20;
	v19 =	vadd.f32 v37, v18;
	v20 =	vadd.s32 v9, v24;
	v34 =	vld [tilespmem:s2+$0x20]  }
0x2b8: {  	v21 =	vshrl.u32 v32, $0x3;
	[tilespmem:v30+s11+$0x0] =	vst.idx.msk $0xffff, v26;
	v26 =	vadd.f32 v31, v17;
	v30 =	vadd.s32 v10, v24;
	v31 =	vld [tilespmem:s2+$0x30]  }
0x2b9: {  	s31 =	sadd.s32 $0x1, s21;
	v36 =	vadd.s32 v11, v35;
	[tilespmem:v23+s11+$0x0] =	vst.idx.msk $0xffff, v19;
	v24 =	vadd.f32 v28, v18;
	v37 =	vld [tilespmem:s2+$0x40];
	v28 =	vbroadcast v25, $0x0  }
.Ltmp6:
0x2ba: {  	v19 =	vmov s31;
	s31 =	sadd.s32 $0x2, s21;
	v25 =	vadd.s32 v12, v35;
	[tilespmem:v27+s11+$0x0] =	vst.idx.msk $0xffff, v26;
	v26 =	vadd.f32 v29, v17;
	v29 =	vld [tilespmem:s2+$0x50];
	(pc) =	sbr.rel @p1 .LBB2_11-.Ltmp6, $4  }
0x2bb: {  	v23 =	vmov s31;
	s31 =	sadd.s32 $0x3, s21;
	[tilespmem:v22+s11+$0x0] =	vst.idx.msk $0xffff, v24;
	v32 =	vadd.f32 v33, v18;
	v22 =	vadd.s32 v13, v28  }
0x2bc: {  	s17 =	sadd.s32 $0x5, s21;
	v24 =	vmov s31;
	s31 =	sadd.s32 $0x4, s21;
	[tilespmem:v20+s11+$0x0] =	vst.idx.msk $0xffff, v26;
	v33 =	vadd.f32 v34, v17;
	v20 =	vadd.s32 v14, v28  }
0x2bd: {  	v27 =	vmov s31;
	v26 =	vmov s17;
	s17 =	sadd.s32 $0x6, s21;
	s31 =	sadd.s32 $0x7, s21;
	[tilespmem:v30+s11+$0x0] =	vst.idx.msk $0xffff, v32;
	v31 =	vadd.f32 v31, v18  }
0x2be: {  	s21 =	sadd.s32 $0x8, s21;
	v28 =	vmov s17;
	v32 =	vmov s31;
	[tilespmem:v36+s11+$0x0] =	vst.idx.msk $0xffff, v33;
	v30 =	vadd.f32 v37, v17  }
0x2bf: {  	_ =	sdelay $0x1  }
0x2c0: {  	v21 =	vshll.u32 v21, v1;
	v32 =	vshrl.u32 v32, $0x3;
	v29 =	vadd.f32 v29, v18  }
0x2c1: {  	v19 =	vshrl.u32 v19, $0x3;
	v23 =	vshrl.u32 v23, $0x3;
	s2 =	sadd.s32 $0x100, s2;
	v24 =	vshrl.u32 v24, $0x3  }
0x2c2: {  	v27 =	vshrl.u32 v27, $0x3;
	[tilespmem:v25+s11+$0x0] =	vst.idx.msk $0xffff, v31;
	v32 =	vshll.u32 v32, v1;
	v21 =	vbroadcast v21, $0x0;
	v31 =	vld [tilespmem:s2+$0xFFFFFF80]  }
0x2c3: {  	v25 =	vshrl.u32 v26, $0x3;
	v33 =	vld [tilespmem:s2+$0x60];
	v19 =	vshll.u32 v19, v1;
	v32 =	vbroadcast v32, $0x0  }
0x2c4: {  	v26 =	vshrl.u32 v28, $0x3;
	v28 =	vld [tilespmem:s2+$0x70];
	v23 =	vshll.u32 v23, v1;
	[tilespmem:v22+s11+$0x0] =	vst.idx.msk $0xffff, v30;
	v22 =	vadd.s32 v0, v21  }
0x2c5: {  	v35 =	vld [tilespmem:s2+$0xFFFFFF90];
	v24 =	vshll.u32 v24, v1;
	v27 =	vshll.u32 v27, v1;
	v34 =	vadd.s32 v15, v32  }
0x2c6: {  	v30 =	vld [tilespmem:s2+$0xFFFFFFA0];
	v25 =	vshll.u32 v25, v1;
	v19 =	vbroadcast v19, $0x0;
	v32 =	vadd.s32 v16, v32  }
0x2c7: {  	v36 =	vld [tilespmem:s2+$0xFFFFFFB0];
	v26 =	vshll.u32 v26, v1;
	v21 =	vadd.s32 v2, v21;
	v31 =	vadd.f32 v31, v17  }
0x2c8: {  	[tilespmem:v20+s11+$0x0] =	vst.idx.msk $0xffff, v29;
	v29 =	vld [tilespmem:s2+$0xFFFFFFC0];
	v23 =	vbroadcast v23, $0x0;
	v20 =	vadd.s32 v3, v19;
	v33 =	vadd.f32 v33, v17  }
0x2c9: {  	v37 =	vld [tilespmem:s2+$0xFFFFFFD0];
	v19 =	vadd.s32 v4, v19;
	v28 =	vadd.f32 v28, v18;
	[tilespmem:v22+s11+$0x0] =	vst.idx.msk $0xffff, v31  }
0x2ca: {  	v49 =	vld [tilespmem:s2+$0xFFFFFFE0];
	v24 =	vbroadcast v24, $0x0;
	v48 =	vadd.s32 v5, v23;
	v47 =	vadd.f32 v35, v18;
	[tilespmem:v34+s11+$0x0] =	vst.idx.msk $0xffff, v33  }
0x2cb: {  	v23 =	vadd.s32 v6, v23;
	v22 =	vadd.f32 v30, v17;
	[tilespmem:v32+s11+$0x0] =	vst.idx.msk $0xffff, v28;
	v28 =	vld [tilespmem:s2+$0xFFFFFFF0]  }
0x2cc: {  	v27 =	vbroadcast v27, $0x0;
	v30 =	vadd.s32 v7, v24;
	v31 =	vld [tilespmem:s2+$0x0];
	[tilespmem:v21+s11+$0x0] =	vst.idx.msk $0xffff, v47;
	v21 =	vadd.f32 v36, v18  }
0x2cd: {  	[tilespmem:v20+s11+$0x0] =	vst.idx.msk $0xffff, v22;
	v20 =	vadd.f32 v29, v17;
	v22 =	vadd.s32 v8, v24;
	v24 =	vld [tilespmem:s2+$0x10]  }
0x2ce: {  	v25 =	vbroadcast v25, $0x0;
	v29 =	vld [tilespmem:s2+$0x20];
	[tilespmem:v19+s11+$0x0] =	vst.idx.msk $0xffff, v21;
	v19 =	vadd.f32 v37, v18;
	v21 =	vadd.s32 v9, v27  }
0x2cf: {  	v50 =	vld [tilespmem:s2+$0x30];
	v27 =	vadd.s32 v10, v27;
	[tilespmem:v48+s11+$0x0] =	vst.idx.msk $0xffff, v20;
	v20 =	vadd.f32 v49, v17  }
0x2d0: {  	v26 =	vbroadcast v26, $0x0;
	[tilespmem:v23+s11+$0x0] =	vst.idx.msk $0xffff, v19;
	v23 =	vadd.s32 v11, v25;
	v19 =	vadd.f32 v28, v18;
	v28 =	vld [tilespmem:s2+$0x40]  }
0x2d1: {  	v25 =	vadd.s32 v12, v25;
	[tilespmem:v30+s11+$0x0] =	vst.idx.msk $0xffff, v20;
	v20 =	vadd.f32 v31, v17;
	v30 =	vld [tilespmem:s2+$0x50]  }
0x2d2: {  	[tilespmem:v22+s11+$0x0] =	vst.idx.msk $0xffff, v19;
	v19 =	vadd.f32 v24, v18;
	v22 =	vadd.s32 v13, v26  }
0x2d3: {  	[tilespmem:v21+s11+$0x0] =	vst.idx.msk $0xffff, v20;
	v20 =	vadd.f32 v29, v17;
	v21 =	vadd.s32 v14, v26  }
0x2d4: {  	[tilespmem:v27+s11+$0x0] =	vst.idx.msk $0xffff, v19;
	v19 =	vadd.f32 v50, v18  }
0x2d5: {  	s21 =	sshll.u32 s9, $0x11;
	[tilespmem:v23+s11+$0x0] =	vst.idx.msk $0xffff, v20;
	v17 =	vadd.f32 v28, v17  }
0x2d6: {  	s2 =	sor.u32 s5, s21;
	v18 =	vadd.f32 v30, v18;
	[tilespmem:v25+s11+$0x0] =	vst.idx.msk $0xffff, v19  }
0x2d7: {  	s2 =	sshrl.u32 s2, $0x3;
	[tilespmem:v22+s11+$0x0] =	vst.idx.msk $0xffff, v17  }
0x2d8: {  	s2 =	sadd.s32 s1, s2;
	[tilespmem:v21+s11+$0x0] =	vst.idx.msk $0xffff, v18  }
0x2d9: {  	[hbm4b:s2+s3] =	stream.linear.scatter [tilespmem:s11], [sflag:$0xF], $0x80, $0x38;
	[tilespmem:$0x1C700] =	vst v63  }
0x2da: {  	s17 =	simm.s32 $0x16188;
	s31 =	sadd.s32 $0x10, s2  }
0x2db: {  	[hbm4b:s31+s3] =	stream.linear.scatter [tilespmem:s17], [sflag:$0xF], $0x80, $0x38;
	[tilespmem:$0x1C700] =	vst v63  }
0x2dc: {  	s21 =	sadd.s32 $0x20, s2;
	s31 =	simm.s32 $0x16210  }
0x2dd: {  	[hbm4b:s21+s3] =	stream.linear.scatter [tilespmem:s31], [sflag:$0xF], $0x80, $0x38;
	[tilespmem:$0x1C700] =	vst v63  }
0x2de: {  	s21 =	sadd.s32 $0x30, s2;
	s31 =	simm.s32 $0x16298  }
0x2df: {  	[hbm4b:s21+s3] =	stream.linear.scatter [tilespmem:s31], [sflag:$0xF], $0x80, $0x38;
	[tilespmem:$0x1C700] =	vst v63  }
0x2e0: {  	s21 =	sadd.s32 $0x40, s2;
	s31 =	simm.s32 $0x16320  }
0x2e1: {  	[hbm4b:s21+s3] =	stream.linear.scatter [tilespmem:s31], [sflag:$0xF], $0x80, $0x38;
	[tilespmem:$0x1C700] =	vst v63  }
0x2e2: {  	s21 =	sadd.s32 $0x50, s2;
	s31 =	simm.s32 $0x163A8  }
0x2e3: {  	[hbm4b:s21+s3] =	stream.linear.scatter [tilespmem:s31], [sflag:$0xF], $0x80, $0x38;
	[tilespmem:$0x1C700] =	vst v63  }
0x2e4: {  	s21 =	sadd.s32 $0x60, s2;
	s31 =	simm.s32 $0x16430  }
0x2e5: {  	[hbm4b:s21+s3] =	stream.linear.scatter [tilespmem:s31], [sflag:$0xF], $0x80, $0x38;
	[tilespmem:$0x1C700] =	vst v63  }
0x2e6: {  	s21 =	sadd.s32 $0x70, s2;
	s31 =	simm.s32 $0x164B8  }
0x2e7: {  	[hbm4b:s21+s3] =	stream.linear.scatter [tilespmem:s31], [sflag:$0xF], $0x80, $0x38;
	[tilespmem:$0x1C700] =	vst v63  }
0x2e8: {  	s21 =	sadd.s32 $0x1000, s2;
	s31 =	simm.s32 $0x16540  }
0x2e9: {  	[hbm4b:s21+s3] =	stream.linear.scatter [tilespmem:s31], [sflag:$0xF], $0x80, $0x38;
	[tilespmem:$0x1C700] =	vst v63  }
0x2ea: {  	s21 =	sadd.s32 $0x1010, s2;
	s31 =	simm.s32 $0x165C8  }
0x2eb: {  	[hbm4b:s21+s3] =	stream.linear.scatter [tilespmem:s31], [sflag:$0xF], $0x80, $0x38;
	[tilespmem:$0x1C700] =	vst v63  }
0x2ec: {  	s21 =	sadd.s32 $0x1020, s2;
	s31 =	simm.s32 $0x16650  }
0x2ed: {  	[hbm4b:s21+s3] =	stream.linear.scatter [tilespmem:s31], [sflag:$0xF], $0x80, $0x38;
	[tilespmem:$0x1C700] =	vst v63  }
0x2ee: {  	s21 =	sadd.s32 $0x1030, s2;
	s31 =	simm.s32 $0x166D8  }
0x2ef: {  	[hbm4b:s21+s3] =	stream.linear.scatter [tilespmem:s31], [sflag:$0xF], $0x80, $0x38;
	[tilespmem:$0x1C700] =	vst v63  }
0x2f0: {  	s21 =	sadd.s32 $0x1040, s2;
	s31 =	simm.s32 $0x16760  }
0x2f1: {  	[hbm4b:s21+s3] =	stream.linear.scatter [tilespmem:s31], [sflag:$0xF], $0x80, $0x38;
	[tilespmem:$0x1C700] =	vst v63  }
0x2f2: {  	s21 =	sadd.s32 $0x1050, s2;
	s31 =	simm.s32 $0x167E8  }
0x2f3: {  	[hbm4b:s21+s3] =	stream.linear.scatter [tilespmem:s31], [sflag:$0xF], $0x80, $0x38;
	[tilespmem:$0x1C700] =	vst v63  }
0x2f4: {  	s21 =	sadd.s32 $0x1060, s2;
	s31 =	simm.s32 $0x16870  }
0x2f5: {  	[hbm4b:s21+s3] =	stream.linear.scatter [tilespmem:s31], [sflag:$0xF], $0x80, $0x38;
	[tilespmem:$0x1C700] =	vst v63  }
0x2f6: {  	s21 =	sadd.s32 $0x1070, s2;
	s31 =	simm.s32 $0x168F8  }
0x2f7: {  	[hbm4b:s21+s3] =	stream.linear.scatter [tilespmem:s31], [sflag:$0xF], $0x80, $0x38;
	[tilespmem:$0x1C700] =	vst v63  }
0x2f8: {  	s21 =	sadd.s32 $0x2000, s2;
	s31 =	simm.s32 $0x16980  }
0x2f9: {  	[hbm4b:s21+s3] =	stream.linear.scatter [tilespmem:s31], [sflag:$0xF], $0x80, $0x38;
	[tilespmem:$0x1C700] =	vst v63  }
0x2fa: {  	s21 =	sadd.s32 $0x2010, s2;
	s31 =	simm.s32 $0x16A08  }
0x2fb: {  	[hbm4b:s21+s3] =	stream.linear.scatter [tilespmem:s31], [sflag:$0xF], $0x80, $0x38;
	[tilespmem:$0x1C700] =	vst v63  }
0x2fc: {  	s21 =	sadd.s32 $0x2020, s2;
	s31 =	simm.s32 $0x16A90  }
0x2fd: {  	[hbm4b:s21+s3] =	stream.linear.scatter [tilespmem:s31], [sflag:$0xF], $0x80, $0x38;
	[tilespmem:$0x1C700] =	vst v63  }
0x2fe: {  	s21 =	sadd.s32 $0x2030, s2;
	s31 =	simm.s32 $0x16B18  }
0x2ff: {  	[hbm4b:s21+s3] =	stream.linear.scatter [tilespmem:s31], [sflag:$0xF], $0x80, $0x38;
	[tilespmem:$0x1C700] =	vst v63  }
0x300: {  	s21 =	sadd.s32 $0x2040, s2;
	s31 =	simm.s32 $0x16BA0  }
0x301: {  	[hbm4b:s21+s3] =	stream.linear.scatter [tilespmem:s31], [sflag:$0xF], $0x80, $0x38;
	[tilespmem:$0x1C700] =	vst v63  }
0x302: {  	s21 =	sadd.s32 $0x2050, s2;
	s31 =	simm.s32 $0x16C28  }
0x303: {  	[hbm4b:s21+s3] =	stream.linear.scatter [tilespmem:s31], [sflag:$0xF], $0x80, $0x38;
	[tilespmem:$0x1C700] =	vst v63  }
0x304: {  	s21 =	sadd.s32 $0x2060, s2;
	s31 =	simm.s32 $0x16CB0  }
0x305: {  	[hbm4b:s21+s3] =	stream.linear.scatter [tilespmem:s31], [sflag:$0xF], $0x80, $0x38;
	[tilespmem:$0x1C700] =	vst v63  }
0x306: {  	s21 =	sadd.s32 $0x2070, s2;
	s31 =	simm.s32 $0x16D38  }
0x307: {  	[hbm4b:s21+s3] =	stream.linear.scatter [tilespmem:s31], [sflag:$0xF], $0x80, $0x38;
	[tilespmem:$0x1C700] =	vst v63  }
0x308: {  	s21 =	sadd.s32 $0x3000, s2;
	s31 =	simm.s32 $0x16DC0  }
0x309: {  	[hbm4b:s21+s3] =	stream.linear.scatter [tilespmem:s31], [sflag:$0xF], $0x80, $0x38;
	[tilespmem:$0x1C700] =	vst v63  }
0x30a: {  	s21 =	sadd.s32 $0x3010, s2;
	s31 =	simm.s32 $0x16E48  }
0x30b: {  	[hbm4b:s21+s3] =	stream.linear.scatter [tilespmem:s31], [sflag:$0xF], $0x80, $0x38;
	[tilespmem:$0x1C700] =	vst v63  }
0x30c: {  	s21 =	sadd.s32 $0x3020, s2;
	s31 =	simm.s32 $0x16ED0  }
0x30d: {  	[hbm4b:s21+s3] =	stream.linear.scatter [tilespmem:s31], [sflag:$0xF], $0x80, $0x38;
	[tilespmem:$0x1C700] =	vst v63  }
0x30e: {  	s21 =	sadd.s32 $0x3030, s2;
	s31 =	simm.s32 $0x16F58  }
0x30f: {  	[hbm4b:s21+s3] =	stream.linear.scatter [tilespmem:s31], [sflag:$0xF], $0x80, $0x38;
	[tilespmem:$0x1C700] =	vst v63  }
0x310: {  	s21 =	sadd.s32 $0x3040, s2;
	s31 =	simm.s32 $0x16FE0  }
0x311: {  	[hbm4b:s21+s3] =	stream.linear.scatter [tilespmem:s31], [sflag:$0xF], $0x80, $0x38;
	[tilespmem:$0x1C700] =	vst v63  }
0x312: {  	s21 =	sadd.s32 $0x3050, s2;
	s31 =	simm.s32 $0x17068  }
0x313: {  	[hbm4b:s21+s3] =	stream.linear.scatter [tilespmem:s31], [sflag:$0xF], $0x80, $0x38;
	[tilespmem:$0x1C700] =	vst v63  }
0x314: {  	s17 =	sadd.s32 $0x3060, s2;
	s21 =	simm.s32 $0x170F0  }
0x315: {  	[hbm4b:s17+s3] =	stream.linear.scatter [tilespmem:s21], [sflag:$0xF], $0x80, $0x38;
	[tilespmem:$0x1C700] =	vst v63  }
0x316: {  	s2 =	sadd.s32 $0x3070, s2;
	s31 =	simm.s32 $0x17178  }
0x317: {  	[hbm4b:s2+s3] =	stream.linear.scatter [tilespmem:s31], [sflag:$0xF], $0x80, $0x38;
	[tilespmem:$0x1C700] =	vst v63  }
0x318: {  	s2 =	simm.s32 @!p0 $0xC  }
0x319: {  	s9 =	simm.s32 @!p0 $0x80;
	_ =	swait.ge @!p0 [sflag:s2], $0x1000  }
0x31a: {  	s17 =	simm.s32 @!p0 $0x8D00;
	s21 =	simm.s32 $0x1;
	[sflag:s2] =	ssyncset.done @!p0 $0x0  }
0x31b: {  	v19 =	vmov s21;
	s21 =	simm.s32 $0x4;
	[sflag:s2] =	ssyncadd.s32 @!p0 $0xFFFFF000;
	s2 =	sadd.s32 @!p0 $0x580, s18  }
0x31c: {  	s31 =	simm.s32 $0x6;
	v22 =	vmov s21;
	s21 =	simm.s32 $0x7;
	s2 =	sand.u32 @!p0 $0x1FF80, s2  }
0x31d: {  	[tilespmem:s17], [sflag:$0x2] =	stream.indirect.gather @!p0 [hbm4b:s4+s9], $0x20, s2, s9, $0xb8;
	[tilespmem:$0x1C700] =	vst v63  }
0x31e: {  	s9 =	sadd.s32 $0x5, s7;
	s2 =	simm.s32 $0x2;
	_ =	swait.ge [sflag:s31], $0x1000  }
0x31f: {  	s17 =	simm.s32 $0x0;
	v20 =	vmov s2;
	s2 =	sshll.u32 s9, $0x5;
	[sflag:s31] =	ssyncset.done $0x0  }
0x320: {  	v24 =	vmov s21;
	v17 =	vmov s17;
	s2 =	sand.u32 $0x3FFFFFE0, s2;
	[sflag:s31] =	ssyncadd.s32 $0xFFFFF000  }
0x321: {  	v24 =	vshrl.u32 v24, $0x3;
	v18 =	vshrl.u32 v17, $0x3;
	v17 =	vld [tilespmem:s2+$0x6400]  }
0x322: {  	v24 =	vshll.u32 v24, v1;
	v26 =	vshll.u32 v18, v1;
	v18 =	vld [tilespmem:s2+$0x6410];
	s2 =	simm.s32 $0xCD80  }
0x323: {  	v24 =	vbroadcast v24, $0x0;
	v27 =	vld [tilespmem:s2+$0x60]  }
0x324: {  	v26 =	vbroadcast v26, $0x0;
	v29 =	vld [tilespmem:s2+$0xFFFFFF80]  }
0x325: {  	v19 =	vshrl.u32 v19, $0x3;
	v22 =	vshrl.u32 v22, $0x3;
	v30 =	vadd.s32 v15, v24;
	v28 =	vld [tilespmem:s2+$0x70]  }
0x326: {  	v19 =	vshll.u32 v19, v1;
	v22 =	vshll.u32 v22, v1;
	v31 =	vld [tilespmem:s2+$0xFFFFFF90];
	v51 =	vadd.s32 v0, v26  }
0x327: {  	v19 =	vbroadcast v19, $0x0;
	v24 =	vadd.s32 v16, v24;
	v20 =	vshrl.u32 v20, $0x3;
	v52 =	vld [tilespmem:s2+$0xFFFFFFA0]  }
0x328: {  	v20 =	vshll.u32 v20, v1;
	v53 =	vld [tilespmem:s2+$0xFFFFFFB0];
	v26 =	vadd.s32 v2, v26;
	v27 =	vadd.f32 v27, v17  }
0x329: {  	v54 =	vadd.s32 v3, v19;
	v20 =	vbroadcast v20, $0x0;
	v55 =	vld [tilespmem:s2+$0xFFFFFFC0];
	v29 =	vadd.f32 v29, v17  }
0x32a: {  	v19 =	vadd.s32 v4, v19;
	s17 =	simm.s32 $0x3;
	v28 =	vadd.f32 v28, v18;
	[tilespmem:v30+s12+$0x0] =	vst.idx.msk $0xffff, v27  }
0x32b: {  	v21 =	vmov s17;
	v56 =	vld [tilespmem:s2+$0xFFFFFFD0];
	v27 =	vadd.f32 v31, v18;
	v30 =	vadd.s32 v5, v20;
	[tilespmem:v51+s12+$0x0] =	vst.idx.msk $0xffff, v29  }
0x32c: {  	v22 =	vbroadcast v22, $0x0;
	s17 =	simm.s32 $0x5;
	v21 =	vshrl.u32 v21, $0x3;
	v59 =	vld [tilespmem:s2+$0x10];
	[tilespmem:v24+s12+$0x0] =	vst.idx.msk $0xffff, v28;
	v24 =	vadd.f32 v52, v17  }
0x32d: {  	v23 =	vmov s17;
	s31 =	simm.s32 $0x6;
	v21 =	vshll.u32 v21, v1;
	v29 =	vld [tilespmem:s2+$0x0];
	[tilespmem:v26+s12+$0x0] =	vst.idx.msk $0xffff, v27;
	v26 =	vadd.f32 v53, v18  }
0x32e: {  	v25 =	vmov s31;
	v31 =	vld [tilespmem:s2+$0xFFFFFFE0];
	v20 =	vadd.s32 v6, v20;
	[tilespmem:v54+s12+$0x0] =	vst.idx.msk $0xffff, v24;
	v24 =	vadd.f32 v55, v17  }
0x32f: {  	v23 =	vshrl.u32 v23, $0x3;
	v21 =	vbroadcast v21, $0x0;
	v28 =	vld [tilespmem:s2+$0xFFFFFFF0];
	[tilespmem:v19+s12+$0x0] =	vst.idx.msk $0xffff, v26;
	v26 =	vadd.s32 v9, v22  }
0x330: {  	v25 =	vshrl.u32 v25, $0x3;
	v23 =	vshll.u32 v23, v1;
	[tilespmem:v30+s12+$0x0] =	vst.idx.msk $0xffff, v24;
	v30 =	vadd.s32 v10, v22  }
0x331: {  	v60 =	vld [tilespmem:s2+$0x20];
	v58 =	vadd.s32 v8, v21;
	v27 =	vadd.s32 v7, v21;
	v21 =	vadd.f32 v56, v18  }
0x332: {  	s21 =	simm.s32 $0x8;
	v25 =	vshll.u32 v25, v1;
	v61 =	vbroadcast v23, $0x0;
	v22 =	vadd.f32 v29, v17  }
0x333: {  	v57 =	vmov s21;
	v24 =	vadd.f32 v31, v17;
	v31 =	vld [tilespmem:s2+$0x30];
	v29 =	vadd.f32 v59, v18;
	[tilespmem:v20+s12+$0x0] =	vst.idx.msk $0xffff, v21  }
0x334: {  	s21 =	simm.s32 $0xA;
	v38 =	vld [tilespmem:s2+$0x40];
	v62 =	vadd.s32 v11, v61;
	v20 =	vadd.f32 v28, v18;
	v28 =	vbroadcast v25, $0x0;
	[tilespmem:v26+s12+$0x0] =	vst.idx.msk $0xffff, v22  }
0x335: {  	s31 =	simm.s32 $0x9;
	v23 =	vmov s21;
	v25 =	vadd.s32 v12, v61;
	[tilespmem:v30+s12+$0x0] =	vst.idx.msk $0xffff, v29;
	v29 =	vld [tilespmem:s2+$0x50]  }
0x336: {  	v63 =	vadd.f32 v60, v17;
	v19 =	vmov s31;
	s31 =	simm.s32 $0xB;
	[tilespmem:v27+s12+$0x0] =	vst.idx.msk $0xffff, v24;
	v22 =	vadd.s32 v13, v28  }
0x337: {  	s21 =	simm.s32 $0xC;
	v21 =	vshrl.u32 v57, $0x3;
	v24 =	vmov s31;
	s31 =	simm.s32 $0xD;
	[tilespmem:v58+s12+$0x0] =	vst.idx.msk $0xffff, v20;
	v20 =	vadd.s32 v14, v28  }
0x338: {  	v27 =	vmov s21;
	s21 =	simm.s32 $0xE;
	v26 =	vmov s31;
	s31 =	simm.s32 $0xF;
	v31 =	vadd.f32 v31, v18  }
0x339: {  	[tilespmem:v62+s12+$0x0] =	vst.idx.msk $0xffff, v63;
	v28 =	vmov s21;
	s21 =	simm.s32 $0x10;
	v32 =	vmov s31;
	v30 =	vadd.f32 v38, v17  }
.LBB2_13:
0x33a: {  	p1 =	slt.u32 s21, $0x78;
	v21 =	vshll.u32 v21, v1;
	v32 =	vshrl.u32 v32, $0x3;
	[tilespmem:v25+s12+$0x0] =	vst.idx.msk $0xffff, v31;
	v25 =	vadd.f32 v29, v18  }
0x33b: {  	v19 =	vshrl.u32 v19, $0x3;
	v23 =	vshrl.u32 v23, $0x3;
	s2 =	sadd.s32 $0x100, s2;
	v29 =	vshll.u32 v32, v1;
	[tilespmem:v22+s12+$0x0] =	vst.idx.msk $0xffff, v30  }
0x33c: {  	v22 =	vshrl.u32 v24, $0x3;
	v24 =	vshrl.u32 v27, $0x3;
	v27 =	vld [tilespmem:s2+$0x60];
	v29 =	vbroadcast v29, $0x0;
	[tilespmem:v20+s12+$0x0] =	vst.idx.msk $0xffff, v25  }
0x33d: {  	v20 =	vbroadcast v21, $0x0;
	v21 =	vshrl.u32 v26, $0x3;
	v25 =	vshrl.u32 v28, $0x3;
	v26 =	vld [tilespmem:s2+$0x70]  }
0x33e: {  	v19 =	vshll.u32 v19, v1;
	v23 =	vshll.u32 v23, v1;
	v28 =	vld [tilespmem:s2+$0xFFFFFF80];
	v30 =	vadd.s32 v15, v29  }
0x33f: {  	v22 =	vshll.u32 v22, v1;
	v24 =	vshll.u32 v24, v1;
	v29 =	vadd.s32 v16, v29;
	v31 =	vld [tilespmem:s2+$0xFFFFFF90]  }
0x340: {  	v19 =	vbroadcast v19, $0x0;
	v21 =	vshll.u32 v21, v1;
	v32 =	vadd.s32 v0, v20;
	v33 =	vld [tilespmem:s2+$0xFFFFFFA0]  }
0x341: {  	v25 =	vshll.u32 v25, v1;
	v20 =	vadd.s32 v2, v20;
	v34 =	vld [tilespmem:s2+$0xFFFFFFB0];
	v27 =	vadd.f32 v27, v17  }
0x342: {  	v23 =	vbroadcast v23, $0x0;
	v35 =	vadd.s32 v3, v19;
	v36 =	vld [tilespmem:s2+$0xFFFFFFC0];
	v26 =	vadd.f32 v26, v18  }
0x343: {  	v19 =	vadd.s32 v4, v19;
	v28 =	vadd.f32 v28, v17;
	v37 =	vld [tilespmem:s2+$0xFFFFFFD0];
	[tilespmem:v30+s12+$0x0] =	vst.idx.msk $0xffff, v27  }
0x344: {  	v22 =	vbroadcast v22, $0x0;
	v30 =	vadd.s32 v5, v23;
	v27 =	vadd.f32 v31, v18;
	v31 =	vld [tilespmem:s2+$0xFFFFFFE0];
	[tilespmem:v29+s12+$0x0] =	vst.idx.msk $0xffff, v26  }
0x345: {  	v23 =	vadd.s32 v6, v23;
	[tilespmem:v32+s12+$0x0] =	vst.idx.msk $0xffff, v28;
	v26 =	vadd.f32 v33, v17;
	v28 =	vld [tilespmem:s2+$0xFFFFFFF0]  }
0x346: {  	v24 =	vbroadcast v24, $0x0;
	[tilespmem:v20+s12+$0x0] =	vst.idx.msk $0xffff, v27;
	v20 =	vadd.f32 v34, v18;
	v27 =	vadd.s32 v7, v22;
	v29 =	vld [tilespmem:s2+$0x0]  }
0x347: {  	v32 =	vmov s21;
	v22 =	vadd.s32 v8, v22;
	[tilespmem:v35+s12+$0x0] =	vst.idx.msk $0xffff, v26;
	v26 =	vadd.f32 v36, v17;
	v33 =	vld [tilespmem:s2+$0x10]  }
0x348: {  	v35 =	vbroadcast v21, $0x0;
	[tilespmem:v19+s12+$0x0] =	vst.idx.msk $0xffff, v20;
	v19 =	vadd.f32 v37, v18;
	v20 =	vadd.s32 v9, v24;
	v34 =	vld [tilespmem:s2+$0x20]  }
0x349: {  	v21 =	vshrl.u32 v32, $0x3;
	[tilespmem:v30+s12+$0x0] =	vst.idx.msk $0xffff, v26;
	v26 =	vadd.f32 v31, v17;
	v30 =	vadd.s32 v10, v24;
	v31 =	vld [tilespmem:s2+$0x30]  }
0x34a: {  	s17 =	sadd.s32 $0x1, s21;
	v36 =	vadd.s32 v11, v35;
	[tilespmem:v23+s12+$0x0] =	vst.idx.msk $0xffff, v19;
	v24 =	vadd.f32 v28, v18;
	v37 =	vld [tilespmem:s2+$0x40];
	v28 =	vbroadcast v25, $0x0  }
.Ltmp7:
0x34b: {  	v19 =	vmov s17;
	s17 =	sadd.s32 $0x2, s21;
	v25 =	vadd.s32 v12, v35;
	[tilespmem:v27+s12+$0x0] =	vst.idx.msk $0xffff, v26;
	v26 =	vadd.f32 v29, v17;
	v29 =	vld [tilespmem:s2+$0x50];
	(pc) =	sbr.rel @p1 .LBB2_13-.Ltmp7, $4  }
0x34c: {  	v23 =	vmov s17;
	s17 =	sadd.s32 $0x3, s21;
	[tilespmem:v22+s12+$0x0] =	vst.idx.msk $0xffff, v24;
	v32 =	vadd.f32 v33, v18;
	v22 =	vadd.s32 v13, v28  }
0x34d: {  	s31 =	sadd.s32 $0x5, s21;
	v24 =	vmov s17;
	s17 =	sadd.s32 $0x4, s21;
	[tilespmem:v20+s12+$0x0] =	vst.idx.msk $0xffff, v26;
	v33 =	vadd.f32 v34, v17;
	v20 =	vadd.s32 v14, v28  }
0x34e: {  	v27 =	vmov s17;
	v26 =	vmov s31;
	s17 =	sadd.s32 $0x6, s21;
	s31 =	sadd.s32 $0x7, s21;
	[tilespmem:v30+s12+$0x0] =	vst.idx.msk $0xffff, v32;
	v31 =	vadd.f32 v31, v18  }
0x34f: {  	s21 =	sadd.s32 $0x8, s21;
	v28 =	vmov s17;
	v32 =	vmov s31;
	[tilespmem:v36+s12+$0x0] =	vst.idx.msk $0xffff, v33;
	v30 =	vadd.f32 v37, v17  }
0x350: {  	_ =	sdelay $0x1  }
0x351: {  	v21 =	vshll.u32 v21, v1;
	v32 =	vshrl.u32 v32, $0x3;
	v29 =	vadd.f32 v29, v18  }
0x352: {  	v19 =	vshrl.u32 v19, $0x3;
	v23 =	vshrl.u32 v23, $0x3;
	s2 =	sadd.s32 $0x100, s2;
	v24 =	vshrl.u32 v24, $0x3  }
0x353: {  	v27 =	vshrl.u32 v27, $0x3;
	[tilespmem:v25+s12+$0x0] =	vst.idx.msk $0xffff, v31;
	v32 =	vshll.u32 v32, v1;
	v21 =	vbroadcast v21, $0x0;
	v31 =	vld [tilespmem:s2+$0xFFFFFF80]  }
0x354: {  	v25 =	vshrl.u32 v26, $0x3;
	v33 =	vld [tilespmem:s2+$0x60];
	v19 =	vshll.u32 v19, v1;
	v32 =	vbroadcast v32, $0x0  }
0x355: {  	v26 =	vshrl.u32 v28, $0x3;
	v28 =	vld [tilespmem:s2+$0x70];
	v23 =	vshll.u32 v23, v1;
	[tilespmem:v22+s12+$0x0] =	vst.idx.msk $0xffff, v30;
	v22 =	vadd.s32 v0, v21  }
0x356: {  	v35 =	vld [tilespmem:s2+$0xFFFFFF90];
	v24 =	vshll.u32 v24, v1;
	v27 =	vshll.u32 v27, v1;
	v34 =	vadd.s32 v15, v32  }
0x357: {  	v30 =	vld [tilespmem:s2+$0xFFFFFFA0];
	v25 =	vshll.u32 v25, v1;
	v19 =	vbroadcast v19, $0x0;
	v32 =	vadd.s32 v16, v32  }
0x358: {  	v36 =	vld [tilespmem:s2+$0xFFFFFFB0];
	v26 =	vshll.u32 v26, v1;
	v21 =	vadd.s32 v2, v21;
	v31 =	vadd.f32 v31, v17  }
0x359: {  	[tilespmem:v20+s12+$0x0] =	vst.idx.msk $0xffff, v29;
	v29 =	vld [tilespmem:s2+$0xFFFFFFC0];
	v23 =	vbroadcast v23, $0x0;
	v20 =	vadd.s32 v3, v19;
	v33 =	vadd.f32 v33, v17  }
0x35a: {  	v37 =	vld [tilespmem:s2+$0xFFFFFFD0];
	v19 =	vadd.s32 v4, v19;
	v28 =	vadd.f32 v28, v18;
	[tilespmem:v22+s12+$0x0] =	vst.idx.msk $0xffff, v31  }
0x35b: {  	v49 =	vld [tilespmem:s2+$0xFFFFFFE0];
	v24 =	vbroadcast v24, $0x0;
	v48 =	vadd.s32 v5, v23;
	v47 =	vadd.f32 v35, v18;
	[tilespmem:v34+s12+$0x0] =	vst.idx.msk $0xffff, v33  }
0x35c: {  	v23 =	vadd.s32 v6, v23;
	v22 =	vadd.f32 v30, v17;
	[tilespmem:v32+s12+$0x0] =	vst.idx.msk $0xffff, v28;
	v28 =	vld [tilespmem:s2+$0xFFFFFFF0]  }
0x35d: {  	v27 =	vbroadcast v27, $0x0;
	v30 =	vadd.s32 v7, v24;
	v31 =	vld [tilespmem:s2+$0x0];
	[tilespmem:v21+s12+$0x0] =	vst.idx.msk $0xffff, v47;
	v21 =	vadd.f32 v36, v18  }
0x35e: {  	[tilespmem:v20+s12+$0x0] =	vst.idx.msk $0xffff, v22;
	v20 =	vadd.f32 v29, v17;
	v22 =	vadd.s32 v8, v24;
	v24 =	vld [tilespmem:s2+$0x10]  }
0x35f: {  	v25 =	vbroadcast v25, $0x0;
	v29 =	vld [tilespmem:s2+$0x20];
	[tilespmem:v19+s12+$0x0] =	vst.idx.msk $0xffff, v21;
	v19 =	vadd.f32 v37, v18;
	v21 =	vadd.s32 v9, v27  }
0x360: {  	v50 =	vld [tilespmem:s2+$0x30];
	v27 =	vadd.s32 v10, v27;
	[tilespmem:v48+s12+$0x0] =	vst.idx.msk $0xffff, v20;
	v20 =	vadd.f32 v49, v17  }
0x361: {  	v26 =	vbroadcast v26, $0x0;
	[tilespmem:v23+s12+$0x0] =	vst.idx.msk $0xffff, v19;
	v23 =	vadd.s32 v11, v25;
	v19 =	vadd.f32 v28, v18;
	v28 =	vld [tilespmem:s2+$0x40]  }
0x362: {  	v25 =	vadd.s32 v12, v25;
	[tilespmem:v30+s12+$0x0] =	vst.idx.msk $0xffff, v20;
	v20 =	vadd.f32 v31, v17;
	v30 =	vld [tilespmem:s2+$0x50]  }
0x363: {  	[tilespmem:v22+s12+$0x0] =	vst.idx.msk $0xffff, v19;
	v19 =	vadd.f32 v24, v18;
	v22 =	vadd.s32 v13, v26  }
0x364: {  	[tilespmem:v21+s12+$0x0] =	vst.idx.msk $0xffff, v20;
	v20 =	vadd.f32 v29, v17;
	v21 =	vadd.s32 v14, v26  }
0x365: {  	[tilespmem:v27+s12+$0x0] =	vst.idx.msk $0xffff, v19;
	v19 =	vadd.f32 v50, v18  }
0x366: {  	s21 =	sshll.u32 s9, $0x11;
	[tilespmem:v23+s12+$0x0] =	vst.idx.msk $0xffff, v20;
	v17 =	vadd.f32 v28, v17  }
0x367: {  	s2 =	sor.u32 s5, s21;
	v18 =	vadd.f32 v30, v18;
	[tilespmem:v25+s12+$0x0] =	vst.idx.msk $0xffff, v19  }
0x368: {  	s2 =	sshrl.u32 s2, $0x3;
	[tilespmem:v22+s12+$0x0] =	vst.idx.msk $0xffff, v17  }
0x369: {  	s2 =	sadd.s32 s1, s2;
	[tilespmem:v21+s12+$0x0] =	vst.idx.msk $0xffff, v18  }
0x36a: {  	[hbm4b:s2+s3] =	stream.linear.scatter [tilespmem:s12], [sflag:$0x10], $0x80, $0x38;
	[tilespmem:$0x1C700] =	vst v63  }
0x36b: {  	s17 =	simm.s32 $0x17288;
	s31 =	sadd.s32 $0x10, s2  }
0x36c: {  	[hbm4b:s31+s3] =	stream.linear.scatter [tilespmem:s17], [sflag:$0x10], $0x80, $0x38;
	[tilespmem:$0x1C700] =	vst v63  }
0x36d: {  	s21 =	sadd.s32 $0x20, s2;
	s31 =	simm.s32 $0x17310  }
0x36e: {  	[hbm4b:s21+s3] =	stream.linear.scatter [tilespmem:s31], [sflag:$0x10], $0x80, $0x38;
	[tilespmem:$0x1C700] =	vst v63  }
0x36f: {  	s21 =	sadd.s32 $0x30, s2;
	s31 =	simm.s32 $0x17398  }
0x370: {  	[hbm4b:s21+s3] =	stream.linear.scatter [tilespmem:s31], [sflag:$0x10], $0x80, $0x38;
	[tilespmem:$0x1C700] =	vst v63  }
0x371: {  	s21 =	sadd.s32 $0x40, s2;
	s31 =	simm.s32 $0x17420  }
0x372: {  	[hbm4b:s21+s3] =	stream.linear.scatter [tilespmem:s31], [sflag:$0x10], $0x80, $0x38;
	[tilespmem:$0x1C700] =	vst v63  }
0x373: {  	s21 =	sadd.s32 $0x50, s2;
	s31 =	simm.s32 $0x174A8  }
0x374: {  	[hbm4b:s21+s3] =	stream.linear.scatter [tilespmem:s31], [sflag:$0x10], $0x80, $0x38;
	[tilespmem:$0x1C700] =	vst v63  }
0x375: {  	s21 =	sadd.s32 $0x60, s2;
	s31 =	simm.s32 $0x17530  }
0x376: {  	[hbm4b:s21+s3] =	stream.linear.scatter [tilespmem:s31], [sflag:$0x10], $0x80, $0x38;
	[tilespmem:$0x1C700] =	vst v63  }
0x377: {  	s21 =	sadd.s32 $0x70, s2;
	s31 =	simm.s32 $0x175B8  }
0x378: {  	[hbm4b:s21+s3] =	stream.linear.scatter [tilespmem:s31], [sflag:$0x10], $0x80, $0x38;
	[tilespmem:$0x1C700] =	vst v63  }
0x379: {  	s21 =	sadd.s32 $0x1000, s2;
	s31 =	simm.s32 $0x17640  }
0x37a: {  	[hbm4b:s21+s3] =	stream.linear.scatter [tilespmem:s31], [sflag:$0x10], $0x80, $0x38;
	[tilespmem:$0x1C700] =	vst v63  }
0x37b: {  	s21 =	sadd.s32 $0x1010, s2;
	s31 =	simm.s32 $0x176C8  }
0x37c: {  	[hbm4b:s21+s3] =	stream.linear.scatter [tilespmem:s31], [sflag:$0x10], $0x80, $0x38;
	[tilespmem:$0x1C700] =	vst v63  }
0x37d: {  	s21 =	sadd.s32 $0x1020, s2;
	s31 =	simm.s32 $0x17750  }
0x37e: {  	[hbm4b:s21+s3] =	stream.linear.scatter [tilespmem:s31], [sflag:$0x10], $0x80, $0x38;
	[tilespmem:$0x1C700] =	vst v63  }
0x37f: {  	s21 =	sadd.s32 $0x1030, s2;
	s31 =	simm.s32 $0x177D8  }
0x380: {  	[hbm4b:s21+s3] =	stream.linear.scatter [tilespmem:s31], [sflag:$0x10], $0x80, $0x38;
	[tilespmem:$0x1C700] =	vst v63  }
0x381: {  	s21 =	sadd.s32 $0x1040, s2;
	s31 =	simm.s32 $0x17860  }
0x382: {  	[hbm4b:s21+s3] =	stream.linear.scatter [tilespmem:s31], [sflag:$0x10], $0x80, $0x38;
	[tilespmem:$0x1C700] =	vst v63  }
0x383: {  	s21 =	sadd.s32 $0x1050, s2;
	s31 =	simm.s32 $0x178E8  }
0x384: {  	[hbm4b:s21+s3] =	stream.linear.scatter [tilespmem:s31], [sflag:$0x10], $0x80, $0x38;
	[tilespmem:$0x1C700] =	vst v63  }
0x385: {  	s21 =	sadd.s32 $0x1060, s2;
	s31 =	simm.s32 $0x17970  }
0x386: {  	[hbm4b:s21+s3] =	stream.linear.scatter [tilespmem:s31], [sflag:$0x10], $0x80, $0x38;
	[tilespmem:$0x1C700] =	vst v63  }
0x387: {  	s21 =	sadd.s32 $0x1070, s2;
	s31 =	simm.s32 $0x179F8  }
0x388: {  	[hbm4b:s21+s3] =	stream.linear.scatter [tilespmem:s31], [sflag:$0x10], $0x80, $0x38;
	[tilespmem:$0x1C700] =	vst v63  }
0x389: {  	s21 =	sadd.s32 $0x2000, s2;
	s31 =	simm.s32 $0x17A80  }
0x38a: {  	[hbm4b:s21+s3] =	stream.linear.scatter [tilespmem:s31], [sflag:$0x10], $0x80, $0x38;
	[tilespmem:$0x1C700] =	vst v63  }
0x38b: {  	s21 =	sadd.s32 $0x2010, s2;
	s31 =	simm.s32 $0x17B08  }
0x38c: {  	[hbm4b:s21+s3] =	stream.linear.scatter [tilespmem:s31], [sflag:$0x10], $0x80, $0x38;
	[tilespmem:$0x1C700] =	vst v63  }
0x38d: {  	s21 =	sadd.s32 $0x2020, s2;
	s31 =	simm.s32 $0x17B90  }
0x38e: {  	[hbm4b:s21+s3] =	stream.linear.scatter [tilespmem:s31], [sflag:$0x10], $0x80, $0x38;
	[tilespmem:$0x1C700] =	vst v63  }
0x38f: {  	s21 =	sadd.s32 $0x2030, s2;
	s31 =	simm.s32 $0x17C18  }
0x390: {  	[hbm4b:s21+s3] =	stream.linear.scatter [tilespmem:s31], [sflag:$0x10], $0x80, $0x38;
	[tilespmem:$0x1C700] =	vst v63  }
0x391: {  	s21 =	sadd.s32 $0x2040, s2;
	s31 =	simm.s32 $0x17CA0  }
0x392: {  	[hbm4b:s21+s3] =	stream.linear.scatter [tilespmem:s31], [sflag:$0x10], $0x80, $0x38;
	[tilespmem:$0x1C700] =	vst v63  }
0x393: {  	s21 =	sadd.s32 $0x2050, s2;
	s31 =	simm.s32 $0x17D28  }
0x394: {  	[hbm4b:s21+s3] =	stream.linear.scatter [tilespmem:s31], [sflag:$0x10], $0x80, $0x38;
	[tilespmem:$0x1C700] =	vst v63  }
0x395: {  	s21 =	sadd.s32 $0x2060, s2;
	s31 =	simm.s32 $0x17DB0  }
0x396: {  	[hbm4b:s21+s3] =	stream.linear.scatter [tilespmem:s31], [sflag:$0x10], $0x80, $0x38;
	[tilespmem:$0x1C700] =	vst v63  }
0x397: {  	s21 =	sadd.s32 $0x2070, s2;
	s31 =	simm.s32 $0x17E38  }
0x398: {  	[hbm4b:s21+s3] =	stream.linear.scatter [tilespmem:s31], [sflag:$0x10], $0x80, $0x38;
	[tilespmem:$0x1C700] =	vst v63  }
0x399: {  	s21 =	sadd.s32 $0x3000, s2;
	s31 =	simm.s32 $0x17EC0  }
0x39a: {  	[hbm4b:s21+s3] =	stream.linear.scatter [tilespmem:s31], [sflag:$0x10], $0x80, $0x38;
	[tilespmem:$0x1C700] =	vst v63  }
0x39b: {  	s21 =	sadd.s32 $0x3010, s2;
	s31 =	simm.s32 $0x17F48  }
0x39c: {  	[hbm4b:s21+s3] =	stream.linear.scatter [tilespmem:s31], [sflag:$0x10], $0x80, $0x38;
	[tilespmem:$0x1C700] =	vst v63  }
0x39d: {  	s21 =	sadd.s32 $0x3020, s2;
	s31 =	simm.s32 $0x17FD0  }
0x39e: {  	[hbm4b:s21+s3] =	stream.linear.scatter [tilespmem:s31], [sflag:$0x10], $0x80, $0x38;
	[tilespmem:$0x1C700] =	vst v63  }
0x39f: {  	s21 =	sadd.s32 $0x3030, s2;
	s31 =	simm.s32 $0x18058  }
0x3a0: {  	[hbm4b:s21+s3] =	stream.linear.scatter [tilespmem:s31], [sflag:$0x10], $0x80, $0x38;
	[tilespmem:$0x1C700] =	vst v63  }
0x3a1: {  	s21 =	sadd.s32 $0x3040, s2;
	s31 =	simm.s32 $0x180E0  }
0x3a2: {  	[hbm4b:s21+s3] =	stream.linear.scatter [tilespmem:s31], [sflag:$0x10], $0x80, $0x38;
	[tilespmem:$0x1C700] =	vst v63  }
0x3a3: {  	s21 =	sadd.s32 $0x3050, s2;
	s31 =	simm.s32 $0x18168  }
0x3a4: {  	[hbm4b:s21+s3] =	stream.linear.scatter [tilespmem:s31], [sflag:$0x10], $0x80, $0x38;
	[tilespmem:$0x1C700] =	vst v63  }
0x3a5: {  	s17 =	sadd.s32 $0x3060, s2;
	s21 =	simm.s32 $0x181F0  }
0x3a6: {  	[hbm4b:s17+s3] =	stream.linear.scatter [tilespmem:s21], [sflag:$0x10], $0x80, $0x38;
	[tilespmem:$0x1C700] =	vst v63  }
0x3a7: {  	s2 =	sadd.s32 $0x3070, s2;
	s31 =	simm.s32 $0x18278  }
0x3a8: {  	[hbm4b:s2+s3] =	stream.linear.scatter [tilespmem:s31], [sflag:$0x10], $0x80, $0x38;
	[tilespmem:$0x1C700] =	vst v63  }
0x3a9: {  	s2 =	simm.s32 @!p0 $0xD  }
0x3aa: {  	_ =	swait.ge @!p0 [sflag:s2], $0x1000  }
0x3ab: {  	s9 =	simm.s32 @!p0 $0x80;
	s17 =	simm.s32 @!p0 $0x9D00;
	[sflag:s2] =	ssyncset.done @!p0 $0x0  }
0x3ac: {  	s31 =	simm.s32 $0x1;
	[sflag:s2] =	ssyncadd.s32 @!p0 $0xFFFFF000;
	s2 =	sadd.s32 @!p0 $0x600, s18  }
0x3ad: {  	s21 =	simm.s32 $0x7;
	v19 =	vmov s31;
	s31 =	simm.s32 $0x4;
	s2 =	sand.u32 @!p0 $0x1FF00, s2  }
0x3ae: {  	[tilespmem:s17], [sflag:$0x3] =	stream.indirect.gather @!p0 [hbm4b:s4+s9], $0x20, s2, s9, $0xb8;
	[tilespmem:$0x1C700] =	vst v63  }
0x3af: {  	s7 =	sadd.s32 $0x6, s7;
	v22 =	vmov s31;
	s31 =	simm.s32 $0x7;
	_ =	swait.ge [sflag:s21], $0x1000  }
0x3b0: {  	s17 =	simm.s32 $0x0;
	s2 =	sshll.u32 s7, $0x5;
	[sflag:s21] =	ssyncset.done $0x0  }
0x3b1: {  	v24 =	vmov s31;
	v17 =	vmov s17;
	s2 =	sand.u32 $0x3FFFFFE0, s2;
	[sflag:s21] =	ssyncadd.s32 $0xFFFFF000  }
0x3b2: {  	v24 =	vshrl.u32 v24, $0x3;
	v18 =	vshrl.u32 v17, $0x3;
	v17 =	vld [tilespmem:s2+$0x6400]  }
0x3b3: {  	v24 =	vshll.u32 v24, v1;
	v26 =	vshll.u32 v18, v1;
	v18 =	vld [tilespmem:s2+$0x6410];
	s2 =	simm.s32 $0xDD80  }
0x3b4: {  	v24 =	vbroadcast v24, $0x0;
	v27 =	vld [tilespmem:s2+$0x60]  }
0x3b5: {  	v19 =	vshrl.u32 v19, $0x3;
	v26 =	vbroadcast v26, $0x0;
	v29 =	vld [tilespmem:s2+$0xFFFFFF80]  }
0x3b6: {  	v22 =	vshrl.u32 v22, $0x3;
	v19 =	vshll.u32 v19, v1;
	s9 =	simm.s32 $0x2;
	v30 =	vadd.s32 v15, v24;
	v28 =	vld [tilespmem:s2+$0x70]  }
0x3b7: {  	v22 =	vshll.u32 v22, v1;
	v20 =	vmov s9;
	v31 =	vld [tilespmem:s2+$0xFFFFFF90];
	v51 =	vadd.s32 v0, v26  }
0x3b8: {  	v19 =	vbroadcast v19, $0x0;
	v20 =	vshrl.u32 v20, $0x3;
	v24 =	vadd.s32 v16, v24;
	v52 =	vld [tilespmem:s2+$0xFFFFFFA0]  }
0x3b9: {  	v20 =	vshll.u32 v20, v1;
	v53 =	vld [tilespmem:s2+$0xFFFFFFB0];
	v26 =	vadd.s32 v2, v26;
	v27 =	vadd.f32 v27, v17  }
0x3ba: {  	v54 =	vadd.s32 v3, v19;
	v20 =	vbroadcast v20, $0x0;
	v55 =	vld [tilespmem:s2+$0xFFFFFFC0];
	v29 =	vadd.f32 v29, v17  }
0x3bb: {  	s17 =	simm.s32 $0x3;
	v19 =	vadd.s32 v4, v19;
	v28 =	vadd.f32 v28, v18;
	[tilespmem:v30+s22+$0x0] =	vst.idx.msk $0xffff, v27  }
0x3bc: {  	v21 =	vmov s17;
	v56 =	vld [tilespmem:s2+$0xFFFFFFD0];
	v27 =	vadd.f32 v31, v18;
	v30 =	vadd.s32 v5, v20;
	[tilespmem:v51+s22+$0x0] =	vst.idx.msk $0xffff, v29  }
0x3bd: {  	v22 =	vbroadcast v22, $0x0;
	s9 =	simm.s32 $0x5;
	v21 =	vshrl.u32 v21, $0x3;
	v59 =	vld [tilespmem:s2+$0x10];
	[tilespmem:v24+s22+$0x0] =	vst.idx.msk $0xffff, v28;
	v24 =	vadd.f32 v52, v17  }
0x3be: {  	v23 =	vmov s9;
	s17 =	simm.s32 $0x6;
	v21 =	vshll.u32 v21, v1;
	v29 =	vld [tilespmem:s2+$0x0];
	[tilespmem:v26+s22+$0x0] =	vst.idx.msk $0xffff, v27;
	v26 =	vadd.f32 v53, v18  }
0x3bf: {  	v25 =	vmov s17;
	v31 =	vld [tilespmem:s2+$0xFFFFFFE0];
	v20 =	vadd.s32 v6, v20;
	[tilespmem:v54+s22+$0x0] =	vst.idx.msk $0xffff, v24;
	v24 =	vadd.f32 v55, v17  }
0x3c0: {  	v23 =	vshrl.u32 v23, $0x3;
	v21 =	vbroadcast v21, $0x0;
	v28 =	vld [tilespmem:s2+$0xFFFFFFF0];
	[tilespmem:v19+s22+$0x0] =	vst.idx.msk $0xffff, v26;
	v26 =	vadd.s32 v9, v22  }
0x3c1: {  	v25 =	vshrl.u32 v25, $0x3;
	v23 =	vshll.u32 v23, v1;
	[tilespmem:v30+s22+$0x0] =	vst.idx.msk $0xffff, v24;
	v30 =	vadd.s32 v10, v22  }
0x3c2: {  	v60 =	vld [tilespmem:s2+$0x20];
	v58 =	vadd.s32 v8, v21;
	v27 =	vadd.s32 v7, v21;
	v21 =	vadd.f32 v56, v18  }
0x3c3: {  	v25 =	vshll.u32 v25, v1;
	v61 =	vbroadcast v23, $0x0;
	v22 =	vadd.f32 v29, v17  }
0x3c4: {  	v24 =	vadd.f32 v31, v17;
	v31 =	vld [tilespmem:s2+$0x30];
	v29 =	vadd.f32 v59, v18;
	[tilespmem:v20+s22+$0x0] =	vst.idx.msk $0xffff, v21  }
0x3c5: {  	s21 =	simm.s32 $0x8;
	s17 =	simm.s32 $0xA;
	v38 =	vld [tilespmem:s2+$0x40];
	v62 =	vadd.s32 v11, v61;
	v20 =	vadd.f32 v28, v18;
	v28 =	vbroadcast v25, $0x0;
	[tilespmem:v26+s22+$0x0] =	vst.idx.msk $0xffff, v22  }
0x3c6: {  	s31 =	simm.s32 $0x9;
	v57 =	vmov s21;
	v23 =	vmov s17;
	v25 =	vadd.s32 v12, v61;
	[tilespmem:v30+s22+$0x0] =	vst.idx.msk $0xffff, v29;
	v29 =	vld [tilespmem:s2+$0x50]  }
0x3c7: {  	v63 =	vadd.f32 v60, v17;
	v19 =	vmov s31;
	s31 =	simm.s32 $0xC;
	[tilespmem:v27+s22+$0x0] =	vst.idx.msk $0xffff, v24;
	v22 =	vadd.s32 v13, v28  }
0x3c8: {  	s21 =	simm.s32 $0xB;
	v21 =	vshrl.u32 v57, $0x3;
	v27 =	vmov s31;
	s31 =	simm.s32 $0xF;
	[tilespmem:v58+s22+$0x0] =	vst.idx.msk $0xffff, v20;
	v20 =	vadd.s32 v14, v28  }
0x3c9: {  	s17 =	simm.s32 $0xD;
	v24 =	vmov s21;
	s21 =	simm.s32 $0xE;
	v32 =	vmov s31;
	v31 =	vadd.f32 v31, v18  }
0x3ca: {  	s9 =	simm.s32 $0x10;
	[tilespmem:v62+s22+$0x0] =	vst.idx.msk $0xffff, v63;
	v26 =	vmov s17;
	v28 =	vmov s21;
	v30 =	vadd.f32 v38, v17  }
.LBB2_15:
0x3cb: {  	p1 =	slt.u32 s9, $0x78;
	v21 =	vshll.u32 v21, v1;
	v32 =	vshrl.u32 v32, $0x3;
	[tilespmem:v25+s22+$0x0] =	vst.idx.msk $0xffff, v31;
	v25 =	vadd.f32 v29, v18  }
0x3cc: {  	v19 =	vshrl.u32 v19, $0x3;
	v23 =	vshrl.u32 v23, $0x3;
	s2 =	sadd.s32 $0x100, s2;
	v29 =	vshll.u32 v32, v1;
	[tilespmem:v22+s22+$0x0] =	vst.idx.msk $0xffff, v30  }
0x3cd: {  	v22 =	vshrl.u32 v24, $0x3;
	v24 =	vshrl.u32 v27, $0x3;
	v27 =	vld [tilespmem:s2+$0x60];
	v29 =	vbroadcast v29, $0x0;
	[tilespmem:v20+s22+$0x0] =	vst.idx.msk $0xffff, v25  }
0x3ce: {  	v20 =	vbroadcast v21, $0x0;
	v21 =	vshrl.u32 v26, $0x3;
	v25 =	vshrl.u32 v28, $0x3;
	v26 =	vld [tilespmem:s2+$0x70]  }
0x3cf: {  	v19 =	vshll.u32 v19, v1;
	v23 =	vshll.u32 v23, v1;
	v28 =	vld [tilespmem:s2+$0xFFFFFF80];
	v30 =	vadd.s32 v15, v29  }
0x3d0: {  	v22 =	vshll.u32 v22, v1;
	v24 =	vshll.u32 v24, v1;
	v29 =	vadd.s32 v16, v29;
	v31 =	vld [tilespmem:s2+$0xFFFFFF90]  }
0x3d1: {  	v19 =	vbroadcast v19, $0x0;
	v21 =	vshll.u32 v21, v1;
	v32 =	vadd.s32 v0, v20;
	v33 =	vld [tilespmem:s2+$0xFFFFFFA0]  }
0x3d2: {  	v25 =	vshll.u32 v25, v1;
	v20 =	vadd.s32 v2, v20;
	v34 =	vld [tilespmem:s2+$0xFFFFFFB0];
	v27 =	vadd.f32 v27, v17  }
0x3d3: {  	v23 =	vbroadcast v23, $0x0;
	v35 =	vadd.s32 v3, v19;
	v36 =	vld [tilespmem:s2+$0xFFFFFFC0];
	v26 =	vadd.f32 v26, v18  }
0x3d4: {  	v19 =	vadd.s32 v4, v19;
	v28 =	vadd.f32 v28, v17;
	v37 =	vld [tilespmem:s2+$0xFFFFFFD0];
	[tilespmem:v30+s22+$0x0] =	vst.idx.msk $0xffff, v27  }
0x3d5: {  	v22 =	vbroadcast v22, $0x0;
	v30 =	vadd.s32 v5, v23;
	v27 =	vadd.f32 v31, v18;
	v31 =	vld [tilespmem:s2+$0xFFFFFFE0];
	[tilespmem:v29+s22+$0x0] =	vst.idx.msk $0xffff, v26  }
0x3d6: {  	v23 =	vadd.s32 v6, v23;
	[tilespmem:v32+s22+$0x0] =	vst.idx.msk $0xffff, v28;
	v26 =	vadd.f32 v33, v17;
	v28 =	vld [tilespmem:s2+$0xFFFFFFF0]  }
0x3d7: {  	v24 =	vbroadcast v24, $0x0;
	[tilespmem:v20+s22+$0x0] =	vst.idx.msk $0xffff, v27;
	v20 =	vadd.f32 v34, v18;
	v27 =	vadd.s32 v7, v22;
	v29 =	vld [tilespmem:s2+$0x0]  }
0x3d8: {  	v32 =	vmov s9;
	v22 =	vadd.s32 v8, v22;
	[tilespmem:v35+s22+$0x0] =	vst.idx.msk $0xffff, v26;
	v26 =	vadd.f32 v36, v17;
	v33 =	vld [tilespmem:s2+$0x10]  }
0x3d9: {  	v35 =	vbroadcast v21, $0x0;
	[tilespmem:v19+s22+$0x0] =	vst.idx.msk $0xffff, v20;
	v19 =	vadd.f32 v37, v18;
	v20 =	vadd.s32 v9, v24;
	v34 =	vld [tilespmem:s2+$0x20]  }
0x3da: {  	v21 =	vshrl.u32 v32, $0x3;
	[tilespmem:v30+s22+$0x0] =	vst.idx.msk $0xffff, v26;
	v26 =	vadd.f32 v31, v17;
	v30 =	vadd.s32 v10, v24;
	v31 =	vld [tilespmem:s2+$0x30]  }
0x3db: {  	s17 =	sadd.s32 $0x1, s9;
	v36 =	vadd.s32 v11, v35;
	[tilespmem:v23+s22+$0x0] =	vst.idx.msk $0xffff, v19;
	v24 =	vadd.f32 v28, v18;
	v37 =	vld [tilespmem:s2+$0x40];
	v28 =	vbroadcast v25, $0x0  }
.Ltmp8:
0x3dc: {  	v19 =	vmov s17;
	s17 =	sadd.s32 $0x2, s9;
	v25 =	vadd.s32 v12, v35;
	[tilespmem:v27+s22+$0x0] =	vst.idx.msk $0xffff, v26;
	v26 =	vadd.f32 v29, v17;
	v29 =	vld [tilespmem:s2+$0x50];
	(pc) =	sbr.rel @p1 .LBB2_15-.Ltmp8, $4  }
0x3dd: {  	v23 =	vmov s17;
	s17 =	sadd.s32 $0x3, s9;
	[tilespmem:v22+s22+$0x0] =	vst.idx.msk $0xffff, v24;
	v32 =	vadd.f32 v33, v18;
	v22 =	vadd.s32 v13, v28  }
0x3de: {  	s21 =	sadd.s32 $0x5, s9;
	v24 =	vmov s17;
	s17 =	sadd.s32 $0x4, s9;
	[tilespmem:v20+s22+$0x0] =	vst.idx.msk $0xffff, v26;
	v33 =	vadd.f32 v34, v17;
	v20 =	vadd.s32 v14, v28  }
0x3df: {  	v27 =	vmov s17;
	v26 =	vmov s21;
	s17 =	sadd.s32 $0x6, s9;
	s21 =	sadd.s32 $0x7, s9;
	[tilespmem:v30+s22+$0x0] =	vst.idx.msk $0xffff, v32;
	v31 =	vadd.f32 v31, v18  }
0x3e0: {  	s9 =	sadd.s32 $0x8, s9;
	v28 =	vmov s17;
	v32 =	vmov s21;
	[tilespmem:v36+s22+$0x0] =	vst.idx.msk $0xffff, v33;
	v30 =	vadd.f32 v37, v17  }
0x3e1: {  	_ =	sdelay $0x1  }
0x3e2: {  	v21 =	vshll.u32 v21, v1;
	v32 =	vshrl.u32 v32, $0x3;
	v29 =	vadd.f32 v29, v18  }
0x3e3: {  	v19 =	vshrl.u32 v19, $0x3;
	v23 =	vshrl.u32 v23, $0x3;
	s2 =	sadd.s32 $0x100, s2;
	v24 =	vshrl.u32 v24, $0x3  }
0x3e4: {  	v27 =	vshrl.u32 v27, $0x3;
	[tilespmem:v25+s22+$0x0] =	vst.idx.msk $0xffff, v31;
	v32 =	vshll.u32 v32, v1;
	v21 =	vbroadcast v21, $0x0;
	v31 =	vld [tilespmem:s2+$0xFFFFFF80]  }
0x3e5: {  	v25 =	vshrl.u32 v26, $0x3;
	v33 =	vld [tilespmem:s2+$0x60];
	v19 =	vshll.u32 v19, v1;
	v32 =	vbroadcast v32, $0x0  }
0x3e6: {  	v26 =	vshrl.u32 v28, $0x3;
	v28 =	vld [tilespmem:s2+$0x70];
	v23 =	vshll.u32 v23, v1;
	[tilespmem:v22+s22+$0x0] =	vst.idx.msk $0xffff, v30;
	v22 =	vadd.s32 v0, v21  }
0x3e7: {  	v35 =	vld [tilespmem:s2+$0xFFFFFF90];
	v24 =	vshll.u32 v24, v1;
	v27 =	vshll.u32 v27, v1;
	v34 =	vadd.s32 v15, v32  }
0x3e8: {  	v30 =	vld [tilespmem:s2+$0xFFFFFFA0];
	v25 =	vshll.u32 v25, v1;
	v19 =	vbroadcast v19, $0x0;
	v32 =	vadd.s32 v16, v32  }
0x3e9: {  	v36 =	vld [tilespmem:s2+$0xFFFFFFB0];
	v26 =	vshll.u32 v26, v1;
	v21 =	vadd.s32 v2, v21;
	v31 =	vadd.f32 v31, v17  }
0x3ea: {  	[tilespmem:v20+s22+$0x0] =	vst.idx.msk $0xffff, v29;
	v29 =	vld [tilespmem:s2+$0xFFFFFFC0];
	v23 =	vbroadcast v23, $0x0;
	v20 =	vadd.s32 v3, v19;
	v33 =	vadd.f32 v33, v17  }
0x3eb: {  	v37 =	vld [tilespmem:s2+$0xFFFFFFD0];
	v19 =	vadd.s32 v4, v19;
	v28 =	vadd.f32 v28, v18;
	[tilespmem:v22+s22+$0x0] =	vst.idx.msk $0xffff, v31  }
0x3ec: {  	v49 =	vld [tilespmem:s2+$0xFFFFFFE0];
	v24 =	vbroadcast v24, $0x0;
	v48 =	vadd.s32 v5, v23;
	v47 =	vadd.f32 v35, v18;
	[tilespmem:v34+s22+$0x0] =	vst.idx.msk $0xffff, v33  }
0x3ed: {  	v23 =	vadd.s32 v6, v23;
	v22 =	vadd.f32 v30, v17;
	[tilespmem:v32+s22+$0x0] =	vst.idx.msk $0xffff, v28;
	v28 =	vld [tilespmem:s2+$0xFFFFFFF0]  }
0x3ee: {  	v27 =	vbroadcast v27, $0x0;
	v30 =	vadd.s32 v7, v24;
	v31 =	vld [tilespmem:s2+$0x0];
	[tilespmem:v21+s22+$0x0] =	vst.idx.msk $0xffff, v47;
	v21 =	vadd.f32 v36, v18  }
0x3ef: {  	[tilespmem:v20+s22+$0x0] =	vst.idx.msk $0xffff, v22;
	v20 =	vadd.f32 v29, v17;
	v22 =	vadd.s32 v8, v24;
	v24 =	vld [tilespmem:s2+$0x10]  }
0x3f0: {  	v25 =	vbroadcast v25, $0x0;
	v29 =	vld [tilespmem:s2+$0x20];
	[tilespmem:v19+s22+$0x0] =	vst.idx.msk $0xffff, v21;
	v19 =	vadd.f32 v37, v18;
	v21 =	vadd.s32 v9, v27  }
0x3f1: {  	v50 =	vld [tilespmem:s2+$0x30];
	v27 =	vadd.s32 v10, v27;
	[tilespmem:v48+s22+$0x0] =	vst.idx.msk $0xffff, v20;
	v20 =	vadd.f32 v49, v17  }
0x3f2: {  	v26 =	vbroadcast v26, $0x0;
	[tilespmem:v23+s22+$0x0] =	vst.idx.msk $0xffff, v19;
	v23 =	vadd.s32 v11, v25;
	v19 =	vadd.f32 v28, v18;
	v28 =	vld [tilespmem:s2+$0x40]  }
0x3f3: {  	v25 =	vadd.s32 v12, v25;
	[tilespmem:v30+s22+$0x0] =	vst.idx.msk $0xffff, v20;
	v20 =	vadd.f32 v31, v17;
	v30 =	vld [tilespmem:s2+$0x50]  }
0x3f4: {  	[tilespmem:v22+s22+$0x0] =	vst.idx.msk $0xffff, v19;
	v19 =	vadd.f32 v24, v18;
	v22 =	vadd.s32 v13, v26  }
0x3f5: {  	[tilespmem:v21+s22+$0x0] =	vst.idx.msk $0xffff, v20;
	v20 =	vadd.f32 v29, v17;
	v21 =	vadd.s32 v14, v26  }
0x3f6: {  	[tilespmem:v27+s22+$0x0] =	vst.idx.msk $0xffff, v19;
	v19 =	vadd.f32 v50, v18  }
0x3f7: {  	s9 =	sshll.u32 s7, $0x11;
	[tilespmem:v23+s22+$0x0] =	vst.idx.msk $0xffff, v20;
	v17 =	vadd.f32 v28, v17  }
0x3f8: {  	s2 =	sor.u32 s5, s9;
	v18 =	vadd.f32 v30, v18;
	[tilespmem:v25+s22+$0x0] =	vst.idx.msk $0xffff, v19  }
0x3f9: {  	s2 =	sshrl.u32 s2, $0x3;
	[tilespmem:v22+s22+$0x0] =	vst.idx.msk $0xffff, v17  }
0x3fa: {  	s2 =	sadd.s32 s1, s2;
	[tilespmem:v21+s22+$0x0] =	vst.idx.msk $0xffff, v18  }
0x3fb: {  	[hbm4b:s2+s3] =	stream.linear.scatter [tilespmem:s22], [sflag:$0x11], $0x80, $0x38;
	[tilespmem:$0x1C700] =	vst v63  }
0x3fc: {  	s9 =	simm.s32 $0x18388;
	s17 =	sadd.s32 $0x10, s2  }
0x3fd: {  	[hbm4b:s17+s3] =	stream.linear.scatter [tilespmem:s9], [sflag:$0x11], $0x80, $0x38;
	[tilespmem:$0x1C700] =	vst v63  }
0x3fe: {  	s31 =	simm.s32 $0x18410;
	s21 =	sadd.s32 $0x20, s2  }
0x3ff: {  	[hbm4b:s21+s3] =	stream.linear.scatter [tilespmem:s31], [sflag:$0x11], $0x80, $0x38;
	[tilespmem:$0x1C700] =	vst v63  }
0x400: {  	s9 =	sadd.s32 $0x30, s2;
	s17 =	simm.s32 $0x18498  }
0x401: {  	[hbm4b:s9+s3] =	stream.linear.scatter [tilespmem:s17], [sflag:$0x11], $0x80, $0x38;
	[tilespmem:$0x1C700] =	vst v63  }
0x402: {  	s21 =	sadd.s32 $0x40, s2;
	s31 =	simm.s32 $0x18520  }
0x403: {  	[hbm4b:s21+s3] =	stream.linear.scatter [tilespmem:s31], [sflag:$0x11], $0x80, $0x38;
	[tilespmem:$0x1C700] =	vst v63  }
0x404: {  	s9 =	sadd.s32 $0x50, s2;
	s17 =	simm.s32 $0x185A8  }
0x405: {  	[hbm4b:s9+s3] =	stream.linear.scatter [tilespmem:s17], [sflag:$0x11], $0x80, $0x38;
	[tilespmem:$0x1C700] =	vst v63  }
0x406: {  	s21 =	sadd.s32 $0x60, s2;
	s31 =	simm.s32 $0x18630  }
0x407: {  	[hbm4b:s21+s3] =	stream.linear.scatter [tilespmem:s31], [sflag:$0x11], $0x80, $0x38;
	[tilespmem:$0x1C700] =	vst v63  }
0x408: {  	s9 =	sadd.s32 $0x70, s2;
	s17 =	simm.s32 $0x186B8  }
0x409: {  	[hbm4b:s9+s3] =	stream.linear.scatter [tilespmem:s17], [sflag:$0x11], $0x80, $0x38;
	[tilespmem:$0x1C700] =	vst v63  }
0x40a: {  	s21 =	sadd.s32 $0x1000, s2;
	s31 =	simm.s32 $0x18740  }
0x40b: {  	[hbm4b:s21+s3] =	stream.linear.scatter [tilespmem:s31], [sflag:$0x11], $0x80, $0x38;
	[tilespmem:$0x1C700] =	vst v63  }
0x40c: {  	s9 =	sadd.s32 $0x1010, s2;
	s17 =	simm.s32 $0x187C8  }
0x40d: {  	[hbm4b:s9+s3] =	stream.linear.scatter [tilespmem:s17], [sflag:$0x11], $0x80, $0x38;
	[tilespmem:$0x1C700] =	vst v63  }
0x40e: {  	s21 =	sadd.s32 $0x1020, s2;
	s31 =	simm.s32 $0x18850  }
0x40f: {  	[hbm4b:s21+s3] =	stream.linear.scatter [tilespmem:s31], [sflag:$0x11], $0x80, $0x38;
	[tilespmem:$0x1C700] =	vst v63  }
0x410: {  	s9 =	sadd.s32 $0x1030, s2;
	s17 =	simm.s32 $0x188D8  }
0x411: {  	[hbm4b:s9+s3] =	stream.linear.scatter [tilespmem:s17], [sflag:$0x11], $0x80, $0x38;
	[tilespmem:$0x1C700] =	vst v63  }
0x412: {  	s21 =	sadd.s32 $0x1040, s2;
	s31 =	simm.s32 $0x18960  }
0x413: {  	[hbm4b:s21+s3] =	stream.linear.scatter [tilespmem:s31], [sflag:$0x11], $0x80, $0x38;
	[tilespmem:$0x1C700] =	vst v63  }
0x414: {  	s9 =	sadd.s32 $0x1050, s2;
	s17 =	simm.s32 $0x189E8  }
0x415: {  	[hbm4b:s9+s3] =	stream.linear.scatter [tilespmem:s17], [sflag:$0x11], $0x80, $0x38;
	[tilespmem:$0x1C700] =	vst v63  }
0x416: {  	s21 =	sadd.s32 $0x1060, s2;
	s31 =	simm.s32 $0x18A70  }
0x417: {  	[hbm4b:s21+s3] =	stream.linear.scatter [tilespmem:s31], [sflag:$0x11], $0x80, $0x38;
	[tilespmem:$0x1C700] =	vst v63  }
0x418: {  	s9 =	sadd.s32 $0x1070, s2;
	s17 =	simm.s32 $0x18AF8  }
0x419: {  	[hbm4b:s9+s3] =	stream.linear.scatter [tilespmem:s17], [sflag:$0x11], $0x80, $0x38;
	[tilespmem:$0x1C700] =	vst v63  }
0x41a: {  	s21 =	sadd.s32 $0x2000, s2;
	s31 =	simm.s32 $0x18B80  }
0x41b: {  	[hbm4b:s21+s3] =	stream.linear.scatter [tilespmem:s31], [sflag:$0x11], $0x80, $0x38;
	[tilespmem:$0x1C700] =	vst v63  }
0x41c: {  	s9 =	sadd.s32 $0x2010, s2;
	s17 =	simm.s32 $0x18C08  }
0x41d: {  	[hbm4b:s9+s3] =	stream.linear.scatter [tilespmem:s17], [sflag:$0x11], $0x80, $0x38;
	[tilespmem:$0x1C700] =	vst v63  }
0x41e: {  	s21 =	sadd.s32 $0x2020, s2;
	s31 =	simm.s32 $0x18C90  }
0x41f: {  	[hbm4b:s21+s3] =	stream.linear.scatter [tilespmem:s31], [sflag:$0x11], $0x80, $0x38;
	[tilespmem:$0x1C700] =	vst v63  }
0x420: {  	s9 =	sadd.s32 $0x2030, s2;
	s17 =	simm.s32 $0x18D18  }
0x421: {  	[hbm4b:s9+s3] =	stream.linear.scatter [tilespmem:s17], [sflag:$0x11], $0x80, $0x38;
	[tilespmem:$0x1C700] =	vst v63  }
0x422: {  	s21 =	sadd.s32 $0x2040, s2;
	s31 =	simm.s32 $0x18DA0  }
0x423: {  	[hbm4b:s21+s3] =	stream.linear.scatter [tilespmem:s31], [sflag:$0x11], $0x80, $0x38;
	[tilespmem:$0x1C700] =	vst v63  }
0x424: {  	s9 =	sadd.s32 $0x2050, s2;
	s17 =	simm.s32 $0x18E28  }
0x425: {  	[hbm4b:s9+s3] =	stream.linear.scatter [tilespmem:s17], [sflag:$0x11], $0x80, $0x38;
	[tilespmem:$0x1C700] =	vst v63  }
0x426: {  	s21 =	sadd.s32 $0x2060, s2;
	s31 =	simm.s32 $0x18EB0  }
0x427: {  	[hbm4b:s21+s3] =	stream.linear.scatter [tilespmem:s31], [sflag:$0x11], $0x80, $0x38;
	[tilespmem:$0x1C700] =	vst v63  }
0x428: {  	s9 =	sadd.s32 $0x2070, s2;
	s17 =	simm.s32 $0x18F38  }
0x429: {  	[hbm4b:s9+s3] =	stream.linear.scatter [tilespmem:s17], [sflag:$0x11], $0x80, $0x38;
	[tilespmem:$0x1C700] =	vst v63  }
0x42a: {  	s21 =	sadd.s32 $0x3000, s2;
	s31 =	simm.s32 $0x18FC0  }
0x42b: {  	[hbm4b:s21+s3] =	stream.linear.scatter [tilespmem:s31], [sflag:$0x11], $0x80, $0x38;
	[tilespmem:$0x1C700] =	vst v63  }
0x42c: {  	s9 =	sadd.s32 $0x3010, s2;
	s17 =	simm.s32 $0x19048  }
0x42d: {  	[hbm4b:s9+s3] =	stream.linear.scatter [tilespmem:s17], [sflag:$0x11], $0x80, $0x38;
	[tilespmem:$0x1C700] =	vst v63  }
0x42e: {  	s21 =	sadd.s32 $0x3020, s2;
	s31 =	simm.s32 $0x190D0  }
0x42f: {  	[hbm4b:s21+s3] =	stream.linear.scatter [tilespmem:s31], [sflag:$0x11], $0x80, $0x38;
	[tilespmem:$0x1C700] =	vst v63  }
0x430: {  	s9 =	sadd.s32 $0x3030, s2;
	s17 =	simm.s32 $0x19158  }
0x431: {  	[hbm4b:s9+s3] =	stream.linear.scatter [tilespmem:s17], [sflag:$0x11], $0x80, $0x38;
	[tilespmem:$0x1C700] =	vst v63  }
0x432: {  	s21 =	sadd.s32 $0x3040, s2;
	s31 =	simm.s32 $0x191E0  }
0x433: {  	[hbm4b:s21+s3] =	stream.linear.scatter [tilespmem:s31], [sflag:$0x11], $0x80, $0x38;
	[tilespmem:$0x1C700] =	vst v63  }
0x434: {  	s9 =	sadd.s32 $0x3050, s2;
	s17 =	simm.s32 $0x19268  }
0x435: {  	[hbm4b:s9+s3] =	stream.linear.scatter [tilespmem:s17], [sflag:$0x11], $0x80, $0x38;
	[tilespmem:$0x1C700] =	vst v63  }
0x436: {  	s21 =	sadd.s32 $0x3060, s2;
	s31 =	simm.s32 $0x192F0  }
0x437: {  	[hbm4b:s21+s3] =	stream.linear.scatter [tilespmem:s31], [sflag:$0x11], $0x80, $0x38;
	[tilespmem:$0x1C700] =	vst v63  }
0x438: {  	s2 =	sadd.s32 $0x3070, s2;
	s17 =	simm.s32 $0x19378  }
0x439: {  	[hbm4b:s2+s3] =	stream.linear.scatter [tilespmem:s17], [sflag:$0x11], $0x80, $0x38;
	[tilespmem:$0x1C700] =	vst v63  }
0x43a: {  	s2 =	simm.s32 @!p0 $0xE  }
0x43b: {  	_ =	swait.ge @!p0 [sflag:s2], $0x1000  }
0x43c: {  	s7 =	simm.s32 @!p0 $0x80;
	[sflag:s2] =	ssyncset.done @!p0 $0x0  }
0x43d: {  	s9 =	simm.s32 @!p0 $0xAD00;
	[sflag:s2] =	ssyncadd.s32 @!p0 $0xFFFFF000;
	s2 =	sadd.s32 @!p0 $0x680, s18  }
0x43e: {  	s31 =	simm.s32 $0x1;
	s17 =	simm.s32 $0x8;
	s2 =	sand.u32 @!p0 $0x1FF80, s2  }
0x43f: {  	[tilespmem:s9], [sflag:$0x4] =	stream.indirect.gather @!p0 [hbm4b:s4+s7], $0x20, s2, s7, $0xb8;
	[tilespmem:$0x1C700] =	vst v63  }
0x440: {  	s21 =	simm.s32 $0x0;
	v19 =	vmov s31;
	s31 =	simm.s32 $0x4;
	_ =	swait.ge [sflag:s17], $0x1000  }
0x441: {  	v22 =	vmov s31;
	s31 =	simm.s32 $0x7;
	s9 =	simm.s32 $0x2;
	[sflag:s17] =	ssyncset.done $0x0  }
0x442: {  	v17 =	vmov s21;
	v24 =	vmov s31;
	v20 =	vmov s9;
	s9 =	sshra.s32 s26, $0x2;
	[sflag:s17] =	ssyncadd.s32 $0xFFFFF000  }
0x443: {  	v18 =	vshrl.u32 v17, $0x3;
	v24 =	vshrl.u32 v24, $0x3;
	v17 =	vld [tilespmem:s9+$0x6400]  }
0x444: {  	v26 =	vshll.u32 v18, v1;
	v24 =	vshll.u32 v24, v1;
	s2 =	simm.s32 $0xED80;
	v18 =	vld [tilespmem:s9+$0x6410]  }
0x445: {  	v24 =	vbroadcast v24, $0x0;
	v27 =	vld [tilespmem:s2+$0x60]  }
0x446: {  	s21 =	simm.s32 $0x3;
	v26 =	vbroadcast v26, $0x0;
	v29 =	vld [tilespmem:s2+$0xFFFFFF80]  }
0x447: {  	v21 =	vmov s21;
	s21 =	simm.s32 $0x5;
	v19 =	vshrl.u32 v19, $0x3;
	v30 =	vadd.s32 v15, v24;
	v28 =	vld [tilespmem:s2+$0x70]  }
0x448: {  	v23 =	vmov s21;
	v19 =	vshll.u32 v19, v1;
	v51 =	vadd.s32 v0, v26;
	v31 =	vld [tilespmem:s2+$0xFFFFFF90]  }
0x449: {  	v19 =	vbroadcast v19, $0x0;
	v24 =	vadd.s32 v16, v24;
	v20 =	vshrl.u32 v20, $0x3;
	v52 =	vld [tilespmem:s2+$0xFFFFFFA0]  }
0x44a: {  	v26 =	vadd.s32 v2, v26;
	v20 =	vshll.u32 v20, v1;
	v53 =	vld [tilespmem:s2+$0xFFFFFFB0];
	v27 =	vadd.f32 v27, v17  }
0x44b: {  	v54 =	vadd.s32 v3, v19;
	v55 =	vld [tilespmem:s2+$0xFFFFFFC0];
	v20 =	vbroadcast v20, $0x0;
	v29 =	vadd.f32 v29, v17  }
0x44c: {  	v21 =	vshrl.u32 v21, $0x3;
	v19 =	vadd.s32 v4, v19;
	v28 =	vadd.f32 v28, v18;
	[tilespmem:v30+s0+$0x0] =	vst.idx.msk $0xffff, v27  }
0x44d: {  	v22 =	vshrl.u32 v22, $0x3;
	v56 =	vld [tilespmem:s2+$0xFFFFFFD0];
	v27 =	vadd.f32 v31, v18;
	v30 =	vadd.s32 v5, v20;
	[tilespmem:v51+s0+$0x0] =	vst.idx.msk $0xffff, v29  }
0x44e: {  	v23 =	vshrl.u32 v23, $0x3;
	v22 =	vshll.u32 v22, v1;
	v59 =	vld [tilespmem:s2+$0x10];
	[tilespmem:v24+s0+$0x0] =	vst.idx.msk $0xffff, v28;
	v24 =	vadd.f32 v52, v17  }
0x44f: {  	v21 =	vshll.u32 v21, v1;
	v22 =	vbroadcast v22, $0x0;
	v29 =	vld [tilespmem:s2+$0x0];
	[tilespmem:v26+s0+$0x0] =	vst.idx.msk $0xffff, v27;
	v26 =	vadd.f32 v53, v18  }
0x450: {  	v21 =	vbroadcast v21, $0x0;
	v31 =	vld [tilespmem:s2+$0xFFFFFFE0];
	v20 =	vadd.s32 v6, v20;
	[tilespmem:v54+s0+$0x0] =	vst.idx.msk $0xffff, v24;
	v24 =	vadd.f32 v55, v17  }
0x451: {  	v23 =	vshll.u32 v23, v1;
	s17 =	simm.s32 $0x6;
	v28 =	vld [tilespmem:s2+$0xFFFFFFF0];
	[tilespmem:v19+s0+$0x0] =	vst.idx.msk $0xffff, v26;
	v26 =	vadd.s32 v9, v22  }
0x452: {  	v58 =	vadd.s32 v8, v21;
	v25 =	vmov s17;
	[tilespmem:v30+s0+$0x0] =	vst.idx.msk $0xffff, v24;
	v30 =	vadd.s32 v10, v22  }
0x453: {  	v60 =	vld [tilespmem:s2+$0x20];
	v25 =	vshrl.u32 v25, $0x3;
	v27 =	vadd.s32 v7, v21;
	v21 =	vadd.f32 v56, v18  }
0x454: {  	v61 =	vbroadcast v23, $0x0;
	v25 =	vshll.u32 v25, v1;
	v22 =	vadd.f32 v29, v17  }
0x455: {  	v24 =	vadd.f32 v31, v17;
	v31 =	vld [tilespmem:s2+$0x30];
	v29 =	vadd.f32 v59, v18;
	[tilespmem:v20+s0+$0x0] =	vst.idx.msk $0xffff, v21  }
0x456: {  	s21 =	simm.s32 $0x8;
	s31 =	simm.s32 $0xA;
	v62 =	vadd.s32 v11, v61;
	v38 =	vld [tilespmem:s2+$0x40];
	v20 =	vadd.f32 v28, v18;
	v28 =	vbroadcast v25, $0x0;
	[tilespmem:v26+s0+$0x0] =	vst.idx.msk $0xffff, v22  }
0x457: {  	v57 =	vmov s21;
	v23 =	vmov s31;
	s31 =	simm.s32 $0xF;
	v25 =	vadd.s32 v12, v61;
	[tilespmem:v30+s0+$0x0] =	vst.idx.msk $0xffff, v29;
	v29 =	vld [tilespmem:s2+$0x50]  }
0x458: {  	v32 =	vmov s31;
	s26 =	simm.s32 $0x9;
	v63 =	vadd.f32 v60, v17;
	[tilespmem:v27+s0+$0x0] =	vst.idx.msk $0xffff, v24;
	v22 =	vadd.s32 v13, v28  }
0x459: {  	s9 =	simm.s32 $0xB;
	s17 =	simm.s32 $0xC;
	v19 =	vmov s26;
	v21 =	vshrl.u32 v57, $0x3;
	[tilespmem:v58+s0+$0x0] =	vst.idx.msk $0xffff, v20;
	v20 =	vadd.s32 v14, v28  }
0x45a: {  	s21 =	simm.s32 $0xD;
	s26 =	simm.s32 $0xE;
	v24 =	vmov s9;
	v27 =	vmov s17;
	v31 =	vadd.f32 v31, v18  }
0x45b: {  	s7 =	simm.s32 $0x10;
	[tilespmem:v62+s0+$0x0] =	vst.idx.msk $0xffff, v63;
	v26 =	vmov s21;
	v28 =	vmov s26;
	v30 =	vadd.f32 v38, v17  }
.LBB2_17:
0x45c: {  	p1 =	slt.u32 s7, $0x78;
	v21 =	vshll.u32 v21, v1;
	v32 =	vshrl.u32 v32, $0x3;
	[tilespmem:v25+s0+$0x0] =	vst.idx.msk $0xffff, v31;
	v25 =	vadd.f32 v29, v18  }
0x45d: {  	v19 =	vshrl.u32 v19, $0x3;
	v23 =	vshrl.u32 v23, $0x3;
	s2 =	sadd.s32 $0x100, s2;
	v29 =	vshll.u32 v32, v1;
	[tilespmem:v22+s0+$0x0] =	vst.idx.msk $0xffff, v30  }
0x45e: {  	v22 =	vshrl.u32 v24, $0x3;
	v24 =	vshrl.u32 v27, $0x3;
	v27 =	vld [tilespmem:s2+$0x60];
	v29 =	vbroadcast v29, $0x0;
	[tilespmem:v20+s0+$0x0] =	vst.idx.msk $0xffff, v25  }
0x45f: {  	v20 =	vbroadcast v21, $0x0;
	v21 =	vshrl.u32 v26, $0x3;
	v25 =	vshrl.u32 v28, $0x3;
	v26 =	vld [tilespmem:s2+$0x70]  }
0x460: {  	v19 =	vshll.u32 v19, v1;
	v23 =	vshll.u32 v23, v1;
	v28 =	vld [tilespmem:s2+$0xFFFFFF80];
	v30 =	vadd.s32 v15, v29  }
0x461: {  	v22 =	vshll.u32 v22, v1;
	v24 =	vshll.u32 v24, v1;
	v29 =	vadd.s32 v16, v29;
	v31 =	vld [tilespmem:s2+$0xFFFFFF90]  }
0x462: {  	v19 =	vbroadcast v19, $0x0;
	v21 =	vshll.u32 v21, v1;
	v32 =	vadd.s32 v0, v20;
	v33 =	vld [tilespmem:s2+$0xFFFFFFA0]  }
0x463: {  	v25 =	vshll.u32 v25, v1;
	v20 =	vadd.s32 v2, v20;
	v34 =	vld [tilespmem:s2+$0xFFFFFFB0];
	v27 =	vadd.f32 v27, v17  }
0x464: {  	v23 =	vbroadcast v23, $0x0;
	v35 =	vadd.s32 v3, v19;
	v36 =	vld [tilespmem:s2+$0xFFFFFFC0];
	v26 =	vadd.f32 v26, v18  }
0x465: {  	v19 =	vadd.s32 v4, v19;
	v28 =	vadd.f32 v28, v17;
	v37 =	vld [tilespmem:s2+$0xFFFFFFD0];
	[tilespmem:v30+s0+$0x0] =	vst.idx.msk $0xffff, v27  }
0x466: {  	v22 =	vbroadcast v22, $0x0;
	v30 =	vadd.s32 v5, v23;
	v27 =	vadd.f32 v31, v18;
	v31 =	vld [tilespmem:s2+$0xFFFFFFE0];
	[tilespmem:v29+s0+$0x0] =	vst.idx.msk $0xffff, v26  }
0x467: {  	v23 =	vadd.s32 v6, v23;
	[tilespmem:v32+s0+$0x0] =	vst.idx.msk $0xffff, v28;
	v26 =	vadd.f32 v33, v17;
	v28 =	vld [tilespmem:s2+$0xFFFFFFF0]  }
0x468: {  	v24 =	vbroadcast v24, $0x0;
	[tilespmem:v20+s0+$0x0] =	vst.idx.msk $0xffff, v27;
	v20 =	vadd.f32 v34, v18;
	v27 =	vadd.s32 v7, v22;
	v29 =	vld [tilespmem:s2+$0x0]  }
0x469: {  	v32 =	vmov s7;
	v22 =	vadd.s32 v8, v22;
	[tilespmem:v35+s0+$0x0] =	vst.idx.msk $0xffff, v26;
	v26 =	vadd.f32 v36, v17;
	v33 =	vld [tilespmem:s2+$0x10]  }
0x46a: {  	v35 =	vbroadcast v21, $0x0;
	[tilespmem:v19+s0+$0x0] =	vst.idx.msk $0xffff, v20;
	v19 =	vadd.f32 v37, v18;
	v20 =	vadd.s32 v9, v24;
	v34 =	vld [tilespmem:s2+$0x20]  }
0x46b: {  	v21 =	vshrl.u32 v32, $0x3;
	[tilespmem:v30+s0+$0x0] =	vst.idx.msk $0xffff, v26;
	v26 =	vadd.f32 v31, v17;
	v30 =	vadd.s32 v10, v24;
	v31 =	vld [tilespmem:s2+$0x30]  }
0x46c: {  	s9 =	sadd.s32 $0x1, s7;
	v36 =	vadd.s32 v11, v35;
	[tilespmem:v23+s0+$0x0] =	vst.idx.msk $0xffff, v19;
	v24 =	vadd.f32 v28, v18;
	v37 =	vld [tilespmem:s2+$0x40];
	v28 =	vbroadcast v25, $0x0  }
.Ltmp9:
0x46d: {  	v19 =	vmov s9;
	s9 =	sadd.s32 $0x2, s7;
	v25 =	vadd.s32 v12, v35;
	[tilespmem:v27+s0+$0x0] =	vst.idx.msk $0xffff, v26;
	v26 =	vadd.f32 v29, v17;
	v29 =	vld [tilespmem:s2+$0x50];
	(pc) =	sbr.rel @p1 .LBB2_17-.Ltmp9, $4  }
0x46e: {  	v23 =	vmov s9;
	s9 =	sadd.s32 $0x3, s7;
	[tilespmem:v22+s0+$0x0] =	vst.idx.msk $0xffff, v24;
	v32 =	vadd.f32 v33, v18;
	v22 =	vadd.s32 v13, v28  }
0x46f: {  	s17 =	sadd.s32 $0x5, s7;
	v24 =	vmov s9;
	s9 =	sadd.s32 $0x4, s7;
	[tilespmem:v20+s0+$0x0] =	vst.idx.msk $0xffff, v26;
	v33 =	vadd.f32 v34, v17;
	v20 =	vadd.s32 v14, v28  }
0x470: {  	v27 =	vmov s9;
	v26 =	vmov s17;
	s9 =	sadd.s32 $0x6, s7;
	s17 =	sadd.s32 $0x7, s7;
	[tilespmem:v30+s0+$0x0] =	vst.idx.msk $0xffff, v32;
	v31 =	vadd.f32 v31, v18  }
0x471: {  	s7 =	sadd.s32 $0x8, s7;
	v28 =	vmov s9;
	v32 =	vmov s17;
	[tilespmem:v36+s0+$0x0] =	vst.idx.msk $0xffff, v33;
	v30 =	vadd.f32 v37, v17  }
0x472: {  	_ =	sdelay $0x1  }
0x473: {  	v21 =	vshll.u32 v21, v1;
	v32 =	vshrl.u32 v32, $0x3;
	v29 =	vadd.f32 v29, v18  }
0x474: {  	v19 =	vshrl.u32 v19, $0x3;
	v23 =	vshrl.u32 v23, $0x3;
	s2 =	sadd.s32 $0x100, s2;
	v24 =	vshrl.u32 v24, $0x3  }
0x475: {  	v27 =	vshrl.u32 v27, $0x3;
	[tilespmem:v25+s0+$0x0] =	vst.idx.msk $0xffff, v31;
	v32 =	vshll.u32 v32, v1;
	v21 =	vbroadcast v21, $0x0;
	v31 =	vld [tilespmem:s2+$0xFFFFFF80]  }
0x476: {  	v25 =	vshrl.u32 v26, $0x3;
	v33 =	vld [tilespmem:s2+$0x60];
	v19 =	vshll.u32 v19, v1;
	v32 =	vbroadcast v32, $0x0  }
0x477: {  	v26 =	vshrl.u32 v28, $0x3;
	v28 =	vld [tilespmem:s2+$0x70];
	v23 =	vshll.u32 v23, v1;
	[tilespmem:v22+s0+$0x0] =	vst.idx.msk $0xffff, v30;
	v22 =	vadd.s32 v0, v21  }
0x478: {  	v35 =	vld [tilespmem:s2+$0xFFFFFF90];
	v24 =	vshll.u32 v24, v1;
	v27 =	vshll.u32 v27, v1;
	v34 =	vadd.s32 v15, v32  }
0x479: {  	v30 =	vld [tilespmem:s2+$0xFFFFFFA0];
	v25 =	vshll.u32 v25, v1;
	v19 =	vbroadcast v19, $0x0;
	v32 =	vadd.s32 v16, v32  }
0x47a: {  	v36 =	vld [tilespmem:s2+$0xFFFFFFB0];
	v26 =	vshll.u32 v26, v1;
	v21 =	vadd.s32 v2, v21;
	v31 =	vadd.f32 v31, v17  }
0x47b: {  	[tilespmem:v20+s0+$0x0] =	vst.idx.msk $0xffff, v29;
	v29 =	vld [tilespmem:s2+$0xFFFFFFC0];
	v23 =	vbroadcast v23, $0x0;
	v20 =	vadd.s32 v3, v19;
	v33 =	vadd.f32 v33, v17  }
0x47c: {  	v37 =	vld [tilespmem:s2+$0xFFFFFFD0];
	v19 =	vadd.s32 v4, v19;
	v28 =	vadd.f32 v28, v18;
	[tilespmem:v22+s0+$0x0] =	vst.idx.msk $0xffff, v31  }
0x47d: {  	v49 =	vld [tilespmem:s2+$0xFFFFFFE0];
	v24 =	vbroadcast v24, $0x0;
	v48 =	vadd.s32 v5, v23;
	v47 =	vadd.f32 v35, v18;
	[tilespmem:v34+s0+$0x0] =	vst.idx.msk $0xffff, v33  }
0x47e: {  	v23 =	vadd.s32 v6, v23;
	v22 =	vadd.f32 v30, v17;
	[tilespmem:v32+s0+$0x0] =	vst.idx.msk $0xffff, v28;
	v28 =	vld [tilespmem:s2+$0xFFFFFFF0]  }
0x47f: {  	v27 =	vbroadcast v27, $0x0;
	v30 =	vadd.s32 v7, v24;
	v31 =	vld [tilespmem:s2+$0x0];
	[tilespmem:v21+s0+$0x0] =	vst.idx.msk $0xffff, v47;
	v21 =	vadd.f32 v36, v18  }
0x480: {  	[tilespmem:v20+s0+$0x0] =	vst.idx.msk $0xffff, v22;
	v20 =	vadd.f32 v29, v17;
	v22 =	vadd.s32 v8, v24;
	v24 =	vld [tilespmem:s2+$0x10]  }
0x481: {  	v25 =	vbroadcast v25, $0x0;
	v29 =	vld [tilespmem:s2+$0x20];
	[tilespmem:v19+s0+$0x0] =	vst.idx.msk $0xffff, v21;
	v19 =	vadd.f32 v37, v18;
	v21 =	vadd.s32 v9, v27  }
0x482: {  	v50 =	vld [tilespmem:s2+$0x30];
	v27 =	vadd.s32 v10, v27;
	[tilespmem:v48+s0+$0x0] =	vst.idx.msk $0xffff, v20;
	v20 =	vadd.f32 v49, v17  }
0x483: {  	v26 =	vbroadcast v26, $0x0;
	[tilespmem:v23+s0+$0x0] =	vst.idx.msk $0xffff, v19;
	v23 =	vadd.s32 v11, v25;
	v19 =	vadd.f32 v28, v18;
	v28 =	vld [tilespmem:s2+$0x40]  }
0x484: {  	v25 =	vadd.s32 v12, v25;
	[tilespmem:v30+s0+$0x0] =	vst.idx.msk $0xffff, v20;
	v20 =	vadd.f32 v31, v17;
	v30 =	vld [tilespmem:s2+$0x50]  }
0x485: {  	[tilespmem:v22+s0+$0x0] =	vst.idx.msk $0xffff, v19;
	v19 =	vadd.f32 v24, v18;
	v22 =	vadd.s32 v13, v26  }
0x486: {  	[tilespmem:v21+s0+$0x0] =	vst.idx.msk $0xffff, v20;
	v20 =	vadd.f32 v29, v17;
	v21 =	vadd.s32 v14, v26  }
0x487: {  	[tilespmem:v27+s0+$0x0] =	vst.idx.msk $0xffff, v19;
	v19 =	vadd.f32 v50, v18  }
0x488: {  	s25 =	sshll.u32 s25, $0x11;
	[tilespmem:v23+s0+$0x0] =	vst.idx.msk $0xffff, v20;
	v17 =	vadd.f32 v28, v17  }
0x489: {  	s2 =	sor.u32 s5, s25;
	v18 =	vadd.f32 v30, v18;
	[tilespmem:v25+s0+$0x0] =	vst.idx.msk $0xffff, v19  }
0x48a: {  	s2 =	sshrl.u32 s2, $0x3;
	[tilespmem:v22+s0+$0x0] =	vst.idx.msk $0xffff, v17  }
0x48b: {  	s2 =	sadd.s32 s1, s2;
	[tilespmem:v21+s0+$0x0] =	vst.idx.msk $0xffff, v18  }
0x48c: {  	[hbm4b:s2+s3] =	stream.linear.scatter [tilespmem:s0], [sflag:$0x12], $0x80, $0x38;
	[tilespmem:$0x1C700] =	vst v63  }
0x48d: {  	s9 =	simm.s32 $0x19488;
	s7 =	sadd.s32 $0x10, s2  }
0x48e: {  	[hbm4b:s7+s3] =	stream.linear.scatter [tilespmem:s9], [sflag:$0x12], $0x80, $0x38;
	[tilespmem:$0x1C700] =	vst v63  }
0x48f: {  	s31 =	simm.s32 $0x19510;
	s26 =	sadd.s32 $0x20, s2  }
0x490: {  	[hbm4b:s26+s3] =	stream.linear.scatter [tilespmem:s31], [sflag:$0x12], $0x80, $0x38;
	[tilespmem:$0x1C700] =	vst v63  }
0x491: {  	s17 =	simm.s32 $0x19598;
	s9 =	sadd.s32 $0x30, s2  }
0x492: {  	[hbm4b:s9+s3] =	stream.linear.scatter [tilespmem:s17], [sflag:$0x12], $0x80, $0x38;
	[tilespmem:$0x1C700] =	vst v63  }
0x493: {  	s25 =	simm.s32 $0x19620;
	s21 =	sadd.s32 $0x40, s2  }
0x494: {  	[hbm4b:s21+s3] =	stream.linear.scatter [tilespmem:s25], [sflag:$0x12], $0x80, $0x38;
	[tilespmem:$0x1C700] =	vst v63  }
0x495: {  	s26 =	sadd.s32 $0x50, s2;
	s31 =	simm.s32 $0x196A8  }
0x496: {  	[hbm4b:s26+s3] =	stream.linear.scatter [tilespmem:s31], [sflag:$0x12], $0x80, $0x38;
	[tilespmem:$0x1C700] =	vst v63  }
0x497: {  	s9 =	sadd.s32 $0x60, s2;
	s17 =	simm.s32 $0x19730  }
0x498: {  	[hbm4b:s9+s3] =	stream.linear.scatter [tilespmem:s17], [sflag:$0x12], $0x80, $0x38;
	[tilespmem:$0x1C700] =	vst v63  }
0x499: {  	s21 =	sadd.s32 $0x70, s2;
	s25 =	simm.s32 $0x197B8  }
0x49a: {  	[hbm4b:s21+s3] =	stream.linear.scatter [tilespmem:s25], [sflag:$0x12], $0x80, $0x38;
	[tilespmem:$0x1C700] =	vst v63  }
0x49b: {  	s26 =	sadd.s32 $0x1000, s2;
	s31 =	simm.s32 $0x19840  }
0x49c: {  	[hbm4b:s26+s3] =	stream.linear.scatter [tilespmem:s31], [sflag:$0x12], $0x80, $0x38;
	[tilespmem:$0x1C700] =	vst v63  }
0x49d: {  	s9 =	sadd.s32 $0x1010, s2;
	s17 =	simm.s32 $0x198C8  }
0x49e: {  	[hbm4b:s9+s3] =	stream.linear.scatter [tilespmem:s17], [sflag:$0x12], $0x80, $0x38;
	[tilespmem:$0x1C700] =	vst v63  }
0x49f: {  	s21 =	sadd.s32 $0x1020, s2;
	s25 =	simm.s32 $0x19950  }
0x4a0: {  	[hbm4b:s21+s3] =	stream.linear.scatter [tilespmem:s25], [sflag:$0x12], $0x80, $0x38;
	[tilespmem:$0x1C700] =	vst v63  }
0x4a1: {  	s26 =	sadd.s32 $0x1030, s2;
	s31 =	simm.s32 $0x199D8  }
0x4a2: {  	[hbm4b:s26+s3] =	stream.linear.scatter [tilespmem:s31], [sflag:$0x12], $0x80, $0x38;
	[tilespmem:$0x1C700] =	vst v63  }
0x4a3: {  	s9 =	sadd.s32 $0x1040, s2;
	s17 =	simm.s32 $0x19A60  }
0x4a4: {  	[hbm4b:s9+s3] =	stream.linear.scatter [tilespmem:s17], [sflag:$0x12], $0x80, $0x38;
	[tilespmem:$0x1C700] =	vst v63  }
0x4a5: {  	s21 =	sadd.s32 $0x1050, s2;
	s25 =	simm.s32 $0x19AE8  }
0x4a6: {  	[hbm4b:s21+s3] =	stream.linear.scatter [tilespmem:s25], [sflag:$0x12], $0x80, $0x38;
	[tilespmem:$0x1C700] =	vst v63  }
0x4a7: {  	s26 =	sadd.s32 $0x1060, s2;
	s31 =	simm.s32 $0x19B70  }
0x4a8: {  	[hbm4b:s26+s3] =	stream.linear.scatter [tilespmem:s31], [sflag:$0x12], $0x80, $0x38;
	[tilespmem:$0x1C700] =	vst v63  }
0x4a9: {  	s9 =	sadd.s32 $0x1070, s2;
	s17 =	simm.s32 $0x19BF8  }
0x4aa: {  	[hbm4b:s9+s3] =	stream.linear.scatter [tilespmem:s17], [sflag:$0x12], $0x80, $0x38;
	[tilespmem:$0x1C700] =	vst v63  }
0x4ab: {  	s21 =	sadd.s32 $0x2000, s2;
	s25 =	simm.s32 $0x19C80  }
0x4ac: {  	[hbm4b:s21+s3] =	stream.linear.scatter [tilespmem:s25], [sflag:$0x12], $0x80, $0x38;
	[tilespmem:$0x1C700] =	vst v63  }
0x4ad: {  	s26 =	sadd.s32 $0x2010, s2;
	s31 =	simm.s32 $0x19D08  }
0x4ae: {  	[hbm4b:s26+s3] =	stream.linear.scatter [tilespmem:s31], [sflag:$0x12], $0x80, $0x38;
	[tilespmem:$0x1C700] =	vst v63  }
0x4af: {  	s9 =	sadd.s32 $0x2020, s2;
	s17 =	simm.s32 $0x19D90  }
0x4b0: {  	[hbm4b:s9+s3] =	stream.linear.scatter [tilespmem:s17], [sflag:$0x12], $0x80, $0x38;
	[tilespmem:$0x1C700] =	vst v63  }
0x4b1: {  	s21 =	sadd.s32 $0x2030, s2;
	s25 =	simm.s32 $0x19E18  }
0x4b2: {  	[hbm4b:s21+s3] =	stream.linear.scatter [tilespmem:s25], [sflag:$0x12], $0x80, $0x38;
	[tilespmem:$0x1C700] =	vst v63  }
0x4b3: {  	s26 =	sadd.s32 $0x2040, s2;
	s31 =	simm.s32 $0x19EA0  }
0x4b4: {  	[hbm4b:s26+s3] =	stream.linear.scatter [tilespmem:s31], [sflag:$0x12], $0x80, $0x38;
	[tilespmem:$0x1C700] =	vst v63  }
0x4b5: {  	s9 =	sadd.s32 $0x2050, s2;
	s17 =	simm.s32 $0x19F28  }
0x4b6: {  	[hbm4b:s9+s3] =	stream.linear.scatter [tilespmem:s17], [sflag:$0x12], $0x80, $0x38;
	[tilespmem:$0x1C700] =	vst v63  }
0x4b7: {  	s21 =	sadd.s32 $0x2060, s2;
	s25 =	simm.s32 $0x19FB0  }
0x4b8: {  	[hbm4b:s21+s3] =	stream.linear.scatter [tilespmem:s25], [sflag:$0x12], $0x80, $0x38;
	[tilespmem:$0x1C700] =	vst v63  }
0x4b9: {  	s26 =	sadd.s32 $0x2070, s2;
	s31 =	simm.s32 $0x1A038  }
0x4ba: {  	[hbm4b:s26+s3] =	stream.linear.scatter [tilespmem:s31], [sflag:$0x12], $0x80, $0x38;
	[tilespmem:$0x1C700] =	vst v63  }
0x4bb: {  	s9 =	sadd.s32 $0x3000, s2;
	s17 =	simm.s32 $0x1A0C0  }
0x4bc: {  	[hbm4b:s9+s3] =	stream.linear.scatter [tilespmem:s17], [sflag:$0x12], $0x80, $0x38;
	[tilespmem:$0x1C700] =	vst v63  }
0x4bd: {  	s21 =	sadd.s32 $0x3010, s2;
	s25 =	simm.s32 $0x1A148  }
0x4be: {  	[hbm4b:s21+s3] =	stream.linear.scatter [tilespmem:s25], [sflag:$0x12], $0x80, $0x38;
	[tilespmem:$0x1C700] =	vst v63  }
0x4bf: {  	s26 =	sadd.s32 $0x3020, s2;
	s31 =	simm.s32 $0x1A1D0  }
0x4c0: {  	[hbm4b:s26+s3] =	stream.linear.scatter [tilespmem:s31], [sflag:$0x12], $0x80, $0x38;
	[tilespmem:$0x1C700] =	vst v63  }
0x4c1: {  	s9 =	sadd.s32 $0x3030, s2;
	s17 =	simm.s32 $0x1A258  }
0x4c2: {  	[hbm4b:s9+s3] =	stream.linear.scatter [tilespmem:s17], [sflag:$0x12], $0x80, $0x38;
	[tilespmem:$0x1C700] =	vst v63  }
0x4c3: {  	s21 =	sadd.s32 $0x3040, s2;
	s25 =	simm.s32 $0x1A2E0  }
0x4c4: {  	[hbm4b:s21+s3] =	stream.linear.scatter [tilespmem:s25], [sflag:$0x12], $0x80, $0x38;
	[tilespmem:$0x1C700] =	vst v63  }
0x4c5: {  	s26 =	sadd.s32 $0x3050, s2;
	s31 =	simm.s32 $0x1A368  }
0x4c6: {  	[hbm4b:s26+s3] =	stream.linear.scatter [tilespmem:s31], [sflag:$0x12], $0x80, $0x38;
	[tilespmem:$0x1C700] =	vst v63  }
0x4c7: {  	s17 =	sadd.s32 $0x3060, s2;
	s21 =	simm.s32 $0x1A3F0  }
0x4c8: {  	[hbm4b:s17+s3] =	stream.linear.scatter [tilespmem:s21], [sflag:$0x12], $0x80, $0x38;
	[tilespmem:$0x1C700] =	vst v63  }
0x4c9: {  	s2 =	sadd.s32 $0x3070, s2;
	s25 =	simm.s32 $0x1A478  }
0x4ca: {  	[hbm4b:s2+s3] =	stream.linear.scatter [tilespmem:s25], [sflag:$0x12], $0x80, $0x38;
	[tilespmem:$0x1C700] =	vst v63  }
0x4cb: {  	s2 =	simm.s32 @!p0 $0xF  }
0x4cc: {  	_ =	swait.ge @!p0 [sflag:s2], $0x1000  }
0x4cd: {  	[sflag:s2] =	ssyncset.done @!p0 $0x0  }
0x4ce: {  	s7 =	simm.s32 @!p0 $0x80;
	[sflag:s2] =	ssyncadd.s32 @!p0 $0xFFFFF000;
	s2 =	sadd.s32 @!p0 $0x700, s18  }
0x4cf: {  	s9 =	simm.s32 @!p0 $0xBD00;
	s17 =	simm.s32 $0x9;
	s2 =	sand.u32 @!p0 $0x1FF00, s2  }
0x4d0: {  	[tilespmem:s9], [sflag:$0x5] =	stream.indirect.gather @!p0 [hbm4b:s4+s7], $0x20, s2, s7, $0xb8;
	[tilespmem:$0x1C700] =	vst v63  }
0x4d1: {  	s26 =	simm.s32 $0x0;
	s21 =	simm.s32 $0x3;
	_ =	swait.ge [sflag:s17], $0x1000  }
0x4d2: {  	v17 =	vmov s26;
	s26 =	sshll.u32 s6, $0x5;
	v21 =	vmov s21;
	s21 =	simm.s32 $0x7;
	[sflag:s17] =	ssyncset.done $0x0  }
0x4d3: {  	v24 =	vmov s21;
	s2 =	sand.u32 $0x3FFFFFE0, s26;
	[sflag:s17] =	ssyncadd.s32 $0xFFFFF000  }
0x4d4: {  	v18 =	vshrl.u32 v17, $0x3;
	v24 =	vshrl.u32 v24, $0x3;
	v17 =	vld [tilespmem:s2+$0x6400]  }
0x4d5: {  	v26 =	vshll.u32 v18, v1;
	v24 =	vshll.u32 v24, v1;
	v18 =	vld [tilespmem:s2+$0x6410];
	s2 =	simm.s32 $0xFD80  }
0x4d6: {  	s31 =	simm.s32 $0x1;
	v24 =	vbroadcast v24, $0x0;
	v27 =	vld [tilespmem:s2+$0x60]  }
0x4d7: {  	v19 =	vmov s31;
	s31 =	simm.s32 $0x5;
	v26 =	vbroadcast v26, $0x0;
	v29 =	vld [tilespmem:s2+$0xFFFFFF80]  }
0x4d8: {  	v23 =	vmov s31;
	v19 =	vshrl.u32 v19, $0x3;
	s9 =	simm.s32 $0x2;
	v30 =	vadd.s32 v15, v24;
	v28 =	vld [tilespmem:s2+$0x70]  }
0x4d9: {  	v19 =	vshll.u32 v19, v1;
	v51 =	vadd.s32 v0, v26;
	v20 =	vmov s9;
	v31 =	vld [tilespmem:s2+$0xFFFFFF90]  }
0x4da: {  	v19 =	vbroadcast v19, $0x0;
	v24 =	vadd.s32 v16, v24;
	v20 =	vshrl.u32 v20, $0x3;
	v52 =	vld [tilespmem:s2+$0xFFFFFFA0]  }
0x4db: {  	v26 =	vadd.s32 v2, v26;
	v20 =	vshll.u32 v20, v1;
	v53 =	vld [tilespmem:s2+$0xFFFFFFB0];
	v27 =	vadd.f32 v27, v17  }
0x4dc: {  	s25 =	simm.s32 $0x4;
	v54 =	vadd.s32 v3, v19;
	v20 =	vbroadcast v20, $0x0;
	v55 =	vld [tilespmem:s2+$0xFFFFFFC0];
	v29 =	vadd.f32 v29, v17  }
0x4dd: {  	v22 =	vmov s25;
	v19 =	vadd.s32 v4, v19;
	v28 =	vadd.f32 v28, v18;
	[tilespmem:v30+s20+$0x0] =	vst.idx.msk $0xffff, v27  }
0x4de: {  	v22 =	vshrl.u32 v22, $0x3;
	v56 =	vld [tilespmem:s2+$0xFFFFFFD0];
	v27 =	vadd.f32 v31, v18;
	v30 =	vadd.s32 v5, v20;
	[tilespmem:v51+s20+$0x0] =	vst.idx.msk $0xffff, v29  }
0x4df: {  	v21 =	vshrl.u32 v21, $0x3;
	v22 =	vshll.u32 v22, v1;
	v59 =	vld [tilespmem:s2+$0x10];
	[tilespmem:v24+s20+$0x0] =	vst.idx.msk $0xffff, v28;
	v24 =	vadd.f32 v52, v17  }
0x4e0: {  	v21 =	vshll.u32 v21, v1;
	v22 =	vbroadcast v22, $0x0;
	v29 =	vld [tilespmem:s2+$0x0];
	[tilespmem:v26+s20+$0x0] =	vst.idx.msk $0xffff, v27;
	v26 =	vadd.f32 v53, v18  }
0x4e1: {  	v23 =	vshrl.u32 v23, $0x3;
	s25 =	simm.s32 $0x6;
	v31 =	vld [tilespmem:s2+$0xFFFFFFE0];
	v20 =	vadd.s32 v6, v20;
	[tilespmem:v54+s20+$0x0] =	vst.idx.msk $0xffff, v24;
	v24 =	vadd.f32 v55, v17  }
0x4e2: {  	v25 =	vmov s25;
	v21 =	vbroadcast v21, $0x0;
	v28 =	vld [tilespmem:s2+$0xFFFFFFF0];
	[tilespmem:v19+s20+$0x0] =	vst.idx.msk $0xffff, v26;
	v26 =	vadd.s32 v9, v22  }
0x4e3: {  	v23 =	vshll.u32 v23, v1;
	v25 =	vshrl.u32 v25, $0x3;
	[tilespmem:v30+s20+$0x0] =	vst.idx.msk $0xffff, v24;
	v30 =	vadd.s32 v10, v22  }
0x4e4: {  	v58 =	vadd.s32 v8, v21;
	v60 =	vld [tilespmem:s2+$0x20];
	v27 =	vadd.s32 v7, v21;
	v21 =	vadd.f32 v56, v18  }
0x4e5: {  	v61 =	vbroadcast v23, $0x0;
	v25 =	vshll.u32 v25, v1;
	v22 =	vadd.f32 v29, v17  }
0x4e6: {  	v24 =	vadd.f32 v31, v17;
	v31 =	vld [tilespmem:s2+$0x30];
	v29 =	vadd.f32 v59, v18;
	[tilespmem:v20+s20+$0x0] =	vst.idx.msk $0xffff, v21  }
0x4e7: {  	v62 =	vadd.s32 v11, v61;
	s26 =	simm.s32 $0x8;
	s9 =	simm.s32 $0xA;
	v38 =	vld [tilespmem:s2+$0x40];
	v20 =	vadd.f32 v28, v18;
	v28 =	vbroadcast v25, $0x0;
	[tilespmem:v26+s20+$0x0] =	vst.idx.msk $0xffff, v22  }
0x4e8: {  	s31 =	simm.s32 $0x9;
	v57 =	vmov s26;
	v23 =	vmov s9;
	v25 =	vadd.s32 v12, v61;
	[tilespmem:v30+s20+$0x0] =	vst.idx.msk $0xffff, v29;
	v29 =	vld [tilespmem:s2+$0x50]  }
0x4e9: {  	v63 =	vadd.f32 v60, v17;
	v19 =	vmov s31;
	s31 =	simm.s32 $0xF;
	[tilespmem:v27+s20+$0x0] =	vst.idx.msk $0xffff, v24;
	v22 =	vadd.s32 v13, v28  }
0x4ea: {  	s21 =	simm.s32 $0xC;
	s17 =	simm.s32 $0xB;
	v32 =	vmov s31;
	v21 =	vshrl.u32 v57, $0x3;
	[tilespmem:v58+s20+$0x0] =	vst.idx.msk $0xffff, v20;
	v20 =	vadd.s32 v14, v28  }
0x4eb: {  	s25 =	simm.s32 $0xD;
	s26 =	simm.s32 $0xE;
	v24 =	vmov s17;
	v27 =	vmov s21;
	v31 =	vadd.f32 v31, v18  }
0x4ec: {  	s7 =	simm.s32 $0x10;
	[tilespmem:v62+s20+$0x0] =	vst.idx.msk $0xffff, v63;
	v26 =	vmov s25;
	v28 =	vmov s26;
	v30 =	vadd.f32 v38, v17  }
.LBB2_19:
0x4ed: {  	p1 =	slt.u32 s7, $0x78;
	v21 =	vshll.u32 v21, v1;
	v32 =	vshrl.u32 v32, $0x3;
	[tilespmem:v25+s20+$0x0] =	vst.idx.msk $0xffff, v31;
	v25 =	vadd.f32 v29, v18  }
0x4ee: {  	v19 =	vshrl.u32 v19, $0x3;
	v23 =	vshrl.u32 v23, $0x3;
	s2 =	sadd.s32 $0x100, s2;
	v29 =	vshll.u32 v32, v1;
	[tilespmem:v22+s20+$0x0] =	vst.idx.msk $0xffff, v30  }
0x4ef: {  	v22 =	vshrl.u32 v24, $0x3;
	v24 =	vshrl.u32 v27, $0x3;
	v27 =	vld [tilespmem:s2+$0x60];
	v29 =	vbroadcast v29, $0x0;
	[tilespmem:v20+s20+$0x0] =	vst.idx.msk $0xffff, v25  }
0x4f0: {  	v20 =	vbroadcast v21, $0x0;
	v21 =	vshrl.u32 v26, $0x3;
	v25 =	vshrl.u32 v28, $0x3;
	v26 =	vld [tilespmem:s2+$0x70]  }
0x4f1: {  	v19 =	vshll.u32 v19, v1;
	v23 =	vshll.u32 v23, v1;
	v28 =	vld [tilespmem:s2+$0xFFFFFF80];
	v30 =	vadd.s32 v15, v29  }
0x4f2: {  	v22 =	vshll.u32 v22, v1;
	v24 =	vshll.u32 v24, v1;
	v29 =	vadd.s32 v16, v29;
	v31 =	vld [tilespmem:s2+$0xFFFFFF90]  }
0x4f3: {  	v19 =	vbroadcast v19, $0x0;
	v21 =	vshll.u32 v21, v1;
	v32 =	vadd.s32 v0, v20;
	v33 =	vld [tilespmem:s2+$0xFFFFFFA0]  }
0x4f4: {  	v25 =	vshll.u32 v25, v1;
	v20 =	vadd.s32 v2, v20;
	v34 =	vld [tilespmem:s2+$0xFFFFFFB0];
	v27 =	vadd.f32 v27, v17  }
0x4f5: {  	v23 =	vbroadcast v23, $0x0;
	v35 =	vadd.s32 v3, v19;
	v36 =	vld [tilespmem:s2+$0xFFFFFFC0];
	v26 =	vadd.f32 v26, v18  }
0x4f6: {  	v19 =	vadd.s32 v4, v19;
	v28 =	vadd.f32 v28, v17;
	v37 =	vld [tilespmem:s2+$0xFFFFFFD0];
	[tilespmem:v30+s20+$0x0] =	vst.idx.msk $0xffff, v27  }
0x4f7: {  	v22 =	vbroadcast v22, $0x0;
	v30 =	vadd.s32 v5, v23;
	v27 =	vadd.f32 v31, v18;
	v31 =	vld [tilespmem:s2+$0xFFFFFFE0];
	[tilespmem:v29+s20+$0x0] =	vst.idx.msk $0xffff, v26  }
0x4f8: {  	v23 =	vadd.s32 v6, v23;
	[tilespmem:v32+s20+$0x0] =	vst.idx.msk $0xffff, v28;
	v26 =	vadd.f32 v33, v17;
	v28 =	vld [tilespmem:s2+$0xFFFFFFF0]  }
0x4f9: {  	v24 =	vbroadcast v24, $0x0;
	[tilespmem:v20+s20+$0x0] =	vst.idx.msk $0xffff, v27;
	v20 =	vadd.f32 v34, v18;
	v27 =	vadd.s32 v7, v22;
	v29 =	vld [tilespmem:s2+$0x0]  }
0x4fa: {  	v32 =	vmov s7;
	v22 =	vadd.s32 v8, v22;
	[tilespmem:v35+s20+$0x0] =	vst.idx.msk $0xffff, v26;
	v26 =	vadd.f32 v36, v17;
	v33 =	vld [tilespmem:s2+$0x10]  }
0x4fb: {  	v35 =	vbroadcast v21, $0x0;
	[tilespmem:v19+s20+$0x0] =	vst.idx.msk $0xffff, v20;
	v19 =	vadd.f32 v37, v18;
	v20 =	vadd.s32 v9, v24;
	v34 =	vld [tilespmem:s2+$0x20]  }
0x4fc: {  	v21 =	vshrl.u32 v32, $0x3;
	[tilespmem:v30+s20+$0x0] =	vst.idx.msk $0xffff, v26;
	v26 =	vadd.f32 v31, v17;
	v30 =	vadd.s32 v10, v24;
	v31 =	vld [tilespmem:s2+$0x30]  }
0x4fd: {  	s9 =	sadd.s32 $0x1, s7;
	v36 =	vadd.s32 v11, v35;
	[tilespmem:v23+s20+$0x0] =	vst.idx.msk $0xffff, v19;
	v24 =	vadd.f32 v28, v18;
	v37 =	vld [tilespmem:s2+$0x40];
	v28 =	vbroadcast v25, $0x0  }
.Ltmp10:
0x4fe: {  	v19 =	vmov s9;
	s9 =	sadd.s32 $0x2, s7;
	v25 =	vadd.s32 v12, v35;
	[tilespmem:v27+s20+$0x0] =	vst.idx.msk $0xffff, v26;
	v26 =	vadd.f32 v29, v17;
	v29 =	vld [tilespmem:s2+$0x50];
	(pc) =	sbr.rel @p1 .LBB2_19-.Ltmp10, $4  }
0x4ff: {  	v23 =	vmov s9;
	s9 =	sadd.s32 $0x3, s7;
	[tilespmem:v22+s20+$0x0] =	vst.idx.msk $0xffff, v24;
	v32 =	vadd.f32 v33, v18;
	v22 =	vadd.s32 v13, v28  }
0x500: {  	s17 =	sadd.s32 $0x5, s7;
	v24 =	vmov s9;
	s9 =	sadd.s32 $0x4, s7;
	[tilespmem:v20+s20+$0x0] =	vst.idx.msk $0xffff, v26;
	v33 =	vadd.f32 v34, v17;
	v20 =	vadd.s32 v14, v28  }
0x501: {  	v27 =	vmov s9;
	v26 =	vmov s17;
	s9 =	sadd.s32 $0x6, s7;
	s17 =	sadd.s32 $0x7, s7;
	[tilespmem:v30+s20+$0x0] =	vst.idx.msk $0xffff, v32;
	v31 =	vadd.f32 v31, v18  }
0x502: {  	s7 =	sadd.s32 $0x8, s7;
	v28 =	vmov s9;
	v32 =	vmov s17;
	[tilespmem:v36+s20+$0x0] =	vst.idx.msk $0xffff, v33;
	v30 =	vadd.f32 v37, v17  }
0x503: {  	_ =	sdelay $0x1  }
0x504: {  	v21 =	vshll.u32 v21, v1;
	v32 =	vshrl.u32 v32, $0x3;
	v29 =	vadd.f32 v29, v18  }
0x505: {  	v19 =	vshrl.u32 v19, $0x3;
	v23 =	vshrl.u32 v23, $0x3;
	s2 =	sadd.s32 $0x100, s2;
	v24 =	vshrl.u32 v24, $0x3  }
0x506: {  	v27 =	vshrl.u32 v27, $0x3;
	[tilespmem:v25+s20+$0x0] =	vst.idx.msk $0xffff, v31;
	v32 =	vshll.u32 v32, v1;
	v21 =	vbroadcast v21, $0x0;
	v31 =	vld [tilespmem:s2+$0xFFFFFF80]  }
0x507: {  	v25 =	vshrl.u32 v26, $0x3;
	v33 =	vld [tilespmem:s2+$0x60];
	v19 =	vshll.u32 v19, v1;
	v32 =	vbroadcast v32, $0x0  }
0x508: {  	v26 =	vshrl.u32 v28, $0x3;
	v28 =	vld [tilespmem:s2+$0x70];
	v23 =	vshll.u32 v23, v1;
	[tilespmem:v22+s20+$0x0] =	vst.idx.msk $0xffff, v30;
	v22 =	vadd.s32 v0, v21  }
0x509: {  	v35 =	vld [tilespmem:s2+$0xFFFFFF90];
	v24 =	vshll.u32 v24, v1;
	v27 =	vshll.u32 v27, v1;
	v34 =	vadd.s32 v15, v32  }
0x50a: {  	v30 =	vld [tilespmem:s2+$0xFFFFFFA0];
	v25 =	vshll.u32 v25, v1;
	v19 =	vbroadcast v19, $0x0;
	v32 =	vadd.s32 v16, v32  }
0x50b: {  	v36 =	vld [tilespmem:s2+$0xFFFFFFB0];
	v26 =	vshll.u32 v26, v1;
	v21 =	vadd.s32 v2, v21;
	v31 =	vadd.f32 v31, v17  }
0x50c: {  	[tilespmem:v20+s20+$0x0] =	vst.idx.msk $0xffff, v29;
	v29 =	vld [tilespmem:s2+$0xFFFFFFC0];
	v23 =	vbroadcast v23, $0x0;
	v20 =	vadd.s32 v3, v19;
	v33 =	vadd.f32 v33, v17  }
0x50d: {  	v37 =	vld [tilespmem:s2+$0xFFFFFFD0];
	v19 =	vadd.s32 v4, v19;
	v28 =	vadd.f32 v28, v18;
	[tilespmem:v22+s20+$0x0] =	vst.idx.msk $0xffff, v31  }
0x50e: {  	v49 =	vld [tilespmem:s2+$0xFFFFFFE0];
	v24 =	vbroadcast v24, $0x0;
	v48 =	vadd.s32 v5, v23;
	v47 =	vadd.f32 v35, v18;
	[tilespmem:v34+s20+$0x0] =	vst.idx.msk $0xffff, v33  }
0x50f: {  	v23 =	vadd.s32 v6, v23;
	v22 =	vadd.f32 v30, v17;
	[tilespmem:v32+s20+$0x0] =	vst.idx.msk $0xffff, v28;
	v28 =	vld [tilespmem:s2+$0xFFFFFFF0]  }
0x510: {  	v27 =	vbroadcast v27, $0x0;
	v30 =	vadd.s32 v7, v24;
	v31 =	vld [tilespmem:s2+$0x0];
	[tilespmem:v21+s20+$0x0] =	vst.idx.msk $0xffff, v47;
	v21 =	vadd.f32 v36, v18  }
0x511: {  	[tilespmem:v20+s20+$0x0] =	vst.idx.msk $0xffff, v22;
	v20 =	vadd.f32 v29, v17;
	v22 =	vadd.s32 v8, v24;
	v24 =	vld [tilespmem:s2+$0x10]  }
0x512: {  	v25 =	vbroadcast v25, $0x0;
	v29 =	vld [tilespmem:s2+$0x20];
	[tilespmem:v19+s20+$0x0] =	vst.idx.msk $0xffff, v21;
	v19 =	vadd.f32 v37, v18;
	v21 =	vadd.s32 v9, v27  }
0x513: {  	v50 =	vld [tilespmem:s2+$0x30];
	v27 =	vadd.s32 v10, v27;
	[tilespmem:v48+s20+$0x0] =	vst.idx.msk $0xffff, v20;
	v20 =	vadd.f32 v49, v17  }
0x514: {  	v26 =	vbroadcast v26, $0x0;
	[tilespmem:v23+s20+$0x0] =	vst.idx.msk $0xffff, v19;
	v23 =	vadd.s32 v11, v25;
	v19 =	vadd.f32 v28, v18;
	v28 =	vld [tilespmem:s2+$0x40]  }
0x515: {  	v25 =	vadd.s32 v12, v25;
	[tilespmem:v30+s20+$0x0] =	vst.idx.msk $0xffff, v20;
	v20 =	vadd.f32 v31, v17;
	v30 =	vld [tilespmem:s2+$0x50]  }
0x516: {  	[tilespmem:v22+s20+$0x0] =	vst.idx.msk $0xffff, v19;
	v19 =	vadd.f32 v24, v18;
	v22 =	vadd.s32 v13, v26  }
0x517: {  	[tilespmem:v21+s20+$0x0] =	vst.idx.msk $0xffff, v20;
	v20 =	vadd.f32 v29, v17;
	v21 =	vadd.s32 v14, v26  }
0x518: {  	[tilespmem:v27+s20+$0x0] =	vst.idx.msk $0xffff, v19;
	v19 =	vadd.f32 v50, v18  }
0x519: {  	s9 =	sshll.u32 s6, $0x11;
	[tilespmem:v23+s20+$0x0] =	vst.idx.msk $0xffff, v20;
	v17 =	vadd.f32 v28, v17  }
0x51a: {  	s2 =	sor.u32 s5, s9;
	v18 =	vadd.f32 v30, v18;
	[tilespmem:v25+s20+$0x0] =	vst.idx.msk $0xffff, v19  }
0x51b: {  	s2 =	sshrl.u32 s2, $0x3;
	[tilespmem:v22+s20+$0x0] =	vst.idx.msk $0xffff, v17  }
0x51c: {  	s2 =	sadd.s32 s1, s2;
	[tilespmem:v21+s20+$0x0] =	vst.idx.msk $0xffff, v18  }
0x51d: {  	[hbm4b:s2+s3] =	stream.linear.scatter [tilespmem:s20], [sflag:$0x13], $0x80, $0x38;
	[tilespmem:$0x1C700] =	vst v63  }
0x51e: {  	s7 =	simm.s32 $0x1A588;
	s17 =	sadd.s32 $0x10, s2  }
0x51f: {  	[hbm4b:s17+s3] =	stream.linear.scatter [tilespmem:s7], [sflag:$0x13], $0x80, $0x38;
	[tilespmem:$0x1C700] =	vst v63  }
0x520: {  	s25 =	simm.s32 $0x1A610;
	s21 =	sadd.s32 $0x20, s2  }
0x521: {  	[hbm4b:s21+s3] =	stream.linear.scatter [tilespmem:s25], [sflag:$0x13], $0x80, $0x38;
	[tilespmem:$0x1C700] =	vst v63  }
0x522: {  	s31 =	simm.s32 $0x1A698;
	s26 =	sadd.s32 $0x30, s2  }
0x523: {  	[hbm4b:s26+s3] =	stream.linear.scatter [tilespmem:s31], [sflag:$0x13], $0x80, $0x38;
	[tilespmem:$0x1C700] =	vst v63  }
0x524: {  	s9 =	sadd.s32 $0x40, s2;
	s17 =	simm.s32 $0x1A720  }
0x525: {  	[hbm4b:s9+s3] =	stream.linear.scatter [tilespmem:s17], [sflag:$0x13], $0x80, $0x38;
	[tilespmem:$0x1C700] =	vst v63  }
0x526: {  	s21 =	sadd.s32 $0x50, s2;
	s25 =	simm.s32 $0x1A7A8  }
0x527: {  	[hbm4b:s21+s3] =	stream.linear.scatter [tilespmem:s25], [sflag:$0x13], $0x80, $0x38;
	[tilespmem:$0x1C700] =	vst v63  }
0x528: {  	s26 =	sadd.s32 $0x60, s2;
	s31 =	simm.s32 $0x1A830  }
0x529: {  	[hbm4b:s26+s3] =	stream.linear.scatter [tilespmem:s31], [sflag:$0x13], $0x80, $0x38;
	[tilespmem:$0x1C700] =	vst v63  }
0x52a: {  	s9 =	sadd.s32 $0x70, s2;
	s17 =	simm.s32 $0x1A8B8  }
0x52b: {  	[hbm4b:s9+s3] =	stream.linear.scatter [tilespmem:s17], [sflag:$0x13], $0x80, $0x38;
	[tilespmem:$0x1C700] =	vst v63  }
0x52c: {  	s21 =	sadd.s32 $0x1000, s2;
	s25 =	simm.s32 $0x1A940  }
0x52d: {  	[hbm4b:s21+s3] =	stream.linear.scatter [tilespmem:s25], [sflag:$0x13], $0x80, $0x38;
	[tilespmem:$0x1C700] =	vst v63  }
0x52e: {  	s26 =	sadd.s32 $0x1010, s2;
	s31 =	simm.s32 $0x1A9C8  }
0x52f: {  	[hbm4b:s26+s3] =	stream.linear.scatter [tilespmem:s31], [sflag:$0x13], $0x80, $0x38;
	[tilespmem:$0x1C700] =	vst v63  }
0x530: {  	s9 =	sadd.s32 $0x1020, s2;
	s17 =	simm.s32 $0x1AA50  }
0x531: {  	[hbm4b:s9+s3] =	stream.linear.scatter [tilespmem:s17], [sflag:$0x13], $0x80, $0x38;
	[tilespmem:$0x1C700] =	vst v63  }
0x532: {  	s21 =	sadd.s32 $0x1030, s2;
	s25 =	simm.s32 $0x1AAD8  }
0x533: {  	[hbm4b:s21+s3] =	stream.linear.scatter [tilespmem:s25], [sflag:$0x13], $0x80, $0x38;
	[tilespmem:$0x1C700] =	vst v63  }
0x534: {  	s26 =	sadd.s32 $0x1040, s2;
	s31 =	simm.s32 $0x1AB60  }
0x535: {  	[hbm4b:s26+s3] =	stream.linear.scatter [tilespmem:s31], [sflag:$0x13], $0x80, $0x38;
	[tilespmem:$0x1C700] =	vst v63  }
0x536: {  	s9 =	sadd.s32 $0x1050, s2;
	s17 =	simm.s32 $0x1ABE8  }
0x537: {  	[hbm4b:s9+s3] =	stream.linear.scatter [tilespmem:s17], [sflag:$0x13], $0x80, $0x38;
	[tilespmem:$0x1C700] =	vst v63  }
0x538: {  	s21 =	sadd.s32 $0x1060, s2;
	s25 =	simm.s32 $0x1AC70  }
0x539: {  	[hbm4b:s21+s3] =	stream.linear.scatter [tilespmem:s25], [sflag:$0x13], $0x80, $0x38;
	[tilespmem:$0x1C700] =	vst v63  }
0x53a: {  	s26 =	sadd.s32 $0x1070, s2;
	s31 =	simm.s32 $0x1ACF8  }
0x53b: {  	[hbm4b:s26+s3] =	stream.linear.scatter [tilespmem:s31], [sflag:$0x13], $0x80, $0x38;
	[tilespmem:$0x1C700] =	vst v63  }
0x53c: {  	s9 =	sadd.s32 $0x2000, s2;
	s17 =	simm.s32 $0x1AD80  }
0x53d: {  	[hbm4b:s9+s3] =	stream.linear.scatter [tilespmem:s17], [sflag:$0x13], $0x80, $0x38;
	[tilespmem:$0x1C700] =	vst v63  }
0x53e: {  	s21 =	sadd.s32 $0x2010, s2;
	s25 =	simm.s32 $0x1AE08  }
0x53f: {  	[hbm4b:s21+s3] =	stream.linear.scatter [tilespmem:s25], [sflag:$0x13], $0x80, $0x38;
	[tilespmem:$0x1C700] =	vst v63  }
0x540: {  	s26 =	sadd.s32 $0x2020, s2;
	s31 =	simm.s32 $0x1AE90  }
0x541: {  	[hbm4b:s26+s3] =	stream.linear.scatter [tilespmem:s31], [sflag:$0x13], $0x80, $0x38;
	[tilespmem:$0x1C700] =	vst v63  }
0x542: {  	s9 =	sadd.s32 $0x2030, s2;
	s17 =	simm.s32 $0x1AF18  }
0x543: {  	[hbm4b:s9+s3] =	stream.linear.scatter [tilespmem:s17], [sflag:$0x13], $0x80, $0x38;
	[tilespmem:$0x1C700] =	vst v63  }
0x544: {  	s21 =	sadd.s32 $0x2040, s2;
	s25 =	simm.s32 $0x1AFA0  }
0x545: {  	[hbm4b:s21+s3] =	stream.linear.scatter [tilespmem:s25], [sflag:$0x13], $0x80, $0x38;
	[tilespmem:$0x1C700] =	vst v63  }
0x546: {  	s26 =	sadd.s32 $0x2050, s2;
	s31 =	simm.s32 $0x1B028  }
0x547: {  	[hbm4b:s26+s3] =	stream.linear.scatter [tilespmem:s31], [sflag:$0x13], $0x80, $0x38;
	[tilespmem:$0x1C700] =	vst v63  }
0x548: {  	s9 =	sadd.s32 $0x2060, s2;
	s17 =	simm.s32 $0x1B0B0  }
0x549: {  	[hbm4b:s9+s3] =	stream.linear.scatter [tilespmem:s17], [sflag:$0x13], $0x80, $0x38;
	[tilespmem:$0x1C700] =	vst v63  }
0x54a: {  	s21 =	sadd.s32 $0x2070, s2;
	s25 =	simm.s32 $0x1B138  }
0x54b: {  	[hbm4b:s21+s3] =	stream.linear.scatter [tilespmem:s25], [sflag:$0x13], $0x80, $0x38;
	[tilespmem:$0x1C700] =	vst v63  }
0x54c: {  	s26 =	sadd.s32 $0x3000, s2;
	s31 =	simm.s32 $0x1B1C0  }
0x54d: {  	[hbm4b:s26+s3] =	stream.linear.scatter [tilespmem:s31], [sflag:$0x13], $0x80, $0x38;
	[tilespmem:$0x1C700] =	vst v63  }
0x54e: {  	s9 =	sadd.s32 $0x3010, s2;
	s17 =	simm.s32 $0x1B248  }
0x54f: {  	[hbm4b:s9+s3] =	stream.linear.scatter [tilespmem:s17], [sflag:$0x13], $0x80, $0x38;
	[tilespmem:$0x1C700] =	vst v63  }
0x550: {  	s21 =	sadd.s32 $0x3020, s2;
	s25 =	simm.s32 $0x1B2D0  }
0x551: {  	[hbm4b:s21+s3] =	stream.linear.scatter [tilespmem:s25], [sflag:$0x13], $0x80, $0x38;
	[tilespmem:$0x1C700] =	vst v63  }
0x552: {  	s26 =	sadd.s32 $0x3030, s2;
	s31 =	simm.s32 $0x1B358  }
0x553: {  	[hbm4b:s26+s3] =	stream.linear.scatter [tilespmem:s31], [sflag:$0x13], $0x80, $0x38;
	[tilespmem:$0x1C700] =	vst v63  }
0x554: {  	s7 =	sadd.s32 $0x3040, s2;
	s9 =	simm.s32 $0x1B3E0  }
0x555: {  	[hbm4b:s7+s3] =	stream.linear.scatter [tilespmem:s9], [sflag:$0x13], $0x80, $0x38;
	[tilespmem:$0x1C700] =	vst v63  }
0x556: {  	s17 =	sadd.s32 $0x3050, s2;
	s21 =	simm.s32 $0x1B468  }
0x557: {  	[hbm4b:s17+s3] =	stream.linear.scatter [tilespmem:s21], [sflag:$0x13], $0x80, $0x38;
	[tilespmem:$0x1C700] =	vst v63  }
0x558: {  	s25 =	sadd.s32 $0x3060, s2;
	s26 =	simm.s32 $0x1B4F0  }
0x559: {  	[hbm4b:s25+s3] =	stream.linear.scatter [tilespmem:s26], [sflag:$0x13], $0x80, $0x38;
	[tilespmem:$0x1C700] =	vst v63  }
0x55a: {  	s2 =	sadd.s32 $0x3070, s2;
	s31 =	simm.s32 $0x1B578  }
0x55b: {  	[hbm4b:s2+s3] =	stream.linear.scatter [tilespmem:s31], [sflag:$0x13], $0x80, $0x38;
	[tilespmem:$0x1C700] =	vst v63  }
0x55c: {  	s2 =	simm.s32 @!p0 $0x10  }
0x55d: {  	_ =	swait.ge @!p0 [sflag:s2], $0x1000  }
0x55e: {  	[sflag:s2] =	ssyncset.done @!p0 $0x0  }
0x55f: {  	[sflag:s2] =	ssyncadd.s32 @!p0 $0xFFFFF000;
	s2 =	sadd.s32 @!p0 $0x780, s18  }
0x560: {  	s6 =	simm.s32 @!p0 $0x80;
	s7 =	simm.s32 @!p0 $0xCD00;
	s2 =	sand.u32 @!p0 $0x1FF80, s2  }
0x561: {  	[tilespmem:s7], [sflag:$0x6] =	stream.indirect.gather @!p0 [hbm4b:s4+s6], $0x20, s2, s6, $0xb8;
	[tilespmem:$0x1C700] =	vst v63  }
0x562: {  	_ =	swait.ge [sflag:s16], $0x1000  }
0x563: {  	s26 =	simm.s32 $0x7;
	s7 =	simm.s32 $0x0;
	[sflag:s16] =	ssyncset.done $0x0  }
0x564: {  	v24 =	vmov s26;
	s31 =	sshra.s32 s14, $0x2;
	v17 =	vmov s7;
	[sflag:s16] =	ssyncadd.s32 $0xFFFFF000  }
0x565: {  	v24 =	vshrl.u32 v24, $0x3;
	v18 =	vshrl.u32 v17, $0x3;
	v17 =	vld [tilespmem:s31+$0x6400]  }
0x566: {  	s9 =	simm.s32 $0x1;
	v24 =	vshll.u32 v24, v1;
	s2 =	simm.s32 $0x10D80;
	v26 =	vshll.u32 v18, v1;
	v18 =	vld [tilespmem:s31+$0x6410]  }
0x567: {  	v19 =	vmov s9;
	v24 =	vbroadcast v24, $0x0;
	v27 =	vld [tilespmem:s2+$0x60]  }
0x568: {  	s17 =	simm.s32 $0x2;
	s21 =	simm.s32 $0x4;
	v19 =	vshrl.u32 v19, $0x3;
	v26 =	vbroadcast v26, $0x0;
	v29 =	vld [tilespmem:s2+$0xFFFFFF80]  }
0x569: {  	v20 =	vmov s17;
	v22 =	vmov s21;
	v30 =	vadd.s32 v15, v24;
	v28 =	vld [tilespmem:s2+$0x70]  }
0x56a: {  	v19 =	vshll.u32 v19, v1;
	v20 =	vshrl.u32 v20, $0x3;
	v31 =	vld [tilespmem:s2+$0xFFFFFF90];
	v51 =	vadd.s32 v0, v26  }
0x56b: {  	v22 =	vshrl.u32 v22, $0x3;
	v19 =	vbroadcast v19, $0x0;
	v24 =	vadd.s32 v16, v24;
	v52 =	vld [tilespmem:s2+$0xFFFFFFA0]  }
0x56c: {  	v20 =	vshll.u32 v20, v1;
	v53 =	vld [tilespmem:s2+$0xFFFFFFB0];
	v26 =	vadd.s32 v2, v26;
	v27 =	vadd.f32 v27, v17  }
0x56d: {  	s25 =	simm.s32 $0x5;
	v54 =	vadd.s32 v3, v19;
	v20 =	vbroadcast v20, $0x0;
	v55 =	vld [tilespmem:s2+$0xFFFFFFC0];
	v29 =	vadd.f32 v29, v17  }
0x56e: {  	v23 =	vmov s25;
	v19 =	vadd.s32 v4, v19;
	s18 =	simm.s32 $0x3;
	v28 =	vadd.f32 v28, v18;
	[tilespmem:v30+s23+$0x0] =	vst.idx.msk $0xffff, v27  }
0x56f: {  	v21 =	vmov s18;
	v56 =	vld [tilespmem:s2+$0xFFFFFFD0];
	v27 =	vadd.f32 v31, v18;
	v30 =	vadd.s32 v5, v20;
	[tilespmem:v51+s23+$0x0] =	vst.idx.msk $0xffff, v29  }
0x570: {  	v22 =	vshll.u32 v22, v1;
	v21 =	vshrl.u32 v21, $0x3;
	v59 =	vld [tilespmem:s2+$0x10];
	[tilespmem:v24+s23+$0x0] =	vst.idx.msk $0xffff, v28;
	v24 =	vadd.f32 v52, v17  }
0x571: {  	v22 =	vbroadcast v22, $0x0;
	v21 =	vshll.u32 v21, v1;
	v29 =	vld [tilespmem:s2+$0x0];
	[tilespmem:v26+s23+$0x0] =	vst.idx.msk $0xffff, v27;
	v26 =	vadd.f32 v53, v18  }
0x572: {  	v23 =	vshrl.u32 v23, $0x3;
	s7 =	simm.s32 $0x6;
	v31 =	vld [tilespmem:s2+$0xFFFFFFE0];
	v20 =	vadd.s32 v6, v20;
	[tilespmem:v54+s23+$0x0] =	vst.idx.msk $0xffff, v24;
	v24 =	vadd.f32 v55, v17  }
0x573: {  	v25 =	vmov s7;
	v21 =	vbroadcast v21, $0x0;
	v28 =	vld [tilespmem:s2+$0xFFFFFFF0];
	[tilespmem:v19+s23+$0x0] =	vst.idx.msk $0xffff, v26;
	v26 =	vadd.s32 v9, v22  }
0x574: {  	v23 =	vshll.u32 v23, v1;
	v25 =	vshrl.u32 v25, $0x3;
	[tilespmem:v30+s23+$0x0] =	vst.idx.msk $0xffff, v24;
	v30 =	vadd.s32 v10, v22  }
0x575: {  	v58 =	vadd.s32 v8, v21;
	v60 =	vld [tilespmem:s2+$0x20];
	v27 =	vadd.s32 v7, v21;
	v21 =	vadd.f32 v56, v18  }
0x576: {  	v61 =	vbroadcast v23, $0x0;
	v25 =	vshll.u32 v25, v1;
	v22 =	vadd.f32 v29, v17  }
0x577: {  	v24 =	vadd.f32 v31, v17;
	v31 =	vld [tilespmem:s2+$0x30];
	v29 =	vadd.f32 v59, v18;
	[tilespmem:v20+s23+$0x0] =	vst.idx.msk $0xffff, v21  }
0x578: {  	s9 =	simm.s32 $0x8;
	s17 =	simm.s32 $0xA;
	v62 =	vadd.s32 v11, v61;
	v38 =	vld [tilespmem:s2+$0x40];
	v20 =	vadd.f32 v28, v18;
	v28 =	vbroadcast v25, $0x0;
	[tilespmem:v26+s23+$0x0] =	vst.idx.msk $0xffff, v22  }
0x579: {  	v57 =	vmov s9;
	v23 =	vmov s17;
	s31 =	simm.s32 $0xF;
	v25 =	vadd.s32 v12, v61;
	[tilespmem:v30+s23+$0x0] =	vst.idx.msk $0xffff, v29;
	v29 =	vld [tilespmem:s2+$0x50]  }
0x57a: {  	s14 =	simm.s32 $0x9;
	v32 =	vmov s31;
	v63 =	vadd.f32 v60, v17;
	[tilespmem:v27+s23+$0x0] =	vst.idx.msk $0xffff, v24;
	v22 =	vadd.s32 v13, v28  }
0x57b: {  	s21 =	simm.s32 $0xC;
	s18 =	simm.s32 $0xB;
	v19 =	vmov s14;
	v21 =	vshrl.u32 v57, $0x3;
	[tilespmem:v58+s23+$0x0] =	vst.idx.msk $0xffff, v20;
	v20 =	vadd.s32 v14, v28  }
0x57c: {  	s25 =	simm.s32 $0xD;
	s26 =	simm.s32 $0xE;
	v24 =	vmov s18;
	v27 =	vmov s21;
	v31 =	vadd.f32 v31, v18  }
0x57d: {  	s6 =	simm.s32 $0x10;
	[tilespmem:v62+s23+$0x0] =	vst.idx.msk $0xffff, v63;
	v26 =	vmov s25;
	v28 =	vmov s26;
	v30 =	vadd.f32 v38, v17  }
.LBB2_21:
0x57e: {  	p1 =	slt.u32 s6, $0x78;
	v21 =	vshll.u32 v21, v1;
	v32 =	vshrl.u32 v32, $0x3;
	[tilespmem:v25+s23+$0x0] =	vst.idx.msk $0xffff, v31;
	v25 =	vadd.f32 v29, v18  }
0x57f: {  	v19 =	vshrl.u32 v19, $0x3;
	v23 =	vshrl.u32 v23, $0x3;
	s2 =	sadd.s32 $0x100, s2;
	v29 =	vshll.u32 v32, v1;
	[tilespmem:v22+s23+$0x0] =	vst.idx.msk $0xffff, v30  }
0x580: {  	v22 =	vshrl.u32 v24, $0x3;
	v24 =	vshrl.u32 v27, $0x3;
	v27 =	vld [tilespmem:s2+$0x60];
	v29 =	vbroadcast v29, $0x0;
	[tilespmem:v20+s23+$0x0] =	vst.idx.msk $0xffff, v25  }
0x581: {  	v20 =	vbroadcast v21, $0x0;
	v21 =	vshrl.u32 v26, $0x3;
	v25 =	vshrl.u32 v28, $0x3;
	v26 =	vld [tilespmem:s2+$0x70]  }
0x582: {  	v19 =	vshll.u32 v19, v1;
	v23 =	vshll.u32 v23, v1;
	v28 =	vld [tilespmem:s2+$0xFFFFFF80];
	v30 =	vadd.s32 v15, v29  }
0x583: {  	v22 =	vshll.u32 v22, v1;
	v24 =	vshll.u32 v24, v1;
	v29 =	vadd.s32 v16, v29;
	v31 =	vld [tilespmem:s2+$0xFFFFFF90]  }
0x584: {  	v19 =	vbroadcast v19, $0x0;
	v21 =	vshll.u32 v21, v1;
	v32 =	vadd.s32 v0, v20;
	v33 =	vld [tilespmem:s2+$0xFFFFFFA0]  }
0x585: {  	v25 =	vshll.u32 v25, v1;
	v20 =	vadd.s32 v2, v20;
	v34 =	vld [tilespmem:s2+$0xFFFFFFB0];
	v27 =	vadd.f32 v27, v17  }
0x586: {  	v23 =	vbroadcast v23, $0x0;
	v35 =	vadd.s32 v3, v19;
	v36 =	vld [tilespmem:s2+$0xFFFFFFC0];
	v26 =	vadd.f32 v26, v18  }
0x587: {  	v19 =	vadd.s32 v4, v19;
	v28 =	vadd.f32 v28, v17;
	v37 =	vld [tilespmem:s2+$0xFFFFFFD0];
	[tilespmem:v30+s23+$0x0] =	vst.idx.msk $0xffff, v27  }
0x588: {  	v22 =	vbroadcast v22, $0x0;
	v30 =	vadd.s32 v5, v23;
	v27 =	vadd.f32 v31, v18;
	v31 =	vld [tilespmem:s2+$0xFFFFFFE0];
	[tilespmem:v29+s23+$0x0] =	vst.idx.msk $0xffff, v26  }
0x589: {  	v23 =	vadd.s32 v6, v23;
	[tilespmem:v32+s23+$0x0] =	vst.idx.msk $0xffff, v28;
	v26 =	vadd.f32 v33, v17;
	v28 =	vld [tilespmem:s2+$0xFFFFFFF0]  }
0x58a: {  	v24 =	vbroadcast v24, $0x0;
	[tilespmem:v20+s23+$0x0] =	vst.idx.msk $0xffff, v27;
	v20 =	vadd.f32 v34, v18;
	v27 =	vadd.s32 v7, v22;
	v29 =	vld [tilespmem:s2+$0x0]  }
0x58b: {  	v32 =	vmov s6;
	v22 =	vadd.s32 v8, v22;
	[tilespmem:v35+s23+$0x0] =	vst.idx.msk $0xffff, v26;
	v26 =	vadd.f32 v36, v17;
	v33 =	vld [tilespmem:s2+$0x10]  }
0x58c: {  	v35 =	vbroadcast v21, $0x0;
	[tilespmem:v19+s23+$0x0] =	vst.idx.msk $0xffff, v20;
	v19 =	vadd.f32 v37, v18;
	v20 =	vadd.s32 v9, v24;
	v34 =	vld [tilespmem:s2+$0x20]  }
0x58d: {  	v21 =	vshrl.u32 v32, $0x3;
	[tilespmem:v30+s23+$0x0] =	vst.idx.msk $0xffff, v26;
	v26 =	vadd.f32 v31, v17;
	v30 =	vadd.s32 v10, v24;
	v31 =	vld [tilespmem:s2+$0x30]  }
0x58e: {  	s7 =	sadd.s32 $0x1, s6;
	v36 =	vadd.s32 v11, v35;
	[tilespmem:v23+s23+$0x0] =	vst.idx.msk $0xffff, v19;
	v24 =	vadd.f32 v28, v18;
	v37 =	vld [tilespmem:s2+$0x40];
	v28 =	vbroadcast v25, $0x0  }
.Ltmp11:
0x58f: {  	v19 =	vmov s7;
	s7 =	sadd.s32 $0x2, s6;
	v25 =	vadd.s32 v12, v35;
	[tilespmem:v27+s23+$0x0] =	vst.idx.msk $0xffff, v26;
	v26 =	vadd.f32 v29, v17;
	v29 =	vld [tilespmem:s2+$0x50];
	(pc) =	sbr.rel @p1 .LBB2_21-.Ltmp11, $4  }
0x590: {  	v23 =	vmov s7;
	s7 =	sadd.s32 $0x3, s6;
	[tilespmem:v22+s23+$0x0] =	vst.idx.msk $0xffff, v24;
	v32 =	vadd.f32 v33, v18;
	v22 =	vadd.s32 v13, v28  }
0x591: {  	s9 =	sadd.s32 $0x5, s6;
	v24 =	vmov s7;
	s7 =	sadd.s32 $0x4, s6;
	[tilespmem:v20+s23+$0x0] =	vst.idx.msk $0xffff, v26;
	v33 =	vadd.f32 v34, v17;
	v20 =	vadd.s32 v14, v28  }
0x592: {  	v27 =	vmov s7;
	v26 =	vmov s9;
	s7 =	sadd.s32 $0x6, s6;
	s9 =	sadd.s32 $0x7, s6;
	[tilespmem:v30+s23+$0x0] =	vst.idx.msk $0xffff, v32;
	v31 =	vadd.f32 v31, v18  }
0x593: {  	s6 =	sadd.s32 $0x8, s6;
	v28 =	vmov s7;
	v32 =	vmov s9;
	[tilespmem:v36+s23+$0x0] =	vst.idx.msk $0xffff, v33;
	v30 =	vadd.f32 v37, v17  }
0x594: {  	v21 =	vshll.u32 v21, v1;
	v32 =	vshrl.u32 v32, $0x3  }
0x595: {  	v29 =	vadd.f32 v29, v18;
	v19 =	vshrl.u32 v19, $0x3;
	v23 =	vshrl.u32 v23, $0x3;
	s2 =	sadd.s32 $0x100, s2  }
0x596: {  	v24 =	vshrl.u32 v24, $0x3;
	v27 =	vshrl.u32 v27, $0x3;
	v58 =	vshrl.u32 v26, $0x3;
	v33 =	vld [tilespmem:s2+$0x60]  }
0x597: {  	v59 =	vshrl.u32 v28, $0x3;
	v32 =	vshll.u32 v32, v1;
	v21 =	vbroadcast v21, $0x0;
	v61 =	vld [tilespmem:s2+$0xFFFFFF80]  }
0x598: {  	v60 =	vld [tilespmem:s2+$0x70];
	v19 =	vshll.u32 v19, v1;
	v23 =	vshll.u32 v23, v1;
	v32 =	vbroadcast v32, $0x0  }
0x599: {  	v35 =	vld [tilespmem:s2+$0xFFFFFF90];
	v24 =	vshll.u32 v24, v1;
	v27 =	vshll.u32 v27, v1;
	v62 =	vadd.s32 v0, v21  }
0x59a: {  	[tilespmem:v25+s23+$0x0] =	vst.idx.msk $0xffff, v31;
	v63 =	vld [tilespmem:s2+$0xFFFFFFA0];
	v25 =	vshll.u32 v58, v1;
	v19 =	vbroadcast v19, $0x0;
	v34 =	vadd.s32 v15, v32  }
0x59b: {  	v26 =	vshll.u32 v59, v1;
	v41 =	vld [tilespmem:s2+$0xFFFFFFC0];
	v23 =	vbroadcast v23, $0x0;
	v21 =	vadd.s32 v2, v21  }
0x59c: {  	[tilespmem:v22+s23+$0x0] =	vst.idx.msk $0xffff, v30;
	v44 =	vld [tilespmem:s2+$0xFFFFFFE0];
	v24 =	vbroadcast v24, $0x0;
	v40 =	vadd.s32 v3, v19;
	v31 =	vadd.f32 v61, v17  }
0x59d: {  	v36 =	vld [tilespmem:s2+$0xFFFFFFB0];
	[tilespmem:v20+s23+$0x0] =	vst.idx.msk $0xffff, v29;
	v43 =	vadd.s32 v5, v23;
	v33 =	vadd.f32 v33, v17  }
0x59e: {  	v49 =	vld [tilespmem:s2+$0x0];
	v27 =	vbroadcast v27, $0x0;
	v48 =	vadd.s32 v7, v24;
	v42 =	vadd.f32 v35, v18;
	[tilespmem:v62+s23+$0x0] =	vst.idx.msk $0xffff, v31  }
0x59f: {  	v37 =	vld [tilespmem:s2+$0xFFFFFFD0];
	v19 =	vadd.s32 v4, v19;
	v45 =	vadd.f32 v63, v17;
	[tilespmem:v34+s23+$0x0] =	vst.idx.msk $0xffff, v33  }
0x5a0: {  	v53 =	vadd.s32 v9, v27;
	v50 =	vadd.f32 v41, v17;
	[tilespmem:v21+s23+$0x0] =	vst.idx.msk $0xffff, v42  }
0x5a1: {  	v46 =	vld [tilespmem:s2+$0xFFFFFFF0];
	v23 =	vadd.s32 v6, v23;
	v55 =	vadd.f32 v44, v17;
	[tilespmem:v40+s23+$0x0] =	vst.idx.msk $0xffff, v45  }
0x5a2: {  	v54 =	vld [tilespmem:s2+$0x20];
	v25 =	vbroadcast v25, $0x0;
	v32 =	vadd.s32 v16, v32;
	v47 =	vadd.f32 v36, v18;
	[tilespmem:v43+s23+$0x0] =	vst.idx.msk $0xffff, v50  }
0x5a3: {  	v52 =	vld [tilespmem:s2+$0x10];
	v51 =	vadd.s32 v8, v24;
	v59 =	vadd.f32 v49, v17;
	[tilespmem:v48+s23+$0x0] =	vst.idx.msk $0xffff, v55  }
0x5a4: {  	v58 =	vld [tilespmem:s2+$0x40];
	v26 =	vbroadcast v26, $0x0;
	v57 =	vadd.s32 v11, v25;
	[tilespmem:v19+s23+$0x0] =	vst.idx.msk $0xffff, v47;
	v19 =	vadd.f32 v37, v18  }
0x5a5: {  	v56 =	vld [tilespmem:s2+$0x30];
	v27 =	vadd.s32 v10, v27;
	v28 =	vadd.f32 v60, v18;
	[tilespmem:v53+s23+$0x0] =	vst.idx.msk $0xffff, v59  }
0x5a6: {  	v60 =	vld [tilespmem:s2+$0x50];
	v61 =	vadd.s32 v13, v26;
	[tilespmem:v23+s23+$0x0] =	vst.idx.msk $0xffff, v19;
	v19 =	vadd.f32 v46, v18  }
0x5a7: {  	v25 =	vadd.s32 v12, v25;
	v62 =	vadd.f32 v54, v17;
	[tilespmem:v32+s23+$0x0] =	vst.idx.msk $0xffff, v28  }
0x5a8: {  	v63 =	vadd.s32 v14, v26;
	[tilespmem:v51+s23+$0x0] =	vst.idx.msk $0xffff, v19;
	v19 =	vadd.f32 v52, v18  }
0x5a9: {  	v17 =	vadd.f32 v58, v17;
	[tilespmem:v57+s23+$0x0] =	vst.idx.msk $0xffff, v62  }
0x5aa: {  	s6 =	sshll.u32 s29, $0x11;
	[tilespmem:v27+s23+$0x0] =	vst.idx.msk $0xffff, v19;
	v19 =	vadd.f32 v56, v18  }
0x5ab: {  	s2 =	sor.u32 s5, s6;
	[tilespmem:v61+s23+$0x0] =	vst.idx.msk $0xffff, v17;
	v18 =	vadd.f32 v60, v18  }
0x5ac: {  	s2 =	sshrl.u32 s2, $0x3;
	[tilespmem:v25+s23+$0x0] =	vst.idx.msk $0xffff, v19  }
0x5ad: {  	s2 =	sadd.s32 s1, s2;
	[tilespmem:v63+s23+$0x0] =	vst.idx.msk $0xffff, v18  }
0x5ae: {  	[hbm4b:s2+s3] =	stream.linear.scatter [tilespmem:s23], [sflag:$0x14], $0x80, $0x38;
	[tilespmem:$0x1C700] =	vst v63  }
0x5af: {  	s7 =	simm.s32 $0x1B688;
	s6 =	sadd.s32 $0x10, s2  }
0x5b0: {  	[hbm4b:s6+s3] =	stream.linear.scatter [tilespmem:s7], [sflag:$0x14], $0x80, $0x38;
	[tilespmem:$0x1C700] =	vst v63  }
0x5b1: {  	s9 =	simm.s32 $0x1B710;
	s7 =	sadd.s32 $0x20, s2  }
0x5b2: {  	[hbm4b:s7+s3] =	stream.linear.scatter [tilespmem:s9], [sflag:$0x14], $0x80, $0x38;
	[tilespmem:$0x1C700] =	vst v63  }
0x5b3: {  	s17 =	simm.s32 $0x1B798;
	s14 =	sadd.s32 $0x30, s2  }
0x5b4: {  	[hbm4b:s14+s3] =	stream.linear.scatter [tilespmem:s17], [sflag:$0x14], $0x80, $0x38;
	[tilespmem:$0x1C700] =	vst v63  }
0x5b5: {  	s21 =	simm.s32 $0x1B820;
	s18 =	sadd.s32 $0x40, s2  }
0x5b6: {  	[hbm4b:s18+s3] =	stream.linear.scatter [tilespmem:s21], [sflag:$0x14], $0x80, $0x38;
	[tilespmem:$0x1C700] =	vst v63  }
0x5b7: {  	s26 =	simm.s32 $0x1B8A8;
	s25 =	sadd.s32 $0x50, s2  }
0x5b8: {  	[hbm4b:s25+s3] =	stream.linear.scatter [tilespmem:s26], [sflag:$0x14], $0x80, $0x38;
	[tilespmem:$0x1C700] =	vst v63  }
0x5b9: {  	s31 =	simm.s32 $0x1B930;
	s29 =	sadd.s32 $0x60, s2  }
0x5ba: {  	[hbm4b:s29+s3] =	stream.linear.scatter [tilespmem:s31], [sflag:$0x14], $0x80, $0x38;
	[tilespmem:$0x1C700] =	vst v63  }
0x5bb: {  	s7 =	sadd.s32 $0x70, s2;
	s9 =	simm.s32 $0x1B9B8  }
0x5bc: {  	[hbm4b:s7+s3] =	stream.linear.scatter [tilespmem:s9], [sflag:$0x14], $0x80, $0x38;
	[tilespmem:$0x1C700] =	vst v63  }
0x5bd: {  	s14 =	sadd.s32 $0x1000, s2;
	s17 =	simm.s32 $0x1BA40  }
0x5be: {  	[hbm4b:s14+s3] =	stream.linear.scatter [tilespmem:s17], [sflag:$0x14], $0x80, $0x38;
	[tilespmem:$0x1C700] =	vst v63  }
0x5bf: {  	s18 =	sadd.s32 $0x1010, s2;
	s21 =	simm.s32 $0x1BAC8  }
0x5c0: {  	[hbm4b:s18+s3] =	stream.linear.scatter [tilespmem:s21], [sflag:$0x14], $0x80, $0x38;
	[tilespmem:$0x1C700] =	vst v63  }
0x5c1: {  	s25 =	sadd.s32 $0x1020, s2;
	s26 =	simm.s32 $0x1BB50  }
0x5c2: {  	[hbm4b:s25+s3] =	stream.linear.scatter [tilespmem:s26], [sflag:$0x14], $0x80, $0x38;
	[tilespmem:$0x1C700] =	vst v63  }
0x5c3: {  	s29 =	sadd.s32 $0x1030, s2;
	s31 =	simm.s32 $0x1BBD8  }
0x5c4: {  	[hbm4b:s29+s3] =	stream.linear.scatter [tilespmem:s31], [sflag:$0x14], $0x80, $0x38;
	[tilespmem:$0x1C700] =	vst v63  }
0x5c5: {  	s7 =	sadd.s32 $0x1040, s2;
	s9 =	simm.s32 $0x1BC60  }
0x5c6: {  	[hbm4b:s7+s3] =	stream.linear.scatter [tilespmem:s9], [sflag:$0x14], $0x80, $0x38;
	[tilespmem:$0x1C700] =	vst v63  }
0x5c7: {  	s14 =	sadd.s32 $0x1050, s2;
	s17 =	simm.s32 $0x1BCE8  }
0x5c8: {  	[hbm4b:s14+s3] =	stream.linear.scatter [tilespmem:s17], [sflag:$0x14], $0x80, $0x38;
	[tilespmem:$0x1C700] =	vst v63  }
0x5c9: {  	s18 =	sadd.s32 $0x1060, s2;
	s21 =	simm.s32 $0x1BD70  }
0x5ca: {  	[hbm4b:s18+s3] =	stream.linear.scatter [tilespmem:s21], [sflag:$0x14], $0x80, $0x38;
	[tilespmem:$0x1C700] =	vst v63  }
0x5cb: {  	s25 =	sadd.s32 $0x1070, s2;
	s26 =	simm.s32 $0x1BDF8  }
0x5cc: {  	[hbm4b:s25+s3] =	stream.linear.scatter [tilespmem:s26], [sflag:$0x14], $0x80, $0x38;
	[tilespmem:$0x1C700] =	vst v63  }
0x5cd: {  	s29 =	sadd.s32 $0x2000, s2;
	s31 =	simm.s32 $0x1BE80  }
0x5ce: {  	[hbm4b:s29+s3] =	stream.linear.scatter [tilespmem:s31], [sflag:$0x14], $0x80, $0x38;
	[tilespmem:$0x1C700] =	vst v63  }
0x5cf: {  	s7 =	sadd.s32 $0x2010, s2;
	s9 =	simm.s32 $0x1BF08  }
0x5d0: {  	[hbm4b:s7+s3] =	stream.linear.scatter [tilespmem:s9], [sflag:$0x14], $0x80, $0x38;
	[tilespmem:$0x1C700] =	vst v63  }
0x5d1: {  	s14 =	sadd.s32 $0x2020, s2;
	s17 =	simm.s32 $0x1BF90  }
0x5d2: {  	[hbm4b:s14+s3] =	stream.linear.scatter [tilespmem:s17], [sflag:$0x14], $0x80, $0x38;
	[tilespmem:$0x1C700] =	vst v63  }
0x5d3: {  	s18 =	sadd.s32 $0x2030, s2;
	s21 =	simm.s32 $0x1C018  }
0x5d4: {  	[hbm4b:s18+s3] =	stream.linear.scatter [tilespmem:s21], [sflag:$0x14], $0x80, $0x38;
	[tilespmem:$0x1C700] =	vst v63  }
0x5d5: {  	s25 =	sadd.s32 $0x2040, s2;
	s26 =	simm.s32 $0x1C0A0  }
0x5d6: {  	[hbm4b:s25+s3] =	stream.linear.scatter [tilespmem:s26], [sflag:$0x14], $0x80, $0x38;
	[tilespmem:$0x1C700] =	vst v63  }
0x5d7: {  	s29 =	sadd.s32 $0x2050, s2;
	s31 =	simm.s32 $0x1C128  }
0x5d8: {  	[hbm4b:s29+s3] =	stream.linear.scatter [tilespmem:s31], [sflag:$0x14], $0x80, $0x38;
	[tilespmem:$0x1C700] =	vst v63  }
0x5d9: {  	s7 =	sadd.s32 $0x2060, s2;
	s9 =	simm.s32 $0x1C1B0  }
0x5da: {  	[hbm4b:s7+s3] =	stream.linear.scatter [tilespmem:s9], [sflag:$0x14], $0x80, $0x38;
	[tilespmem:$0x1C700] =	vst v63  }
0x5db: {  	s14 =	sadd.s32 $0x2070, s2;
	s17 =	simm.s32 $0x1C238  }
0x5dc: {  	[hbm4b:s14+s3] =	stream.linear.scatter [tilespmem:s17], [sflag:$0x14], $0x80, $0x38;
	[tilespmem:$0x1C700] =	vst v63  }
0x5dd: {  	s18 =	sadd.s32 $0x3000, s2;
	s21 =	simm.s32 $0x1C2C0  }
0x5de: {  	[hbm4b:s18+s3] =	stream.linear.scatter [tilespmem:s21], [sflag:$0x14], $0x80, $0x38;
	[tilespmem:$0x1C700] =	vst v63  }
0x5df: {  	s25 =	sadd.s32 $0x3010, s2;
	s26 =	simm.s32 $0x1C348  }
0x5e0: {  	[hbm4b:s25+s3] =	stream.linear.scatter [tilespmem:s26], [sflag:$0x14], $0x80, $0x38;
	[tilespmem:$0x1C700] =	vst v63  }
0x5e1: {  	s29 =	sadd.s32 $0x3020, s2;
	s31 =	simm.s32 $0x1C3D0  }
0x5e2: {  	[hbm4b:s29+s3] =	stream.linear.scatter [tilespmem:s31], [sflag:$0x14], $0x80, $0x38;
	[tilespmem:$0x1C700] =	vst v63  }
0x5e3: {  	s9 =	sadd.s32 $0x3030, s2;
	s14 =	simm.s32 $0x1C458  }
0x5e4: {  	[hbm4b:s9+s3] =	stream.linear.scatter [tilespmem:s14], [sflag:$0x14], $0x80, $0x38;
	[tilespmem:$0x1C700] =	vst v63  }
0x5e5: {  	s17 =	sadd.s32 $0x3040, s2;
	s18 =	simm.s32 $0x1C4E0  }
0x5e6: {  	[hbm4b:s17+s3] =	stream.linear.scatter [tilespmem:s18], [sflag:$0x14], $0x80, $0x38;
	[tilespmem:$0x1C700] =	vst v63  }
0x5e7: {  	s21 =	sadd.s32 $0x3050, s2;
	s25 =	simm.s32 $0x1C568  }
0x5e8: {  	[hbm4b:s21+s3] =	stream.linear.scatter [tilespmem:s25], [sflag:$0x14], $0x80, $0x38;
	[tilespmem:$0x1C700] =	vst v63  }
.Ltmp12:
0x5e9: {  	_ = 	snop;
	(pc) =	sbr.rel @p0 .LBB2_24-.Ltmp12, $4  }
0x5ea: {  	s26 =	sadd.s32 $0x3060, s2;
	s29 =	simm.s32 $0x1C5F0  }
0x5eb: {  	[hbm4b:s26+s3] =	stream.linear.scatter [tilespmem:s29], [sflag:$0x14], $0x80, $0x38;
	[tilespmem:$0x1C700] =	vst v63  }
0x5ec: {  	s2 =	sadd.s32 $0x3070, s2;
	s31 =	simm.s32 $0x1C678  }
0x5ed: {  	[hbm4b:s2+s3] =	stream.linear.scatter [tilespmem:s31], [sflag:$0x14], $0x80, $0x38;
	[tilespmem:$0x1C700] =	vst v63  }
0x5ee: {  	s2 =	smul.u32 $0x1400, s30;
	_ =	sdelay $0x1  }
.Ltmp13:
0x5ef: {  	s2 =	sadd.s32 $0x2000, s2;
	(pc) =	sbr.rel .LBB2_2-.Ltmp13, $4  }
0x5f0: {  	_ =	swait.ge [sflag:s10], $0x1000;
	s2 =	sand.u32 $0x7F000, s2  }
0x5f1: {  	s6 =	simm.s32 $0xDD00;
	[sflag:s10] =	ssyncset.done $0x0;
	s2 =	sshrl.u32 s2, $0x2  }
0x5f2: {  	s30 =	sadd.s32 $0x1, s30;
	[sflag:s10] =	ssyncadd.s32 $0xFFFFF000;
	s2 =	sor.u32 s24, s2  }
0x5f3: {  	[tilespmem:s6], [sflag:$0x7] =	stream.indirect.gather [hbm4b:s4+s13], $0x20, s2, s13, $0xb8;
	[tilespmem:$0x1C700] =	vst v63  }
.LBB2_25:
0x5f4: {  	_ =	sfence.sel $0x180000  }
0x5f5: {  	[bflag:$0x0] =	sbarrier.arrive $0xFFFF  }
0x5f6: {  	_ =	strace $0x90000047  }
0x5f7: {  	s0 =	stileid.u32;
	[bflag:$0x2] =	sbarrier.arrive $0xFFFF  }
0x5f8: {  	p0 =	sne.s32 s0, $0x0;
	s0 =	rddreg [dreg:$0x3]  }
0x5f9: {  	s0 =	sadd.s32 @!p0 $0x100000, s0  }
0x5fa: {  	[sflag:s0] =	ssyncadd.tile.s32 @!p0 $0x1;
	_ =	shalt  }
.Lfunc_end2:
_tile_overlayer_lowered:
.L_overlay_start_2:
0x5fb: {  	(tag) =	ssettag $0x2  }
0x5fc: {  	s0 =	rddreg [dreg:$0x0];
	s2 =	stileid.u32  }
0x5fd: {  	s1 =	rddreg [dreg:$0x1];
	p0 =	sne.s32 s2, $0x0  }
0x5fe: {  	s3 =	rddreg [dreg:$0x2];
	[bflag:$0x3] =	sbarrier.arrive $0xFFFF;
	s2 =	simm.s32 @!p0 $0x1C15  }
0x5ff: {  	[timem:s3], [sflag:s2] =	dma.local @!p0 [hbm:s0], s1  }
0x600: {  	s0 =	simm.s32 @!p0 $0x15  }
0x601: {  	_ =	swait.ge @!p0 [sflag:s0], s1  }
0x602: {  	s1 =	ssub.s32 @!p0 $0x0, s1;
	[sflag:s0] =	ssyncset.done @!p0 $0x0  }
0x603: {  	[sflag:s0] =	ssyncadd.s32 @!p0 s1  }
0x604: {  	[bflag:$0x3] =	sbarrier.arrive $0xFFFF  }
0x605: {  	_ =	shalt  }

</sc_bundles>
